<compile_context>
chip_gen: v7x
topology: tpu7x:2x2x1
jax: 0.10.2.dev20260603
libtpu: 0.0.44.dev20260713+nightly
codegen_flags: <defaults>
</compile_context>

<pallas_src>
import functools

import jax
import jax.numpy as jnp
from jax import lax
from jax.experimental import pallas as pl
from jax.experimental.pallas import tpu as pltpu
from jax.experimental.pallas import tpu_sc as plsc

_N = 20000
_NPAD = 20480
_NCAND = 2048
_THR = 0.5
_BLK = 256
_NOUT = 100
_NTILE = 32
_CHUNK = _NPAD // _NTILE
_STEPS = _CHUNK // 16


def _thresh_core(bits_a_ref, bits_b_ref, meta_ref, counts_ref):
    bits = bits_a_ref[...]

    def srch(_, c):
        lo, hi = c
        mid = lo + lax.div(hi - lo, 2)
        cnt = jnp.sum(jnp.where(bits > mid, 1.0, 0.0))
        return jnp.where(cnt < float(_NCAND), lo, mid + 1), \
            jnp.where(cnt < float(_NCAND), mid, hi)

    lo, _ = lax.fori_loop(0, 31, srch, (jnp.int32(0), jnp.int32(0x7F000000)))
    g = jnp.sum(jnp.where(bits > lo, 1.0, 0.0))
    need_eq = float(_NCAND) - g

    lane = lax.broadcasted_iota(jnp.int32, (1, 128), 1)
    vstar = lax.bitcast_convert_type(jnp.full((1, 128), lo, jnp.int32),
                                     jnp.float32)
    meta = jnp.where(lane == 0, vstar,
                     jnp.where(lane == 1, g,
                               jnp.where(lane == 2, need_eq, 0.0)))
    meta_ref[...] = meta

    bb = bits_b_ref[...]
    gt_cnt = jnp.sum(jnp.where(bb > lo, 1.0, 0.0), axis=1, keepdims=True)
    eq_cnt = jnp.sum(jnp.where(bb == lo, 1.0, 0.0), axis=1, keepdims=True)
    cl = lax.broadcasted_iota(jnp.int32, (_NTILE, 8), 1)
    counts_ref[...] = jnp.where(cl == 0, gt_cnt,
                                jnp.where(cl == 1, eq_cnt, 0.0))


def _lane_gather(x, idx):
    return lax.gather(
        x, idx[:, None],
        lax.GatherDimensionNumbers(offset_dims=(), collapsed_slice_dims=(0,),
                                   start_index_map=(0,)),
        (1,), mode=lax.GatherScatterMode.PROMISE_IN_BOUNDS)


def _bcast16(x, lane):
    return _lane_gather(x, jnp.full((16,), lane, jnp.int32))


def _sc_compact(scores_hbm, boxflat_hbm, meta_hbm, counts_hbm, out_hbm,
                sc_v, bx_v, meta_v, counts_v, rec_v, dst_v, sem):
    wid = lax.axis_index("s") * 2 + lax.axis_index("c")
    base = wid * _CHUNK
    lds = [pltpu.async_copy(scores_hbm.at[pl.ds(base, _CHUNK)], sc_v, sem),
           pltpu.async_copy(meta_hbm, meta_v, sem),
           pltpu.async_copy(counts_hbm, counts_v, sem)]
    lds += [pltpu.async_copy(boxflat_hbm.at[pl.ds(d * _NPAD + base, _CHUNK)],
                             bx_v.at[pl.ds(d * _CHUNK, _CHUNK)], sem)
            for d in range(4)]
    for cp in lds:
        cp.wait()

    iot = lax.broadcasted_iota(jnp.int32, (16,), 0)
    m0 = meta_v[pl.ds(0, 16)]
    vstar = _bcast16(m0, 0)
    g_tot = _bcast16(m0, 1).astype(jnp.int32)
    need_eq = _bcast16(m0, 2).astype(jnp.int32)

    zer = jnp.zeros((16,), jnp.int32)
    ga = plsc.load_gather(counts_v, [iot, zer])
    gb = plsc.load_gather(counts_v, [iot + 16, zer])
    ea = plsc.load_gather(counts_v, [iot, zer + 1])
    eb = plsc.load_gather(counts_v, [iot + 16, zer + 1])

    def _masked_total(v, limit):
        m = jnp.where(iot < limit, v, jnp.zeros_like(v))
        return _bcast16(plsc.cumsum(m), 15)

    gt_run = (_masked_total(ga, wid) +
              _masked_total(gb, wid - 16)).astype(jnp.int32)
    eq_run = (_masked_total(ea, wid) +
              _masked_total(eb, wid - 16)).astype(jnp.int32)

    for k in range(_STEPS):
        off = k * 16
        s16 = sc_v[pl.ds(off, 16)]
        gt = s16 > vstar
        eq = s16 == vstar
        gt_i = gt.astype(jnp.int32)
        eq_i = eq.astype(jnp.int32)
        gt_cum = plsc.cumsum(gt_i)
        eq_cum = plsc.cumsum(eq_i)
        eq_rank = eq_run + eq_cum - 1
        eq_sel = eq & (eq_rank < need_eq)
        dst = jnp.where(gt, gt_run + gt_cum - 1,
                        jnp.where(eq_sel, g_tot + eq_rank,
                                  _NCAND + wid))
        gt_run = gt_run + _bcast16(gt_cum, 15)
        eq_run = eq_run + _bcast16(eq_cum, 15)

        row = off + iot
        idxf = (base + row).astype(jnp.float32)
        for c, val in ((0, bx_v[pl.ds(off, 16)]),
                       (1, bx_v[pl.ds(_CHUNK + off, 16)]),
                       (2, bx_v[pl.ds(2 * _CHUNK + off, 16)]),
                       (3, bx_v[pl.ds(3 * _CHUNK + off, 16)]),
                       (4, s16),
                       (5, idxf)):
            plsc.store_scatter(rec_v, [row, zer + c], val)
        dst_v[k // 8, pl.ds((k % 8) * 16, 16)] = dst

    cps = [pltpu.async_copy(rec_v.at[pl.ds(j * 128, 128)],
                            out_hbm.at[dst_v.at[j]], sem)
           for j in range(_CHUNK // 128)]
    for cp in cps:
        cp.wait()


def _nms_core(recs_ref, out_ref, pa_scr, pb_scr, so_scr, soT_scr):
    nblk = _NCAND // _BLK
    si_rows = jnp.transpose(recs_ref[...][:, 4:6])

    def rnk(b, rrow):
        sl = pl.ds(b * _BLK, _BLK)
        s_col = recs_ref[sl, 4:5]
        i_col = recs_ref[sl, 5:6]
        s_row = si_rows[0:1, :]
        i_row = si_rows[1:2, :]
        c = jnp.where((s_col > s_row) |
                      ((s_col == s_row) & (i_col < i_row)), 1.0, 0.0)
        return rrow + jnp.sum(c, axis=0, keepdims=True)

    rank_row = lax.fori_loop(0, nblk, rnk,
                             jnp.zeros((1, _NCAND), jnp.float32))
    rank_i = rank_row.astype(jnp.int32)

    def mkperm(b, carry):
        sl = pl.ds(b * _BLK, _BLK)
        isub = lax.broadcasted_iota(jnp.int32, (_BLK, _NCAND), 0) + b * _BLK
        pa_scr[sl, :] = jnp.where(
            isub == jnp.broadcast_to(rank_i, (_BLK, _NCAND)),
            1.0, 0.0).astype(jnp.bfloat16)
        return carry

    lax.fori_loop(0, nblk, mkperm, 0)
    recs = recs_ref[...]
    r_hi = recs.astype(jnp.bfloat16)
    rem = recs - r_hi.astype(jnp.float32)
    r_mid = rem.astype(jnp.bfloat16)
    r_lo = (rem - r_mid.astype(jnp.float32)).astype(jnp.bfloat16)
    pa = pa_scr[...]
    dn = (((1,), (0,)), ((), ()))
    sorted_v = (
        lax.dot_general(pa, r_hi, dn, preferred_element_type=jnp.float32) +
        lax.dot_general(pa, r_mid, dn, preferred_element_type=jnp.float32) +
        lax.dot_general(pa, r_lo, dn, preferred_element_type=jnp.float32))
    so_scr[...] = sorted_v
    soT_scr[0:4, :] = jnp.transpose(sorted_v[:, 0:4])

    for rb in range(nblk):
        c0 = rb * _BLK
        cw = _NCAND - c0
        rsl = pl.ds(c0, _BLK)
        csl = pl.ds(c0, cw)
        bx = so_scr[rsl, :]
        x1c = bx[:, 0:1]
        y1c = bx[:, 1:2]
        x2c = bx[:, 2:3]
        y2c = bx[:, 3:4]
        area_c = (x2c - x1c) * (y2c - y1c)
        x1r = soT_scr[0:1, csl]
        y1r = soT_scr[1:2, csl]
        x2r = soT_scr[2:3, csl]
        y2r = soT_scr[3:4, csl]
        area_r = (x2r - x1r) * (y2r - y1r)
        w = jnp.maximum(jnp.minimum(x2c, x2r) - jnp.maximum(x1c, x1r), 0.0)
        h = jnp.maximum(jnp.minimum(y2c, y2r) - jnp.maximum(y1c, y1r), 0.0)
        inter = w * h
        union = area_c + area_r - inter
        iou = inter / jnp.maximum(union, 1e-9)
        jrow = lax.broadcasted_iota(jnp.int32, (_BLK, cw), 0) + c0
        icol = lax.broadcasted_iota(jnp.int32, (_BLK, cw), 1) + c0
        pa_scr[rsl, csl] = jnp.where(
            (iou > _THR) & (jrow < icol), 1.0, 0.0).astype(jnp.bfloat16)
        pb_scr[rsl, csl] = jnp.where(
            jrow <= icol, 1.0, 0.0).astype(jnp.bfloat16)
        if c0:
            zer = jnp.zeros((_BLK, c0), jnp.bfloat16)
            pa_scr[rsl, pl.ds(0, c0)] = zer
            pb_scr[rsl, pl.ds(0, c0)] = zer

    S = pa_scr[...]

    def cond(c):
        return c[1]

    def body(c):
        keep, _ = c
        cnt = lax.dot_general(keep.astype(jnp.bfloat16), S,
                              (((1,), (0,)), ((), ())),
                              preferred_element_type=jnp.float32)
        keep_new = jnp.where(cnt == 0.0, 1.0, 0.0)
        return keep_new, jnp.sum(jnp.abs(keep_new - keep)) > 0.0

    keep, _ = lax.while_loop(cond, body,
                             (jnp.ones((8, _NCAND), jnp.float32),
                              jnp.array(True)))

    Lm = pb_scr[...]
    kri = lax.dot_general(keep.astype(jnp.bfloat16), Lm,
                          (((1,), (0,)), ((), ())),
                          preferred_element_type=jnp.float32)
    sri = lax.dot_general((1.0 - keep).astype(jnp.bfloat16), Lm,
                          (((1,), (0,)), ((), ())),
                          preferred_element_type=jnp.float32)
    nk = jnp.sum(keep[0:1, :])
    rank_kept = kri - keep
    rank_supp = nk + (sri - (1.0 - keep))
    out_rank = jnp.where(keep > 0.5, rank_kept, rank_supp)
    oh_rank = out_rank[0:1, :].astype(jnp.int32)
    iota_r = lax.broadcasted_iota(jnp.int32, (128, _NCAND), 0)
    oh = jnp.where(
        iota_r == jnp.broadcast_to(oh_rank, (128, _NCAND)), 1.0, 0.0)
    out = lax.dot_general(oh, so_scr[...], (((1,), (0,)), ((), ())),
                          preferred_element_type=jnp.float32,
                          precision=lax.Precision.HIGHEST)
    nk_i = nk.astype(jnp.int32)
    rr = lax.broadcasted_iota(jnp.int32, (128, 16), 0)
    cc = lax.broadcasted_iota(jnp.int32, (128, 16), 1)
    out_ref[...] = jnp.where((rr >= nk_i) & (cc == 4), -jnp.inf, out)


def kernel(boxes, scores):
    s_pad = jnp.concatenate(
        [scores, jnp.full((_NPAD - _N,), -1.0, jnp.float32)])
    bits = lax.bitcast_convert_type(s_pad, jnp.int32)
    b_pad = jnp.concatenate(
        [boxes, jnp.zeros((_NPAD - _N, 4), jnp.float32)], axis=0)

    meta, counts = pl.pallas_call(
        _thresh_core,
        out_shape=(jax.ShapeDtypeStruct((1, 128), jnp.float32),
                   jax.ShapeDtypeStruct((_NTILE, 8), jnp.float32)),
    )(bits.reshape(8, _NPAD // 8), bits.reshape(_NTILE, _CHUNK))

    mesh = plsc.VectorSubcoreMesh(core_axis_name="c", subcore_axis_name="s")
    recs = functools.partial(
        pl.kernel, mesh=mesh,
        compiler_params=pltpu.CompilerParams(needs_layout_passes=False,
                                             use_tc_tiling_on_sc=False),
        out_type=jax.ShapeDtypeStruct((_NCAND + _NTILE, 16), jnp.float32),
        scratch_types=[
            pltpu.VMEM((_CHUNK,), jnp.float32),
            pltpu.VMEM((4 * _CHUNK,), jnp.float32),
            pltpu.VMEM((128,), jnp.float32),
            pltpu.VMEM((_NTILE, 8), jnp.float32),
            pltpu.VMEM((_CHUNK, 16), jnp.float32),
            pltpu.VMEM((_CHUNK // 128, 128), jnp.int32),
            pltpu.SemaphoreType.DMA,
        ],
    )(_sc_compact)(s_pad, b_pad.T.reshape(-1), meta.reshape(-1), counts)

    recs = recs[:_NCAND]
    out = pl.pallas_call(
        _nms_core,
        out_shape=jax.ShapeDtypeStruct((128, 16), jnp.float32),
        scratch_shapes=[
            pltpu.VMEM((_NCAND, _NCAND), jnp.bfloat16),
            pltpu.VMEM((_NCAND, _NCAND), jnp.bfloat16),
            pltpu.VMEM((_NCAND, 16), jnp.float32),
            pltpu.VMEM((8, _NCAND), jnp.float32),
        ],
    )(recs)
    return out[:_NOUT, :4], out[:_NOUT, 4]

# --- scband reference (transcript-rebuilt; emitter-appended) ---
"""Pipeline reference for scband-rtpano-net-5669356833936 (READ-ONLY COPY).

The authoritative reference and input builder live on the scoring server;
editing this copy changes nothing except your own understanding.
"""

import jax, jax.numpy as jnp
import numpy as np

N = 20000
NMS_THRESH = 0.5
MAX_PROPOSALS = 100

def setup_inputs(seed: int = 0) -> dict:
    key = jax.random.key(seed)
    k1, k2 = jax.random.split(key)
    # Build valid xyxy boxes inside a 1280x1920 image
    raw = jax.random.uniform(k1, (N, 4), dtype=jnp.float32)
    x1 = raw[:, 0] * 1900.0
    y1 = raw[:, 1] * 1260.0
    w = raw[:, 2] * 200.0 + 1.0
    h = raw[:, 3] * 200.0 + 1.0
    boxes = jnp.stack([x1, y1, x1 + w, y1 + h], axis=1)
    scores = jax.random.uniform(k2, (N,), dtype=jnp.float32)
    return {"boxes": boxes, "scores": scores}

def _iou_matrix(boxes_a, boxes_b):
    # boxes in xyxy
    area_a = (boxes_a[:, 2] - boxes_a[:, 0]) * (boxes_a[:, 3] - boxes_a[:, 1])
    area_b = (boxes_b[:, 2] - boxes_b[:, 0]) * (boxes_b[:, 3] - boxes_b[:, 1])
    lt = jnp.maximum(boxes_a[:, None, :2], boxes_b[None, :, :2])
    rb = jnp.minimum(boxes_a[:, None, 2:], boxes_b[None, :, 2:])
    wh = jnp.clip(rb - lt, 0.0)
    inter = wh[..., 0] * wh[..., 1]
    union = area_a[:, None] + area_b[None, :] - inter
    return inter / jnp.maximum(union, 1e-9)

def reference(boxes, scores):
    # Faithful NMS (as in boxlist_nms / _box_nms):
    # 1) sort by score descending
    order = jnp.argsort(-scores)
    boxes_s = jnp.take(boxes, order, axis=0)
    scores_s = jnp.take(scores, order)
    # 2) restrict to top MAX_CAND for pairwise IoU (greedy suppression)
    MAX_CAND = 2048
    cand_boxes = boxes_s[:MAX_CAND]
    iou = _iou_matrix(cand_boxes, cand_boxes)
    n = cand_boxes.shape[0]
    # greedy NMS via lax.fori_loop over sorted candidates
    def body(i, keep):
        # suppressed if any kept higher-score box overlaps > thresh
        higher = jnp.arange(n) < i
        suppress = jnp.any(higher & keep & (iou[i] > NMS_THRESH))
        return keep.at[i].set(jnp.logical_not(suppress))
    keep = jax.lax.fori_loop(0, n, body, jnp.ones((n,), dtype=bool))
    # 3) gather kept boxes/scores, take top MAX_PROPOSALS
    keep_scores = jnp.where(keep, scores_s[:n], -jnp.inf)
    top_scores, top_idx = jax.lax.top_k(keep_scores, MAX_PROPOSALS)
    kept_boxes = jnp.take(cand_boxes, top_idx, axis=0)
    return kept_boxes, top_scores

if __name__ == "__main__":
    import jax
    _d = setup_inputs()
    print(jax.jit(kernel)(*tuple(_d.values())))

</pallas_src>

<mosaic_0001>
#map = affine_map<(d0, d1) -> (0)>
#map1 = affine_map<(d0, d1) -> (0, 0)>
module attributes {stable_mosaic.version = 14 : i64} {
  func.func @_sc_compact(%arg0: i32, %arg1: i32, %arg2: memref<20480xf32, #tpu.memory_space<hbm>>, %arg3: memref<81920xf32, #tpu.memory_space<hbm>>, %arg4: memref<128xf32, #tpu.memory_space<hbm>>, %arg5: memref<32x8xf32, #tpu.memory_space<hbm>>, %arg6: memref<2080x16xf32, #tpu.memory_space<hbm>>, %arg7: memref<640xf32, #tpu.memory_space<vmem>>, %arg8: memref<2560xf32, #tpu.memory_space<vmem>>, %arg9: memref<128xf32, #tpu.memory_space<vmem>>, %arg10: memref<32x8xf32, #tpu.memory_space<vmem>>, %arg11: memref<640x16xf32, #tpu.memory_space<vmem>>, %arg12: memref<5x128xi32, #tpu.memory_space<vmem>>, %arg13: memref<!tpu.dma_semaphore, #tpu.memory_space<semaphore_mem>>) attributes {dimension_semantics = [#tpu.dimension_semantics<core_parallel>, #tpu.dimension_semantics<subcore_parallel>], iteration_bounds = array<i64: 2, 16>, scalar_prefetch = 0 : i64, scratch_operands = 7 : i64, tpu.core_type = #tpu.core_type<sc_vector_subcore>, window_params = [{transform_indices = #map}, {transform_indices = #map}, {transform_indices = #map}, {transform_indices = #map1}, {transform_indices = #map1}]} {
    %mul3A = arith.constant 2 : i32
    %mul3A_0 = arith.muli %arg1, %mul3A : i32
    %add3A = arith.addi %mul3A_0, %arg0 : i32
    %mul3A_1 = arith.constant 640 : i32
    %mul3A_2 = arith.muli %add3A, %mul3A_1 : i32
    %dma_start3A = tpu.memref_slice %arg2[%mul3A_2] : memref<20480xf32, #tpu.memory_space<hbm>> -> memref<640xf32, #tpu.memory_space<hbm>>
    %dma_start3A_3 = tpu.memref_slice %arg2[%mul3A_2] : memref<20480xf32, #tpu.memory_space<hbm>> -> memref<640xf32, #tpu.memory_space<hbm>>
    tpu.enqueue_dma source(%dma_start3A_3 : memref<640xf32, #tpu.memory_space<hbm>>) target(%arg7 : memref<640xf32, #tpu.memory_space<vmem>>) target_semaphore(%arg13 : memref<!tpu.dma_semaphore, #tpu.memory_space<semaphore_mem>>)
    tpu.enqueue_dma source(%arg4 : memref<128xf32, #tpu.memory_space<hbm>>) target(%arg9 : memref<128xf32, #tpu.memory_space<vmem>>) target_semaphore(%arg13 : memref<!tpu.dma_semaphore, #tpu.memory_space<semaphore_mem>>)
    tpu.enqueue_dma source(%arg5 : memref<32x8xf32, #tpu.memory_space<hbm>>) target(%arg10 : memref<32x8xf32, #tpu.memory_space<vmem>>) target_semaphore(%arg13 : memref<!tpu.dma_semaphore, #tpu.memory_space<semaphore_mem>>)
    %add3A_4 = arith.constant 0 : i32
    %add3A_5 = arith.addi %add3A_4, %mul3A_2 : i32
    %dma_start3A_6 = arith.constant 0 : i32
    %dma_start3A_7 = tpu.memref_slice %arg8[%dma_start3A_6] : memref<2560xf32, #tpu.memory_space<vmem>> -> memref<640xf32, #tpu.memory_space<vmem>>
    %dma_start3A_8 = tpu.memref_slice %arg3[%add3A_5] : memref<81920xf32, #tpu.memory_space<hbm>> -> memref<640xf32, #tpu.memory_space<hbm>>
    %dma_start3A_9 = arith.constant 0 : i32
    %dma_start3A_10 = tpu.memref_slice %arg8[%dma_start3A_9] : memref<2560xf32, #tpu.memory_space<vmem>> -> memref<640xf32, #tpu.memory_space<vmem>>
    %dma_start3A_11 = tpu.memref_slice %arg3[%add3A_5] : memref<81920xf32, #tpu.memory_space<hbm>> -> memref<640xf32, #tpu.memory_space<hbm>>
    tpu.enqueue_dma source(%dma_start3A_11 : memref<640xf32, #tpu.memory_space<hbm>>) target(%dma_start3A_10 : memref<640xf32, #tpu.memory_space<vmem>>) target_semaphore(%arg13 : memref<!tpu.dma_semaphore, #tpu.memory_space<semaphore_mem>>)
    %add3A_12 = arith.constant 20480 : i32
    %add3A_13 = arith.addi %add3A_12, %mul3A_2 : i32
    %dma_start3A_14 = arith.constant 640 : i32
    %dma_start3A_15 = tpu.memref_slice %arg8[%dma_start3A_14] : memref<2560xf32, #tpu.memory_space<vmem>> -> memref<640xf32, #tpu.memory_space<vmem>>
    %dma_start3A_16 = tpu.memref_slice %arg3[%add3A_13] : memref<81920xf32, #tpu.memory_space<hbm>> -> memref<640xf32, #tpu.memory_space<hbm>>
    %dma_start3A_17 = arith.constant 640 : i32
    %dma_start3A_18 = tpu.memref_slice %arg8[%dma_start3A_17] : memref<2560xf32, #tpu.memory_space<vmem>> -> memref<640xf32, #tpu.memory_space<vmem>>
    %dma_start3A_19 = tpu.memref_slice %arg3[%add3A_13] : memref<81920xf32, #tpu.memory_space<hbm>> -> memref<640xf32, #tpu.memory_space<hbm>>
    tpu.enqueue_dma source(%dma_start3A_19 : memref<640xf32, #tpu.memory_space<hbm>>) target(%dma_start3A_18 : memref<640xf32, #tpu.memory_space<vmem>>) target_semaphore(%arg13 : memref<!tpu.dma_semaphore, #tpu.memory_space<semaphore_mem>>)
    %add3A_20 = arith.constant 40960 : i32
    %add3A_21 = arith.addi %add3A_20, %mul3A_2 : i32
    %dma_start3A_22 = arith.constant 1280 : i32
    %dma_start3A_23 = tpu.memref_slice %arg8[%dma_start3A_22] : memref<2560xf32, #tpu.memory_space<vmem>> -> memref<640xf32, #tpu.memory_space<vmem>>
    %dma_start3A_24 = tpu.memref_slice %arg3[%add3A_21] : memref<81920xf32, #tpu.memory_space<hbm>> -> memref<640xf32, #tpu.memory_space<hbm>>
    %dma_start3A_25 = arith.constant 1280 : i32
    %dma_start3A_26 = tpu.memref_slice %arg8[%dma_start3A_25] : memref<2560xf32, #tpu.memory_space<vmem>> -> memref<640xf32, #tpu.memory_space<vmem>>
    %dma_start3A_27 = tpu.memref_slice %arg3[%add3A_21] : memref<81920xf32, #tpu.memory_space<hbm>> -> memref<640xf32, #tpu.memory_space<hbm>>
    tpu.enqueue_dma source(%dma_start3A_27 : memref<640xf32, #tpu.memory_space<hbm>>) target(%dma_start3A_26 : memref<640xf32, #tpu.memory_space<vmem>>) target_semaphore(%arg13 : memref<!tpu.dma_semaphore, #tpu.memory_space<semaphore_mem>>)
    %add3A_28 = arith.constant 61440 : i32
    %add3A_29 = arith.addi %add3A_28, %mul3A_2 : i32
    %dma_start3A_30 = arith.constant 1920 : i32
    %dma_start3A_31 = tpu.memref_slice %arg8[%dma_start3A_30] : memref<2560xf32, #tpu.memory_space<vmem>> -> memref<640xf32, #tpu.memory_space<vmem>>
    %dma_start3A_32 = tpu.memref_slice %arg3[%add3A_29] : memref<81920xf32, #tpu.memory_space<hbm>> -> memref<640xf32, #tpu.memory_space<hbm>>
    %dma_start3A_33 = arith.constant 1920 : i32
    %dma_start3A_34 = tpu.memref_slice %arg8[%dma_start3A_33] : memref<2560xf32, #tpu.memory_space<vmem>> -> memref<640xf32, #tpu.memory_space<vmem>>
    %dma_start3A_35 = tpu.memref_slice %arg3[%add3A_29] : memref<81920xf32, #tpu.memory_space<hbm>> -> memref<640xf32, #tpu.memory_space<hbm>>
    tpu.enqueue_dma source(%dma_start3A_35 : memref<640xf32, #tpu.memory_space<hbm>>) target(%dma_start3A_34 : memref<640xf32, #tpu.memory_space<vmem>>) target_semaphore(%arg13 : memref<!tpu.dma_semaphore, #tpu.memory_space<semaphore_mem>>)
    %dma_wait3A = tpu.memref_slice %arg2[%mul3A_2] : memref<20480xf32, #tpu.memory_space<hbm>> -> memref<640xf32, #tpu.memory_space<hbm>>
    %dma_wait3A_36 = tpu.memref_slice %arg2[%mul3A_2] : memref<20480xf32, #tpu.memory_space<hbm>> -> memref<640xf32, #tpu.memory_space<hbm>>
    tpu.wait_dma2 semaphore(%arg13 : memref<!tpu.dma_semaphore, #tpu.memory_space<semaphore_mem>>) src(%dma_wait3A_36 : memref<640xf32, #tpu.memory_space<hbm>>) dst(%arg7 : memref<640xf32, #tpu.memory_space<vmem>>)
    tpu.wait_dma2 semaphore(%arg13 : memref<!tpu.dma_semaphore, #tpu.memory_space<semaphore_mem>>) src(%arg4 : memref<128xf32, #tpu.memory_space<hbm>>) dst(%arg9 : memref<128xf32, #tpu.memory_space<vmem>>)
    tpu.wait_dma2 semaphore(%arg13 : memref<!tpu.dma_semaphore, #tpu.memory_space<semaphore_mem>>) src(%arg5 : memref<32x8xf32, #tpu.memory_space<hbm>>) dst(%arg10 : memref<32x8xf32, #tpu.memory_space<vmem>>)
    %dma_wait3A_37 = arith.constant 0 : i32
    %dma_wait3A_38 = tpu.memref_slice %arg8[%dma_wait3A_37] : memref<2560xf32, #tpu.memory_space<vmem>> -> memref<640xf32, #tpu.memory_space<vmem>>
    %dma_wait3A_39 = tpu.memref_slice %arg3[%add3A_5] : memref<81920xf32, #tpu.memory_space<hbm>> -> memref<640xf32, #tpu.memory_space<hbm>>
    %dma_wait3A_40 = arith.constant 0 : i32
    %dma_wait3A_41 = tpu.memref_slice %arg8[%dma_wait3A_40] : memref<2560xf32, #tpu.memory_space<vmem>> -> memref<640xf32, #tpu.memory_space<vmem>>
    %dma_wait3A_42 = tpu.memref_slice %arg3[%add3A_5] : memref<81920xf32, #tpu.memory_space<hbm>> -> memref<640xf32, #tpu.memory_space<hbm>>
    tpu.wait_dma2 semaphore(%arg13 : memref<!tpu.dma_semaphore, #tpu.memory_space<semaphore_mem>>) src(%dma_wait3A_42 : memref<640xf32, #tpu.memory_space<hbm>>) dst(%dma_wait3A_41 : memref<640xf32, #tpu.memory_space<vmem>>)
    %dma_wait3A_43 = arith.constant 640 : i32
    %dma_wait3A_44 = tpu.memref_slice %arg8[%dma_wait3A_43] : memref<2560xf32, #tpu.memory_space<vmem>> -> memref<640xf32, #tpu.memory_space<vmem>>
    %dma_wait3A_45 = tpu.memref_slice %arg3[%add3A_13] : memref<81920xf32, #tpu.memory_space<hbm>> -> memref<640xf32, #tpu.memory_space<hbm>>
    %dma_wait3A_46 = arith.constant 640 : i32
    %dma_wait3A_47 = tpu.memref_slice %arg8[%dma_wait3A_46] : memref<2560xf32, #tpu.memory_space<vmem>> -> memref<640xf32, #tpu.memory_space<vmem>>
    %dma_wait3A_48 = tpu.memref_slice %arg3[%add3A_13] : memref<81920xf32, #tpu.memory_space<hbm>> -> memref<640xf32, #tpu.memory_space<hbm>>
    tpu.wait_dma2 semaphore(%arg13 : memref<!tpu.dma_semaphore, #tpu.memory_space<semaphore_mem>>) src(%dma_wait3A_48 : memref<640xf32, #tpu.memory_space<hbm>>) dst(%dma_wait3A_47 : memref<640xf32, #tpu.memory_space<vmem>>)
    %dma_wait3A_49 = arith.constant 1280 : i32
    %dma_wait3A_50 = tpu.memref_slice %arg8[%dma_wait3A_49] : memref<2560xf32, #tpu.memory_space<vmem>> -> memref<640xf32, #tpu.memory_space<vmem>>
    %dma_wait3A_51 = tpu.memref_slice %arg3[%add3A_21] : memref<81920xf32, #tpu.memory_space<hbm>> -> memref<640xf32, #tpu.memory_space<hbm>>
    %dma_wait3A_52 = arith.constant 1280 : i32
    %dma_wait3A_53 = tpu.memref_slice %arg8[%dma_wait3A_52] : memref<2560xf32, #tpu.memory_space<vmem>> -> memref<640xf32, #tpu.memory_space<vmem>>
    %dma_wait3A_54 = tpu.memref_slice %arg3[%add3A_21] : memref<81920xf32, #tpu.memory_space<hbm>> -> memref<640xf32, #tpu.memory_space<hbm>>
    tpu.wait_dma2 semaphore(%arg13 : memref<!tpu.dma_semaphore, #tpu.memory_space<semaphore_mem>>) src(%dma_wait3A_54 : memref<640xf32, #tpu.memory_space<hbm>>) dst(%dma_wait3A_53 : memref<640xf32, #tpu.memory_space<vmem>>)
    %dma_wait3A_55 = arith.constant 1920 : i32
    %dma_wait3A_56 = tpu.memref_slice %arg8[%dma_wait3A_55] : memref<2560xf32, #tpu.memory_space<vmem>> -> memref<640xf32, #tpu.memory_space<vmem>>
    %dma_wait3A_57 = tpu.memref_slice %arg3[%add3A_29] : memref<81920xf32, #tpu.memory_space<hbm>> -> memref<640xf32, #tpu.memory_space<hbm>>
    %dma_wait3A_58 = arith.constant 1920 : i32
    %dma_wait3A_59 = tpu.memref_slice %arg8[%dma_wait3A_58] : memref<2560xf32, #tpu.memory_space<vmem>> -> memref<640xf32, #tpu.memory_space<vmem>>
    %dma_wait3A_60 = tpu.memref_slice %arg3[%add3A_29] : memref<81920xf32, #tpu.memory_space<hbm>> -> memref<640xf32, #tpu.memory_space<hbm>>
    tpu.wait_dma2 semaphore(%arg13 : memref<!tpu.dma_semaphore, #tpu.memory_space<semaphore_mem>>) src(%dma_wait3A_60 : memref<640xf32, #tpu.memory_space<hbm>>) dst(%dma_wait3A_59 : memref<640xf32, #tpu.memory_space<vmem>>)
    %iota3A = tpu.iota {dimensions = array<i32: 0>} : vector<16xi32>
    %get3A = arith.constant 0 : index
    %get3A_61 = tpu.vector_load %arg9[%get3A] {strides = array<i32>} : memref<128xf32, #tpu.memory_space<vmem>>, vector<16xf32>,
    %broadcast_in_dim3A = arith.constant 0 : i32
    %broadcast_in_dim3A_62 = vector.broadcast %broadcast_in_dim3A : i32 to vector<16xi32>
    %broadcast_in_dim3A_63 = vector.shape_cast %broadcast_in_dim3A_62 : vector<16xi32> to vector<16x1xi32>
    %gather3A = vector.shape_cast %broadcast_in_dim3A_63 : vector<16x1xi32> to vector<16xi32>
    %gather3A_64 = tpu.dynamic_gather %get3A_61[%gather3A] in [0] : vector<16xf32>, vector<16xi32> -> vector<16xf32>
    %broadcast_in_dim3A_65 = arith.constant 1 : i32
    %broadcast_in_dim3A_66 = vector.broadcast %broadcast_in_dim3A_65 : i32 to vector<16xi32>
    %broadcast_in_dim3A_67 = vector.shape_cast %broadcast_in_dim3A_66 : vector<16xi32> to vector<16x1xi32>
    %gather3A_68 = vector.shape_cast %broadcast_in_dim3A_67 : vector<16x1xi32> to vector<16xi32>
    %gather3A_69 = tpu.dynamic_gather %get3A_61[%gather3A_68] in [0] : vector<16xf32>, vector<16xi32> -> vector<16xf32>
    %convert_element_type3A = arith.fptosi %gather3A_69 : vector<16xf32> to vector<16xi32>
    %broadcast_in_dim3A_70 = arith.constant 2 : i32
    %broadcast_in_dim3A_71 = vector.broadcast %broadcast_in_dim3A_70 : i32 to vector<16xi32>
    %broadcast_in_dim3A_72 = vector.shape_cast %broadcast_in_dim3A_71 : vector<16xi32> to vector<16x1xi32>
    %gather3A_73 = vector.shape_cast %broadcast_in_dim3A_72 : vector<16x1xi32> to vector<16xi32>
    %gather3A_74 = tpu.dynamic_gather %get3A_61[%gather3A_73] in [0] : vector<16xf32>, vector<16xi32> -> vector<16xf32>
    %convert_element_type3A_75 = arith.fptosi %gather3A_74 : vector<16xf32> to vector<16xi32>
    %broadcast_in_dim3A_76 = arith.constant 0 : i32
    %broadcast_in_dim3A_77 = vector.broadcast %broadcast_in_dim3A_76 : i32 to vector<16xi32>
    %gather3A_78 = tpu.vector_load_idx %arg10[%iota3A, %broadcast_in_dim3A_77] : memref<32x8xf32, #tpu.memory_space<vmem>>[vector<16xi32>, vector<16xi32>], vector<16xf32>,
    %add3A_79 = arith.constant 16 : i32
    %add3A_80 = vector.broadcast %add3A_79 : i32 to vector<16xi32>
    %add3A_81 = arith.addi %iota3A, %add3A_80 : vector<16xi32>
    %gather3A_82 = tpu.vector_load_idx %arg10[%add3A_81, %broadcast_in_dim3A_77] : memref<32x8xf32, #tpu.memory_space<vmem>>[vector<16xi32>, vector<16xi32>], vector<16xf32>,
    %add3A_83 = arith.constant 1 : i32
    %add3A_84 = vector.broadcast %add3A_83 : i32 to vector<16xi32>
    %add3A_85 = arith.addi %broadcast_in_dim3A_77, %add3A_84 : vector<16xi32>
    %gather3A_86 = tpu.vector_load_idx %arg10[%iota3A, %add3A_85] : memref<32x8xf32, #tpu.memory_space<vmem>>[vector<16xi32>, vector<16xi32>], vector<16xf32>,
    %add3A_87 = arith.constant 16 : i32
    %add3A_88 = vector.broadcast %add3A_87 : i32 to vector<16xi32>
    %add3A_89 = arith.addi %iota3A, %add3A_88 : vector<16xi32>
    %add3A_90 = arith.constant 1 : i32
    %add3A_91 = vector.broadcast %add3A_90 : i32 to vector<16xi32>
    %add3A_92 = arith.addi %broadcast_in_dim3A_77, %add3A_91 : vector<16xi32>
    %gather3A_93 = tpu.vector_load_idx %arg10[%add3A_89, %add3A_92] : memref<32x8xf32, #tpu.memory_space<vmem>>[vector<16xi32>, vector<16xi32>], vector<16xf32>,
    %lt3A = vector.broadcast %add3A : i32 to vector<16xi32>
    %lt3A_94 = arith.cmpi slt, %iota3A, %lt3A : vector<16xi32>
    %broadcast_in_dim3A_95 = arith.constant 0.000000e+00 : f32
    %broadcast_in_dim3A_96 = vector.broadcast %broadcast_in_dim3A_95 : f32 to vector<16xf32>
    %select_n3A = arith.select %lt3A_94, %gather3A_78, %broadcast_in_dim3A_96 : vector<16xi1>, vector<16xf32>
    %broadcast_in_dim3A_97 = arith.constant true
    %broadcast_in_dim3A_98 = vector.broadcast %broadcast_in_dim3A_97 : i1 to vector<16xi1>
    %masked_cumsum3A = tpu.scan <sum>, %select_n3A masked %broadcast_in_dim3A_98 : vector<16xf32>, vector<16xi1> -> vector<16xf32>
    %broadcast_in_dim3A_99 = arith.constant 15 : i32
    %broadcast_in_dim3A_100 = vector.broadcast %broadcast_in_dim3A_99 : i32 to vector<16xi32>
    %broadcast_in_dim3A_101 = vector.shape_cast %broadcast_in_dim3A_100 : vector<16xi32> to vector<16x1xi32>
    %gather3A_102 = vector.shape_cast %broadcast_in_dim3A_101 : vector<16x1xi32> to vector<16xi32>
    %gather3A_103 = tpu.dynamic_gather %masked_cumsum3A[%gather3A_102] in [0] : vector<16xf32>, vector<16xi32> -> vector<16xf32>
    %sub3A = arith.constant 16 : i32
    %sub3A_104 = arith.subi %add3A, %sub3A : i32
    %lt3A_105 = vector.broadcast %sub3A_104 : i32 to vector<16xi32>
    %lt3A_106 = arith.cmpi slt, %iota3A, %lt3A_105 : vector<16xi32>
    %broadcast_in_dim3A_107 = arith.constant 0.000000e+00 : f32
    %broadcast_in_dim3A_108 = vector.broadcast %broadcast_in_dim3A_107 : f32 to vector<16xf32>
    %select_n3A_109 = arith.select %lt3A_106, %gather3A_82, %broadcast_in_dim3A_108 : vector<16xi1>, vector<16xf32>
    %broadcast_in_dim3A_110 = arith.constant true
    %broadcast_in_dim3A_111 = vector.broadcast %broadcast_in_dim3A_110 : i1 to vector<16xi1>
    %masked_cumsum3A_112 = tpu.scan <sum>, %select_n3A_109 masked %broadcast_in_dim3A_111 : vector<16xf32>, vector<16xi1> -> vector<16xf32>
    %broadcast_in_dim3A_113 = arith.constant 15 : i32
    %broadcast_in_dim3A_114 = vector.broadcast %broadcast_in_dim3A_113 : i32 to vector<16xi32>
    %broadcast_in_dim3A_115 = vector.shape_cast %broadcast_in_dim3A_114 : vector<16xi32> to vector<16x1xi32>
    %gather3A_116 = vector.shape_cast %broadcast_in_dim3A_115 : vector<16x1xi32> to vector<16xi32>
    %gather3A_117 = tpu.dynamic_gather %masked_cumsum3A_112[%gather3A_116] in [0] : vector<16xf32>, vector<16xi32> -> vector<16xf32>
    %add3A_118 = arith.addf %gather3A_103, %gather3A_117 : vector<16xf32>
    %convert_element_type3A_119 = arith.fptosi %add3A_118 : vector<16xf32> to vector<16xi32>
    %lt3A_120 = vector.broadcast %add3A : i32 to vector<16xi32>
    %lt3A_121 = arith.cmpi slt, %iota3A, %lt3A_120 : vector<16xi32>
    %broadcast_in_dim3A_122 = arith.constant 0.000000e+00 : f32
    %broadcast_in_dim3A_123 = vector.broadcast %broadcast_in_dim3A_122 : f32 to vector<16xf32>
    %select_n3A_124 = arith.select %lt3A_121, %gather3A_86, %broadcast_in_dim3A_123 : vector<16xi1>, vector<16xf32>
    %broadcast_in_dim3A_125 = arith.constant true
    %broadcast_in_dim3A_126 = vector.broadcast %broadcast_in_dim3A_125 : i1 to vector<16xi1>
    %masked_cumsum3A_127 = tpu.scan <sum>, %select_n3A_124 masked %broadcast_in_dim3A_126 : vector<16xf32>, vector<16xi1> -> vector<16xf32>
    %broadcast_in_dim3A_128 = arith.constant 15 : i32
    %broadcast_in_dim3A_129 = vector.broadcast %broadcast_in_dim3A_128 : i32 to vector<16xi32>
    %broadcast_in_dim3A_130 = vector.shape_cast %broadcast_in_dim3A_129 : vector<16xi32> to vector<16x1xi32>
    %gather3A_131 = vector.shape_cast %broadcast_in_dim3A_130 : vector<16x1xi32> to vector<16xi32>
    %gather3A_132 = tpu.dynamic_gather %masked_cumsum3A_127[%gather3A_131] in [0] : vector<16xf32>, vector<16xi32> -> vector<16xf32>
    %sub3A_133 = arith.constant 16 : i32
    %sub3A_134 = arith.subi %add3A, %sub3A_133 : i32
    %lt3A_135 = vector.broadcast %sub3A_134 : i32 to vector<16xi32>
    %lt3A_136 = arith.cmpi slt, %iota3A, %lt3A_135 : vector<16xi32>
    %broadcast_in_dim3A_137 = arith.constant 0.000000e+00 : f32
    %broadcast_in_dim3A_138 = vector.broadcast %broadcast_in_dim3A_137 : f32 to vector<16xf32>
    %select_n3A_139 = arith.select %lt3A_136, %gather3A_93, %broadcast_in_dim3A_138 : vector<16xi1>, vector<16xf32>
    %broadcast_in_dim3A_140 = arith.constant true
    %broadcast_in_dim3A_141 = vector.broadcast %broadcast_in_dim3A_140 : i1 to vector<16xi1>
    %masked_cumsum3A_142 = tpu.scan <sum>, %select_n3A_139 masked %broadcast_in_dim3A_141 : vector<16xf32>, vector<16xi1> -> vector<16xf32>
    %broadcast_in_dim3A_143 = arith.constant 15 : i32
    %broadcast_in_dim3A_144 = vector.broadcast %broadcast_in_dim3A_143 : i32 to vector<16xi32>
    %broadcast_in_dim3A_145 = vector.shape_cast %broadcast_in_dim3A_144 : vector<16xi32> to vector<16x1xi32>
    %gather3A_146 = vector.shape_cast %broadcast_in_dim3A_145 : vector<16x1xi32> to vector<16xi32>
    %gather3A_147 = tpu.dynamic_gather %masked_cumsum3A_142[%gather3A_146] in [0] : vector<16xf32>, vector<16xi32> -> vector<16xf32>
    %add3A_148 = arith.addf %gather3A_132, %gather3A_147 : vector<16xf32>
    %convert_element_type3A_149 = arith.fptosi %add3A_148 : vector<16xf32> to vector<16xi32>
    %get3A_150 = arith.constant 0 : index
    %get3A_151 = tpu.vector_load %arg7[%get3A_150] {strides = array<i32>} : memref<640xf32, #tpu.memory_space<vmem>>, vector<16xf32>,
    %gt3A = arith.cmpf ogt, %get3A_151, %gather3A_64 : vector<16xf32>
    %eq3A = arith.cmpf oeq, %get3A_151, %gather3A_64 : vector<16xf32>
    %convert_element_type3A_152 = arith.extui %gt3A : vector<16xi1> to vector<16xi32>
    %convert_element_type3A_153 = arith.extui %eq3A : vector<16xi1> to vector<16xi32>
    %broadcast_in_dim3A_154 = arith.constant true
    %broadcast_in_dim3A_155 = vector.broadcast %broadcast_in_dim3A_154 : i1 to vector<16xi1>
    %masked_cumsum3A_156 = tpu.scan <sum>, %convert_element_type3A_152 masked %broadcast_in_dim3A_155 : vector<16xi32>, vector<16xi1> -> vector<16xi32>
    %broadcast_in_dim3A_157 = arith.constant true
    %broadcast_in_dim3A_158 = vector.broadcast %broadcast_in_dim3A_157 : i1 to vector<16xi1>
    %masked_cumsum3A_159 = tpu.scan <sum>, %convert_element_type3A_153 masked %broadcast_in_dim3A_158 : vector<16xi32>, vector<16xi1> -> vector<16xi32>
    %add3A_160 = arith.addi %convert_element_type3A_149, %masked_cumsum3A_159 : vector<16xi32>
    %sub3A_161 = arith.constant 1 : i32
    %sub3A_162 = vector.broadcast %sub3A_161 : i32 to vector<16xi32>
    %sub3A_163 = arith.subi %add3A_160, %sub3A_162 : vector<16xi32>
    %lt3A_164 = arith.cmpi slt, %sub3A_163, %convert_element_type3A_75 : vector<16xi32>
    %and3A = arith.andi %eq3A, %lt3A_164 : vector<16xi1>
    %add3A_165 = arith.addi %convert_element_type3A_119, %masked_cumsum3A_156 : vector<16xi32>
    %sub3A_166 = arith.constant 1 : i32
    %sub3A_167 = vector.broadcast %sub3A_166 : i32 to vector<16xi32>
    %sub3A_168 = arith.subi %add3A_165, %sub3A_167 : vector<16xi32>
    %add3A_169 = arith.addi %convert_element_type3A, %sub3A_163 : vector<16xi32>
    %add3A_170 = arith.constant 2048 : i32
    %add3A_171 = arith.addi %add3A_170, %add3A : i32
    %broadcast_in_dim3A_172 = vector.broadcast %add3A_171 : i32 to vector<16xi32>
    %select_n3A_173 = arith.select %and3A, %add3A_169, %broadcast_in_dim3A_172 : vector<16xi1>, vector<16xi32>
    %select_n3A_174 = arith.select %gt3A, %sub3A_168, %select_n3A_173 : vector<16xi1>, vector<16xi32>
    %broadcast_in_dim3A_175 = arith.constant 15 : i32
    %broadcast_in_dim3A_176 = vector.broadcast %broadcast_in_dim3A_175 : i32 to vector<16xi32>
    %broadcast_in_dim3A_177 = vector.shape_cast %broadcast_in_dim3A_176 : vector<16xi32> to vector<16x1xi32>
    %gather3A_178 = vector.shape_cast %broadcast_in_dim3A_177 : vector<16x1xi32> to vector<16xi32>
    %gather3A_179 = tpu.dynamic_gather %masked_cumsum3A_156[%gather3A_178] in [0] : vector<16xi32>, vector<16xi32> -> vector<16xi32>
    %add3A_180 = arith.addi %convert_element_type3A_119, %gather3A_179 : vector<16xi32>
    %broadcast_in_dim3A_181 = arith.constant 15 : i32
    %broadcast_in_dim3A_182 = vector.broadcast %broadcast_in_dim3A_181 : i32 to vector<16xi32>
    %broadcast_in_dim3A_183 = vector.shape_cast %broadcast_in_dim3A_182 : vector<16xi32> to vector<16x1xi32>
    %gather3A_184 = vector.shape_cast %broadcast_in_dim3A_183 : vector<16x1xi32> to vector<16xi32>
    %gather3A_185 = tpu.dynamic_gather %masked_cumsum3A_159[%gather3A_184] in [0] : vector<16xi32>, vector<16xi32> -> vector<16xi32>
    %add3A_186 = arith.addi %convert_element_type3A_149, %gather3A_185 : vector<16xi32>
    %add3A_187 = arith.constant 0 : i32
    %add3A_188 = vector.broadcast %add3A_187 : i32 to vector<16xi32>
    %add3A_189 = arith.addi %add3A_188, %iota3A : vector<16xi32>
    %add3A_190 = vector.broadcast %mul3A_2 : i32 to vector<16xi32>
    %add3A_191 = arith.addi %add3A_190, %add3A_189 : vector<16xi32>
    %convert_element_type3A_192 = arith.sitofp %add3A_191 : vector<16xi32> to vector<16xf32>
    %get3A_193 = arith.constant 0 : index
    %get3A_194 = tpu.vector_load %arg8[%get3A_193] {strides = array<i32>} : memref<2560xf32, #tpu.memory_space<vmem>>, vector<16xf32>,
    %get3A_195 = arith.constant 640 : index
    %get3A_196 = tpu.vector_load %arg8[%get3A_195] {strides = array<i32>} : memref<2560xf32, #tpu.memory_space<vmem>>, vector<16xf32>,
    %get3A_197 = arith.constant 1280 : index
    %get3A_198 = tpu.vector_load %arg8[%get3A_197] {strides = array<i32>} : memref<2560xf32, #tpu.memory_space<vmem>>, vector<16xf32>,
    %get3A_199 = arith.constant 1920 : index
    %get3A_200 = tpu.vector_load %arg8[%get3A_199] {strides = array<i32>} : memref<2560xf32, #tpu.memory_space<vmem>>, vector<16xf32>,
    %add3A_201 = arith.constant 0 : i32
    %add3A_202 = vector.broadcast %add3A_201 : i32 to vector<16xi32>
    %add3A_203 = arith.addi %broadcast_in_dim3A_77, %add3A_202 : vector<16xi32>
    tpu.vector_store_idx %arg11[%add3A_189, %add3A_203], %get3A_194 : memref<640x16xf32, #tpu.memory_space<vmem>>[vector<16xi32>, vector<16xi32>], vector<16xf32>,
    %add3A_204 = arith.constant 1 : i32
    %add3A_205 = vector.broadcast %add3A_204 : i32 to vector<16xi32>
    %add3A_206 = arith.addi %broadcast_in_dim3A_77, %add3A_205 : vector<16xi32>
    tpu.vector_store_idx %arg11[%add3A_189, %add3A_206], %get3A_196 : memref<640x16xf32, #tpu.memory_space<vmem>>[vector<16xi32>, vector<16xi32>], vector<16xf32>,
    %add3A_207 = arith.constant 2 : i32
    %add3A_208 = vector.broadcast %add3A_207 : i32 to vector<16xi32>
    %add3A_209 = arith.addi %broadcast_in_dim3A_77, %add3A_208 : vector<16xi32>
    tpu.vector_store_idx %arg11[%add3A_189, %add3A_209], %get3A_198 : memref<640x16xf32, #tpu.memory_space<vmem>>[vector<16xi32>, vector<16xi32>], vector<16xf32>,
    %add3A_210 = arith.constant 3 : i32
    %add3A_211 = vector.broadcast %add3A_210 : i32 to vector<16xi32>
    %add3A_212 = arith.addi %broadcast_in_dim3A_77, %add3A_211 : vector<16xi32>
    tpu.vector_store_idx %arg11[%add3A_189, %add3A_212], %get3A_200 : memref<640x16xf32, #tpu.memory_space<vmem>>[vector<16xi32>, vector<16xi32>], vector<16xf32>,
    %add3A_213 = arith.constant 4 : i32
    %add3A_214 = vector.broadcast %add3A_213 : i32 to vector<16xi32>
    %add3A_215 = arith.addi %broadcast_in_dim3A_77, %add3A_214 : vector<16xi32>
    tpu.vector_store_idx %arg11[%add3A_189, %add3A_215], %get3A_151 : memref<640x16xf32, #tpu.memory_space<vmem>>[vector<16xi32>, vector<16xi32>], vector<16xf32>,
    %add3A_216 = arith.constant 5 : i32
    %add3A_217 = vector.broadcast %add3A_216 : i32 to vector<16xi32>
    %add3A_218 = arith.addi %broadcast_in_dim3A_77, %add3A_217 : vector<16xi32>
    tpu.vector_store_idx %arg11[%add3A_189, %add3A_218], %convert_element_type3A_192 : memref<640x16xf32, #tpu.memory_space<vmem>>[vector<16xi32>, vector<16xi32>], vector<16xf32>,
    %swap3A = arith.constant 0 : i32
    %swap3A_219 = arith.index_cast %swap3A : i32 to index
    %swap3A_220 = arith.constant 0 : index
    %swap3A_221 = tpu.vector_load %arg12[%swap3A_219, %swap3A_220] {strides = array<i32>} : memref<5x128xi32, #tpu.memory_space<vmem>>, vector<16xi32>,
    tpu.vector_store %arg12[%swap3A_219, %swap3A_220], %select_n3A_174 {strides = array<i32>} : memref<5x128xi32, #tpu.memory_space<vmem>>, vector<16xi32>,
    %get3A_222 = arith.constant 16 : index
    %get3A_223 = tpu.vector_load %arg7[%get3A_222] {strides = array<i32>} : memref<640xf32, #tpu.memory_space<vmem>>, vector<16xf32>,
    %gt3A_224 = arith.cmpf ogt, %get3A_223, %gather3A_64 : vector<16xf32>
    %eq3A_225 = arith.cmpf oeq, %get3A_223, %gather3A_64 : vector<16xf32>
    %convert_element_type3A_226 = arith.extui %gt3A_224 : vector<16xi1> to vector<16xi32>
    %convert_element_type3A_227 = arith.extui %eq3A_225 : vector<16xi1> to vector<16xi32>
    %broadcast_in_dim3A_228 = arith.constant true
    %broadcast_in_dim3A_229 = vector.broadcast %broadcast_in_dim3A_228 : i1 to vector<16xi1>
    %masked_cumsum3A_230 = tpu.scan <sum>, %convert_element_type3A_226 masked %broadcast_in_dim3A_229 : vector<16xi32>, vector<16xi1> -> vector<16xi32>
    %broadcast_in_dim3A_231 = arith.constant true
    %broadcast_in_dim3A_232 = vector.broadcast %broadcast_in_dim3A_231 : i1 to vector<16xi1>
    %masked_cumsum3A_233 = tpu.scan <sum>, %convert_element_type3A_227 masked %broadcast_in_dim3A_232 : vector<16xi32>, vector<16xi1> -> vector<16xi32>
    %add3A_234 = arith.addi %add3A_186, %masked_cumsum3A_233 : vector<16xi32>
    %sub3A_235 = arith.constant 1 : i32
    %sub3A_236 = vector.broadcast %sub3A_235 : i32 to vector<16xi32>
    %sub3A_237 = arith.subi %add3A_234, %sub3A_236 : vector<16xi32>
    %lt3A_238 = arith.cmpi slt, %sub3A_237, %convert_element_type3A_75 : vector<16xi32>
    %and3A_239 = arith.andi %eq3A_225, %lt3A_238 : vector<16xi1>
    %add3A_240 = arith.addi %add3A_180, %masked_cumsum3A_230 : vector<16xi32>
    %sub3A_241 = arith.constant 1 : i32
    %sub3A_242 = vector.broadcast %sub3A_241 : i32 to vector<16xi32>
    %sub3A_243 = arith.subi %add3A_240, %sub3A_242 : vector<16xi32>
    %add3A_244 = arith.addi %convert_element_type3A, %sub3A_237 : vector<16xi32>
    %add3A_245 = arith.constant 2048 : i32
    %add3A_246 = arith.addi %add3A_245, %add3A : i32
    %broadcast_in_dim3A_247 = vector.broadcast %add3A_246 : i32 to vector<16xi32>
    %select_n3A_248 = arith.select %and3A_239, %add3A_244, %broadcast_in_dim3A_247 : vector<16xi1>, vector<16xi32>
    %select_n3A_249 = arith.select %gt3A_224, %sub3A_243, %select_n3A_248 : vector<16xi1>, vector<16xi32>
    %broadcast_in_dim3A_250 = arith.constant 15 : i32
    %broadcast_in_dim3A_251 = vector.broadcast %broadcast_in_dim3A_250 : i32 to vector<16xi32>
    %broadcast_in_dim3A_252 = vector.shape_cast %broadcast_in_dim3A_251 : vector<16xi32> to vector<16x1xi32>
    %gather3A_253 = vector.shape_cast %broadcast_in_dim3A_252 : vector<16x1xi32> to vector<16xi32>
    %gather3A_254 = tpu.dynamic_gather %masked_cumsum3A_230[%gather3A_253] in [0] : vector<16xi32>, vector<16xi32> -> vector<16xi32>
    %add3A_255 = arith.addi %add3A_180, %gather3A_254 : vector<16xi32>
    %broadcast_in_dim3A_256 = arith.constant 15 : i32
    %broadcast_in_dim3A_257 = vector.broadcast %broadcast_in_dim3A_256 : i32 to vector<16xi32>
    %broadcast_in_dim3A_258 = vector.shape_cast %broadcast_in_dim3A_257 : vector<16xi32> to vector<16x1xi32>
    %gather3A_259 = vector.shape_cast %broadcast_in_dim3A_258 : vector<16x1xi32> to vector<16xi32>
    %gather3A_260 = tpu.dynamic_gather %masked_cumsum3A_233[%gather3A_259] in [0] : vector<16xi32>, vector<16xi32> -> vector<16xi32>
    %add3A_261 = arith.addi %add3A_186, %gather3A_260 : vector<16xi32>
    %add3A_262 = arith.constant 16 : i32
    %add3A_263 = vector.broadcast %add3A_262 : i32 to vector<16xi32>
    %add3A_264 = arith.addi %add3A_263, %iota3A : vector<16xi32>
    %add3A_265 = vector.broadcast %mul3A_2 : i32 to vector<16xi32>
    %add3A_266 = arith.addi %add3A_265, %add3A_264 : vector<16xi32>
    %convert_element_type3A_267 = arith.sitofp %add3A_266 : vector<16xi32> to vector<16xf32>
    %get3A_268 = arith.constant 16 : index
    %get3A_269 = tpu.vector_load %arg8[%get3A_268] {strides = array<i32>} : memref<2560xf32, #tpu.memory_space<vmem>>, vector<16xf32>,
    %get3A_270 = arith.constant 656 : index
    %get3A_271 = tpu.vector_load %arg8[%get3A_270] {strides = array<i32>} : memref<2560xf32, #tpu.memory_space<vmem>>, vector<16xf32>,
    %get3A_272 = arith.constant 1296 : index
    %get3A_273 = tpu.vector_load %arg8[%get3A_272] {strides = array<i32>} : memref<2560xf32, #tpu.memory_space<vmem>>, vector<16xf32>,
    %get3A_274 = arith.constant 1936 : index
    %get3A_275 = tpu.vector_load %arg8[%get3A_274] {strides = array<i32>} : memref<2560xf32, #tpu.memory_space<vmem>>, vector<16xf32>,
    %add3A_276 = arith.constant 0 : i32
    %add3A_277 = vector.broadcast %add3A_276 : i32 to vector<16xi32>
    %add3A_278 = arith.addi %broadcast_in_dim3A_77, %add3A_277 : vector<16xi32>
    tpu.vector_store_idx %arg11[%add3A_264, %add3A_278], %get3A_269 : memref<640x16xf32, #tpu.memory_space<vmem>>[vector<16xi32>, vector<16xi32>], vector<16xf32>,
    %add3A_279 = arith.constant 1 : i32
    %add3A_280 = vector.broadcast %add3A_279 : i32 to vector<16xi32>
    %add3A_281 = arith.addi %broadcast_in_dim3A_77, %add3A_280 : vector<16xi32>
    tpu.vector_store_idx %arg11[%add3A_264, %add3A_281], %get3A_271 : memref<640x16xf32, #tpu.memory_space<vmem>>[vector<16xi32>, vector<16xi32>], vector<16xf32>,
    %add3A_282 = arith.constant 2 : i32
    %add3A_283 = vector.broadcast %add3A_282 : i32 to vector<16xi32>
    %add3A_284 = arith.addi %broadcast_in_dim3A_77, %add3A_283 : vector<16xi32>
    tpu.vector_store_idx %arg11[%add3A_264, %add3A_284], %get3A_273 : memref<640x16xf32, #tpu.memory_space<vmem>>[vector<16xi32>, vector<16xi32>], vector<16xf32>,
    %add3A_285 = arith.constant 3 : i32
    %add3A_286 = vector.broadcast %add3A_285 : i32 to vector<16xi32>
    %add3A_287 = arith.addi %broadcast_in_dim3A_77, %add3A_286 : vector<16xi32>
    tpu.vector_store_idx %arg11[%add3A_264, %add3A_287], %get3A_275 : memref<640x16xf32, #tpu.memory_space<vmem>>[vector<16xi32>, vector<16xi32>], vector<16xf32>,
    %add3A_288 = arith.constant 4 : i32
    %add3A_289 = vector.broadcast %add3A_288 : i32 to vector<16xi32>
    %add3A_290 = arith.addi %broadcast_in_dim3A_77, %add3A_289 : vector<16xi32>
    tpu.vector_store_idx %arg11[%add3A_264, %add3A_290], %get3A_223 : memref<640x16xf32, #tpu.memory_space<vmem>>[vector<16xi32>, vector<16xi32>], vector<16xf32>,
    %add3A_291 = arith.constant 5 : i32
    %add3A_292 = vector.broadcast %add3A_291 : i32 to vector<16xi32>
    %add3A_293 = arith.addi %broadcast_in_dim3A_77, %add3A_292 : vector<16xi32>
    tpu.vector_store_idx %arg11[%add3A_264, %add3A_293], %convert_element_type3A_267 : memref<640x16xf32, #tpu.memory_space<vmem>>[vector<16xi32>, vector<16xi32>], vector<16xf32>,
    %swap3A_294 = arith.constant 0 : i32
    %swap3A_295 = arith.index_cast %swap3A_294 : i32 to index
    %swap3A_296 = arith.constant 16 : index
    %swap3A_297 = tpu.vector_load %arg12[%swap3A_295, %swap3A_296] {strides = array<i32>} : memref<5x128xi32, #tpu.memory_space<vmem>>, vector<16xi32>,
    tpu.vector_store %arg12[%swap3A_295, %swap3A_296], %select_n3A_249 {strides = array<i32>} : memref<5x128xi32, #tpu.memory_space<vmem>>, vector<16xi32>,
    %get3A_298 = arith.constant 32 : index
    %get3A_299 = tpu.vector_load %arg7[%get3A_298] {strides = array<i32>} : memref<640xf32, #tpu.memory_space<vmem>>, vector<16xf32>,
    %gt3A_300 = arith.cmpf ogt, %get3A_299, %gather3A_64 : vector<16xf32>
    %eq3A_301 = arith.cmpf oeq, %get3A_299, %gather3A_64 : vector<16xf32>
    %convert_element_type3A_302 = arith.extui %gt3A_300 : vector<16xi1> to vector<16xi32>
    %convert_element_type3A_303 = arith.extui %eq3A_301 : vector<16xi1> to vector<16xi32>
    %broadcast_in_dim3A_304 = arith.constant true
    %broadcast_in_dim3A_305 = vector.broadcast %broadcast_in_dim3A_304 : i1 to vector<16xi1>
    %masked_cumsum3A_306 = tpu.scan <sum>, %convert_element_type3A_302 masked %broadcast_in_dim3A_305 : vector<16xi32>, vector<16xi1> -> vector<16xi32>
    %broadcast_in_dim3A_307 = arith.constant true
    %broadcast_in_dim3A_308 = vector.broadcast %broadcast_in_dim3A_307 : i1 to vector<16xi1>
    %masked_cumsum3A_309 = tpu.scan <sum>, %convert_element_type3A_303 masked %broadcast_in_dim3A_308 : vector<16xi32>, vector<16xi1> -> vector<16xi32>
    %add3A_310 = arith.addi %add3A_261, %masked_cumsum3A_309 : vector<16xi32>
    %sub3A_311 = arith.constant 1 : i32
    %sub3A_312 = vector.broadcast %sub3A_311 : i32 to vector<16xi32>
    %sub3A_313 = arith.subi %add3A_310, %sub3A_312 : vector<16xi32>
    %lt3A_314 = arith.cmpi slt, %sub3A_313, %convert_element_type3A_75 : vector<16xi32>
    %and3A_315 = arith.andi %eq3A_301, %lt3A_314 : vector<16xi1>
    %add3A_316 = arith.addi %add3A_255, %masked_cumsum3A_306 : vector<16xi32>
    %sub3A_317 = arith.constant 1 : i32
    %sub3A_318 = vector.broadcast %sub3A_317 : i32 to vector<16xi32>
    %sub3A_319 = arith.subi %add3A_316, %sub3A_318 : vector<16xi32>
    %add3A_320 = arith.addi %convert_element_type3A, %sub3A_313 : vector<16xi32>
    %add3A_321 = arith.constant 2048 : i32
    %add3A_322 = arith.addi %add3A_321, %add3A : i32
    %broadcast_in_dim3A_323 = vector.broadcast %add3A_322 : i32 to vector<16xi32>
    %select_n3A_324 = arith.select %and3A_315, %add3A_320, %broadcast_in_dim3A_323 : vector<16xi1>, vector<16xi32>
    %select_n3A_325 = arith.select %gt3A_300, %sub3A_319, %select_n3A_324 : vector<16xi1>, vector<16xi32>
    %broadcast_in_dim3A_326 = arith.constant 15 : i32
    %broadcast_in_dim3A_327 = vector.broadcast %broadcast_in_dim3A_326 : i32 to vector<16xi32>
    %broadcast_in_dim3A_328 = vector.shape_cast %broadcast_in_dim3A_327 : vector<16xi32> to vector<16x1xi32>
    %gather3A_329 = vector.shape_cast %broadcast_in_dim3A_328 : vector<16x1xi32> to vector<16xi32>
    %gather3A_330 = tpu.dynamic_gather %masked_cumsum3A_306[%gather3A_329] in [0] : vector<16xi32>, vector<16xi32> -> vector<16xi32>
    %add3A_331 = arith.addi %add3A_255, %gather3A_330 : vector<16xi32>
    %broadcast_in_dim3A_332 = arith.constant 15 : i32
    %broadcast_in_dim3A_333 = vector.broadcast %broadcast_in_dim3A_332 : i32 to vector<16xi32>
    %broadcast_in_dim3A_334 = vector.shape_cast %broadcast_in_dim3A_333 : vector<16xi32> to vector<16x1xi32>
    %gather3A_335 = vector.shape_cast %broadcast_in_dim3A_334 : vector<16x1xi32> to vector<16xi32>
    %gather3A_336 = tpu.dynamic_gather %masked_cumsum3A_309[%gather3A_335] in [0] : vector<16xi32>, vector<16xi32> -> vector<16xi32>
    %add3A_337 = arith.addi %add3A_261, %gather3A_336 : vector<16xi32>
    %add3A_338 = arith.constant 32 : i32
    %add3A_339 = vector.broadcast %add3A_338 : i32 to vector<16xi32>
    %add3A_340 = arith.addi %add3A_339, %iota3A : vector<16xi32>
    %add3A_341 = vector.broadcast %mul3A_2 : i32 to vector<16xi32>
    %add3A_342 = arith.addi %add3A_341, %add3A_340 : vector<16xi32>
    %convert_element_type3A_343 = arith.sitofp %add3A_342 : vector<16xi32> to vector<16xf32>
    %get3A_344 = arith.constant 32 : index
    %get3A_345 = tpu.vector_load %arg8[%get3A_344] {strides = array<i32>} : memref<2560xf32, #tpu.memory_space<vmem>>, vector<16xf32>,
    %get3A_346 = arith.constant 672 : index
    %get3A_347 = tpu.vector_load %arg8[%get3A_346] {strides = array<i32>} : memref<2560xf32, #tpu.memory_space<vmem>>, vector<16xf32>,
    %get3A_348 = arith.constant 1312 : index
    %get3A_349 = tpu.vector_load %arg8[%get3A_348] {strides = array<i32>} : memref<2560xf32, #tpu.memory_space<vmem>>, vector<16xf32>,
    %get3A_350 = arith.constant 1952 : index
    %get3A_351 = tpu.vector_load %arg8[%get3A_350] {strides = array<i32>} : memref<2560xf32, #tpu.memory_space<vmem>>, vector<16xf32>,
    %add3A_352 = arith.constant 0 : i32
    %add3A_353 = vector.broadcast %add3A_352 : i32 to vector<16xi32>
    %add3A_354 = arith.addi %broadcast_in_dim3A_77, %add3A_353 : vector<16xi32>
    tpu.vector_store_idx %arg11[%add3A_340, %add3A_354], %get3A_345 : memref<640x16xf32, #tpu.memory_space<vmem>>[vector<16xi32>, vector<16xi32>], vector<16xf32>,
    %add3A_355 = arith.constant 1 : i32
    %add3A_356 = vector.broadcast %add3A_355 : i32 to vector<16xi32>
    %add3A_357 = arith.addi %broadcast_in_dim3A_77, %add3A_356 : vector<16xi32>
    tpu.vector_store_idx %arg11[%add3A_340, %add3A_357], %get3A_347 : memref<640x16xf32, #tpu.memory_space<vmem>>[vector<16xi32>, vector<16xi32>], vector<16xf32>,
    %add3A_358 = arith.constant 2 : i32
    %add3A_359 = vector.broadcast %add3A_358 : i32 to vector<16xi32>
    %add3A_360 = arith.addi %broadcast_in_dim3A_77, %add3A_359 : vector<16xi32>
    tpu.vector_store_idx %arg11[%add3A_340, %add3A_360], %get3A_349 : memref<640x16xf32, #tpu.memory_space<vmem>>[vector<16xi32>, vector<16xi32>], vector<16xf32>,
    %add3A_361 = arith.constant 3 : i32
    %add3A_362 = vector.broadcast %add3A_361 : i32 to vector<16xi32>
    %add3A_363 = arith.addi %broadcast_in_dim3A_77, %add3A_362 : vector<16xi32>
    tpu.vector_store_idx %arg11[%add3A_340, %add3A_363], %get3A_351 : memref<640x16xf32, #tpu.memory_space<vmem>>[vector<16xi32>, vector<16xi32>], vector<16xf32>,
    %add3A_364 = arith.constant 4 : i32
    %add3A_365 = vector.broadcast %add3A_364 : i32 to vector<16xi32>
    %add3A_366 = arith.addi %broadcast_in_dim3A_77, %add3A_365 : vector<16xi32>
    tpu.vector_store_idx %arg11[%add3A_340, %add3A_366], %get3A_299 : memref<640x16xf32, #tpu.memory_space<vmem>>[vector<16xi32>, vector<16xi32>], vector<16xf32>,
    %add3A_367 = arith.constant 5 : i32
    %add3A_368 = vector.broadcast %add3A_367 : i32 to vector<16xi32>
    %add3A_369 = arith.addi %broadcast_in_dim3A_77, %add3A_368 : vector<16xi32>
    tpu.vector_store_idx %arg11[%add3A_340, %add3A_369], %convert_element_type3A_343 : memref<640x16xf32, #tpu.memory_space<vmem>>[vector<16xi32>, vector<16xi32>], vector<16xf32>,
    %swap3A_370 = arith.constant 0 : i32
    %swap3A_371 = arith.index_cast %swap3A_370 : i32 to index
    %swap3A_372 = arith.constant 32 : index
    %swap3A_373 = tpu.vector_load %arg12[%swap3A_371, %swap3A_372] {strides = array<i32>} : memref<5x128xi32, #tpu.memory_space<vmem>>, vector<16xi32>,
    tpu.vector_store %arg12[%swap3A_371, %swap3A_372], %select_n3A_325 {strides = array<i32>} : memref<5x128xi32, #tpu.memory_space<vmem>>, vector<16xi32>,
    %get3A_374 = arith.constant 48 : index
    %get3A_375 = tpu.vector_load %arg7[%get3A_374] {strides = array<i32>} : memref<640xf32, #tpu.memory_space<vmem>>, vector<16xf32>,
    %gt3A_376 = arith.cmpf ogt, %get3A_375, %gather3A_64 : vector<16xf32>
    %eq3A_377 = arith.cmpf oeq, %get3A_375, %gather3A_64 : vector<16xf32>
    %convert_element_type3A_378 = arith.extui %gt3A_376 : vector<16xi1> to vector<16xi32>
    %convert_element_type3A_379 = arith.extui %eq3A_377 : vector<16xi1> to vector<16xi32>
    %broadcast_in_dim3A_380 = arith.constant true
    %broadcast_in_dim3A_381 = vector.broadcast %broadcast_in_dim3A_380 : i1 to vector<16xi1>
    %masked_cumsum3A_382 = tpu.scan <sum>, %convert_element_type3A_378 masked %broadcast_in_dim3A_381 : vector<16xi32>, vector<16xi1> -> vector<16xi32>
    %broadcast_in_dim3A_383 = arith.constant true
    %broadcast_in_dim3A_384 = vector.broadcast %broadcast_in_dim3A_383 : i1 to vector<16xi1>
    %masked_cumsum3A_385 = tpu.scan <sum>, %convert_element_type3A_379 masked %broadcast_in_dim3A_384 : vector<16xi32>, vector<16xi1> -> vector<16xi32>
    %add3A_386 = arith.addi %add3A_337, %masked_cumsum3A_385 : vector<16xi32>
    %sub3A_387 = arith.constant 1 : i32
    %sub3A_388 = vector.broadcast %sub3A_387 : i32 to vector<16xi32>
    %sub3A_389 = arith.subi %add3A_386, %sub3A_388 : vector<16xi32>
    %lt3A_390 = arith.cmpi slt, %sub3A_389, %convert_element_type3A_75 : vector<16xi32>
    %and3A_391 = arith.andi %eq3A_377, %lt3A_390 : vector<16xi1>
    %add3A_392 = arith.addi %add3A_331, %masked_cumsum3A_382 : vector<16xi32>
    %sub3A_393 = arith.constant 1 : i32
    %sub3A_394 = vector.broadcast %sub3A_393 : i32 to vector<16xi32>
    %sub3A_395 = arith.subi %add3A_392, %sub3A_394 : vector<16xi32>
    %add3A_396 = arith.addi %convert_element_type3A, %sub3A_389 : vector<16xi32>
    %add3A_397 = arith.constant 2048 : i32
    %add3A_398 = arith.addi %add3A_397, %add3A : i32
    %broadcast_in_dim3A_399 = vector.broadcast %add3A_398 : i32 to vector<16xi32>
    %select_n3A_400 = arith.select %and3A_391, %add3A_396, %broadcast_in_dim3A_399 : vector<16xi1>, vector<16xi32>
    %select_n3A_401 = arith.select %gt3A_376, %sub3A_395, %select_n3A_400 : vector<16xi1>, vector<16xi32>
    %broadcast_in_dim3A_402 = arith.constant 15 : i32
    %broadcast_in_dim3A_403 = vector.broadcast %broadcast_in_dim3A_402 : i32 to vector<16xi32>
    %broadcast_in_dim3A_404 = vector.shape_cast %broadcast_in_dim3A_403 : vector<16xi32> to vector<16x1xi32>
    %gather3A_405 = vector.shape_cast %broadcast_in_dim3A_404 : vector<16x1xi32> to vector<16xi32>
    %gather3A_406 = tpu.dynamic_gather %masked_cumsum3A_382[%gather3A_405] in [0] : vector<16xi32>, vector<16xi32> -> vector<16xi32>
    %add3A_407 = arith.addi %add3A_331, %gather3A_406 : vector<16xi32>
    %broadcast_in_dim3A_408 = arith.constant 15 : i32
    %broadcast_in_dim3A_409 = vector.broadcast %broadcast_in_dim3A_408 : i32 to vector<16xi32>
    %broadcast_in_dim3A_410 = vector.shape_cast %broadcast_in_dim3A_409 : vector<16xi32> to vector<16x1xi32>
    %gather3A_411 = vector.shape_cast %broadcast_in_dim3A_410 : vector<16x1xi32> to vector<16xi32>
    %gather3A_412 = tpu.dynamic_gather %masked_cumsum3A_385[%gather3A_411] in [0] : vector<16xi32>, vector<16xi32> -> vector<16xi32>
    %add3A_413 = arith.addi %add3A_337, %gather3A_412 : vector<16xi32>
    %add3A_414 = arith.constant 48 : i32
    %add3A_415 = vector.broadcast %add3A_414 : i32 to vector<16xi32>
    %add3A_416 = arith.addi %add3A_415, %iota3A : vector<16xi32>
    %add3A_417 = vector.broadcast %mul3A_2 : i32 to vector<16xi32>
    %add3A_418 = arith.addi %add3A_417, %add3A_416 : vector<16xi32>
    %convert_element_type3A_419 = arith.sitofp %add3A_418 : vector<16xi32> to vector<16xf32>
    %get3A_420 = arith.constant 48 : index
    %get3A_421 = tpu.vector_load %arg8[%get3A_420] {strides = array<i32>} : memref<2560xf32, #tpu.memory_space<vmem>>, vector<16xf32>,
    %get3A_422 = arith.constant 688 : index
    %get3A_423 = tpu.vector_load %arg8[%get3A_422] {strides = array<i32>} : memref<2560xf32, #tpu.memory_space<vmem>>, vector<16xf32>,
    %get3A_424 = arith.constant 1328 : index
    %get3A_425 = tpu.vector_load %arg8[%get3A_424] {strides = array<i32>} : memref<2560xf32, #tpu.memory_space<vmem>>, vector<16xf32>,
    %get3A_426 = arith.constant 1968 : index
    %get3A_427 = tpu.vector_load %arg8[%get3A_426] {strides = array<i32>} : memref<2560xf32, #tpu.memory_space<vmem>>, vector<16xf32>,
    %add3A_428 = arith.constant 0 : i32
    %add3A_429 = vector.broadcast %add3A_428 : i32 to vector<16xi32>
    %add3A_430 = arith.addi %broadcast_in_dim3A_77, %add3A_429 : vector<16xi32>
    tpu.vector_store_idx %arg11[%add3A_416, %add3A_430], %get3A_421 : memref<640x16xf32, #tpu.memory_space<vmem>>[vector<16xi32>, vector<16xi32>], vector<16xf32>,
    %add3A_431 = arith.constant 1 : i32
    %add3A_432 = vector.broadcast %add3A_431 : i32 to vector<16xi32>
    %add3A_433 = arith.addi %broadcast_in_dim3A_77, %add3A_432 : vector<16xi32>
    tpu.vector_store_idx %arg11[%add3A_416, %add3A_433], %get3A_423 : memref<640x16xf32, #tpu.memory_space<vmem>>[vector<16xi32>, vector<16xi32>], vector<16xf32>,
    %add3A_434 = arith.constant 2 : i32
    %add3A_435 = vector.broadcast %add3A_434 : i32 to vector<16xi32>
    %add3A_436 = arith.addi %broadcast_in_dim3A_77, %add3A_435 : vector<16xi32>
    tpu.vector_store_idx %arg11[%add3A_416, %add3A_436], %get3A_425 : memref<640x16xf32, #tpu.memory_space<vmem>>[vector<16xi32>, vector<16xi32>], vector<16xf32>,
    %add3A_437 = arith.constant 3 : i32
    %add3A_438 = vector.broadcast %add3A_437 : i32 to vector<16xi32>
    %add3A_439 = arith.addi %broadcast_in_dim3A_77, %add3A_438 : vector<16xi32>
    tpu.vector_store_idx %arg11[%add3A_416, %add3A_439], %get3A_427 : memref<640x16xf32, #tpu.memory_space<vmem>>[vector<16xi32>, vector<16xi32>], vector<16xf32>,
    %add3A_440 = arith.constant 4 : i32
    %add3A_441 = vector.broadcast %add3A_440 : i32 to vector<16xi32>
    %add3A_442 = arith.addi %broadcast_in_dim3A_77, %add3A_441 : vector<16xi32>
    tpu.vector_store_idx %arg11[%add3A_416, %add3A_442], %get3A_375 : memref<640x16xf32, #tpu.memory_space<vmem>>[vector<16xi32>, vector<16xi32>], vector<16xf32>,
    %add3A_443 = arith.constant 5 : i32
    %add3A_444 = vector.broadcast %add3A_443 : i32 to vector<16xi32>
    %add3A_445 = arith.addi %broadcast_in_dim3A_77, %add3A_444 : vector<16xi32>
    tpu.vector_store_idx %arg11[%add3A_416, %add3A_445], %convert_element_type3A_419 : memref<640x16xf32, #tpu.memory_space<vmem>>[vector<16xi32>, vector<16xi32>], vector<16xf32>,
    %swap3A_446 = arith.constant 0 : i32
    %swap3A_447 = arith.index_cast %swap3A_446 : i32 to index
    %swap3A_448 = arith.constant 48 : index
    %swap3A_449 = tpu.vector_load %arg12[%swap3A_447, %swap3A_448] {strides = array<i32>} : memref<5x128xi32, #tpu.memory_space<vmem>>, vector<16xi32>,
    tpu.vector_store %arg12[%swap3A_447, %swap3A_448], %select_n3A_401 {strides = array<i32>} : memref<5x128xi32, #tpu.memory_space<vmem>>, vector<16xi32>,
    %get3A_450 = arith.constant 64 : index
    %get3A_451 = tpu.vector_load %arg7[%get3A_450] {strides = array<i32>} : memref<640xf32, #tpu.memory_space<vmem>>, vector<16xf32>,
    %gt3A_452 = arith.cmpf ogt, %get3A_451, %gather3A_64 : vector<16xf32>
    %eq3A_453 = arith.cmpf oeq, %get3A_451, %gather3A_64 : vector<16xf32>
    %convert_element_type3A_454 = arith.extui %gt3A_452 : vector<16xi1> to vector<16xi32>
    %convert_element_type3A_455 = arith.extui %eq3A_453 : vector<16xi1> to vector<16xi32>
    %broadcast_in_dim3A_456 = arith.constant true
    %broadcast_in_dim3A_457 = vector.broadcast %broadcast_in_dim3A_456 : i1 to vector<16xi1>
    %masked_cumsum3A_458 = tpu.scan <sum>, %convert_element_type3A_454 masked %broadcast_in_dim3A_457 : vector<16xi32>, vector<16xi1> -> vector<16xi32>
    %broadcast_in_dim3A_459 = arith.constant true
    %broadcast_in_dim3A_460 = vector.broadcast %broadcast_in_dim3A_459 : i1 to vector<16xi1>
    %masked_cumsum3A_461 = tpu.scan <sum>, %convert_element_type3A_455 masked %broadcast_in_dim3A_460 : vector<16xi32>, vector<16xi1> -> vector<16xi32>
    %add3A_462 = arith.addi %add3A_413, %masked_cumsum3A_461 : vector<16xi32>
    %sub3A_463 = arith.constant 1 : i32
    %sub3A_464 = vector.broadcast %sub3A_463 : i32 to vector<16xi32>
    %sub3A_465 = arith.subi %add3A_462, %sub3A_464 : vector<16xi32>
    %lt3A_466 = arith.cmpi slt, %sub3A_465, %convert_element_type3A_75 : vector<16xi32>
    %and3A_467 = arith.andi %eq3A_453, %lt3A_466 : vector<16xi1>
    %add3A_468 = arith.addi %add3A_407, %masked_cumsum3A_458 : vector<16xi32>
    %sub3A_469 = arith.constant 1 : i32
    %sub3A_470 = vector.broadcast %sub3A_469 : i32 to vector<16xi32>
    %sub3A_471 = arith.subi %add3A_468, %sub3A_470 : vector<16xi32>
    %add3A_472 = arith.addi %convert_element_type3A, %sub3A_465 : vector<16xi32>
    %add3A_473 = arith.constant 2048 : i32
    %add3A_474 = arith.addi %add3A_473, %add3A : i32
    %broadcast_in_dim3A_475 = vector.broadcast %add3A_474 : i32 to vector<16xi32>
    %select_n3A_476 = arith.select %and3A_467, %add3A_472, %broadcast_in_dim3A_475 : vector<16xi1>, vector<16xi32>
    %select_n3A_477 = arith.select %gt3A_452, %sub3A_471, %select_n3A_476 : vector<16xi1>, vector<16xi32>
    %broadcast_in_dim3A_478 = arith.constant 15 : i32
    %broadcast_in_dim3A_479 = vector.broadcast %broadcast_in_dim3A_478 : i32 to vector<16xi32>
    %broadcast_in_dim3A_480 = vector.shape_cast %broadcast_in_dim3A_479 : vector<16xi32> to vector<16x1xi32>
    %gather3A_481 = vector.shape_cast %broadcast_in_dim3A_480 : vector<16x1xi32> to vector<16xi32>
    %gather3A_482 = tpu.dynamic_gather %masked_cumsum3A_458[%gather3A_481] in [0] : vector<16xi32>, vector<16xi32> -> vector<16xi32>
    %add3A_483 = arith.addi %add3A_407, %gather3A_482 : vector<16xi32>
    %broadcast_in_dim3A_484 = arith.constant 15 : i32
    %broadcast_in_dim3A_485 = vector.broadcast %broadcast_in_dim3A_484 : i32 to vector<16xi32>
    %broadcast_in_dim3A_486 = vector.shape_cast %broadcast_in_dim3A_485 : vector<16xi32> to vector<16x1xi32>
    %gather3A_487 = vector.shape_cast %broadcast_in_dim3A_486 : vector<16x1xi32> to vector<16xi32>
    %gather3A_488 = tpu.dynamic_gather %masked_cumsum3A_461[%gather3A_487] in [0] : vector<16xi32>, vector<16xi32> -> vector<16xi32>
    %add3A_489 = arith.addi %add3A_413, %gather3A_488 : vector<16xi32>
    %add3A_490 = arith.constant 64 : i32
    %add3A_491 = vector.broadcast %add3A_490 : i32 to vector<16xi32>
    %add3A_492 = arith.addi %add3A_491, %iota3A : vector<16xi32>
    %add3A_493 = vector.broadcast %mul3A_2 : i32 to vector<16xi32>
    %add3A_494 = arith.addi %add3A_493, %add3A_492 : vector<16xi32>
    %convert_element_type3A_495 = arith.sitofp %add3A_494 : vector<16xi32> to vector<16xf32>
    %get3A_496 = arith.constant 64 : index
    %get3A_497 = tpu.vector_load %arg8[%get3A_496] {strides = array<i32>} : memref<2560xf32, #tpu.memory_space<vmem>>, vector<16xf32>,
    %get3A_498 = arith.constant 704 : index
    %get3A_499 = tpu.vector_load %arg8[%get3A_498] {strides = array<i32>} : memref<2560xf32, #tpu.memory_space<vmem>>, vector<16xf32>,
    %get3A_500 = arith.constant 1344 : index
    %get3A_501 = tpu.vector_load %arg8[%get3A_500] {strides = array<i32>} : memref<2560xf32, #tpu.memory_space<vmem>>, vector<16xf32>,
    %get3A_502 = arith.constant 1984 : index
    %get3A_503 = tpu.vector_load %arg8[%get3A_502] {strides = array<i32>} : memref<2560xf32, #tpu.memory_space<vmem>>, vector<16xf32>,
    %add3A_504 = arith.constant 0 : i32
    %add3A_505 = vector.broadcast %add3A_504 : i32 to vector<16xi32>
    %add3A_506 = arith.addi %broadcast_in_dim3A_77, %add3A_505 : vector<16xi32>
    tpu.vector_store_idx %arg11[%add3A_492, %add3A_506], %get3A_497 : memref<640x16xf32, #tpu.memory_space<vmem>>[vector<16xi32>, vector<16xi32>], vector<16xf32>,
    %add3A_507 = arith.constant 1 : i32
    %add3A_508 = vector.broadcast %add3A_507 : i32 to vector<16xi32>
    %add3A_509 = arith.addi %broadcast_in_dim3A_77, %add3A_508 : vector<16xi32>
    tpu.vector_store_idx %arg11[%add3A_492, %add3A_509], %get3A_499 : memref<640x16xf32, #tpu.memory_space<vmem>>[vector<16xi32>, vector<16xi32>], vector<16xf32>,
    %add3A_510 = arith.constant 2 : i32
    %add3A_511 = vector.broadcast %add3A_510 : i32 to vector<16xi32>
    %add3A_512 = arith.addi %broadcast_in_dim3A_77, %add3A_511 : vector<16xi32>
    tpu.vector_store_idx %arg11[%add3A_492, %add3A_512], %get3A_501 : memref<640x16xf32, #tpu.memory_space<vmem>>[vector<16xi32>, vector<16xi32>], vector<16xf32>,
    %add3A_513 = arith.constant 3 : i32
    %add3A_514 = vector.broadcast %add3A_513 : i32 to vector<16xi32>
    %add3A_515 = arith.addi %broadcast_in_dim3A_77, %add3A_514 : vector<16xi32>
    tpu.vector_store_idx %arg11[%add3A_492, %add3A_515], %get3A_503 : memref<640x16xf32, #tpu.memory_space<vmem>>[vector<16xi32>, vector<16xi32>], vector<16xf32>,
    %add3A_516 = arith.constant 4 : i32
    %add3A_517 = vector.broadcast %add3A_516 : i32 to vector<16xi32>
    %add3A_518 = arith.addi %broadcast_in_dim3A_77, %add3A_517 : vector<16xi32>
    tpu.vector_store_idx %arg11[%add3A_492, %add3A_518], %get3A_451 : memref<640x16xf32, #tpu.memory_space<vmem>>[vector<16xi32>, vector<16xi32>], vector<16xf32>,
    %add3A_519 = arith.constant 5 : i32
    %add3A_520 = vector.broadcast %add3A_519 : i32 to vector<16xi32>
    %add3A_521 = arith.addi %broadcast_in_dim3A_77, %add3A_520 : vector<16xi32>
    tpu.vector_store_idx %arg11[%add3A_492, %add3A_521], %convert_element_type3A_495 : memref<640x16xf32, #tpu.memory_space<vmem>>[vector<16xi32>, vector<16xi32>], vector<16xf32>,
    %swap3A_522 = arith.constant 0 : i32
    %swap3A_523 = arith.index_cast %swap3A_522 : i32 to index
    %swap3A_524 = arith.constant 64 : index
    %swap3A_525 = tpu.vector_load %arg12[%swap3A_523, %swap3A_524] {strides = array<i32>} : memref<5x128xi32, #tpu.memory_space<vmem>>, vector<16xi32>,
    tpu.vector_store %arg12[%swap3A_523, %swap3A_524], %select_n3A_477 {strides = array<i32>} : memref<5x128xi32, #tpu.memory_space<vmem>>, vector<16xi32>,
    %get3A_526 = arith.constant 80 : index
    %get3A_527 = tpu.vector_load %arg7[%get3A_526] {strides = array<i32>} : memref<640xf32, #tpu.memory_space<vmem>>, vector<16xf32>,
    %gt3A_528 = arith.cmpf ogt, %get3A_527, %gather3A_64 : vector<16xf32>
    %eq3A_529 = arith.cmpf oeq, %get3A_527, %gather3A_64 : vector<16xf32>
    %convert_element_type3A_530 = arith.extui %gt3A_528 : vector<16xi1> to vector<16xi32>
    %convert_element_type3A_531 = arith.extui %eq3A_529 : vector<16xi1> to vector<16xi32>
    %broadcast_in_dim3A_532 = arith.constant true
    %broadcast_in_dim3A_533 = vector.broadcast %broadcast_in_dim3A_532 : i1 to vector<16xi1>
    %masked_cumsum3A_534 = tpu.scan <sum>, %convert_element_type3A_530 masked %broadcast_in_dim3A_533 : vector<16xi32>, vector<16xi1> -> vector<16xi32>
    %broadcast_in_dim3A_535 = arith.constant true
    %broadcast_in_dim3A_536 = vector.broadcast %broadcast_in_dim3A_535 : i1 to vector<16xi1>
    %masked_cumsum3A_537 = tpu.scan <sum>, %convert_element_type3A_531 masked %broadcast_in_dim3A_536 : vector<16xi32>, vector<16xi1> -> vector<16xi32>
    %add3A_538 = arith.addi %add3A_489, %masked_cumsum3A_537 : vector<16xi32>
    %sub3A_539 = arith.constant 1 : i32
    %sub3A_540 = vector.broadcast %sub3A_539 : i32 to vector<16xi32>
    %sub3A_541 = arith.subi %add3A_538, %sub3A_540 : vector<16xi32>
    %lt3A_542 = arith.cmpi slt, %sub3A_541, %convert_element_type3A_75 : vector<16xi32>
    %and3A_543 = arith.andi %eq3A_529, %lt3A_542 : vector<16xi1>
    %add3A_544 = arith.addi %add3A_483, %masked_cumsum3A_534 : vector<16xi32>
    %sub3A_545 = arith.constant 1 : i32
    %sub3A_546 = vector.broadcast %sub3A_545 : i32 to vector<16xi32>
    %sub3A_547 = arith.subi %add3A_544, %sub3A_546 : vector<16xi32>
    %add3A_548 = arith.addi %convert_element_type3A, %sub3A_541 : vector<16xi32>
    %add3A_549 = arith.constant 2048 : i32
    %add3A_550 = arith.addi %add3A_549, %add3A : i32
    %broadcast_in_dim3A_551 = vector.broadcast %add3A_550 : i32 to vector<16xi32>
    %select_n3A_552 = arith.select %and3A_543, %add3A_548, %broadcast_in_dim3A_551 : vector<16xi1>, vector<16xi32>
    %select_n3A_553 = arith.select %gt3A_528, %sub3A_547, %select_n3A_552 : vector<16xi1>, vector<16xi32>
    %broadcast_in_dim3A_554 = arith.constant 15 : i32
    %broadcast_in_dim3A_555 = vector.broadcast %broadcast_in_dim3A_554 : i32 to vector<16xi32>
    %broadcast_in_dim3A_556 = vector.shape_cast %broadcast_in_dim3A_555 : vector<16xi32> to vector<16x1xi32>
    %gather3A_557 = vector.shape_cast %broadcast_in_dim3A_556 : vector<16x1xi32> to vector<16xi32>
    %gather3A_558 = tpu.dynamic_gather %masked_cumsum3A_534[%gather3A_557] in [0] : vector<16xi32>, vector<16xi32> -> vector<16xi32>
    %add3A_559 = arith.addi %add3A_483, %gather3A_558 : vector<16xi32>
    %broadcast_in_dim3A_560 = arith.constant 15 : i32
    %broadcast_in_dim3A_561 = vector.broadcast %broadcast_in_dim3A_560 : i32 to vector<16xi32>
    %broadcast_in_dim3A_562 = vector.shape_cast %broadcast_in_dim3A_561 : vector<16xi32> to vector<16x1xi32>
    %gather3A_563 = vector.shape_cast %broadcast_in_dim3A_562 : vector<16x1xi32> to vector<16xi32>
    %gather3A_564 = tpu.dynamic_gather %masked_cumsum3A_537[%gather3A_563] in [0] : vector<16xi32>, vector<16xi32> -> vector<16xi32>
    %add3A_565 = arith.addi %add3A_489, %gather3A_564 : vector<16xi32>
    %add3A_566 = arith.constant 80 : i32
    %add3A_567 = vector.broadcast %add3A_566 : i32 to vector<16xi32>
    %add3A_568 = arith.addi %add3A_567, %iota3A : vector<16xi32>
    %add3A_569 = vector.broadcast %mul3A_2 : i32 to vector<16xi32>
    %add3A_570 = arith.addi %add3A_569, %add3A_568 : vector<16xi32>
    %convert_element_type3A_571 = arith.sitofp %add3A_570 : vector<16xi32> to vector<16xf32>
    %get3A_572 = arith.constant 80 : index
    %get3A_573 = tpu.vector_load %arg8[%get3A_572] {strides = array<i32>} : memref<2560xf32, #tpu.memory_space<vmem>>, vector<16xf32>,
    %get3A_574 = arith.constant 720 : index
    %get3A_575 = tpu.vector_load %arg8[%get3A_574] {strides = array<i32>} : memref<2560xf32, #tpu.memory_space<vmem>>, vector<16xf32>,
    %get3A_576 = arith.constant 1360 : index
    %get3A_577 = tpu.vector_load %arg8[%get3A_576] {strides = array<i32>} : memref<2560xf32, #tpu.memory_space<vmem>>, vector<16xf32>,
    %get3A_578 = arith.constant 2000 : index
    %get3A_579 = tpu.vector_load %arg8[%get3A_578] {strides = array<i32>} : memref<2560xf32, #tpu.memory_space<vmem>>, vector<16xf32>,
    %add3A_580 = arith.constant 0 : i32
    %add3A_581 = vector.broadcast %add3A_580 : i32 to vector<16xi32>
    %add3A_582 = arith.addi %broadcast_in_dim3A_77, %add3A_581 : vector<16xi32>
    tpu.vector_store_idx %arg11[%add3A_568, %add3A_582], %get3A_573 : memref<640x16xf32, #tpu.memory_space<vmem>>[vector<16xi32>, vector<16xi32>], vector<16xf32>,
    %add3A_583 = arith.constant 1 : i32
    %add3A_584 = vector.broadcast %add3A_583 : i32 to vector<16xi32>
    %add3A_585 = arith.addi %broadcast_in_dim3A_77, %add3A_584 : vector<16xi32>
    tpu.vector_store_idx %arg11[%add3A_568, %add3A_585], %get3A_575 : memref<640x16xf32, #tpu.memory_space<vmem>>[vector<16xi32>, vector<16xi32>], vector<16xf32>,
    %add3A_586 = arith.constant 2 : i32
    %add3A_587 = vector.broadcast %add3A_586 : i32 to vector<16xi32>
    %add3A_588 = arith.addi %broadcast_in_dim3A_77, %add3A_587 : vector<16xi32>
    tpu.vector_store_idx %arg11[%add3A_568, %add3A_588], %get3A_577 : memref<640x16xf32, #tpu.memory_space<vmem>>[vector<16xi32>, vector<16xi32>], vector<16xf32>,
    %add3A_589 = arith.constant 3 : i32
    %add3A_590 = vector.broadcast %add3A_589 : i32 to vector<16xi32>
    %add3A_591 = arith.addi %broadcast_in_dim3A_77, %add3A_590 : vector<16xi32>
    tpu.vector_store_idx %arg11[%add3A_568, %add3A_591], %get3A_579 : memref<640x16xf32, #tpu.memory_space<vmem>>[vector<16xi32>, vector<16xi32>], vector<16xf32>,
    %add3A_592 = arith.constant 4 : i32
    %add3A_593 = vector.broadcast %add3A_592 : i32 to vector<16xi32>
    %add3A_594 = arith.addi %broadcast_in_dim3A_77, %add3A_593 : vector<16xi32>
    tpu.vector_store_idx %arg11[%add3A_568, %add3A_594], %get3A_527 : memref<640x16xf32, #tpu.memory_space<vmem>>[vector<16xi32>, vector<16xi32>], vector<16xf32>,
    %add3A_595 = arith.constant 5 : i32
    %add3A_596 = vector.broadcast %add3A_595 : i32 to vector<16xi32>
    %add3A_597 = arith.addi %broadcast_in_dim3A_77, %add3A_596 : vector<16xi32>
    tpu.vector_store_idx %arg11[%add3A_568, %add3A_597], %convert_element_type3A_571 : memref<640x16xf32, #tpu.memory_space<vmem>>[vector<16xi32>, vector<16xi32>], vector<16xf32>,
    %swap3A_598 = arith.constant 0 : i32
    %swap3A_599 = arith.index_cast %swap3A_598 : i32 to index
    %swap3A_600 = arith.constant 80 : index
    %swap3A_601 = tpu.vector_load %arg12[%swap3A_599, %swap3A_600] {strides = array<i32>} : memref<5x128xi32, #tpu.memory_space<vmem>>, vector<16xi32>,
    tpu.vector_store %arg12[%swap3A_599, %swap3A_600], %select_n3A_553 {strides = array<i32>} : memref<5x128xi32, #tpu.memory_space<vmem>>, vector<16xi32>,
    %get3A_602 = arith.constant 96 : index
    %get3A_603 = tpu.vector_load %arg7[%get3A_602] {strides = array<i32>} : memref<640xf32, #tpu.memory_space<vmem>>, vector<16xf32>,
    %gt3A_604 = arith.cmpf ogt, %get3A_603, %gather3A_64 : vector<16xf32>
    %eq3A_605 = arith.cmpf oeq, %get3A_603, %gather3A_64 : vector<16xf32>
    %convert_element_type3A_606 = arith.extui %gt3A_604 : vector<16xi1> to vector<16xi32>
    %convert_element_type3A_607 = arith.extui %eq3A_605 : vector<16xi1> to vector<16xi32>
    %broadcast_in_dim3A_608 = arith.constant true
    %broadcast_in_dim3A_609 = vector.broadcast %broadcast_in_dim3A_608 : i1 to vector<16xi1>
    %masked_cumsum3A_610 = tpu.scan <sum>, %convert_element_type3A_606 masked %broadcast_in_dim3A_609 : vector<16xi32>, vector<16xi1> -> vector<16xi32>
    %broadcast_in_dim3A_611 = arith.constant true
    %broadcast_in_dim3A_612 = vector.broadcast %broadcast_in_dim3A_611 : i1 to vector<16xi1>
    %masked_cumsum3A_613 = tpu.scan <sum>, %convert_element_type3A_607 masked %broadcast_in_dim3A_612 : vector<16xi32>, vector<16xi1> -> vector<16xi32>
    %add3A_614 = arith.addi %add3A_565, %masked_cumsum3A_613 : vector<16xi32>
    %sub3A_615 = arith.constant 1 : i32
    %sub3A_616 = vector.broadcast %sub3A_615 : i32 to vector<16xi32>
    %sub3A_617 = arith.subi %add3A_614, %sub3A_616 : vector<16xi32>
    %lt3A_618 = arith.cmpi slt, %sub3A_617, %convert_element_type3A_75 : vector<16xi32>
    %and3A_619 = arith.andi %eq3A_605, %lt3A_618 : vector<16xi1>
    %add3A_620 = arith.addi %add3A_559, %masked_cumsum3A_610 : vector<16xi32>
    %sub3A_621 = arith.constant 1 : i32
    %sub3A_622 = vector.broadcast %sub3A_621 : i32 to vector<16xi32>
    %sub3A_623 = arith.subi %add3A_620, %sub3A_622 : vector<16xi32>
    %add3A_624 = arith.addi %convert_element_type3A, %sub3A_617 : vector<16xi32>
    %add3A_625 = arith.constant 2048 : i32
    %add3A_626 = arith.addi %add3A_625, %add3A : i32
    %broadcast_in_dim3A_627 = vector.broadcast %add3A_626 : i32 to vector<16xi32>
    %select_n3A_628 = arith.select %and3A_619, %add3A_624, %broadcast_in_dim3A_627 : vector<16xi1>, vector<16xi32>
    %select_n3A_629 = arith.select %gt3A_604, %sub3A_623, %select_n3A_628 : vector<16xi1>, vector<16xi32>
    %broadcast_in_dim3A_630 = arith.constant 15 : i32
    %broadcast_in_dim3A_631 = vector.broadcast %broadcast_in_dim3A_630 : i32 to vector<16xi32>
    %broadcast_in_dim3A_632 = vector.shape_cast %broadcast_in_dim3A_631 : vector<16xi32> to vector<16x1xi32>
    %gather3A_633 = vector.shape_cast %broadcast_in_dim3A_632 : vector<16x1xi32> to vector<16xi32>
    %gather3A_634 = tpu.dynamic_gather %masked_cumsum3A_610[%gather3A_633] in [0] : vector<16xi32>, vector<16xi32> -> vector<16xi32>
    %add3A_635 = arith.addi %add3A_559, %gather3A_634 : vector<16xi32>
    %broadcast_in_dim3A_636 = arith.constant 15 : i32
    %broadcast_in_dim3A_637 = vector.broadcast %broadcast_in_dim3A_636 : i32 to vector<16xi32>
    %broadcast_in_dim3A_638 = vector.shape_cast %broadcast_in_dim3A_637 : vector<16xi32> to vector<16x1xi32>
    %gather3A_639 = vector.shape_cast %broadcast_in_dim3A_638 : vector<16x1xi32> to vector<16xi32>
    %gather3A_640 = tpu.dynamic_gather %masked_cumsum3A_613[%gather3A_639] in [0] : vector<16xi32>, vector<16xi32> -> vector<16xi32>
    %add3A_641 = arith.addi %add3A_565, %gather3A_640 : vector<16xi32>
    %add3A_642 = arith.constant 96 : i32
    %add3A_643 = vector.broadcast %add3A_642 : i32 to vector<16xi32>
    %add3A_644 = arith.addi %add3A_643, %iota3A : vector<16xi32>
    %add3A_645 = vector.broadcast %mul3A_2 : i32 to vector<16xi32>
    %add3A_646 = arith.addi %add3A_645, %add3A_644 : vector<16xi32>
    %convert_element_type3A_647 = arith.sitofp %add3A_646 : vector<16xi32> to vector<16xf32>
    %get3A_648 = arith.constant 96 : index
    %get3A_649 = tpu.vector_load %arg8[%get3A_648] {strides = array<i32>} : memref<2560xf32, #tpu.memory_space<vmem>>, vector<16xf32>,
    %get3A_650 = arith.constant 736 : index
    %get3A_651 = tpu.vector_load %arg8[%get3A_650] {strides = array<i32>} : memref<2560xf32, #tpu.memory_space<vmem>>, vector<16xf32>,
    %get3A_652 = arith.constant 1376 : index
    %get3A_653 = tpu.vector_load %arg8[%get3A_652] {strides = array<i32>} : memref<2560xf32, #tpu.memory_space<vmem>>, vector<16xf32>,
    %get3A_654 = arith.constant 2016 : index
    %get3A_655 = tpu.vector_load %arg8[%get3A_654] {strides = array<i32>} : memref<2560xf32, #tpu.memory_space<vmem>>, vector<16xf32>,
    %add3A_656 = arith.constant 0 : i32
    %add3A_657 = vector.broadcast %add3A_656 : i32 to vector<16xi32>
    %add3A_658 = arith.addi %broadcast_in_dim3A_77, %add3A_657 : vector<16xi32>
    tpu.vector_store_idx %arg11[%add3A_644, %add3A_658], %get3A_649 : memref<640x16xf32, #tpu.memory_space<vmem>>[vector<16xi32>, vector<16xi32>], vector<16xf32>,
    %add3A_659 = arith.constant 1 : i32
    %add3A_660 = vector.broadcast %add3A_659 : i32 to vector<16xi32>
    %add3A_661 = arith.addi %broadcast_in_dim3A_77, %add3A_660 : vector<16xi32>
    tpu.vector_store_idx %arg11[%add3A_644, %add3A_661], %get3A_651 : memref<640x16xf32, #tpu.memory_space<vmem>>[vector<16xi32>, vector<16xi32>], vector<16xf32>,
    %add3A_662 = arith.constant 2 : i32
    %add3A_663 = vector.broadcast %add3A_662 : i32 to vector<16xi32>
    %add3A_664 = arith.addi %broadcast_in_dim3A_77, %add3A_663 : vector<16xi32>
    tpu.vector_store_idx %arg11[%add3A_644, %add3A_664], %get3A_653 : memref<640x16xf32, #tpu.memory_space<vmem>>[vector<16xi32>, vector<16xi32>], vector<16xf32>,
    %add3A_665 = arith.constant 3 : i32
    %add3A_666 = vector.broadcast %add3A_665 : i32 to vector<16xi32>
    %add3A_667 = arith.addi %broadcast_in_dim3A_77, %add3A_666 : vector<16xi32>
    tpu.vector_store_idx %arg11[%add3A_644, %add3A_667], %get3A_655 : memref<640x16xf32, #tpu.memory_space<vmem>>[vector<16xi32>, vector<16xi32>], vector<16xf32>,
    %add3A_668 = arith.constant 4 : i32
    %add3A_669 = vector.broadcast %add3A_668 : i32 to vector<16xi32>
    %add3A_670 = arith.addi %broadcast_in_dim3A_77, %add3A_669 : vector<16xi32>
    tpu.vector_store_idx %arg11[%add3A_644, %add3A_670], %get3A_603 : memref<640x16xf32, #tpu.memory_space<vmem>>[vector<16xi32>, vector<16xi32>], vector<16xf32>,
    %add3A_671 = arith.constant 5 : i32
    %add3A_672 = vector.broadcast %add3A_671 : i32 to vector<16xi32>
    %add3A_673 = arith.addi %broadcast_in_dim3A_77, %add3A_672 : vector<16xi32>
    tpu.vector_store_idx %arg11[%add3A_644, %add3A_673], %convert_element_type3A_647 : memref<640x16xf32, #tpu.memory_space<vmem>>[vector<16xi32>, vector<16xi32>], vector<16xf32>,
    %swap3A_674 = arith.constant 0 : i32
    %swap3A_675 = arith.index_cast %swap3A_674 : i32 to index
    %swap3A_676 = arith.constant 96 : index
    %swap3A_677 = tpu.vector_load %arg12[%swap3A_675, %swap3A_676] {strides = array<i32>} : memref<5x128xi32, #tpu.memory_space<vmem>>, vector<16xi32>,
    tpu.vector_store %arg12[%swap3A_675, %swap3A_676], %select_n3A_629 {strides = array<i32>} : memref<5x128xi32, #tpu.memory_space<vmem>>, vector<16xi32>,
    %get3A_678 = arith.constant 112 : index
    %get3A_679 = tpu.vector_load %arg7[%get3A_678] {strides = array<i32>} : memref<640xf32, #tpu.memory_space<vmem>>, vector<16xf32>,
    %gt3A_680 = arith.cmpf ogt, %get3A_679, %gather3A_64 : vector<16xf32>
    %eq3A_681 = arith.cmpf oeq, %get3A_679, %gather3A_64 : vector<16xf32>
    %convert_element_type3A_682 = arith.extui %gt3A_680 : vector<16xi1> to vector<16xi32>
    %convert_element_type3A_683 = arith.extui %eq3A_681 : vector<16xi1> to vector<16xi32>
    %broadcast_in_dim3A_684 = arith.constant true
    %broadcast_in_dim3A_685 = vector.broadcast %broadcast_in_dim3A_684 : i1 to vector<16xi1>
    %masked_cumsum3A_686 = tpu.scan <sum>, %convert_element_type3A_682 masked %broadcast_in_dim3A_685 : vector<16xi32>, vector<16xi1> -> vector<16xi32>
    %broadcast_in_dim3A_687 = arith.constant true
    %broadcast_in_dim3A_688 = vector.broadcast %broadcast_in_dim3A_687 : i1 to vector<16xi1>
    %masked_cumsum3A_689 = tpu.scan <sum>, %convert_element_type3A_683 masked %broadcast_in_dim3A_688 : vector<16xi32>, vector<16xi1> -> vector<16xi32>
    %add3A_690 = arith.addi %add3A_641, %masked_cumsum3A_689 : vector<16xi32>
    %sub3A_691 = arith.constant 1 : i32
    %sub3A_692 = vector.broadcast %sub3A_691 : i32 to vector<16xi32>
    %sub3A_693 = arith.subi %add3A_690, %sub3A_692 : vector<16xi32>
    %lt3A_694 = arith.cmpi slt, %sub3A_693, %convert_element_type3A_75 : vector<16xi32>
    %and3A_695 = arith.andi %eq3A_681, %lt3A_694 : vector<16xi1>
    %add3A_696 = arith.addi %add3A_635, %masked_cumsum3A_686 : vector<16xi32>
    %sub3A_697 = arith.constant 1 : i32
    %sub3A_698 = vector.broadcast %sub3A_697 : i32 to vector<16xi32>
    %sub3A_699 = arith.subi %add3A_696, %sub3A_698 : vector<16xi32>
    %add3A_700 = arith.addi %convert_element_type3A, %sub3A_693 : vector<16xi32>
    %add3A_701 = arith.constant 2048 : i32
    %add3A_702 = arith.addi %add3A_701, %add3A : i32
    %broadcast_in_dim3A_703 = vector.broadcast %add3A_702 : i32 to vector<16xi32>
    %select_n3A_704 = arith.select %and3A_695, %add3A_700, %broadcast_in_dim3A_703 : vector<16xi1>, vector<16xi32>
    %select_n3A_705 = arith.select %gt3A_680, %sub3A_699, %select_n3A_704 : vector<16xi1>, vector<16xi32>
    %broadcast_in_dim3A_706 = arith.constant 15 : i32
    %broadcast_in_dim3A_707 = vector.broadcast %broadcast_in_dim3A_706 : i32 to vector<16xi32>
    %broadcast_in_dim3A_708 = vector.shape_cast %broadcast_in_dim3A_707 : vector<16xi32> to vector<16x1xi32>
    %gather3A_709 = vector.shape_cast %broadcast_in_dim3A_708 : vector<16x1xi32> to vector<16xi32>
    %gather3A_710 = tpu.dynamic_gather %masked_cumsum3A_686[%gather3A_709] in [0] : vector<16xi32>, vector<16xi32> -> vector<16xi32>
    %add3A_711 = arith.addi %add3A_635, %gather3A_710 : vector<16xi32>
    %broadcast_in_dim3A_712 = arith.constant 15 : i32
    %broadcast_in_dim3A_713 = vector.broadcast %broadcast_in_dim3A_712 : i32 to vector<16xi32>
    %broadcast_in_dim3A_714 = vector.shape_cast %broadcast_in_dim3A_713 : vector<16xi32> to vector<16x1xi32>
    %gather3A_715 = vector.shape_cast %broadcast_in_dim3A_714 : vector<16x1xi32> to vector<16xi32>
    %gather3A_716 = tpu.dynamic_gather %masked_cumsum3A_689[%gather3A_715] in [0] : vector<16xi32>, vector<16xi32> -> vector<16xi32>
    %add3A_717 = arith.addi %add3A_641, %gather3A_716 : vector<16xi32>
    %add3A_718 = arith.constant 112 : i32
    %add3A_719 = vector.broadcast %add3A_718 : i32 to vector<16xi32>
    %add3A_720 = arith.addi %add3A_719, %iota3A : vector<16xi32>
    %add3A_721 = vector.broadcast %mul3A_2 : i32 to vector<16xi32>
    %add3A_722 = arith.addi %add3A_721, %add3A_720 : vector<16xi32>
    %convert_element_type3A_723 = arith.sitofp %add3A_722 : vector<16xi32> to vector<16xf32>
    %get3A_724 = arith.constant 112 : index
    %get3A_725 = tpu.vector_load %arg8[%get3A_724] {strides = array<i32>} : memref<2560xf32, #tpu.memory_space<vmem>>, vector<16xf32>,
    %get3A_726 = arith.constant 752 : index
    %get3A_727 = tpu.vector_load %arg8[%get3A_726] {strides = array<i32>} : memref<2560xf32, #tpu.memory_space<vmem>>, vector<16xf32>,
    %get3A_728 = arith.constant 1392 : index
    %get3A_729 = tpu.vector_load %arg8[%get3A_728] {strides = array<i32>} : memref<2560xf32, #tpu.memory_space<vmem>>, vector<16xf32>,
    %get3A_730 = arith.constant 2032 : index
    %get3A_731 = tpu.vector_load %arg8[%get3A_730] {strides = array<i32>} : memref<2560xf32, #tpu.memory_space<vmem>>, vector<16xf32>,
    %add3A_732 = arith.constant 0 : i32
    %add3A_733 = vector.broadcast %add3A_732 : i32 to vector<16xi32>
    %add3A_734 = arith.addi %broadcast_in_dim3A_77, %add3A_733 : vector<16xi32>
    tpu.vector_store_idx %arg11[%add3A_720, %add3A_734], %get3A_725 : memref<640x16xf32, #tpu.memory_space<vmem>>[vector<16xi32>, vector<16xi32>], vector<16xf32>,
    %add3A_735 = arith.constant 1 : i32
    %add3A_736 = vector.broadcast %add3A_735 : i32 to vector<16xi32>
    %add3A_737 = arith.addi %broadcast_in_dim3A_77, %add3A_736 : vector<16xi32>
    tpu.vector_store_idx %arg11[%add3A_720, %add3A_737], %get3A_727 : memref<640x16xf32, #tpu.memory_space<vmem>>[vector<16xi32>, vector<16xi32>], vector<16xf32>,
    %add3A_738 = arith.constant 2 : i32
    %add3A_739 = vector.broadcast %add3A_738 : i32 to vector<16xi32>
    %add3A_740 = arith.addi %broadcast_in_dim3A_77, %add3A_739 : vector<16xi32>
    tpu.vector_store_idx %arg11[%add3A_720, %add3A_740], %get3A_729 : memref<640x16xf32, #tpu.memory_space<vmem>>[vector<16xi32>, vector<16xi32>], vector<16xf32>,
    %add3A_741 = arith.constant 3 : i32
    %add3A_742 = vector.broadcast %add3A_741 : i32 to vector<16xi32>
    %add3A_743 = arith.addi %broadcast_in_dim3A_77, %add3A_742 : vector<16xi32>
    tpu.vector_store_idx %arg11[%add3A_720, %add3A_743], %get3A_731 : memref<640x16xf32, #tpu.memory_space<vmem>>[vector<16xi32>, vector<16xi32>], vector<16xf32>,
    %add3A_744 = arith.constant 4 : i32
    %add3A_745 = vector.broadcast %add3A_744 : i32 to vector<16xi32>
    %add3A_746 = arith.addi %broadcast_in_dim3A_77, %add3A_745 : vector<16xi32>
    tpu.vector_store_idx %arg11[%add3A_720, %add3A_746], %get3A_679 : memref<640x16xf32, #tpu.memory_space<vmem>>[vector<16xi32>, vector<16xi32>], vector<16xf32>,
    %add3A_747 = arith.constant 5 : i32
    %add3A_748 = vector.broadcast %add3A_747 : i32 to vector<16xi32>
    %add3A_749 = arith.addi %broadcast_in_dim3A_77, %add3A_748 : vector<16xi32>
    tpu.vector_store_idx %arg11[%add3A_720, %add3A_749], %convert_element_type3A_723 : memref<640x16xf32, #tpu.memory_space<vmem>>[vector<16xi32>, vector<16xi32>], vector<16xf32>,
    %swap3A_750 = arith.constant 0 : i32
    %swap3A_751 = arith.index_cast %swap3A_750 : i32 to index
    %swap3A_752 = arith.constant 112 : index
    %swap3A_753 = tpu.vector_load %arg12[%swap3A_751, %swap3A_752] {strides = array<i32>} : memref<5x128xi32, #tpu.memory_space<vmem>>, vector<16xi32>,
    tpu.vector_store %arg12[%swap3A_751, %swap3A_752], %select_n3A_705 {strides = array<i32>} : memref<5x128xi32, #tpu.memory_space<vmem>>, vector<16xi32>,
    %get3A_754 = arith.constant 128 : index
    %get3A_755 = tpu.vector_load %arg7[%get3A_754] {strides = array<i32>} : memref<640xf32, #tpu.memory_space<vmem>>, vector<16xf32>,
    %gt3A_756 = arith.cmpf ogt, %get3A_755, %gather3A_64 : vector<16xf32>
    %eq3A_757 = arith.cmpf oeq, %get3A_755, %gather3A_64 : vector<16xf32>
    %convert_element_type3A_758 = arith.extui %gt3A_756 : vector<16xi1> to vector<16xi32>
    %convert_element_type3A_759 = arith.extui %eq3A_757 : vector<16xi1> to vector<16xi32>
    %broadcast_in_dim3A_760 = arith.constant true
    %broadcast_in_dim3A_761 = vector.broadcast %broadcast_in_dim3A_760 : i1 to vector<16xi1>
    %masked_cumsum3A_762 = tpu.scan <sum>, %convert_element_type3A_758 masked %broadcast_in_dim3A_761 : vector<16xi32>, vector<16xi1> -> vector<16xi32>
    %broadcast_in_dim3A_763 = arith.constant true
    %broadcast_in_dim3A_764 = vector.broadcast %broadcast_in_dim3A_763 : i1 to vector<16xi1>
    %masked_cumsum3A_765 = tpu.scan <sum>, %convert_element_type3A_759 masked %broadcast_in_dim3A_764 : vector<16xi32>, vector<16xi1> -> vector<16xi32>
    %add3A_766 = arith.addi %add3A_717, %masked_cumsum3A_765 : vector<16xi32>
    %sub3A_767 = arith.constant 1 : i32
    %sub3A_768 = vector.broadcast %sub3A_767 : i32 to vector<16xi32>
    %sub3A_769 = arith.subi %add3A_766, %sub3A_768 : vector<16xi32>
    %lt3A_770 = arith.cmpi slt, %sub3A_769, %convert_element_type3A_75 : vector<16xi32>
    %and3A_771 = arith.andi %eq3A_757, %lt3A_770 : vector<16xi1>
    %add3A_772 = arith.addi %add3A_711, %masked_cumsum3A_762 : vector<16xi32>
    %sub3A_773 = arith.constant 1 : i32
    %sub3A_774 = vector.broadcast %sub3A_773 : i32 to vector<16xi32>
    %sub3A_775 = arith.subi %add3A_772, %sub3A_774 : vector<16xi32>
    %add3A_776 = arith.addi %convert_element_type3A, %sub3A_769 : vector<16xi32>
    %add3A_777 = arith.constant 2048 : i32
    %add3A_778 = arith.addi %add3A_777, %add3A : i32
    %broadcast_in_dim3A_779 = vector.broadcast %add3A_778 : i32 to vector<16xi32>
    %select_n3A_780 = arith.select %and3A_771, %add3A_776, %broadcast_in_dim3A_779 : vector<16xi1>, vector<16xi32>
    %select_n3A_781 = arith.select %gt3A_756, %sub3A_775, %select_n3A_780 : vector<16xi1>, vector<16xi32>
    %broadcast_in_dim3A_782 = arith.constant 15 : i32
    %broadcast_in_dim3A_783 = vector.broadcast %broadcast_in_dim3A_782 : i32 to vector<16xi32>
    %broadcast_in_dim3A_784 = vector.shape_cast %broadcast_in_dim3A_783 : vector<16xi32> to vector<16x1xi32>
    %gather3A_785 = vector.shape_cast %broadcast_in_dim3A_784 : vector<16x1xi32> to vector<16xi32>
    %gather3A_786 = tpu.dynamic_gather %masked_cumsum3A_762[%gather3A_785] in [0] : vector<16xi32>, vector<16xi32> -> vector<16xi32>
    %add3A_787 = arith.addi %add3A_711, %gather3A_786 : vector<16xi32>
    %broadcast_in_dim3A_788 = arith.constant 15 : i32
    %broadcast_in_dim3A_789 = vector.broadcast %broadcast_in_dim3A_788 : i32 to vector<16xi32>
    %broadcast_in_dim3A_790 = vector.shape_cast %broadcast_in_dim3A_789 : vector<16xi32> to vector<16x1xi32>
    %gather3A_791 = vector.shape_cast %broadcast_in_dim3A_790 : vector<16x1xi32> to vector<16xi32>
    %gather3A_792 = tpu.dynamic_gather %masked_cumsum3A_765[%gather3A_791] in [0] : vector<16xi32>, vector<16xi32> -> vector<16xi32>
    %add3A_793 = arith.addi %add3A_717, %gather3A_792 : vector<16xi32>
    %add3A_794 = arith.constant 128 : i32
    %add3A_795 = vector.broadcast %add3A_794 : i32 to vector<16xi32>
    %add3A_796 = arith.addi %add3A_795, %iota3A : vector<16xi32>
    %add3A_797 = vector.broadcast %mul3A_2 : i32 to vector<16xi32>
    %add3A_798 = arith.addi %add3A_797, %add3A_796 : vector<16xi32>
    %convert_element_type3A_799 = arith.sitofp %add3A_798 : vector<16xi32> to vector<16xf32>
    %get3A_800 = arith.constant 128 : index
    %get3A_801 = tpu.vector_load %arg8[%get3A_800] {strides = array<i32>} : memref<2560xf32, #tpu.memory_space<vmem>>, vector<16xf32>,
    %get3A_802 = arith.constant 768 : index
    %get3A_803 = tpu.vector_load %arg8[%get3A_802] {strides = array<i32>} : memref<2560xf32, #tpu.memory_space<vmem>>, vector<16xf32>,
    %get3A_804 = arith.constant 1408 : index
    %get3A_805 = tpu.vector_load %arg8[%get3A_804] {strides = array<i32>} : memref<2560xf32, #tpu.memory_space<vmem>>, vector<16xf32>,
    %get3A_806 = arith.constant 2048 : index
    %get3A_807 = tpu.vector_load %arg8[%get3A_806] {strides = array<i32>} : memref<2560xf32, #tpu.memory_space<vmem>>, vector<16xf32>,
    %add3A_808 = arith.constant 0 : i32
    %add3A_809 = vector.broadcast %add3A_808 : i32 to vector<16xi32>
    %add3A_810 = arith.addi %broadcast_in_dim3A_77, %add3A_809 : vector<16xi32>
    tpu.vector_store_idx %arg11[%add3A_796, %add3A_810], %get3A_801 : memref<640x16xf32, #tpu.memory_space<vmem>>[vector<16xi32>, vector<16xi32>], vector<16xf32>,
    %add3A_811 = arith.constant 1 : i32
    %add3A_812 = vector.broadcast %add3A_811 : i32 to vector<16xi32>
    %add3A_813 = arith.addi %broadcast_in_dim3A_77, %add3A_812 : vector<16xi32>
    tpu.vector_store_idx %arg11[%add3A_796, %add3A_813], %get3A_803 : memref<640x16xf32, #tpu.memory_space<vmem>>[vector<16xi32>, vector<16xi32>], vector<16xf32>,
    %add3A_814 = arith.constant 2 : i32
    %add3A_815 = vector.broadcast %add3A_814 : i32 to vector<16xi32>
    %add3A_816 = arith.addi %broadcast_in_dim3A_77, %add3A_815 : vector<16xi32>
    tpu.vector_store_idx %arg11[%add3A_796, %add3A_816], %get3A_805 : memref<640x16xf32, #tpu.memory_space<vmem>>[vector<16xi32>, vector<16xi32>], vector<16xf32>,
    %add3A_817 = arith.constant 3 : i32
    %add3A_818 = vector.broadcast %add3A_817 : i32 to vector<16xi32>
    %add3A_819 = arith.addi %broadcast_in_dim3A_77, %add3A_818 : vector<16xi32>
    tpu.vector_store_idx %arg11[%add3A_796, %add3A_819], %get3A_807 : memref<640x16xf32, #tpu.memory_space<vmem>>[vector<16xi32>, vector<16xi32>], vector<16xf32>,
    %add3A_820 = arith.constant 4 : i32
    %add3A_821 = vector.broadcast %add3A_820 : i32 to vector<16xi32>
    %add3A_822 = arith.addi %broadcast_in_dim3A_77, %add3A_821 : vector<16xi32>
    tpu.vector_store_idx %arg11[%add3A_796, %add3A_822], %get3A_755 : memref<640x16xf32, #tpu.memory_space<vmem>>[vector<16xi32>, vector<16xi32>], vector<16xf32>,
    %add3A_823 = arith.constant 5 : i32
    %add3A_824 = vector.broadcast %add3A_823 : i32 to vector<16xi32>
    %add3A_825 = arith.addi %broadcast_in_dim3A_77, %add3A_824 : vector<16xi32>
    tpu.vector_store_idx %arg11[%add3A_796, %add3A_825], %convert_element_type3A_799 : memref<640x16xf32, #tpu.memory_space<vmem>>[vector<16xi32>, vector<16xi32>], vector<16xf32>,
    %swap3A_826 = arith.constant 1 : i32
    %swap3A_827 = arith.index_cast %swap3A_826 : i32 to index
    %swap3A_828 = arith.constant 0 : index
    %swap3A_829 = tpu.vector_load %arg12[%swap3A_827, %swap3A_828] {strides = array<i32>} : memref<5x128xi32, #tpu.memory_space<vmem>>, vector<16xi32>,
    tpu.vector_store %arg12[%swap3A_827, %swap3A_828], %select_n3A_781 {strides = array<i32>} : memref<5x128xi32, #tpu.memory_space<vmem>>, vector<16xi32>,
    %get3A_830 = arith.constant 144 : index
    %get3A_831 = tpu.vector_load %arg7[%get3A_830] {strides = array<i32>} : memref<640xf32, #tpu.memory_space<vmem>>, vector<16xf32>,
    %gt3A_832 = arith.cmpf ogt, %get3A_831, %gather3A_64 : vector<16xf32>
    %eq3A_833 = arith.cmpf oeq, %get3A_831, %gather3A_64 : vector<16xf32>
    %convert_element_type3A_834 = arith.extui %gt3A_832 : vector<16xi1> to vector<16xi32>
    %convert_element_type3A_835 = arith.extui %eq3A_833 : vector<16xi1> to vector<16xi32>
    %broadcast_in_dim3A_836 = arith.constant true
    %broadcast_in_dim3A_837 = vector.broadcast %broadcast_in_dim3A_836 : i1 to vector<16xi1>
    %masked_cumsum3A_838 = tpu.scan <sum>, %convert_element_type3A_834 masked %broadcast_in_dim3A_837 : vector<16xi32>, vector<16xi1> -> vector<16xi32>
    %broadcast_in_dim3A_839 = arith.constant true
    %broadcast_in_dim3A_840 = vector.broadcast %broadcast_in_dim3A_839 : i1 to vector<16xi1>
    %masked_cumsum3A_841 = tpu.scan <sum>, %convert_element_type3A_835 masked %broadcast_in_dim3A_840 : vector<16xi32>, vector<16xi1> -> vector<16xi32>
    %add3A_842 = arith.addi %add3A_793, %masked_cumsum3A_841 : vector<16xi32>
    %sub3A_843 = arith.constant 1 : i32
    %sub3A_844 = vector.broadcast %sub3A_843 : i32 to vector<16xi32>
    %sub3A_845 = arith.subi %add3A_842, %sub3A_844 : vector<16xi32>
    %lt3A_846 = arith.cmpi slt, %sub3A_845, %convert_element_type3A_75 : vector<16xi32>
    %and3A_847 = arith.andi %eq3A_833, %lt3A_846 : vector<16xi1>
    %add3A_848 = arith.addi %add3A_787, %masked_cumsum3A_838 : vector<16xi32>
    %sub3A_849 = arith.constant 1 : i32
    %sub3A_850 = vector.broadcast %sub3A_849 : i32 to vector<16xi32>
    %sub3A_851 = arith.subi %add3A_848, %sub3A_850 : vector<16xi32>
    %add3A_852 = arith.addi %convert_element_type3A, %sub3A_845 : vector<16xi32>
    %add3A_853 = arith.constant 2048 : i32
    %add3A_854 = arith.addi %add3A_853, %add3A : i32
    %broadcast_in_dim3A_855 = vector.broadcast %add3A_854 : i32 to vector<16xi32>
    %select_n3A_856 = arith.select %and3A_847, %add3A_852, %broadcast_in_dim3A_855 : vector<16xi1>, vector<16xi32>
    %select_n3A_857 = arith.select %gt3A_832, %sub3A_851, %select_n3A_856 : vector<16xi1>, vector<16xi32>
    %broadcast_in_dim3A_858 = arith.constant 15 : i32
    %broadcast_in_dim3A_859 = vector.broadcast %broadcast_in_dim3A_858 : i32 to vector<16xi32>
    %broadcast_in_dim3A_860 = vector.shape_cast %broadcast_in_dim3A_859 : vector<16xi32> to vector<16x1xi32>
    %gather3A_861 = vector.shape_cast %broadcast_in_dim3A_860 : vector<16x1xi32> to vector<16xi32>
    %gather3A_862 = tpu.dynamic_gather %masked_cumsum3A_838[%gather3A_861] in [0] : vector<16xi32>, vector<16xi32> -> vector<16xi32>
    %add3A_863 = arith.addi %add3A_787, %gather3A_862 : vector<16xi32>
    %broadcast_in_dim3A_864 = arith.constant 15 : i32
    %broadcast_in_dim3A_865 = vector.broadcast %broadcast_in_dim3A_864 : i32 to vector<16xi32>
    %broadcast_in_dim3A_866 = vector.shape_cast %broadcast_in_dim3A_865 : vector<16xi32> to vector<16x1xi32>
    %gather3A_867 = vector.shape_cast %broadcast_in_dim3A_866 : vector<16x1xi32> to vector<16xi32>
    %gather3A_868 = tpu.dynamic_gather %masked_cumsum3A_841[%gather3A_867] in [0] : vector<16xi32>, vector<16xi32> -> vector<16xi32>
    %add3A_869 = arith.addi %add3A_793, %gather3A_868 : vector<16xi32>
    %add3A_870 = arith.constant 144 : i32
    %add3A_871 = vector.broadcast %add3A_870 : i32 to vector<16xi32>
    %add3A_872 = arith.addi %add3A_871, %iota3A : vector<16xi32>
    %add3A_873 = vector.broadcast %mul3A_2 : i32 to vector<16xi32>
    %add3A_874 = arith.addi %add3A_873, %add3A_872 : vector<16xi32>
    %convert_element_type3A_875 = arith.sitofp %add3A_874 : vector<16xi32> to vector<16xf32>
    %get3A_876 = arith.constant 144 : index
    %get3A_877 = tpu.vector_load %arg8[%get3A_876] {strides = array<i32>} : memref<2560xf32, #tpu.memory_space<vmem>>, vector<16xf32>,
    %get3A_878 = arith.constant 784 : index
    %get3A_879 = tpu.vector_load %arg8[%get3A_878] {strides = array<i32>} : memref<2560xf32, #tpu.memory_space<vmem>>, vector<16xf32>,
    %get3A_880 = arith.constant 1424 : index
    %get3A_881 = tpu.vector_load %arg8[%get3A_880] {strides = array<i32>} : memref<2560xf32, #tpu.memory_space<vmem>>, vector<16xf32>,
    %get3A_882 = arith.constant 2064 : index
    %get3A_883 = tpu.vector_load %arg8[%get3A_882] {strides = array<i32>} : memref<2560xf32, #tpu.memory_space<vmem>>, vector<16xf32>,
    %add3A_884 = arith.constant 0 : i32
    %add3A_885 = vector.broadcast %add3A_884 : i32 to vector<16xi32>
    %add3A_886 = arith.addi %broadcast_in_dim3A_77, %add3A_885 : vector<16xi32>
    tpu.vector_store_idx %arg11[%add3A_872, %add3A_886], %get3A_877 : memref<640x16xf32, #tpu.memory_space<vmem>>[vector<16xi32>, vector<16xi32>], vector<16xf32>,
    %add3A_887 = arith.constant 1 : i32
    %add3A_888 = vector.broadcast %add3A_887 : i32 to vector<16xi32>
    %add3A_889 = arith.addi %broadcast_in_dim3A_77, %add3A_888 : vector<16xi32>
    tpu.vector_store_idx %arg11[%add3A_872, %add3A_889], %get3A_879 : memref<640x16xf32, #tpu.memory_space<vmem>>[vector<16xi32>, vector<16xi32>], vector<16xf32>,
    %add3A_890 = arith.constant 2 : i32
    %add3A_891 = vector.broadcast %add3A_890 : i32 to vector<16xi32>
    %add3A_892 = arith.addi %broadcast_in_dim3A_77, %add3A_891 : vector<16xi32>
    tpu.vector_store_idx %arg11[%add3A_872, %add3A_892], %get3A_881 : memref<640x16xf32, #tpu.memory_space<vmem>>[vector<16xi32>, vector<16xi32>], vector<16xf32>,
    %add3A_893 = arith.constant 3 : i32
    %add3A_894 = vector.broadcast %add3A_893 : i32 to vector<16xi32>
    %add3A_895 = arith.addi %broadcast_in_dim3A_77, %add3A_894 : vector<16xi32>
    tpu.vector_store_idx %arg11[%add3A_872, %add3A_895], %get3A_883 : memref<640x16xf32, #tpu.memory_space<vmem>>[vector<16xi32>, vector<16xi32>], vector<16xf32>,
    %add3A_896 = arith.constant 4 : i32
    %add3A_897 = vector.broadcast %add3A_896 : i32 to vector<16xi32>
    %add3A_898 = arith.addi %broadcast_in_dim3A_77, %add3A_897 : vector<16xi32>
    tpu.vector_store_idx %arg11[%add3A_872, %add3A_898], %get3A_831 : memref<640x16xf32, #tpu.memory_space<vmem>>[vector<16xi32>, vector<16xi32>], vector<16xf32>,
    %add3A_899 = arith.constant 5 : i32
    %add3A_900 = vector.broadcast %add3A_899 : i32 to vector<16xi32>
    %add3A_901 = arith.addi %broadcast_in_dim3A_77, %add3A_900 : vector<16xi32>
    tpu.vector_store_idx %arg11[%add3A_872, %add3A_901], %convert_element_type3A_875 : memref<640x16xf32, #tpu.memory_space<vmem>>[vector<16xi32>, vector<16xi32>], vector<16xf32>,
    %swap3A_902 = arith.constant 1 : i32
    %swap3A_903 = arith.index_cast %swap3A_902 : i32 to index
    %swap3A_904 = arith.constant 16 : index
    %swap3A_905 = tpu.vector_load %arg12[%swap3A_903, %swap3A_904] {strides = array<i32>} : memref<5x128xi32, #tpu.memory_space<vmem>>, vector<16xi32>,
    tpu.vector_store %arg12[%swap3A_903, %swap3A_904], %select_n3A_857 {strides = array<i32>} : memref<5x128xi32, #tpu.memory_space<vmem>>, vector<16xi32>,
    %get3A_906 = arith.constant 160 : index
    %get3A_907 = tpu.vector_load %arg7[%get3A_906] {strides = array<i32>} : memref<640xf32, #tpu.memory_space<vmem>>, vector<16xf32>,
    %gt3A_908 = arith.cmpf ogt, %get3A_907, %gather3A_64 : vector<16xf32>
    %eq3A_909 = arith.cmpf oeq, %get3A_907, %gather3A_64 : vector<16xf32>
    %convert_element_type3A_910 = arith.extui %gt3A_908 : vector<16xi1> to vector<16xi32>
    %convert_element_type3A_911 = arith.extui %eq3A_909 : vector<16xi1> to vector<16xi32>
    %broadcast_in_dim3A_912 = arith.constant true
    %broadcast_in_dim3A_913 = vector.broadcast %broadcast_in_dim3A_912 : i1 to vector<16xi1>
    %masked_cumsum3A_914 = tpu.scan <sum>, %convert_element_type3A_910 masked %broadcast_in_dim3A_913 : vector<16xi32>, vector<16xi1> -> vector<16xi32>
    %broadcast_in_dim3A_915 = arith.constant true
    %broadcast_in_dim3A_916 = vector.broadcast %broadcast_in_dim3A_915 : i1 to vector<16xi1>
    %masked_cumsum3A_917 = tpu.scan <sum>, %convert_element_type3A_911 masked %broadcast_in_dim3A_916 : vector<16xi32>, vector<16xi1> -> vector<16xi32>
    %add3A_918 = arith.addi %add3A_869, %masked_cumsum3A_917 : vector<16xi32>
    %sub3A_919 = arith.constant 1 : i32
    %sub3A_920 = vector.broadcast %sub3A_919 : i32 to vector<16xi32>
    %sub3A_921 = arith.subi %add3A_918, %sub3A_920 : vector<16xi32>
    %lt3A_922 = arith.cmpi slt, %sub3A_921, %convert_element_type3A_75 : vector<16xi32>
    %and3A_923 = arith.andi %eq3A_909, %lt3A_922 : vector<16xi1>
    %add3A_924 = arith.addi %add3A_863, %masked_cumsum3A_914 : vector<16xi32>
    %sub3A_925 = arith.constant 1 : i32
    %sub3A_926 = vector.broadcast %sub3A_925 : i32 to vector<16xi32>
    %sub3A_927 = arith.subi %add3A_924, %sub3A_926 : vector<16xi32>
    %add3A_928 = arith.addi %convert_element_type3A, %sub3A_921 : vector<16xi32>
    %add3A_929 = arith.constant 2048 : i32
    %add3A_930 = arith.addi %add3A_929, %add3A : i32
    %broadcast_in_dim3A_931 = vector.broadcast %add3A_930 : i32 to vector<16xi32>
    %select_n3A_932 = arith.select %and3A_923, %add3A_928, %broadcast_in_dim3A_931 : vector<16xi1>, vector<16xi32>
    %select_n3A_933 = arith.select %gt3A_908, %sub3A_927, %select_n3A_932 : vector<16xi1>, vector<16xi32>
    %broadcast_in_dim3A_934 = arith.constant 15 : i32
    %broadcast_in_dim3A_935 = vector.broadcast %broadcast_in_dim3A_934 : i32 to vector<16xi32>
    %broadcast_in_dim3A_936 = vector.shape_cast %broadcast_in_dim3A_935 : vector<16xi32> to vector<16x1xi32>
    %gather3A_937 = vector.shape_cast %broadcast_in_dim3A_936 : vector<16x1xi32> to vector<16xi32>
    %gather3A_938 = tpu.dynamic_gather %masked_cumsum3A_914[%gather3A_937] in [0] : vector<16xi32>, vector<16xi32> -> vector<16xi32>
    %add3A_939 = arith.addi %add3A_863, %gather3A_938 : vector<16xi32>
    %broadcast_in_dim3A_940 = arith.constant 15 : i32
    %broadcast_in_dim3A_941 = vector.broadcast %broadcast_in_dim3A_940 : i32 to vector<16xi32>
    %broadcast_in_dim3A_942 = vector.shape_cast %broadcast_in_dim3A_941 : vector<16xi32> to vector<16x1xi32>
    %gather3A_943 = vector.shape_cast %broadcast_in_dim3A_942 : vector<16x1xi32> to vector<16xi32>
    %gather3A_944 = tpu.dynamic_gather %masked_cumsum3A_917[%gather3A_943] in [0] : vector<16xi32>, vector<16xi32> -> vector<16xi32>
    %add3A_945 = arith.addi %add3A_869, %gather3A_944 : vector<16xi32>
    %add3A_946 = arith.constant 160 : i32
    %add3A_947 = vector.broadcast %add3A_946 : i32 to vector<16xi32>
    %add3A_948 = arith.addi %add3A_947, %iota3A : vector<16xi32>
    %add3A_949 = vector.broadcast %mul3A_2 : i32 to vector<16xi32>
    %add3A_950 = arith.addi %add3A_949, %add3A_948 : vector<16xi32>
    %convert_element_type3A_951 = arith.sitofp %add3A_950 : vector<16xi32> to vector<16xf32>
    %get3A_952 = arith.constant 160 : index
    %get3A_953 = tpu.vector_load %arg8[%get3A_952] {strides = array<i32>} : memref<2560xf32, #tpu.memory_space<vmem>>, vector<16xf32>,
    %get3A_954 = arith.constant 800 : index
    %get3A_955 = tpu.vector_load %arg8[%get3A_954] {strides = array<i32>} : memref<2560xf32, #tpu.memory_space<vmem>>, vector<16xf32>,
    %get3A_956 = arith.constant 1440 : index
    %get3A_957 = tpu.vector_load %arg8[%get3A_956] {strides = array<i32>} : memref<2560xf32, #tpu.memory_space<vmem>>, vector<16xf32>,
    %get3A_958 = arith.constant 2080 : index
    %get3A_959 = tpu.vector_load %arg8[%get3A_958] {strides = array<i32>} : memref<2560xf32, #tpu.memory_space<vmem>>, vector<16xf32>,
    %add3A_960 = arith.constant 0 : i32
    %add3A_961 = vector.broadcast %add3A_960 : i32 to vector<16xi32>
    %add3A_962 = arith.addi %broadcast_in_dim3A_77, %add3A_961 : vector<16xi32>
    tpu.vector_store_idx %arg11[%add3A_948, %add3A_962], %get3A_953 : memref<640x16xf32, #tpu.memory_space<vmem>>[vector<16xi32>, vector<16xi32>], vector<16xf32>,
    %add3A_963 = arith.constant 1 : i32
    %add3A_964 = vector.broadcast %add3A_963 : i32 to vector<16xi32>
    %add3A_965 = arith.addi %broadcast_in_dim3A_77, %add3A_964 : vector<16xi32>
    tpu.vector_store_idx %arg11[%add3A_948, %add3A_965], %get3A_955 : memref<640x16xf32, #tpu.memory_space<vmem>>[vector<16xi32>, vector<16xi32>], vector<16xf32>,
    %add3A_966 = arith.constant 2 : i32
    %add3A_967 = vector.broadcast %add3A_966 : i32 to vector<16xi32>
    %add3A_968 = arith.addi %broadcast_in_dim3A_77, %add3A_967 : vector<16xi32>
    tpu.vector_store_idx %arg11[%add3A_948, %add3A_968], %get3A_957 : memref<640x16xf32, #tpu.memory_space<vmem>>[vector<16xi32>, vector<16xi32>], vector<16xf32>,
    %add3A_969 = arith.constant 3 : i32
    %add3A_970 = vector.broadcast %add3A_969 : i32 to vector<16xi32>
    %add3A_971 = arith.addi %broadcast_in_dim3A_77, %add3A_970 : vector<16xi32>
    tpu.vector_store_idx %arg11[%add3A_948, %add3A_971], %get3A_959 : memref<640x16xf32, #tpu.memory_space<vmem>>[vector<16xi32>, vector<16xi32>], vector<16xf32>,
    %add3A_972 = arith.constant 4 : i32
    %add3A_973 = vector.broadcast %add3A_972 : i32 to vector<16xi32>
    %add3A_974 = arith.addi %broadcast_in_dim3A_77, %add3A_973 : vector<16xi32>
    tpu.vector_store_idx %arg11[%add3A_948, %add3A_974], %get3A_907 : memref<640x16xf32, #tpu.memory_space<vmem>>[vector<16xi32>, vector<16xi32>], vector<16xf32>,
    %add3A_975 = arith.constant 5 : i32
    %add3A_976 = vector.broadcast %add3A_975 : i32 to vector<16xi32>
    %add3A_977 = arith.addi %broadcast_in_dim3A_77, %add3A_976 : vector<16xi32>
    tpu.vector_store_idx %arg11[%add3A_948, %add3A_977], %convert_element_type3A_951 : memref<640x16xf32, #tpu.memory_space<vmem>>[vector<16xi32>, vector<16xi32>], vector<16xf32>,
    %swap3A_978 = arith.constant 1 : i32
    %swap3A_979 = arith.index_cast %swap3A_978 : i32 to index
    %swap3A_980 = arith.constant 32 : index
    %swap3A_981 = tpu.vector_load %arg12[%swap3A_979, %swap3A_980] {strides = array<i32>} : memref<5x128xi32, #tpu.memory_space<vmem>>, vector<16xi32>,
    tpu.vector_store %arg12[%swap3A_979, %swap3A_980], %select_n3A_933 {strides = array<i32>} : memref<5x128xi32, #tpu.memory_space<vmem>>, vector<16xi32>,
    %get3A_982 = arith.constant 176 : index
    %get3A_983 = tpu.vector_load %arg7[%get3A_982] {strides = array<i32>} : memref<640xf32, #tpu.memory_space<vmem>>, vector<16xf32>,
    %gt3A_984 = arith.cmpf ogt, %get3A_983, %gather3A_64 : vector<16xf32>
    %eq3A_985 = arith.cmpf oeq, %get3A_983, %gather3A_64 : vector<16xf32>
    %convert_element_type3A_986 = arith.extui %gt3A_984 : vector<16xi1> to vector<16xi32>
    %convert_element_type3A_987 = arith.extui %eq3A_985 : vector<16xi1> to vector<16xi32>
    %broadcast_in_dim3A_988 = arith.constant true
    %broadcast_in_dim3A_989 = vector.broadcast %broadcast_in_dim3A_988 : i1 to vector<16xi1>
    %masked_cumsum3A_990 = tpu.scan <sum>, %convert_element_type3A_986 masked %broadcast_in_dim3A_989 : vector<16xi32>, vector<16xi1> -> vector<16xi32>
    %broadcast_in_dim3A_991 = arith.constant true
    %broadcast_in_dim3A_992 = vector.broadcast %broadcast_in_dim3A_991 : i1 to vector<16xi1>
    %masked_cumsum3A_993 = tpu.scan <sum>, %convert_element_type3A_987 masked %broadcast_in_dim3A_992 : vector<16xi32>, vector<16xi1> -> vector<16xi32>
    %add3A_994 = arith.addi %add3A_945, %masked_cumsum3A_993 : vector<16xi32>
    %sub3A_995 = arith.constant 1 : i32
    %sub3A_996 = vector.broadcast %sub3A_995 : i32 to vector<16xi32>
    %sub3A_997 = arith.subi %add3A_994, %sub3A_996 : vector<16xi32>
    %lt3A_998 = arith.cmpi slt, %sub3A_997, %convert_element_type3A_75 : vector<16xi32>
    %and3A_999 = arith.andi %eq3A_985, %lt3A_998 : vector<16xi1>
    %add3A_1000 = arith.addi %add3A_939, %masked_cumsum3A_990 : vector<16xi32>
    %sub3A_1001 = arith.constant 1 : i32
    %sub3A_1002 = vector.broadcast %sub3A_1001 : i32 to vector<16xi32>
    %sub3A_1003 = arith.subi %add3A_1000, %sub3A_1002 : vector<16xi32>
    %add3A_1004 = arith.addi %convert_element_type3A, %sub3A_997 : vector<16xi32>
    %add3A_1005 = arith.constant 2048 : i32
    %add3A_1006 = arith.addi %add3A_1005, %add3A : i32
    %broadcast_in_dim3A_1007 = vector.broadcast %add3A_1006 : i32 to vector<16xi32>
    %select_n3A_1008 = arith.select %and3A_999, %add3A_1004, %broadcast_in_dim3A_1007 : vector<16xi1>, vector<16xi32>
    %select_n3A_1009 = arith.select %gt3A_984, %sub3A_1003, %select_n3A_1008 : vector<16xi1>, vector<16xi32>
    %broadcast_in_dim3A_1010 = arith.constant 15 : i32
    %broadcast_in_dim3A_1011 = vector.broadcast %broadcast_in_dim3A_1010 : i32 to vector<16xi32>
    %broadcast_in_dim3A_1012 = vector.shape_cast %broadcast_in_dim3A_1011 : vector<16xi32> to vector<16x1xi32>
    %gather3A_1013 = vector.shape_cast %broadcast_in_dim3A_1012 : vector<16x1xi32> to vector<16xi32>
    %gather3A_1014 = tpu.dynamic_gather %masked_cumsum3A_990[%gather3A_1013] in [0] : vector<16xi32>, vector<16xi32> -> vector<16xi32>
    %add3A_1015 = arith.addi %add3A_939, %gather3A_1014 : vector<16xi32>
    %broadcast_in_dim3A_1016 = arith.constant 15 : i32
    %broadcast_in_dim3A_1017 = vector.broadcast %broadcast_in_dim3A_1016 : i32 to vector<16xi32>
    %broadcast_in_dim3A_1018 = vector.shape_cast %broadcast_in_dim3A_1017 : vector<16xi32> to vector<16x1xi32>
    %gather3A_1019 = vector.shape_cast %broadcast_in_dim3A_1018 : vector<16x1xi32> to vector<16xi32>
    %gather3A_1020 = tpu.dynamic_gather %masked_cumsum3A_993[%gather3A_1019] in [0] : vector<16xi32>, vector<16xi32> -> vector<16xi32>
    %add3A_1021 = arith.addi %add3A_945, %gather3A_1020 : vector<16xi32>
    %add3A_1022 = arith.constant 176 : i32
    %add3A_1023 = vector.broadcast %add3A_1022 : i32 to vector<16xi32>
    %add3A_1024 = arith.addi %add3A_1023, %iota3A : vector<16xi32>
    %add3A_1025 = vector.broadcast %mul3A_2 : i32 to vector<16xi32>
    %add3A_1026 = arith.addi %add3A_1025, %add3A_1024 : vector<16xi32>
    %convert_element_type3A_1027 = arith.sitofp %add3A_1026 : vector<16xi32> to vector<16xf32>
    %get3A_1028 = arith.constant 176 : index
    %get3A_1029 = tpu.vector_load %arg8[%get3A_1028] {strides = array<i32>} : memref<2560xf32, #tpu.memory_space<vmem>>, vector<16xf32>,
    %get3A_1030 = arith.constant 816 : index
    %get3A_1031 = tpu.vector_load %arg8[%get3A_1030] {strides = array<i32>} : memref<2560xf32, #tpu.memory_space<vmem>>, vector<16xf32>,
    %get3A_1032 = arith.constant 1456 : index
    %get3A_1033 = tpu.vector_load %arg8[%get3A_1032] {strides = array<i32>} : memref<2560xf32, #tpu.memory_space<vmem>>, vector<16xf32>,
    %get3A_1034 = arith.constant 2096 : index
    %get3A_1035 = tpu.vector_load %arg8[%get3A_1034] {strides = array<i32>} : memref<2560xf32, #tpu.memory_space<vmem>>, vector<16xf32>,
    %add3A_1036 = arith.constant 0 : i32
    %add3A_1037 = vector.broadcast %add3A_1036 : i32 to vector<16xi32>
    %add3A_1038 = arith.addi %broadcast_in_dim3A_77, %add3A_1037 : vector<16xi32>
    tpu.vector_store_idx %arg11[%add3A_1024, %add3A_1038], %get3A_1029 : memref<640x16xf32, #tpu.memory_space<vmem>>[vector<16xi32>, vector<16xi32>], vector<16xf32>,
    %add3A_1039 = arith.constant 1 : i32
    %add3A_1040 = vector.broadcast %add3A_1039 : i32 to vector<16xi32>
    %add3A_1041 = arith.addi %broadcast_in_dim3A_77, %add3A_1040 : vector<16xi32>
    tpu.vector_store_idx %arg11[%add3A_1024, %add3A_1041], %get3A_1031 : memref<640x16xf32, #tpu.memory_space<vmem>>[vector<16xi32>, vector<16xi32>], vector<16xf32>,
    %add3A_1042 = arith.constant 2 : i32
    %add3A_1043 = vector.broadcast %add3A_1042 : i32 to vector<16xi32>
    %add3A_1044 = arith.addi %broadcast_in_dim3A_77, %add3A_1043 : vector<16xi32>
    tpu.vector_store_idx %arg11[%add3A_1024, %add3A_1044], %get3A_1033 : memref<640x16xf32, #tpu.memory_space<vmem>>[vector<16xi32>, vector<16xi32>], vector<16xf32>,
    %add3A_1045 = arith.constant 3 : i32
    %add3A_1046 = vector.broadcast %add3A_1045 : i32 to vector<16xi32>
    %add3A_1047 = arith.addi %broadcast_in_dim3A_77, %add3A_1046 : vector<16xi32>
    tpu.vector_store_idx %arg11[%add3A_1024, %add3A_1047], %get3A_1035 : memref<640x16xf32, #tpu.memory_space<vmem>>[vector<16xi32>, vector<16xi32>], vector<16xf32>,
    %add3A_1048 = arith.constant 4 : i32
    %add3A_1049 = vector.broadcast %add3A_1048 : i32 to vector<16xi32>
    %add3A_1050 = arith.addi %broadcast_in_dim3A_77, %add3A_1049 : vector<16xi32>
    tpu.vector_store_idx %arg11[%add3A_1024, %add3A_1050], %get3A_983 : memref<640x16xf32, #tpu.memory_space<vmem>>[vector<16xi32>, vector<16xi32>], vector<16xf32>,
    %add3A_1051 = arith.constant 5 : i32
    %add3A_1052 = vector.broadcast %add3A_1051 : i32 to vector<16xi32>
    %add3A_1053 = arith.addi %broadcast_in_dim3A_77, %add3A_1052 : vector<16xi32>
    tpu.vector_store_idx %arg11[%add3A_1024, %add3A_1053], %convert_element_type3A_1027 : memref<640x16xf32, #tpu.memory_space<vmem>>[vector<16xi32>, vector<16xi32>], vector<16xf32>,
    %swap3A_1054 = arith.constant 1 : i32
    %swap3A_1055 = arith.index_cast %swap3A_1054 : i32 to index
    %swap3A_1056 = arith.constant 48 : index
    %swap3A_1057 = tpu.vector_load %arg12[%swap3A_1055, %swap3A_1056] {strides = array<i32>} : memref<5x128xi32, #tpu.memory_space<vmem>>, vector<16xi32>,
    tpu.vector_store %arg12[%swap3A_1055, %swap3A_1056], %select_n3A_1009 {strides = array<i32>} : memref<5x128xi32, #tpu.memory_space<vmem>>, vector<16xi32>,
    %get3A_1058 = arith.constant 192 : index
    %get3A_1059 = tpu.vector_load %arg7[%get3A_1058] {strides = array<i32>} : memref<640xf32, #tpu.memory_space<vmem>>, vector<16xf32>,
    %gt3A_1060 = arith.cmpf ogt, %get3A_1059, %gather3A_64 : vector<16xf32>
    %eq3A_1061 = arith.cmpf oeq, %get3A_1059, %gather3A_64 : vector<16xf32>
    %convert_element_type3A_1062 = arith.extui %gt3A_1060 : vector<16xi1> to vector<16xi32>
    %convert_element_type3A_1063 = arith.extui %eq3A_1061 : vector<16xi1> to vector<16xi32>
    %broadcast_in_dim3A_1064 = arith.constant true
    %broadcast_in_dim3A_1065 = vector.broadcast %broadcast_in_dim3A_1064 : i1 to vector<16xi1>
    %masked_cumsum3A_1066 = tpu.scan <sum>, %convert_element_type3A_1062 masked %broadcast_in_dim3A_1065 : vector<16xi32>, vector<16xi1> -> vector<16xi32>
    %broadcast_in_dim3A_1067 = arith.constant true
    %broadcast_in_dim3A_1068 = vector.broadcast %broadcast_in_dim3A_1067 : i1 to vector<16xi1>
    %masked_cumsum3A_1069 = tpu.scan <sum>, %convert_element_type3A_1063 masked %broadcast_in_dim3A_1068 : vector<16xi32>, vector<16xi1> -> vector<16xi32>
    %add3A_1070 = arith.addi %add3A_1021, %masked_cumsum3A_1069 : vector<16xi32>
    %sub3A_1071 = arith.constant 1 : i32
    %sub3A_1072 = vector.broadcast %sub3A_1071 : i32 to vector<16xi32>
    %sub3A_1073 = arith.subi %add3A_1070, %sub3A_1072 : vector<16xi32>
    %lt3A_1074 = arith.cmpi slt, %sub3A_1073, %convert_element_type3A_75 : vector<16xi32>
    %and3A_1075 = arith.andi %eq3A_1061, %lt3A_1074 : vector<16xi1>
    %add3A_1076 = arith.addi %add3A_1015, %masked_cumsum3A_1066 : vector<16xi32>
    %sub3A_1077 = arith.constant 1 : i32
    %sub3A_1078 = vector.broadcast %sub3A_1077 : i32 to vector<16xi32>
    %sub3A_1079 = arith.subi %add3A_1076, %sub3A_1078 : vector<16xi32>
    %add3A_1080 = arith.addi %convert_element_type3A, %sub3A_1073 : vector<16xi32>
    %add3A_1081 = arith.constant 2048 : i32
    %add3A_1082 = arith.addi %add3A_1081, %add3A : i32
    %broadcast_in_dim3A_1083 = vector.broadcast %add3A_1082 : i32 to vector<16xi32>
    %select_n3A_1084 = arith.select %and3A_1075, %add3A_1080, %broadcast_in_dim3A_1083 : vector<16xi1>, vector<16xi32>
    %select_n3A_1085 = arith.select %gt3A_1060, %sub3A_1079, %select_n3A_1084 : vector<16xi1>, vector<16xi32>
    %broadcast_in_dim3A_1086 = arith.constant 15 : i32
    %broadcast_in_dim3A_1087 = vector.broadcast %broadcast_in_dim3A_1086 : i32 to vector<16xi32>
    %broadcast_in_dim3A_1088 = vector.shape_cast %broadcast_in_dim3A_1087 : vector<16xi32> to vector<16x1xi32>
    %gather3A_1089 = vector.shape_cast %broadcast_in_dim3A_1088 : vector<16x1xi32> to vector<16xi32>
    %gather3A_1090 = tpu.dynamic_gather %masked_cumsum3A_1066[%gather3A_1089] in [0] : vector<16xi32>, vector<16xi32> -> vector<16xi32>
    %add3A_1091 = arith.addi %add3A_1015, %gather3A_1090 : vector<16xi32>
    %broadcast_in_dim3A_1092 = arith.constant 15 : i32
    %broadcast_in_dim3A_1093 = vector.broadcast %broadcast_in_dim3A_1092 : i32 to vector<16xi32>
    %broadcast_in_dim3A_1094 = vector.shape_cast %broadcast_in_dim3A_1093 : vector<16xi32> to vector<16x1xi32>
    %gather3A_1095 = vector.shape_cast %broadcast_in_dim3A_1094 : vector<16x1xi32> to vector<16xi32>
    %gather3A_1096 = tpu.dynamic_gather %masked_cumsum3A_1069[%gather3A_1095] in [0] : vector<16xi32>, vector<16xi32> -> vector<16xi32>
    %add3A_1097 = arith.addi %add3A_1021, %gather3A_1096 : vector<16xi32>
    %add3A_1098 = arith.constant 192 : i32
    %add3A_1099 = vector.broadcast %add3A_1098 : i32 to vector<16xi32>
    %add3A_1100 = arith.addi %add3A_1099, %iota3A : vector<16xi32>
    %add3A_1101 = vector.broadcast %mul3A_2 : i32 to vector<16xi32>
    %add3A_1102 = arith.addi %add3A_1101, %add3A_1100 : vector<16xi32>
    %convert_element_type3A_1103 = arith.sitofp %add3A_1102 : vector<16xi32> to vector<16xf32>
    %get3A_1104 = arith.constant 192 : index
    %get3A_1105 = tpu.vector_load %arg8[%get3A_1104] {strides = array<i32>} : memref<2560xf32, #tpu.memory_space<vmem>>, vector<16xf32>,
    %get3A_1106 = arith.constant 832 : index
    %get3A_1107 = tpu.vector_load %arg8[%get3A_1106] {strides = array<i32>} : memref<2560xf32, #tpu.memory_space<vmem>>, vector<16xf32>,
    %get3A_1108 = arith.constant 1472 : index
    %get3A_1109 = tpu.vector_load %arg8[%get3A_1108] {strides = array<i32>} : memref<2560xf32, #tpu.memory_space<vmem>>, vector<16xf32>,
    %get3A_1110 = arith.constant 2112 : index
    %get3A_1111 = tpu.vector_load %arg8[%get3A_1110] {strides = array<i32>} : memref<2560xf32, #tpu.memory_space<vmem>>, vector<16xf32>,
    %add3A_1112 = arith.constant 0 : i32
    %add3A_1113 = vector.broadcast %add3A_1112 : i32 to vector<16xi32>
    %add3A_1114 = arith.addi %broadcast_in_dim3A_77, %add3A_1113 : vector<16xi32>
    tpu.vector_store_idx %arg11[%add3A_1100, %add3A_1114], %get3A_1105 : memref<640x16xf32, #tpu.memory_space<vmem>>[vector<16xi32>, vector<16xi32>], vector<16xf32>,
    %add3A_1115 = arith.constant 1 : i32
    %add3A_1116 = vector.broadcast %add3A_1115 : i32 to vector<16xi32>
    %add3A_1117 = arith.addi %broadcast_in_dim3A_77, %add3A_1116 : vector<16xi32>
    tpu.vector_store_idx %arg11[%add3A_1100, %add3A_1117], %get3A_1107 : memref<640x16xf32, #tpu.memory_space<vmem>>[vector<16xi32>, vector<16xi32>], vector<16xf32>,
    %add3A_1118 = arith.constant 2 : i32
    %add3A_1119 = vector.broadcast %add3A_1118 : i32 to vector<16xi32>
    %add3A_1120 = arith.addi %broadcast_in_dim3A_77, %add3A_1119 : vector<16xi32>
    tpu.vector_store_idx %arg11[%add3A_1100, %add3A_1120], %get3A_1109 : memref<640x16xf32, #tpu.memory_space<vmem>>[vector<16xi32>, vector<16xi32>], vector<16xf32>,
    %add3A_1121 = arith.constant 3 : i32
    %add3A_1122 = vector.broadcast %add3A_1121 : i32 to vector<16xi32>
    %add3A_1123 = arith.addi %broadcast_in_dim3A_77, %add3A_1122 : vector<16xi32>
    tpu.vector_store_idx %arg11[%add3A_1100, %add3A_1123], %get3A_1111 : memref<640x16xf32, #tpu.memory_space<vmem>>[vector<16xi32>, vector<16xi32>], vector<16xf32>,
    %add3A_1124 = arith.constant 4 : i32
    %add3A_1125 = vector.broadcast %add3A_1124 : i32 to vector<16xi32>
    %add3A_1126 = arith.addi %broadcast_in_dim3A_77, %add3A_1125 : vector<16xi32>
    tpu.vector_store_idx %arg11[%add3A_1100, %add3A_1126], %get3A_1059 : memref<640x16xf32, #tpu.memory_space<vmem>>[vector<16xi32>, vector<16xi32>], vector<16xf32>,
    %add3A_1127 = arith.constant 5 : i32
    %add3A_1128 = vector.broadcast %add3A_1127 : i32 to vector<16xi32>
    %add3A_1129 = arith.addi %broadcast_in_dim3A_77, %add3A_1128 : vector<16xi32>
    tpu.vector_store_idx %arg11[%add3A_1100, %add3A_1129], %convert_element_type3A_1103 : memref<640x16xf32, #tpu.memory_space<vmem>>[vector<16xi32>, vector<16xi32>], vector<16xf32>,
    %swap3A_1130 = arith.constant 1 : i32
    %swap3A_1131 = arith.index_cast %swap3A_1130 : i32 to index
    %swap3A_1132 = arith.constant 64 : index
    %swap3A_1133 = tpu.vector_load %arg12[%swap3A_1131, %swap3A_1132] {strides = array<i32>} : memref<5x128xi32, #tpu.memory_space<vmem>>, vector<16xi32>,
    tpu.vector_store %arg12[%swap3A_1131, %swap3A_1132], %select_n3A_1085 {strides = array<i32>} : memref<5x128xi32, #tpu.memory_space<vmem>>, vector<16xi32>,
    %get3A_1134 = arith.constant 208 : index
    %get3A_1135 = tpu.vector_load %arg7[%get3A_1134] {strides = array<i32>} : memref<640xf32, #tpu.memory_space<vmem>>, vector<16xf32>,
    %gt3A_1136 = arith.cmpf ogt, %get3A_1135, %gather3A_64 : vector<16xf32>
    %eq3A_1137 = arith.cmpf oeq, %get3A_1135, %gather3A_64 : vector<16xf32>
    %convert_element_type3A_1138 = arith.extui %gt3A_1136 : vector<16xi1> to vector<16xi32>
    %convert_element_type3A_1139 = arith.extui %eq3A_1137 : vector<16xi1> to vector<16xi32>
    %broadcast_in_dim3A_1140 = arith.constant true
    %broadcast_in_dim3A_1141 = vector.broadcast %broadcast_in_dim3A_1140 : i1 to vector<16xi1>
    %masked_cumsum3A_1142 = tpu.scan <sum>, %convert_element_type3A_1138 masked %broadcast_in_dim3A_1141 : vector<16xi32>, vector<16xi1> -> vector<16xi32>
    %broadcast_in_dim3A_1143 = arith.constant true
    %broadcast_in_dim3A_1144 = vector.broadcast %broadcast_in_dim3A_1143 : i1 to vector<16xi1>
    %masked_cumsum3A_1145 = tpu.scan <sum>, %convert_element_type3A_1139 masked %broadcast_in_dim3A_1144 : vector<16xi32>, vector<16xi1> -> vector<16xi32>
    %add3A_1146 = arith.addi %add3A_1097, %masked_cumsum3A_1145 : vector<16xi32>
    %sub3A_1147 = arith.constant 1 : i32
    %sub3A_1148 = vector.broadcast %sub3A_1147 : i32 to vector<16xi32>
    %sub3A_1149 = arith.subi %add3A_1146, %sub3A_1148 : vector<16xi32>
    %lt3A_1150 = arith.cmpi slt, %sub3A_1149, %convert_element_type3A_75 : vector<16xi32>
    %and3A_1151 = arith.andi %eq3A_1137, %lt3A_1150 : vector<16xi1>
    %add3A_1152 = arith.addi %add3A_1091, %masked_cumsum3A_1142 : vector<16xi32>
    %sub3A_1153 = arith.constant 1 : i32
    %sub3A_1154 = vector.broadcast %sub3A_1153 : i32 to vector<16xi32>
    %sub3A_1155 = arith.subi %add3A_1152, %sub3A_1154 : vector<16xi32>
    %add3A_1156 = arith.addi %convert_element_type3A, %sub3A_1149 : vector<16xi32>
    %add3A_1157 = arith.constant 2048 : i32
    %add3A_1158 = arith.addi %add3A_1157, %add3A : i32
    %broadcast_in_dim3A_1159 = vector.broadcast %add3A_1158 : i32 to vector<16xi32>
    %select_n3A_1160 = arith.select %and3A_1151, %add3A_1156, %broadcast_in_dim3A_1159 : vector<16xi1>, vector<16xi32>
    %select_n3A_1161 = arith.select %gt3A_1136, %sub3A_1155, %select_n3A_1160 : vector<16xi1>, vector<16xi32>
    %broadcast_in_dim3A_1162 = arith.constant 15 : i32
    %broadcast_in_dim3A_1163 = vector.broadcast %broadcast_in_dim3A_1162 : i32 to vector<16xi32>
    %broadcast_in_dim3A_1164 = vector.shape_cast %broadcast_in_dim3A_1163 : vector<16xi32> to vector<16x1xi32>
    %gather3A_1165 = vector.shape_cast %broadcast_in_dim3A_1164 : vector<16x1xi32> to vector<16xi32>
    %gather3A_1166 = tpu.dynamic_gather %masked_cumsum3A_1142[%gather3A_1165] in [0] : vector<16xi32>, vector<16xi32> -> vector<16xi32>
    %add3A_1167 = arith.addi %add3A_1091, %gather3A_1166 : vector<16xi32>
    %broadcast_in_dim3A_1168 = arith.constant 15 : i32
    %broadcast_in_dim3A_1169 = vector.broadcast %broadcast_in_dim3A_1168 : i32 to vector<16xi32>
    %broadcast_in_dim3A_1170 = vector.shape_cast %broadcast_in_dim3A_1169 : vector<16xi32> to vector<16x1xi32>
    %gather3A_1171 = vector.shape_cast %broadcast_in_dim3A_1170 : vector<16x1xi32> to vector<16xi32>
    %gather3A_1172 = tpu.dynamic_gather %masked_cumsum3A_1145[%gather3A_1171] in [0] : vector<16xi32>, vector<16xi32> -> vector<16xi32>
    %add3A_1173 = arith.addi %add3A_1097, %gather3A_1172 : vector<16xi32>
    %add3A_1174 = arith.constant 208 : i32
    %add3A_1175 = vector.broadcast %add3A_1174 : i32 to vector<16xi32>
    %add3A_1176 = arith.addi %add3A_1175, %iota3A : vector<16xi32>
    %add3A_1177 = vector.broadcast %mul3A_2 : i32 to vector<16xi32>
    %add3A_1178 = arith.addi %add3A_1177, %add3A_1176 : vector<16xi32>
    %convert_element_type3A_1179 = arith.sitofp %add3A_1178 : vector<16xi32> to vector<16xf32>
    %get3A_1180 = arith.constant 208 : index
    %get3A_1181 = tpu.vector_load %arg8[%get3A_1180] {strides = array<i32>} : memref<2560xf32, #tpu.memory_space<vmem>>, vector<16xf32>,
    %get3A_1182 = arith.constant 848 : index
    %get3A_1183 = tpu.vector_load %arg8[%get3A_1182] {strides = array<i32>} : memref<2560xf32, #tpu.memory_space<vmem>>, vector<16xf32>,
    %get3A_1184 = arith.constant 1488 : index
    %get3A_1185 = tpu.vector_load %arg8[%get3A_1184] {strides = array<i32>} : memref<2560xf32, #tpu.memory_space<vmem>>, vector<16xf32>,
    %get3A_1186 = arith.constant 2128 : index
    %get3A_1187 = tpu.vector_load %arg8[%get3A_1186] {strides = array<i32>} : memref<2560xf32, #tpu.memory_space<vmem>>, vector<16xf32>,
    %add3A_1188 = arith.constant 0 : i32
    %add3A_1189 = vector.broadcast %add3A_1188 : i32 to vector<16xi32>
    %add3A_1190 = arith.addi %broadcast_in_dim3A_77, %add3A_1189 : vector<16xi32>
    tpu.vector_store_idx %arg11[%add3A_1176, %add3A_1190], %get3A_1181 : memref<640x16xf32, #tpu.memory_space<vmem>>[vector<16xi32>, vector<16xi32>], vector<16xf32>,
    %add3A_1191 = arith.constant 1 : i32
    %add3A_1192 = vector.broadcast %add3A_1191 : i32 to vector<16xi32>
    %add3A_1193 = arith.addi %broadcast_in_dim3A_77, %add3A_1192 : vector<16xi32>
    tpu.vector_store_idx %arg11[%add3A_1176, %add3A_1193], %get3A_1183 : memref<640x16xf32, #tpu.memory_space<vmem>>[vector<16xi32>, vector<16xi32>], vector<16xf32>,
    %add3A_1194 = arith.constant 2 : i32
    %add3A_1195 = vector.broadcast %add3A_1194 : i32 to vector<16xi32>
    %add3A_1196 = arith.addi %broadcast_in_dim3A_77, %add3A_1195 : vector<16xi32>
    tpu.vector_store_idx %arg11[%add3A_1176, %add3A_1196], %get3A_1185 : memref<640x16xf32, #tpu.memory_space<vmem>>[vector<16xi32>, vector<16xi32>], vector<16xf32>,
    %add3A_1197 = arith.constant 3 : i32
    %add3A_1198 = vector.broadcast %add3A_1197 : i32 to vector<16xi32>
    %add3A_1199 = arith.addi %broadcast_in_dim3A_77, %add3A_1198 : vector<16xi32>
    tpu.vector_store_idx %arg11[%add3A_1176, %add3A_1199], %get3A_1187 : memref<640x16xf32, #tpu.memory_space<vmem>>[vector<16xi32>, vector<16xi32>], vector<16xf32>,
    %add3A_1200 = arith.constant 4 : i32
    %add3A_1201 = vector.broadcast %add3A_1200 : i32 to vector<16xi32>
    %add3A_1202 = arith.addi %broadcast_in_dim3A_77, %add3A_1201 : vector<16xi32>
    tpu.vector_store_idx %arg11[%add3A_1176, %add3A_1202], %get3A_1135 : memref<640x16xf32, #tpu.memory_space<vmem>>[vector<16xi32>, vector<16xi32>], vector<16xf32>,
    %add3A_1203 = arith.constant 5 : i32
    %add3A_1204 = vector.broadcast %add3A_1203 : i32 to vector<16xi32>
    %add3A_1205 = arith.addi %broadcast_in_dim3A_77, %add3A_1204 : vector<16xi32>
    tpu.vector_store_idx %arg11[%add3A_1176, %add3A_1205], %convert_element_type3A_1179 : memref<640x16xf32, #tpu.memory_space<vmem>>[vector<16xi32>, vector<16xi32>], vector<16xf32>,
    %swap3A_1206 = arith.constant 1 : i32
    %swap3A_1207 = arith.index_cast %swap3A_1206 : i32 to index
    %swap3A_1208 = arith.constant 80 : index
    %swap3A_1209 = tpu.vector_load %arg12[%swap3A_1207, %swap3A_1208] {strides = array<i32>} : memref<5x128xi32, #tpu.memory_space<vmem>>, vector<16xi32>,
    tpu.vector_store %arg12[%swap3A_1207, %swap3A_1208], %select_n3A_1161 {strides = array<i32>} : memref<5x128xi32, #tpu.memory_space<vmem>>, vector<16xi32>,
    %get3A_1210 = arith.constant 224 : index
    %get3A_1211 = tpu.vector_load %arg7[%get3A_1210] {strides = array<i32>} : memref<640xf32, #tpu.memory_space<vmem>>, vector<16xf32>,
    %gt3A_1212 = arith.cmpf ogt, %get3A_1211, %gather3A_64 : vector<16xf32>
    %eq3A_1213 = arith.cmpf oeq, %get3A_1211, %gather3A_64 : vector<16xf32>
    %convert_element_type3A_1214 = arith.extui %gt3A_1212 : vector<16xi1> to vector<16xi32>
    %convert_element_type3A_1215 = arith.extui %eq3A_1213 : vector<16xi1> to vector<16xi32>
    %broadcast_in_dim3A_1216 = arith.constant true
    %broadcast_in_dim3A_1217 = vector.broadcast %broadcast_in_dim3A_1216 : i1 to vector<16xi1>
    %masked_cumsum3A_1218 = tpu.scan <sum>, %convert_element_type3A_1214 masked %broadcast_in_dim3A_1217 : vector<16xi32>, vector<16xi1> -> vector<16xi32>
    %broadcast_in_dim3A_1219 = arith.constant true
    %broadcast_in_dim3A_1220 = vector.broadcast %broadcast_in_dim3A_1219 : i1 to vector<16xi1>
    %masked_cumsum3A_1221 = tpu.scan <sum>, %convert_element_type3A_1215 masked %broadcast_in_dim3A_1220 : vector<16xi32>, vector<16xi1> -> vector<16xi32>
    %add3A_1222 = arith.addi %add3A_1173, %masked_cumsum3A_1221 : vector<16xi32>
    %sub3A_1223 = arith.constant 1 : i32
    %sub3A_1224 = vector.broadcast %sub3A_1223 : i32 to vector<16xi32>
    %sub3A_1225 = arith.subi %add3A_1222, %sub3A_1224 : vector<16xi32>
    %lt3A_1226 = arith.cmpi slt, %sub3A_1225, %convert_element_type3A_75 : vector<16xi32>
    %and3A_1227 = arith.andi %eq3A_1213, %lt3A_1226 : vector<16xi1>
    %add3A_1228 = arith.addi %add3A_1167, %masked_cumsum3A_1218 : vector<16xi32>
    %sub3A_1229 = arith.constant 1 : i32
    %sub3A_1230 = vector.broadcast %sub3A_1229 : i32 to vector<16xi32>
    %sub3A_1231 = arith.subi %add3A_1228, %sub3A_1230 : vector<16xi32>
    %add3A_1232 = arith.addi %convert_element_type3A, %sub3A_1225 : vector<16xi32>
    %add3A_1233 = arith.constant 2048 : i32
    %add3A_1234 = arith.addi %add3A_1233, %add3A : i32
    %broadcast_in_dim3A_1235 = vector.broadcast %add3A_1234 : i32 to vector<16xi32>
    %select_n3A_1236 = arith.select %and3A_1227, %add3A_1232, %broadcast_in_dim3A_1235 : vector<16xi1>, vector<16xi32>
    %select_n3A_1237 = arith.select %gt3A_1212, %sub3A_1231, %select_n3A_1236 : vector<16xi1>, vector<16xi32>
    %broadcast_in_dim3A_1238 = arith.constant 15 : i32
    %broadcast_in_dim3A_1239 = vector.broadcast %broadcast_in_dim3A_1238 : i32 to vector<16xi32>
    %broadcast_in_dim3A_1240 = vector.shape_cast %broadcast_in_dim3A_1239 : vector<16xi32> to vector<16x1xi32>
    %gather3A_1241 = vector.shape_cast %broadcast_in_dim3A_1240 : vector<16x1xi32> to vector<16xi32>
    %gather3A_1242 = tpu.dynamic_gather %masked_cumsum3A_1218[%gather3A_1241] in [0] : vector<16xi32>, vector<16xi32> -> vector<16xi32>
    %add3A_1243 = arith.addi %add3A_1167, %gather3A_1242 : vector<16xi32>
    %broadcast_in_dim3A_1244 = arith.constant 15 : i32
    %broadcast_in_dim3A_1245 = vector.broadcast %broadcast_in_dim3A_1244 : i32 to vector<16xi32>
    %broadcast_in_dim3A_1246 = vector.shape_cast %broadcast_in_dim3A_1245 : vector<16xi32> to vector<16x1xi32>
    %gather3A_1247 = vector.shape_cast %broadcast_in_dim3A_1246 : vector<16x1xi32> to vector<16xi32>
    %gather3A_1248 = tpu.dynamic_gather %masked_cumsum3A_1221[%gather3A_1247] in [0] : vector<16xi32>, vector<16xi32> -> vector<16xi32>
    %add3A_1249 = arith.addi %add3A_1173, %gather3A_1248 : vector<16xi32>
    %add3A_1250 = arith.constant 224 : i32
    %add3A_1251 = vector.broadcast %add3A_1250 : i32 to vector<16xi32>
    %add3A_1252 = arith.addi %add3A_1251, %iota3A : vector<16xi32>
    %add3A_1253 = vector.broadcast %mul3A_2 : i32 to vector<16xi32>
    %add3A_1254 = arith.addi %add3A_1253, %add3A_1252 : vector<16xi32>
    %convert_element_type3A_1255 = arith.sitofp %add3A_1254 : vector<16xi32> to vector<16xf32>
    %get3A_1256 = arith.constant 224 : index
    %get3A_1257 = tpu.vector_load %arg8[%get3A_1256] {strides = array<i32>} : memref<2560xf32, #tpu.memory_space<vmem>>, vector<16xf32>,
    %get3A_1258 = arith.constant 864 : index
    %get3A_1259 = tpu.vector_load %arg8[%get3A_1258] {strides = array<i32>} : memref<2560xf32, #tpu.memory_space<vmem>>, vector<16xf32>,
    %get3A_1260 = arith.constant 1504 : index
    %get3A_1261 = tpu.vector_load %arg8[%get3A_1260] {strides = array<i32>} : memref<2560xf32, #tpu.memory_space<vmem>>, vector<16xf32>,
    %get3A_1262 = arith.constant 2144 : index
    %get3A_1263 = tpu.vector_load %arg8[%get3A_1262] {strides = array<i32>} : memref<2560xf32, #tpu.memory_space<vmem>>, vector<16xf32>,
    %add3A_1264 = arith.constant 0 : i32
    %add3A_1265 = vector.broadcast %add3A_1264 : i32 to vector<16xi32>
    %add3A_1266 = arith.addi %broadcast_in_dim3A_77, %add3A_1265 : vector<16xi32>
    tpu.vector_store_idx %arg11[%add3A_1252, %add3A_1266], %get3A_1257 : memref<640x16xf32, #tpu.memory_space<vmem>>[vector<16xi32>, vector<16xi32>], vector<16xf32>,
    %add3A_1267 = arith.constant 1 : i32
    %add3A_1268 = vector.broadcast %add3A_1267 : i32 to vector<16xi32>
    %add3A_1269 = arith.addi %broadcast_in_dim3A_77, %add3A_1268 : vector<16xi32>
    tpu.vector_store_idx %arg11[%add3A_1252, %add3A_1269], %get3A_1259 : memref<640x16xf32, #tpu.memory_space<vmem>>[vector<16xi32>, vector<16xi32>], vector<16xf32>,
    %add3A_1270 = arith.constant 2 : i32
    %add3A_1271 = vector.broadcast %add3A_1270 : i32 to vector<16xi32>
    %add3A_1272 = arith.addi %broadcast_in_dim3A_77, %add3A_1271 : vector<16xi32>
    tpu.vector_store_idx %arg11[%add3A_1252, %add3A_1272], %get3A_1261 : memref<640x16xf32, #tpu.memory_space<vmem>>[vector<16xi32>, vector<16xi32>], vector<16xf32>,
    %add3A_1273 = arith.constant 3 : i32
    %add3A_1274 = vector.broadcast %add3A_1273 : i32 to vector<16xi32>
    %add3A_1275 = arith.addi %broadcast_in_dim3A_77, %add3A_1274 : vector<16xi32>
    tpu.vector_store_idx %arg11[%add3A_1252, %add3A_1275], %get3A_1263 : memref<640x16xf32, #tpu.memory_space<vmem>>[vector<16xi32>, vector<16xi32>], vector<16xf32>,
    %add3A_1276 = arith.constant 4 : i32
    %add3A_1277 = vector.broadcast %add3A_1276 : i32 to vector<16xi32>
    %add3A_1278 = arith.addi %broadcast_in_dim3A_77, %add3A_1277 : vector<16xi32>
    tpu.vector_store_idx %arg11[%add3A_1252, %add3A_1278], %get3A_1211 : memref<640x16xf32, #tpu.memory_space<vmem>>[vector<16xi32>, vector<16xi32>], vector<16xf32>,
    %add3A_1279 = arith.constant 5 : i32
    %add3A_1280 = vector.broadcast %add3A_1279 : i32 to vector<16xi32>
    %add3A_1281 = arith.addi %broadcast_in_dim3A_77, %add3A_1280 : vector<16xi32>
    tpu.vector_store_idx %arg11[%add3A_1252, %add3A_1281], %convert_element_type3A_1255 : memref<640x16xf32, #tpu.memory_space<vmem>>[vector<16xi32>, vector<16xi32>], vector<16xf32>,
    %swap3A_1282 = arith.constant 1 : i32
    %swap3A_1283 = arith.index_cast %swap3A_1282 : i32 to index
    %swap3A_1284 = arith.constant 96 : index
    %swap3A_1285 = tpu.vector_load %arg12[%swap3A_1283, %swap3A_1284] {strides = array<i32>} : memref<5x128xi32, #tpu.memory_space<vmem>>, vector<16xi32>,
    tpu.vector_store %arg12[%swap3A_1283, %swap3A_1284], %select_n3A_1237 {strides = array<i32>} : memref<5x128xi32, #tpu.memory_space<vmem>>, vector<16xi32>,
    %get3A_1286 = arith.constant 240 : index
    %get3A_1287 = tpu.vector_load %arg7[%get3A_1286] {strides = array<i32>} : memref<640xf32, #tpu.memory_space<vmem>>, vector<16xf32>,
    %gt3A_1288 = arith.cmpf ogt, %get3A_1287, %gather3A_64 : vector<16xf32>
    %eq3A_1289 = arith.cmpf oeq, %get3A_1287, %gather3A_64 : vector<16xf32>
    %convert_element_type3A_1290 = arith.extui %gt3A_1288 : vector<16xi1> to vector<16xi32>
    %convert_element_type3A_1291 = arith.extui %eq3A_1289 : vector<16xi1> to vector<16xi32>
    %broadcast_in_dim3A_1292 = arith.constant true
    %broadcast_in_dim3A_1293 = vector.broadcast %broadcast_in_dim3A_1292 : i1 to vector<16xi1>
    %masked_cumsum3A_1294 = tpu.scan <sum>, %convert_element_type3A_1290 masked %broadcast_in_dim3A_1293 : vector<16xi32>, vector<16xi1> -> vector<16xi32>
    %broadcast_in_dim3A_1295 = arith.constant true
    %broadcast_in_dim3A_1296 = vector.broadcast %broadcast_in_dim3A_1295 : i1 to vector<16xi1>
    %masked_cumsum3A_1297 = tpu.scan <sum>, %convert_element_type3A_1291 masked %broadcast_in_dim3A_1296 : vector<16xi32>, vector<16xi1> -> vector<16xi32>
    %add3A_1298 = arith.addi %add3A_1249, %masked_cumsum3A_1297 : vector<16xi32>
    %sub3A_1299 = arith.constant 1 : i32
    %sub3A_1300 = vector.broadcast %sub3A_1299 : i32 to vector<16xi32>
    %sub3A_1301 = arith.subi %add3A_1298, %sub3A_1300 : vector<16xi32>
    %lt3A_1302 = arith.cmpi slt, %sub3A_1301, %convert_element_type3A_75 : vector<16xi32>
    %and3A_1303 = arith.andi %eq3A_1289, %lt3A_1302 : vector<16xi1>
    %add3A_1304 = arith.addi %add3A_1243, %masked_cumsum3A_1294 : vector<16xi32>
    %sub3A_1305 = arith.constant 1 : i32
    %sub3A_1306 = vector.broadcast %sub3A_1305 : i32 to vector<16xi32>
    %sub3A_1307 = arith.subi %add3A_1304, %sub3A_1306 : vector<16xi32>
    %add3A_1308 = arith.addi %convert_element_type3A, %sub3A_1301 : vector<16xi32>
    %add3A_1309 = arith.constant 2048 : i32
    %add3A_1310 = arith.addi %add3A_1309, %add3A : i32
    %broadcast_in_dim3A_1311 = vector.broadcast %add3A_1310 : i32 to vector<16xi32>
    %select_n3A_1312 = arith.select %and3A_1303, %add3A_1308, %broadcast_in_dim3A_1311 : vector<16xi1>, vector<16xi32>
    %select_n3A_1313 = arith.select %gt3A_1288, %sub3A_1307, %select_n3A_1312 : vector<16xi1>, vector<16xi32>
    %broadcast_in_dim3A_1314 = arith.constant 15 : i32
    %broadcast_in_dim3A_1315 = vector.broadcast %broadcast_in_dim3A_1314 : i32 to vector<16xi32>
    %broadcast_in_dim3A_1316 = vector.shape_cast %broadcast_in_dim3A_1315 : vector<16xi32> to vector<16x1xi32>
    %gather3A_1317 = vector.shape_cast %broadcast_in_dim3A_1316 : vector<16x1xi32> to vector<16xi32>
    %gather3A_1318 = tpu.dynamic_gather %masked_cumsum3A_1294[%gather3A_1317] in [0] : vector<16xi32>, vector<16xi32> -> vector<16xi32>
    %add3A_1319 = arith.addi %add3A_1243, %gather3A_1318 : vector<16xi32>
    %broadcast_in_dim3A_1320 = arith.constant 15 : i32
    %broadcast_in_dim3A_1321 = vector.broadcast %broadcast_in_dim3A_1320 : i32 to vector<16xi32>
    %broadcast_in_dim3A_1322 = vector.shape_cast %broadcast_in_dim3A_1321 : vector<16xi32> to vector<16x1xi32>
    %gather3A_1323 = vector.shape_cast %broadcast_in_dim3A_1322 : vector<16x1xi32> to vector<16xi32>
    %gather3A_1324 = tpu.dynamic_gather %masked_cumsum3A_1297[%gather3A_1323] in [0] : vector<16xi32>, vector<16xi32> -> vector<16xi32>
    %add3A_1325 = arith.addi %add3A_1249, %gather3A_1324 : vector<16xi32>
    %add3A_1326 = arith.constant 240 : i32
    %add3A_1327 = vector.broadcast %add3A_1326 : i32 to vector<16xi32>
    %add3A_1328 = arith.addi %add3A_1327, %iota3A : vector<16xi32>
    %add3A_1329 = vector.broadcast %mul3A_2 : i32 to vector<16xi32>
    %add3A_1330 = arith.addi %add3A_1329, %add3A_1328 : vector<16xi32>
    %convert_element_type3A_1331 = arith.sitofp %add3A_1330 : vector<16xi32> to vector<16xf32>
    %get3A_1332 = arith.constant 240 : index
    %get3A_1333 = tpu.vector_load %arg8[%get3A_1332] {strides = array<i32>} : memref<2560xf32, #tpu.memory_space<vmem>>, vector<16xf32>,
    %get3A_1334 = arith.constant 880 : index
    %get3A_1335 = tpu.vector_load %arg8[%get3A_1334] {strides = array<i32>} : memref<2560xf32, #tpu.memory_space<vmem>>, vector<16xf32>,
    %get3A_1336 = arith.constant 1520 : index
    %get3A_1337 = tpu.vector_load %arg8[%get3A_1336] {strides = array<i32>} : memref<2560xf32, #tpu.memory_space<vmem>>, vector<16xf32>,
    %get3A_1338 = arith.constant 2160 : index
    %get3A_1339 = tpu.vector_load %arg8[%get3A_1338] {strides = array<i32>} : memref<2560xf32, #tpu.memory_space<vmem>>, vector<16xf32>,
    %add3A_1340 = arith.constant 0 : i32
    %add3A_1341 = vector.broadcast %add3A_1340 : i32 to vector<16xi32>
    %add3A_1342 = arith.addi %broadcast_in_dim3A_77, %add3A_1341 : vector<16xi32>
    tpu.vector_store_idx %arg11[%add3A_1328, %add3A_1342], %get3A_1333 : memref<640x16xf32, #tpu.memory_space<vmem>>[vector<16xi32>, vector<16xi32>], vector<16xf32>,
    %add3A_1343 = arith.constant 1 : i32
    %add3A_1344 = vector.broadcast %add3A_1343 : i32 to vector<16xi32>
    %add3A_1345 = arith.addi %broadcast_in_dim3A_77, %add3A_1344 : vector<16xi32>
    tpu.vector_store_idx %arg11[%add3A_1328, %add3A_1345], %get3A_1335 : memref<640x16xf32, #tpu.memory_space<vmem>>[vector<16xi32>, vector<16xi32>], vector<16xf32>,
    %add3A_1346 = arith.constant 2 : i32
    %add3A_1347 = vector.broadcast %add3A_1346 : i32 to vector<16xi32>
    %add3A_1348 = arith.addi %broadcast_in_dim3A_77, %add3A_1347 : vector<16xi32>
    tpu.vector_store_idx %arg11[%add3A_1328, %add3A_1348], %get3A_1337 : memref<640x16xf32, #tpu.memory_space<vmem>>[vector<16xi32>, vector<16xi32>], vector<16xf32>,
    %add3A_1349 = arith.constant 3 : i32
    %add3A_1350 = vector.broadcast %add3A_1349 : i32 to vector<16xi32>
    %add3A_1351 = arith.addi %broadcast_in_dim3A_77, %add3A_1350 : vector<16xi32>
    tpu.vector_store_idx %arg11[%add3A_1328, %add3A_1351], %get3A_1339 : memref<640x16xf32, #tpu.memory_space<vmem>>[vector<16xi32>, vector<16xi32>], vector<16xf32>,
    %add3A_1352 = arith.constant 4 : i32
    %add3A_1353 = vector.broadcast %add3A_1352 : i32 to vector<16xi32>
    %add3A_1354 = arith.addi %broadcast_in_dim3A_77, %add3A_1353 : vector<16xi32>
    tpu.vector_store_idx %arg11[%add3A_1328, %add3A_1354], %get3A_1287 : memref<640x16xf32, #tpu.memory_space<vmem>>[vector<16xi32>, vector<16xi32>], vector<16xf32>,
    %add3A_1355 = arith.constant 5 : i32
    %add3A_1356 = vector.broadcast %add3A_1355 : i32 to vector<16xi32>
    %add3A_1357 = arith.addi %broadcast_in_dim3A_77, %add3A_1356 : vector<16xi32>
    tpu.vector_store_idx %arg11[%add3A_1328, %add3A_1357], %convert_element_type3A_1331 : memref<640x16xf32, #tpu.memory_space<vmem>>[vector<16xi32>, vector<16xi32>], vector<16xf32>,
    %swap3A_1358 = arith.constant 1 : i32
    %swap3A_1359 = arith.index_cast %swap3A_1358 : i32 to index
    %swap3A_1360 = arith.constant 112 : index
    %swap3A_1361 = tpu.vector_load %arg12[%swap3A_1359, %swap3A_1360] {strides = array<i32>} : memref<5x128xi32, #tpu.memory_space<vmem>>, vector<16xi32>,
    tpu.vector_store %arg12[%swap3A_1359, %swap3A_1360], %select_n3A_1313 {strides = array<i32>} : memref<5x128xi32, #tpu.memory_space<vmem>>, vector<16xi32>,
    %get3A_1362 = arith.constant 256 : index
    %get3A_1363 = tpu.vector_load %arg7[%get3A_1362] {strides = array<i32>} : memref<640xf32, #tpu.memory_space<vmem>>, vector<16xf32>,
    %gt3A_1364 = arith.cmpf ogt, %get3A_1363, %gather3A_64 : vector<16xf32>
    %eq3A_1365 = arith.cmpf oeq, %get3A_1363, %gather3A_64 : vector<16xf32>
    %convert_element_type3A_1366 = arith.extui %gt3A_1364 : vector<16xi1> to vector<16xi32>
    %convert_element_type3A_1367 = arith.extui %eq3A_1365 : vector<16xi1> to vector<16xi32>
    %broadcast_in_dim3A_1368 = arith.constant true
    %broadcast_in_dim3A_1369 = vector.broadcast %broadcast_in_dim3A_1368 : i1 to vector<16xi1>
    %masked_cumsum3A_1370 = tpu.scan <sum>, %convert_element_type3A_1366 masked %broadcast_in_dim3A_1369 : vector<16xi32>, vector<16xi1> -> vector<16xi32>
    %broadcast_in_dim3A_1371 = arith.constant true
    %broadcast_in_dim3A_1372 = vector.broadcast %broadcast_in_dim3A_1371 : i1 to vector<16xi1>
    %masked_cumsum3A_1373 = tpu.scan <sum>, %convert_element_type3A_1367 masked %broadcast_in_dim3A_1372 : vector<16xi32>, vector<16xi1> -> vector<16xi32>
    %add3A_1374 = arith.addi %add3A_1325, %masked_cumsum3A_1373 : vector<16xi32>
    %sub3A_1375 = arith.constant 1 : i32
    %sub3A_1376 = vector.broadcast %sub3A_1375 : i32 to vector<16xi32>
    %sub3A_1377 = arith.subi %add3A_1374, %sub3A_1376 : vector<16xi32>
    %lt3A_1378 = arith.cmpi slt, %sub3A_1377, %convert_element_type3A_75 : vector<16xi32>
    %and3A_1379 = arith.andi %eq3A_1365, %lt3A_1378 : vector<16xi1>
    %add3A_1380 = arith.addi %add3A_1319, %masked_cumsum3A_1370 : vector<16xi32>
    %sub3A_1381 = arith.constant 1 : i32
    %sub3A_1382 = vector.broadcast %sub3A_1381 : i32 to vector<16xi32>
    %sub3A_1383 = arith.subi %add3A_1380, %sub3A_1382 : vector<16xi32>
    %add3A_1384 = arith.addi %convert_element_type3A, %sub3A_1377 : vector<16xi32>
    %add3A_1385 = arith.constant 2048 : i32
    %add3A_1386 = arith.addi %add3A_1385, %add3A : i32
    %broadcast_in_dim3A_1387 = vector.broadcast %add3A_1386 : i32 to vector<16xi32>
    %select_n3A_1388 = arith.select %and3A_1379, %add3A_1384, %broadcast_in_dim3A_1387 : vector<16xi1>, vector<16xi32>
    %select_n3A_1389 = arith.select %gt3A_1364, %sub3A_1383, %select_n3A_1388 : vector<16xi1>, vector<16xi32>
    %broadcast_in_dim3A_1390 = arith.constant 15 : i32
    %broadcast_in_dim3A_1391 = vector.broadcast %broadcast_in_dim3A_1390 : i32 to vector<16xi32>
    %broadcast_in_dim3A_1392 = vector.shape_cast %broadcast_in_dim3A_1391 : vector<16xi32> to vector<16x1xi32>
    %gather3A_1393 = vector.shape_cast %broadcast_in_dim3A_1392 : vector<16x1xi32> to vector<16xi32>
    %gather3A_1394 = tpu.dynamic_gather %masked_cumsum3A_1370[%gather3A_1393] in [0] : vector<16xi32>, vector<16xi32> -> vector<16xi32>
    %add3A_1395 = arith.addi %add3A_1319, %gather3A_1394 : vector<16xi32>
    %broadcast_in_dim3A_1396 = arith.constant 15 : i32
    %broadcast_in_dim3A_1397 = vector.broadcast %broadcast_in_dim3A_1396 : i32 to vector<16xi32>
    %broadcast_in_dim3A_1398 = vector.shape_cast %broadcast_in_dim3A_1397 : vector<16xi32> to vector<16x1xi32>
    %gather3A_1399 = vector.shape_cast %broadcast_in_dim3A_1398 : vector<16x1xi32> to vector<16xi32>
    %gather3A_1400 = tpu.dynamic_gather %masked_cumsum3A_1373[%gather3A_1399] in [0] : vector<16xi32>, vector<16xi32> -> vector<16xi32>
    %add3A_1401 = arith.addi %add3A_1325, %gather3A_1400 : vector<16xi32>
    %add3A_1402 = arith.constant 256 : i32
    %add3A_1403 = vector.broadcast %add3A_1402 : i32 to vector<16xi32>
    %add3A_1404 = arith.addi %add3A_1403, %iota3A : vector<16xi32>
    %add3A_1405 = vector.broadcast %mul3A_2 : i32 to vector<16xi32>
    %add3A_1406 = arith.addi %add3A_1405, %add3A_1404 : vector<16xi32>
    %convert_element_type3A_1407 = arith.sitofp %add3A_1406 : vector<16xi32> to vector<16xf32>
    %get3A_1408 = arith.constant 256 : index
    %get3A_1409 = tpu.vector_load %arg8[%get3A_1408] {strides = array<i32>} : memref<2560xf32, #tpu.memory_space<vmem>>, vector<16xf32>,
    %get3A_1410 = arith.constant 896 : index
    %get3A_1411 = tpu.vector_load %arg8[%get3A_1410] {strides = array<i32>} : memref<2560xf32, #tpu.memory_space<vmem>>, vector<16xf32>,
    %get3A_1412 = arith.constant 1536 : index
    %get3A_1413 = tpu.vector_load %arg8[%get3A_1412] {strides = array<i32>} : memref<2560xf32, #tpu.memory_space<vmem>>, vector<16xf32>,
    %get3A_1414 = arith.constant 2176 : index
    %get3A_1415 = tpu.vector_load %arg8[%get3A_1414] {strides = array<i32>} : memref<2560xf32, #tpu.memory_space<vmem>>, vector<16xf32>,
    %add3A_1416 = arith.constant 0 : i32
    %add3A_1417 = vector.broadcast %add3A_1416 : i32 to vector<16xi32>
    %add3A_1418 = arith.addi %broadcast_in_dim3A_77, %add3A_1417 : vector<16xi32>
    tpu.vector_store_idx %arg11[%add3A_1404, %add3A_1418], %get3A_1409 : memref<640x16xf32, #tpu.memory_space<vmem>>[vector<16xi32>, vector<16xi32>], vector<16xf32>,
    %add3A_1419 = arith.constant 1 : i32
    %add3A_1420 = vector.broadcast %add3A_1419 : i32 to vector<16xi32>
    %add3A_1421 = arith.addi %broadcast_in_dim3A_77, %add3A_1420 : vector<16xi32>
    tpu.vector_store_idx %arg11[%add3A_1404, %add3A_1421], %get3A_1411 : memref<640x16xf32, #tpu.memory_space<vmem>>[vector<16xi32>, vector<16xi32>], vector<16xf32>,
    %add3A_1422 = arith.constant 2 : i32
    %add3A_1423 = vector.broadcast %add3A_1422 : i32 to vector<16xi32>
    %add3A_1424 = arith.addi %broadcast_in_dim3A_77, %add3A_1423 : vector<16xi32>
    tpu.vector_store_idx %arg11[%add3A_1404, %add3A_1424], %get3A_1413 : memref<640x16xf32, #tpu.memory_space<vmem>>[vector<16xi32>, vector<16xi32>], vector<16xf32>,
    %add3A_1425 = arith.constant 3 : i32
    %add3A_1426 = vector.broadcast %add3A_1425 : i32 to vector<16xi32>
    %add3A_1427 = arith.addi %broadcast_in_dim3A_77, %add3A_1426 : vector<16xi32>
    tpu.vector_store_idx %arg11[%add3A_1404, %add3A_1427], %get3A_1415 : memref<640x16xf32, #tpu.memory_space<vmem>>[vector<16xi32>, vector<16xi32>], vector<16xf32>,
    %add3A_1428 = arith.constant 4 : i32
    %add3A_1429 = vector.broadcast %add3A_1428 : i32 to vector<16xi32>
    %add3A_1430 = arith.addi %broadcast_in_dim3A_77, %add3A_1429 : vector<16xi32>
    tpu.vector_store_idx %arg11[%add3A_1404, %add3A_1430], %get3A_1363 : memref<640x16xf32, #tpu.memory_space<vmem>>[vector<16xi32>, vector<16xi32>], vector<16xf32>,
    %add3A_1431 = arith.constant 5 : i32
    %add3A_1432 = vector.broadcast %add3A_1431 : i32 to vector<16xi32>
    %add3A_1433 = arith.addi %broadcast_in_dim3A_77, %add3A_1432 : vector<16xi32>
    tpu.vector_store_idx %arg11[%add3A_1404, %add3A_1433], %convert_element_type3A_1407 : memref<640x16xf32, #tpu.memory_space<vmem>>[vector<16xi32>, vector<16xi32>], vector<16xf32>,
    %swap3A_1434 = arith.constant 2 : i32
    %swap3A_1435 = arith.index_cast %swap3A_1434 : i32 to index
    %swap3A_1436 = arith.constant 0 : index
    %swap3A_1437 = tpu.vector_load %arg12[%swap3A_1435, %swap3A_1436] {strides = array<i32>} : memref<5x128xi32, #tpu.memory_space<vmem>>, vector<16xi32>,
    tpu.vector_store %arg12[%swap3A_1435, %swap3A_1436], %select_n3A_1389 {strides = array<i32>} : memref<5x128xi32, #tpu.memory_space<vmem>>, vector<16xi32>,
    %get3A_1438 = arith.constant 272 : index
    %get3A_1439 = tpu.vector_load %arg7[%get3A_1438] {strides = array<i32>} : memref<640xf32, #tpu.memory_space<vmem>>, vector<16xf32>,
    %gt3A_1440 = arith.cmpf ogt, %get3A_1439, %gather3A_64 : vector<16xf32>
    %eq3A_1441 = arith.cmpf oeq, %get3A_1439, %gather3A_64 : vector<16xf32>
    %convert_element_type3A_1442 = arith.extui %gt3A_1440 : vector<16xi1> to vector<16xi32>
    %convert_element_type3A_1443 = arith.extui %eq3A_1441 : vector<16xi1> to vector<16xi32>
    %broadcast_in_dim3A_1444 = arith.constant true
    %broadcast_in_dim3A_1445 = vector.broadcast %broadcast_in_dim3A_1444 : i1 to vector<16xi1>
    %masked_cumsum3A_1446 = tpu.scan <sum>, %convert_element_type3A_1442 masked %broadcast_in_dim3A_1445 : vector<16xi32>, vector<16xi1> -> vector<16xi32>
    %broadcast_in_dim3A_1447 = arith.constant true
    %broadcast_in_dim3A_1448 = vector.broadcast %broadcast_in_dim3A_1447 : i1 to vector<16xi1>
    %masked_cumsum3A_1449 = tpu.scan <sum>, %convert_element_type3A_1443 masked %broadcast_in_dim3A_1448 : vector<16xi32>, vector<16xi1> -> vector<16xi32>
    %add3A_1450 = arith.addi %add3A_1401, %masked_cumsum3A_1449 : vector<16xi32>
    %sub3A_1451 = arith.constant 1 : i32
    %sub3A_1452 = vector.broadcast %sub3A_1451 : i32 to vector<16xi32>
    %sub3A_1453 = arith.subi %add3A_1450, %sub3A_1452 : vector<16xi32>
    %lt3A_1454 = arith.cmpi slt, %sub3A_1453, %convert_element_type3A_75 : vector<16xi32>
    %and3A_1455 = arith.andi %eq3A_1441, %lt3A_1454 : vector<16xi1>
    %add3A_1456 = arith.addi %add3A_1395, %masked_cumsum3A_1446 : vector<16xi32>
    %sub3A_1457 = arith.constant 1 : i32
    %sub3A_1458 = vector.broadcast %sub3A_1457 : i32 to vector<16xi32>
    %sub3A_1459 = arith.subi %add3A_1456, %sub3A_1458 : vector<16xi32>
    %add3A_1460 = arith.addi %convert_element_type3A, %sub3A_1453 : vector<16xi32>
    %add3A_1461 = arith.constant 2048 : i32
    %add3A_1462 = arith.addi %add3A_1461, %add3A : i32
    %broadcast_in_dim3A_1463 = vector.broadcast %add3A_1462 : i32 to vector<16xi32>
    %select_n3A_1464 = arith.select %and3A_1455, %add3A_1460, %broadcast_in_dim3A_1463 : vector<16xi1>, vector<16xi32>
    %select_n3A_1465 = arith.select %gt3A_1440, %sub3A_1459, %select_n3A_1464 : vector<16xi1>, vector<16xi32>
    %broadcast_in_dim3A_1466 = arith.constant 15 : i32
    %broadcast_in_dim3A_1467 = vector.broadcast %broadcast_in_dim3A_1466 : i32 to vector<16xi32>
    %broadcast_in_dim3A_1468 = vector.shape_cast %broadcast_in_dim3A_1467 : vector<16xi32> to vector<16x1xi32>
    %gather3A_1469 = vector.shape_cast %broadcast_in_dim3A_1468 : vector<16x1xi32> to vector<16xi32>
    %gather3A_1470 = tpu.dynamic_gather %masked_cumsum3A_1446[%gather3A_1469] in [0] : vector<16xi32>, vector<16xi32> -> vector<16xi32>
    %add3A_1471 = arith.addi %add3A_1395, %gather3A_1470 : vector<16xi32>
    %broadcast_in_dim3A_1472 = arith.constant 15 : i32
    %broadcast_in_dim3A_1473 = vector.broadcast %broadcast_in_dim3A_1472 : i32 to vector<16xi32>
    %broadcast_in_dim3A_1474 = vector.shape_cast %broadcast_in_dim3A_1473 : vector<16xi32> to vector<16x1xi32>
    %gather3A_1475 = vector.shape_cast %broadcast_in_dim3A_1474 : vector<16x1xi32> to vector<16xi32>
    %gather3A_1476 = tpu.dynamic_gather %masked_cumsum3A_1449[%gather3A_1475] in [0] : vector<16xi32>, vector<16xi32> -> vector<16xi32>
    %add3A_1477 = arith.addi %add3A_1401, %gather3A_1476 : vector<16xi32>
    %add3A_1478 = arith.constant 272 : i32
    %add3A_1479 = vector.broadcast %add3A_1478 : i32 to vector<16xi32>
    %add3A_1480 = arith.addi %add3A_1479, %iota3A : vector<16xi32>
    %add3A_1481 = vector.broadcast %mul3A_2 : i32 to vector<16xi32>
    %add3A_1482 = arith.addi %add3A_1481, %add3A_1480 : vector<16xi32>
    %convert_element_type3A_1483 = arith.sitofp %add3A_1482 : vector<16xi32> to vector<16xf32>
    %get3A_1484 = arith.constant 272 : index
    %get3A_1485 = tpu.vector_load %arg8[%get3A_1484] {strides = array<i32>} : memref<2560xf32, #tpu.memory_space<vmem>>, vector<16xf32>,
    %get3A_1486 = arith.constant 912 : index
    %get3A_1487 = tpu.vector_load %arg8[%get3A_1486] {strides = array<i32>} : memref<2560xf32, #tpu.memory_space<vmem>>, vector<16xf32>,
    %get3A_1488 = arith.constant 1552 : index
    %get3A_1489 = tpu.vector_load %arg8[%get3A_1488] {strides = array<i32>} : memref<2560xf32, #tpu.memory_space<vmem>>, vector<16xf32>,
    %get3A_1490 = arith.constant 2192 : index
    %get3A_1491 = tpu.vector_load %arg8[%get3A_1490] {strides = array<i32>} : memref<2560xf32, #tpu.memory_space<vmem>>, vector<16xf32>,
    %add3A_1492 = arith.constant 0 : i32
    %add3A_1493 = vector.broadcast %add3A_1492 : i32 to vector<16xi32>
    %add3A_1494 = arith.addi %broadcast_in_dim3A_77, %add3A_1493 : vector<16xi32>
    tpu.vector_store_idx %arg11[%add3A_1480, %add3A_1494], %get3A_1485 : memref<640x16xf32, #tpu.memory_space<vmem>>[vector<16xi32>, vector<16xi32>], vector<16xf32>,
    %add3A_1495 = arith.constant 1 : i32
    %add3A_1496 = vector.broadcast %add3A_1495 : i32 to vector<16xi32>
    %add3A_1497 = arith.addi %broadcast_in_dim3A_77, %add3A_1496 : vector<16xi32>
    tpu.vector_store_idx %arg11[%add3A_1480, %add3A_1497], %get3A_1487 : memref<640x16xf32, #tpu.memory_space<vmem>>[vector<16xi32>, vector<16xi32>], vector<16xf32>,
    %add3A_1498 = arith.constant 2 : i32
    %add3A_1499 = vector.broadcast %add3A_1498 : i32 to vector<16xi32>
    %add3A_1500 = arith.addi %broadcast_in_dim3A_77, %add3A_1499 : vector<16xi32>
    tpu.vector_store_idx %arg11[%add3A_1480, %add3A_1500], %get3A_1489 : memref<640x16xf32, #tpu.memory_space<vmem>>[vector<16xi32>, vector<16xi32>], vector<16xf32>,
    %add3A_1501 = arith.constant 3 : i32
    %add3A_1502 = vector.broadcast %add3A_1501 : i32 to vector<16xi32>
    %add3A_1503 = arith.addi %broadcast_in_dim3A_77, %add3A_1502 : vector<16xi32>
    tpu.vector_store_idx %arg11[%add3A_1480, %add3A_1503], %get3A_1491 : memref<640x16xf32, #tpu.memory_space<vmem>>[vector<16xi32>, vector<16xi32>], vector<16xf32>,
    %add3A_1504 = arith.constant 4 : i32
    %add3A_1505 = vector.broadcast %add3A_1504 : i32 to vector<16xi32>
    %add3A_1506 = arith.addi %broadcast_in_dim3A_77, %add3A_1505 : vector<16xi32>
    tpu.vector_store_idx %arg11[%add3A_1480, %add3A_1506], %get3A_1439 : memref<640x16xf32, #tpu.memory_space<vmem>>[vector<16xi32>, vector<16xi32>], vector<16xf32>,
    %add3A_1507 = arith.constant 5 : i32
    %add3A_1508 = vector.broadcast %add3A_1507 : i32 to vector<16xi32>
    %add3A_1509 = arith.addi %broadcast_in_dim3A_77, %add3A_1508 : vector<16xi32>
    tpu.vector_store_idx %arg11[%add3A_1480, %add3A_1509], %convert_element_type3A_1483 : memref<640x16xf32, #tpu.memory_space<vmem>>[vector<16xi32>, vector<16xi32>], vector<16xf32>,
    %swap3A_1510 = arith.constant 2 : i32
    %swap3A_1511 = arith.index_cast %swap3A_1510 : i32 to index
    %swap3A_1512 = arith.constant 16 : index
    %swap3A_1513 = tpu.vector_load %arg12[%swap3A_1511, %swap3A_1512] {strides = array<i32>} : memref<5x128xi32, #tpu.memory_space<vmem>>, vector<16xi32>,
    tpu.vector_store %arg12[%swap3A_1511, %swap3A_1512], %select_n3A_1465 {strides = array<i32>} : memref<5x128xi32, #tpu.memory_space<vmem>>, vector<16xi32>,
    %get3A_1514 = arith.constant 288 : index
    %get3A_1515 = tpu.vector_load %arg7[%get3A_1514] {strides = array<i32>} : memref<640xf32, #tpu.memory_space<vmem>>, vector<16xf32>,
    %gt3A_1516 = arith.cmpf ogt, %get3A_1515, %gather3A_64 : vector<16xf32>
    %eq3A_1517 = arith.cmpf oeq, %get3A_1515, %gather3A_64 : vector<16xf32>
    %convert_element_type3A_1518 = arith.extui %gt3A_1516 : vector<16xi1> to vector<16xi32>
    %convert_element_type3A_1519 = arith.extui %eq3A_1517 : vector<16xi1> to vector<16xi32>
    %broadcast_in_dim3A_1520 = arith.constant true
    %broadcast_in_dim3A_1521 = vector.broadcast %broadcast_in_dim3A_1520 : i1 to vector<16xi1>
    %masked_cumsum3A_1522 = tpu.scan <sum>, %convert_element_type3A_1518 masked %broadcast_in_dim3A_1521 : vector<16xi32>, vector<16xi1> -> vector<16xi32>
    %broadcast_in_dim3A_1523 = arith.constant true
    %broadcast_in_dim3A_1524 = vector.broadcast %broadcast_in_dim3A_1523 : i1 to vector<16xi1>
    %masked_cumsum3A_1525 = tpu.scan <sum>, %convert_element_type3A_1519 masked %broadcast_in_dim3A_1524 : vector<16xi32>, vector<16xi1> -> vector<16xi32>
    %add3A_1526 = arith.addi %add3A_1477, %masked_cumsum3A_1525 : vector<16xi32>
    %sub3A_1527 = arith.constant 1 : i32
    %sub3A_1528 = vector.broadcast %sub3A_1527 : i32 to vector<16xi32>
    %sub3A_1529 = arith.subi %add3A_1526, %sub3A_1528 : vector<16xi32>
    %lt3A_1530 = arith.cmpi slt, %sub3A_1529, %convert_element_type3A_75 : vector<16xi32>
    %and3A_1531 = arith.andi %eq3A_1517, %lt3A_1530 : vector<16xi1>
    %add3A_1532 = arith.addi %add3A_1471, %masked_cumsum3A_1522 : vector<16xi32>
    %sub3A_1533 = arith.constant 1 : i32
    %sub3A_1534 = vector.broadcast %sub3A_1533 : i32 to vector<16xi32>
    %sub3A_1535 = arith.subi %add3A_1532, %sub3A_1534 : vector<16xi32>
    %add3A_1536 = arith.addi %convert_element_type3A, %sub3A_1529 : vector<16xi32>
    %add3A_1537 = arith.constant 2048 : i32
    %add3A_1538 = arith.addi %add3A_1537, %add3A : i32
    %broadcast_in_dim3A_1539 = vector.broadcast %add3A_1538 : i32 to vector<16xi32>
    %select_n3A_1540 = arith.select %and3A_1531, %add3A_1536, %broadcast_in_dim3A_1539 : vector<16xi1>, vector<16xi32>
    %select_n3A_1541 = arith.select %gt3A_1516, %sub3A_1535, %select_n3A_1540 : vector<16xi1>, vector<16xi32>
    %broadcast_in_dim3A_1542 = arith.constant 15 : i32
    %broadcast_in_dim3A_1543 = vector.broadcast %broadcast_in_dim3A_1542 : i32 to vector<16xi32>
    %broadcast_in_dim3A_1544 = vector.shape_cast %broadcast_in_dim3A_1543 : vector<16xi32> to vector<16x1xi32>
    %gather3A_1545 = vector.shape_cast %broadcast_in_dim3A_1544 : vector<16x1xi32> to vector<16xi32>
    %gather3A_1546 = tpu.dynamic_gather %masked_cumsum3A_1522[%gather3A_1545] in [0] : vector<16xi32>, vector<16xi32> -> vector<16xi32>
    %add3A_1547 = arith.addi %add3A_1471, %gather3A_1546 : vector<16xi32>
    %broadcast_in_dim3A_1548 = arith.constant 15 : i32
    %broadcast_in_dim3A_1549 = vector.broadcast %broadcast_in_dim3A_1548 : i32 to vector<16xi32>
    %broadcast_in_dim3A_1550 = vector.shape_cast %broadcast_in_dim3A_1549 : vector<16xi32> to vector<16x1xi32>
    %gather3A_1551 = vector.shape_cast %broadcast_in_dim3A_1550 : vector<16x1xi32> to vector<16xi32>
    %gather3A_1552 = tpu.dynamic_gather %masked_cumsum3A_1525[%gather3A_1551] in [0] : vector<16xi32>, vector<16xi32> -> vector<16xi32>
    %add3A_1553 = arith.addi %add3A_1477, %gather3A_1552 : vector<16xi32>
    %add3A_1554 = arith.constant 288 : i32
    %add3A_1555 = vector.broadcast %add3A_1554 : i32 to vector<16xi32>
    %add3A_1556 = arith.addi %add3A_1555, %iota3A : vector<16xi32>
    %add3A_1557 = vector.broadcast %mul3A_2 : i32 to vector<16xi32>
    %add3A_1558 = arith.addi %add3A_1557, %add3A_1556 : vector<16xi32>
    %convert_element_type3A_1559 = arith.sitofp %add3A_1558 : vector<16xi32> to vector<16xf32>
    %get3A_1560 = arith.constant 288 : index
    %get3A_1561 = tpu.vector_load %arg8[%get3A_1560] {strides = array<i32>} : memref<2560xf32, #tpu.memory_space<vmem>>, vector<16xf32>,
    %get3A_1562 = arith.constant 928 : index
    %get3A_1563 = tpu.vector_load %arg8[%get3A_1562] {strides = array<i32>} : memref<2560xf32, #tpu.memory_space<vmem>>, vector<16xf32>,
    %get3A_1564 = arith.constant 1568 : index
    %get3A_1565 = tpu.vector_load %arg8[%get3A_1564] {strides = array<i32>} : memref<2560xf32, #tpu.memory_space<vmem>>, vector<16xf32>,
    %get3A_1566 = arith.constant 2208 : index
    %get3A_1567 = tpu.vector_load %arg8[%get3A_1566] {strides = array<i32>} : memref<2560xf32, #tpu.memory_space<vmem>>, vector<16xf32>,
    %add3A_1568 = arith.constant 0 : i32
    %add3A_1569 = vector.broadcast %add3A_1568 : i32 to vector<16xi32>
    %add3A_1570 = arith.addi %broadcast_in_dim3A_77, %add3A_1569 : vector<16xi32>
    tpu.vector_store_idx %arg11[%add3A_1556, %add3A_1570], %get3A_1561 : memref<640x16xf32, #tpu.memory_space<vmem>>[vector<16xi32>, vector<16xi32>], vector<16xf32>,
    %add3A_1571 = arith.constant 1 : i32
    %add3A_1572 = vector.broadcast %add3A_1571 : i32 to vector<16xi32>
    %add3A_1573 = arith.addi %broadcast_in_dim3A_77, %add3A_1572 : vector<16xi32>
    tpu.vector_store_idx %arg11[%add3A_1556, %add3A_1573], %get3A_1563 : memref<640x16xf32, #tpu.memory_space<vmem>>[vector<16xi32>, vector<16xi32>], vector<16xf32>,
    %add3A_1574 = arith.constant 2 : i32
    %add3A_1575 = vector.broadcast %add3A_1574 : i32 to vector<16xi32>
    %add3A_1576 = arith.addi %broadcast_in_dim3A_77, %add3A_1575 : vector<16xi32>
    tpu.vector_store_idx %arg11[%add3A_1556, %add3A_1576], %get3A_1565 : memref<640x16xf32, #tpu.memory_space<vmem>>[vector<16xi32>, vector<16xi32>], vector<16xf32>,
    %add3A_1577 = arith.constant 3 : i32
    %add3A_1578 = vector.broadcast %add3A_1577 : i32 to vector<16xi32>
    %add3A_1579 = arith.addi %broadcast_in_dim3A_77, %add3A_1578 : vector<16xi32>
    tpu.vector_store_idx %arg11[%add3A_1556, %add3A_1579], %get3A_1567 : memref<640x16xf32, #tpu.memory_space<vmem>>[vector<16xi32>, vector<16xi32>], vector<16xf32>,
    %add3A_1580 = arith.constant 4 : i32
    %add3A_1581 = vector.broadcast %add3A_1580 : i32 to vector<16xi32>
    %add3A_1582 = arith.addi %broadcast_in_dim3A_77, %add3A_1581 : vector<16xi32>
    tpu.vector_store_idx %arg11[%add3A_1556, %add3A_1582], %get3A_1515 : memref<640x16xf32, #tpu.memory_space<vmem>>[vector<16xi32>, vector<16xi32>], vector<16xf32>,
    %add3A_1583 = arith.constant 5 : i32
    %add3A_1584 = vector.broadcast %add3A_1583 : i32 to vector<16xi32>
    %add3A_1585 = arith.addi %broadcast_in_dim3A_77, %add3A_1584 : vector<16xi32>
    tpu.vector_store_idx %arg11[%add3A_1556, %add3A_1585], %convert_element_type3A_1559 : memref<640x16xf32, #tpu.memory_space<vmem>>[vector<16xi32>, vector<16xi32>], vector<16xf32>,
    %swap3A_1586 = arith.constant 2 : i32
    %swap3A_1587 = arith.index_cast %swap3A_1586 : i32 to index
    %swap3A_1588 = arith.constant 32 : index
    %swap3A_1589 = tpu.vector_load %arg12[%swap3A_1587, %swap3A_1588] {strides = array<i32>} : memref<5x128xi32, #tpu.memory_space<vmem>>, vector<16xi32>,
    tpu.vector_store %arg12[%swap3A_1587, %swap3A_1588], %select_n3A_1541 {strides = array<i32>} : memref<5x128xi32, #tpu.memory_space<vmem>>, vector<16xi32>,
    %get3A_1590 = arith.constant 304 : index
    %get3A_1591 = tpu.vector_load %arg7[%get3A_1590] {strides = array<i32>} : memref<640xf32, #tpu.memory_space<vmem>>, vector<16xf32>,
    %gt3A_1592 = arith.cmpf ogt, %get3A_1591, %gather3A_64 : vector<16xf32>
    %eq3A_1593 = arith.cmpf oeq, %get3A_1591, %gather3A_64 : vector<16xf32>
    %convert_element_type3A_1594 = arith.extui %gt3A_1592 : vector<16xi1> to vector<16xi32>
    %convert_element_type3A_1595 = arith.extui %eq3A_1593 : vector<16xi1> to vector<16xi32>
    %broadcast_in_dim3A_1596 = arith.constant true
    %broadcast_in_dim3A_1597 = vector.broadcast %broadcast_in_dim3A_1596 : i1 to vector<16xi1>
    %masked_cumsum3A_1598 = tpu.scan <sum>, %convert_element_type3A_1594 masked %broadcast_in_dim3A_1597 : vector<16xi32>, vector<16xi1> -> vector<16xi32>
    %broadcast_in_dim3A_1599 = arith.constant true
    %broadcast_in_dim3A_1600 = vector.broadcast %broadcast_in_dim3A_1599 : i1 to vector<16xi1>
    %masked_cumsum3A_1601 = tpu.scan <sum>, %convert_element_type3A_1595 masked %broadcast_in_dim3A_1600 : vector<16xi32>, vector<16xi1> -> vector<16xi32>
    %add3A_1602 = arith.addi %add3A_1553, %masked_cumsum3A_1601 : vector<16xi32>
    %sub3A_1603 = arith.constant 1 : i32
    %sub3A_1604 = vector.broadcast %sub3A_1603 : i32 to vector<16xi32>
    %sub3A_1605 = arith.subi %add3A_1602, %sub3A_1604 : vector<16xi32>
    %lt3A_1606 = arith.cmpi slt, %sub3A_1605, %convert_element_type3A_75 : vector<16xi32>
    %and3A_1607 = arith.andi %eq3A_1593, %lt3A_1606 : vector<16xi1>
    %add3A_1608 = arith.addi %add3A_1547, %masked_cumsum3A_1598 : vector<16xi32>
    %sub3A_1609 = arith.constant 1 : i32
    %sub3A_1610 = vector.broadcast %sub3A_1609 : i32 to vector<16xi32>
    %sub3A_1611 = arith.subi %add3A_1608, %sub3A_1610 : vector<16xi32>
    %add3A_1612 = arith.addi %convert_element_type3A, %sub3A_1605 : vector<16xi32>
    %add3A_1613 = arith.constant 2048 : i32
    %add3A_1614 = arith.addi %add3A_1613, %add3A : i32
    %broadcast_in_dim3A_1615 = vector.broadcast %add3A_1614 : i32 to vector<16xi32>
    %select_n3A_1616 = arith.select %and3A_1607, %add3A_1612, %broadcast_in_dim3A_1615 : vector<16xi1>, vector<16xi32>
    %select_n3A_1617 = arith.select %gt3A_1592, %sub3A_1611, %select_n3A_1616 : vector<16xi1>, vector<16xi32>
    %broadcast_in_dim3A_1618 = arith.constant 15 : i32
    %broadcast_in_dim3A_1619 = vector.broadcast %broadcast_in_dim3A_1618 : i32 to vector<16xi32>
    %broadcast_in_dim3A_1620 = vector.shape_cast %broadcast_in_dim3A_1619 : vector<16xi32> to vector<16x1xi32>
    %gather3A_1621 = vector.shape_cast %broadcast_in_dim3A_1620 : vector<16x1xi32> to vector<16xi32>
    %gather3A_1622 = tpu.dynamic_gather %masked_cumsum3A_1598[%gather3A_1621] in [0] : vector<16xi32>, vector<16xi32> -> vector<16xi32>
    %add3A_1623 = arith.addi %add3A_1547, %gather3A_1622 : vector<16xi32>
    %broadcast_in_dim3A_1624 = arith.constant 15 : i32
    %broadcast_in_dim3A_1625 = vector.broadcast %broadcast_in_dim3A_1624 : i32 to vector<16xi32>
    %broadcast_in_dim3A_1626 = vector.shape_cast %broadcast_in_dim3A_1625 : vector<16xi32> to vector<16x1xi32>
    %gather3A_1627 = vector.shape_cast %broadcast_in_dim3A_1626 : vector<16x1xi32> to vector<16xi32>
    %gather3A_1628 = tpu.dynamic_gather %masked_cumsum3A_1601[%gather3A_1627] in [0] : vector<16xi32>, vector<16xi32> -> vector<16xi32>
    %add3A_1629 = arith.addi %add3A_1553, %gather3A_1628 : vector<16xi32>
    %add3A_1630 = arith.constant 304 : i32
    %add3A_1631 = vector.broadcast %add3A_1630 : i32 to vector<16xi32>
    %add3A_1632 = arith.addi %add3A_1631, %iota3A : vector<16xi32>
    %add3A_1633 = vector.broadcast %mul3A_2 : i32 to vector<16xi32>
    %add3A_1634 = arith.addi %add3A_1633, %add3A_1632 : vector<16xi32>
    %convert_element_type3A_1635 = arith.sitofp %add3A_1634 : vector<16xi32> to vector<16xf32>
    %get3A_1636 = arith.constant 304 : index
    %get3A_1637 = tpu.vector_load %arg8[%get3A_1636] {strides = array<i32>} : memref<2560xf32, #tpu.memory_space<vmem>>, vector<16xf32>,
    %get3A_1638 = arith.constant 944 : index
    %get3A_1639 = tpu.vector_load %arg8[%get3A_1638] {strides = array<i32>} : memref<2560xf32, #tpu.memory_space<vmem>>, vector<16xf32>,
    %get3A_1640 = arith.constant 1584 : index
    %get3A_1641 = tpu.vector_load %arg8[%get3A_1640] {strides = array<i32>} : memref<2560xf32, #tpu.memory_space<vmem>>, vector<16xf32>,
    %get3A_1642 = arith.constant 2224 : index
    %get3A_1643 = tpu.vector_load %arg8[%get3A_1642] {strides = array<i32>} : memref<2560xf32, #tpu.memory_space<vmem>>, vector<16xf32>,
    %add3A_1644 = arith.constant 0 : i32
    %add3A_1645 = vector.broadcast %add3A_1644 : i32 to vector<16xi32>
    %add3A_1646 = arith.addi %broadcast_in_dim3A_77, %add3A_1645 : vector<16xi32>
    tpu.vector_store_idx %arg11[%add3A_1632, %add3A_1646], %get3A_1637 : memref<640x16xf32, #tpu.memory_space<vmem>>[vector<16xi32>, vector<16xi32>], vector<16xf32>,
    %add3A_1647 = arith.constant 1 : i32
    %add3A_1648 = vector.broadcast %add3A_1647 : i32 to vector<16xi32>
    %add3A_1649 = arith.addi %broadcast_in_dim3A_77, %add3A_1648 : vector<16xi32>
    tpu.vector_store_idx %arg11[%add3A_1632, %add3A_1649], %get3A_1639 : memref<640x16xf32, #tpu.memory_space<vmem>>[vector<16xi32>, vector<16xi32>], vector<16xf32>,
    %add3A_1650 = arith.constant 2 : i32
    %add3A_1651 = vector.broadcast %add3A_1650 : i32 to vector<16xi32>
    %add3A_1652 = arith.addi %broadcast_in_dim3A_77, %add3A_1651 : vector<16xi32>
    tpu.vector_store_idx %arg11[%add3A_1632, %add3A_1652], %get3A_1641 : memref<640x16xf32, #tpu.memory_space<vmem>>[vector<16xi32>, vector<16xi32>], vector<16xf32>,
    %add3A_1653 = arith.constant 3 : i32
    %add3A_1654 = vector.broadcast %add3A_1653 : i32 to vector<16xi32>
    %add3A_1655 = arith.addi %broadcast_in_dim3A_77, %add3A_1654 : vector<16xi32>
    tpu.vector_store_idx %arg11[%add3A_1632, %add3A_1655], %get3A_1643 : memref<640x16xf32, #tpu.memory_space<vmem>>[vector<16xi32>, vector<16xi32>], vector<16xf32>,
    %add3A_1656 = arith.constant 4 : i32
    %add3A_1657 = vector.broadcast %add3A_1656 : i32 to vector<16xi32>
    %add3A_1658 = arith.addi %broadcast_in_dim3A_77, %add3A_1657 : vector<16xi32>
    tpu.vector_store_idx %arg11[%add3A_1632, %add3A_1658], %get3A_1591 : memref<640x16xf32, #tpu.memory_space<vmem>>[vector<16xi32>, vector<16xi32>], vector<16xf32>,
    %add3A_1659 = arith.constant 5 : i32
    %add3A_1660 = vector.broadcast %add3A_1659 : i32 to vector<16xi32>
    %add3A_1661 = arith.addi %broadcast_in_dim3A_77, %add3A_1660 : vector<16xi32>
    tpu.vector_store_idx %arg11[%add3A_1632, %add3A_1661], %convert_element_type3A_1635 : memref<640x16xf32, #tpu.memory_space<vmem>>[vector<16xi32>, vector<16xi32>], vector<16xf32>,
    %swap3A_1662 = arith.constant 2 : i32
    %swap3A_1663 = arith.index_cast %swap3A_1662 : i32 to index
    %swap3A_1664 = arith.constant 48 : index
    %swap3A_1665 = tpu.vector_load %arg12[%swap3A_1663, %swap3A_1664] {strides = array<i32>} : memref<5x128xi32, #tpu.memory_space<vmem>>, vector<16xi32>,
    tpu.vector_store %arg12[%swap3A_1663, %swap3A_1664], %select_n3A_1617 {strides = array<i32>} : memref<5x128xi32, #tpu.memory_space<vmem>>, vector<16xi32>,
    %get3A_1666 = arith.constant 320 : index
    %get3A_1667 = tpu.vector_load %arg7[%get3A_1666] {strides = array<i32>} : memref<640xf32, #tpu.memory_space<vmem>>, vector<16xf32>,
    %gt3A_1668 = arith.cmpf ogt, %get3A_1667, %gather3A_64 : vector<16xf32>
    %eq3A_1669 = arith.cmpf oeq, %get3A_1667, %gather3A_64 : vector<16xf32>
    %convert_element_type3A_1670 = arith.extui %gt3A_1668 : vector<16xi1> to vector<16xi32>
    %convert_element_type3A_1671 = arith.extui %eq3A_1669 : vector<16xi1> to vector<16xi32>
    %broadcast_in_dim3A_1672 = arith.constant true
    %broadcast_in_dim3A_1673 = vector.broadcast %broadcast_in_dim3A_1672 : i1 to vector<16xi1>
    %masked_cumsum3A_1674 = tpu.scan <sum>, %convert_element_type3A_1670 masked %broadcast_in_dim3A_1673 : vector<16xi32>, vector<16xi1> -> vector<16xi32>
    %broadcast_in_dim3A_1675 = arith.constant true
    %broadcast_in_dim3A_1676 = vector.broadcast %broadcast_in_dim3A_1675 : i1 to vector<16xi1>
    %masked_cumsum3A_1677 = tpu.scan <sum>, %convert_element_type3A_1671 masked %broadcast_in_dim3A_1676 : vector<16xi32>, vector<16xi1> -> vector<16xi32>
    %add3A_1678 = arith.addi %add3A_1629, %masked_cumsum3A_1677 : vector<16xi32>
    %sub3A_1679 = arith.constant 1 : i32
    %sub3A_1680 = vector.broadcast %sub3A_1679 : i32 to vector<16xi32>
    %sub3A_1681 = arith.subi %add3A_1678, %sub3A_1680 : vector<16xi32>
    %lt3A_1682 = arith.cmpi slt, %sub3A_1681, %convert_element_type3A_75 : vector<16xi32>
    %and3A_1683 = arith.andi %eq3A_1669, %lt3A_1682 : vector<16xi1>
    %add3A_1684 = arith.addi %add3A_1623, %masked_cumsum3A_1674 : vector<16xi32>
    %sub3A_1685 = arith.constant 1 : i32
    %sub3A_1686 = vector.broadcast %sub3A_1685 : i32 to vector<16xi32>
    %sub3A_1687 = arith.subi %add3A_1684, %sub3A_1686 : vector<16xi32>
    %add3A_1688 = arith.addi %convert_element_type3A, %sub3A_1681 : vector<16xi32>
    %add3A_1689 = arith.constant 2048 : i32
    %add3A_1690 = arith.addi %add3A_1689, %add3A : i32
    %broadcast_in_dim3A_1691 = vector.broadcast %add3A_1690 : i32 to vector<16xi32>
    %select_n3A_1692 = arith.select %and3A_1683, %add3A_1688, %broadcast_in_dim3A_1691 : vector<16xi1>, vector<16xi32>
    %select_n3A_1693 = arith.select %gt3A_1668, %sub3A_1687, %select_n3A_1692 : vector<16xi1>, vector<16xi32>
    %broadcast_in_dim3A_1694 = arith.constant 15 : i32
    %broadcast_in_dim3A_1695 = vector.broadcast %broadcast_in_dim3A_1694 : i32 to vector<16xi32>
    %broadcast_in_dim3A_1696 = vector.shape_cast %broadcast_in_dim3A_1695 : vector<16xi32> to vector<16x1xi32>
    %gather3A_1697 = vector.shape_cast %broadcast_in_dim3A_1696 : vector<16x1xi32> to vector<16xi32>
    %gather3A_1698 = tpu.dynamic_gather %masked_cumsum3A_1674[%gather3A_1697] in [0] : vector<16xi32>, vector<16xi32> -> vector<16xi32>
    %add3A_1699 = arith.addi %add3A_1623, %gather3A_1698 : vector<16xi32>
    %broadcast_in_dim3A_1700 = arith.constant 15 : i32
    %broadcast_in_dim3A_1701 = vector.broadcast %broadcast_in_dim3A_1700 : i32 to vector<16xi32>
    %broadcast_in_dim3A_1702 = vector.shape_cast %broadcast_in_dim3A_1701 : vector<16xi32> to vector<16x1xi32>
    %gather3A_1703 = vector.shape_cast %broadcast_in_dim3A_1702 : vector<16x1xi32> to vector<16xi32>
    %gather3A_1704 = tpu.dynamic_gather %masked_cumsum3A_1677[%gather3A_1703] in [0] : vector<16xi32>, vector<16xi32> -> vector<16xi32>
    %add3A_1705 = arith.addi %add3A_1629, %gather3A_1704 : vector<16xi32>
    %add3A_1706 = arith.constant 320 : i32
    %add3A_1707 = vector.broadcast %add3A_1706 : i32 to vector<16xi32>
    %add3A_1708 = arith.addi %add3A_1707, %iota3A : vector<16xi32>
    %add3A_1709 = vector.broadcast %mul3A_2 : i32 to vector<16xi32>
    %add3A_1710 = arith.addi %add3A_1709, %add3A_1708 : vector<16xi32>
    %convert_element_type3A_1711 = arith.sitofp %add3A_1710 : vector<16xi32> to vector<16xf32>
    %get3A_1712 = arith.constant 320 : index
    %get3A_1713 = tpu.vector_load %arg8[%get3A_1712] {strides = array<i32>} : memref<2560xf32, #tpu.memory_space<vmem>>, vector<16xf32>,
    %get3A_1714 = arith.constant 960 : index
    %get3A_1715 = tpu.vector_load %arg8[%get3A_1714] {strides = array<i32>} : memref<2560xf32, #tpu.memory_space<vmem>>, vector<16xf32>,
    %get3A_1716 = arith.constant 1600 : index
    %get3A_1717 = tpu.vector_load %arg8[%get3A_1716] {strides = array<i32>} : memref<2560xf32, #tpu.memory_space<vmem>>, vector<16xf32>,
    %get3A_1718 = arith.constant 2240 : index
    %get3A_1719 = tpu.vector_load %arg8[%get3A_1718] {strides = array<i32>} : memref<2560xf32, #tpu.memory_space<vmem>>, vector<16xf32>,
    %add3A_1720 = arith.constant 0 : i32
    %add3A_1721 = vector.broadcast %add3A_1720 : i32 to vector<16xi32>
    %add3A_1722 = arith.addi %broadcast_in_dim3A_77, %add3A_1721 : vector<16xi32>
    tpu.vector_store_idx %arg11[%add3A_1708, %add3A_1722], %get3A_1713 : memref<640x16xf32, #tpu.memory_space<vmem>>[vector<16xi32>, vector<16xi32>], vector<16xf32>,
    %add3A_1723 = arith.constant 1 : i32
    %add3A_1724 = vector.broadcast %add3A_1723 : i32 to vector<16xi32>
    %add3A_1725 = arith.addi %broadcast_in_dim3A_77, %add3A_1724 : vector<16xi32>
    tpu.vector_store_idx %arg11[%add3A_1708, %add3A_1725], %get3A_1715 : memref<640x16xf32, #tpu.memory_space<vmem>>[vector<16xi32>, vector<16xi32>], vector<16xf32>,
    %add3A_1726 = arith.constant 2 : i32
    %add3A_1727 = vector.broadcast %add3A_1726 : i32 to vector<16xi32>
    %add3A_1728 = arith.addi %broadcast_in_dim3A_77, %add3A_1727 : vector<16xi32>
    tpu.vector_store_idx %arg11[%add3A_1708, %add3A_1728], %get3A_1717 : memref<640x16xf32, #tpu.memory_space<vmem>>[vector<16xi32>, vector<16xi32>], vector<16xf32>,
    %add3A_1729 = arith.constant 3 : i32
    %add3A_1730 = vector.broadcast %add3A_1729 : i32 to vector<16xi32>
    %add3A_1731 = arith.addi %broadcast_in_dim3A_77, %add3A_1730 : vector<16xi32>
    tpu.vector_store_idx %arg11[%add3A_1708, %add3A_1731], %get3A_1719 : memref<640x16xf32, #tpu.memory_space<vmem>>[vector<16xi32>, vector<16xi32>], vector<16xf32>,
    %add3A_1732 = arith.constant 4 : i32
    %add3A_1733 = vector.broadcast %add3A_1732 : i32 to vector<16xi32>
    %add3A_1734 = arith.addi %broadcast_in_dim3A_77, %add3A_1733 : vector<16xi32>
    tpu.vector_store_idx %arg11[%add3A_1708, %add3A_1734], %get3A_1667 : memref<640x16xf32, #tpu.memory_space<vmem>>[vector<16xi32>, vector<16xi32>], vector<16xf32>,
    %add3A_1735 = arith.constant 5 : i32
    %add3A_1736 = vector.broadcast %add3A_1735 : i32 to vector<16xi32>
    %add3A_1737 = arith.addi %broadcast_in_dim3A_77, %add3A_1736 : vector<16xi32>
    tpu.vector_store_idx %arg11[%add3A_1708, %add3A_1737], %convert_element_type3A_1711 : memref<640x16xf32, #tpu.memory_space<vmem>>[vector<16xi32>, vector<16xi32>], vector<16xf32>,
    %swap3A_1738 = arith.constant 2 : i32
    %swap3A_1739 = arith.index_cast %swap3A_1738 : i32 to index
    %swap3A_1740 = arith.constant 64 : index
    %swap3A_1741 = tpu.vector_load %arg12[%swap3A_1739, %swap3A_1740] {strides = array<i32>} : memref<5x128xi32, #tpu.memory_space<vmem>>, vector<16xi32>,
    tpu.vector_store %arg12[%swap3A_1739, %swap3A_1740], %select_n3A_1693 {strides = array<i32>} : memref<5x128xi32, #tpu.memory_space<vmem>>, vector<16xi32>,
    %get3A_1742 = arith.constant 336 : index
    %get3A_1743 = tpu.vector_load %arg7[%get3A_1742] {strides = array<i32>} : memref<640xf32, #tpu.memory_space<vmem>>, vector<16xf32>,
    %gt3A_1744 = arith.cmpf ogt, %get3A_1743, %gather3A_64 : vector<16xf32>
    %eq3A_1745 = arith.cmpf oeq, %get3A_1743, %gather3A_64 : vector<16xf32>
    %convert_element_type3A_1746 = arith.extui %gt3A_1744 : vector<16xi1> to vector<16xi32>
    %convert_element_type3A_1747 = arith.extui %eq3A_1745 : vector<16xi1> to vector<16xi32>
    %broadcast_in_dim3A_1748 = arith.constant true
    %broadcast_in_dim3A_1749 = vector.broadcast %broadcast_in_dim3A_1748 : i1 to vector<16xi1>
    %masked_cumsum3A_1750 = tpu.scan <sum>, %convert_element_type3A_1746 masked %broadcast_in_dim3A_1749 : vector<16xi32>, vector<16xi1> -> vector<16xi32>
    %broadcast_in_dim3A_1751 = arith.constant true
    %broadcast_in_dim3A_1752 = vector.broadcast %broadcast_in_dim3A_1751 : i1 to vector<16xi1>
    %masked_cumsum3A_1753 = tpu.scan <sum>, %convert_element_type3A_1747 masked %broadcast_in_dim3A_1752 : vector<16xi32>, vector<16xi1> -> vector<16xi32>
    %add3A_1754 = arith.addi %add3A_1705, %masked_cumsum3A_1753 : vector<16xi32>
    %sub3A_1755 = arith.constant 1 : i32
    %sub3A_1756 = vector.broadcast %sub3A_1755 : i32 to vector<16xi32>
    %sub3A_1757 = arith.subi %add3A_1754, %sub3A_1756 : vector<16xi32>
    %lt3A_1758 = arith.cmpi slt, %sub3A_1757, %convert_element_type3A_75 : vector<16xi32>
    %and3A_1759 = arith.andi %eq3A_1745, %lt3A_1758 : vector<16xi1>
    %add3A_1760 = arith.addi %add3A_1699, %masked_cumsum3A_1750 : vector<16xi32>
    %sub3A_1761 = arith.constant 1 : i32
    %sub3A_1762 = vector.broadcast %sub3A_1761 : i32 to vector<16xi32>
    %sub3A_1763 = arith.subi %add3A_1760, %sub3A_1762 : vector<16xi32>
    %add3A_1764 = arith.addi %convert_element_type3A, %sub3A_1757 : vector<16xi32>
    %add3A_1765 = arith.constant 2048 : i32
    %add3A_1766 = arith.addi %add3A_1765, %add3A : i32
    %broadcast_in_dim3A_1767 = vector.broadcast %add3A_1766 : i32 to vector<16xi32>
    %select_n3A_1768 = arith.select %and3A_1759, %add3A_1764, %broadcast_in_dim3A_1767 : vector<16xi1>, vector<16xi32>
    %select_n3A_1769 = arith.select %gt3A_1744, %sub3A_1763, %select_n3A_1768 : vector<16xi1>, vector<16xi32>
    %broadcast_in_dim3A_1770 = arith.constant 15 : i32
    %broadcast_in_dim3A_1771 = vector.broadcast %broadcast_in_dim3A_1770 : i32 to vector<16xi32>
    %broadcast_in_dim3A_1772 = vector.shape_cast %broadcast_in_dim3A_1771 : vector<16xi32> to vector<16x1xi32>
    %gather3A_1773 = vector.shape_cast %broadcast_in_dim3A_1772 : vector<16x1xi32> to vector<16xi32>
    %gather3A_1774 = tpu.dynamic_gather %masked_cumsum3A_1750[%gather3A_1773] in [0] : vector<16xi32>, vector<16xi32> -> vector<16xi32>
    %add3A_1775 = arith.addi %add3A_1699, %gather3A_1774 : vector<16xi32>
    %broadcast_in_dim3A_1776 = arith.constant 15 : i32
    %broadcast_in_dim3A_1777 = vector.broadcast %broadcast_in_dim3A_1776 : i32 to vector<16xi32>
    %broadcast_in_dim3A_1778 = vector.shape_cast %broadcast_in_dim3A_1777 : vector<16xi32> to vector<16x1xi32>
    %gather3A_1779 = vector.shape_cast %broadcast_in_dim3A_1778 : vector<16x1xi32> to vector<16xi32>
    %gather3A_1780 = tpu.dynamic_gather %masked_cumsum3A_1753[%gather3A_1779] in [0] : vector<16xi32>, vector<16xi32> -> vector<16xi32>
    %add3A_1781 = arith.addi %add3A_1705, %gather3A_1780 : vector<16xi32>
    %add3A_1782 = arith.constant 336 : i32
    %add3A_1783 = vector.broadcast %add3A_1782 : i32 to vector<16xi32>
    %add3A_1784 = arith.addi %add3A_1783, %iota3A : vector<16xi32>
    %add3A_1785 = vector.broadcast %mul3A_2 : i32 to vector<16xi32>
    %add3A_1786 = arith.addi %add3A_1785, %add3A_1784 : vector<16xi32>
    %convert_element_type3A_1787 = arith.sitofp %add3A_1786 : vector<16xi32> to vector<16xf32>
    %get3A_1788 = arith.constant 336 : index
    %get3A_1789 = tpu.vector_load %arg8[%get3A_1788] {strides = array<i32>} : memref<2560xf32, #tpu.memory_space<vmem>>, vector<16xf32>,
    %get3A_1790 = arith.constant 976 : index
    %get3A_1791 = tpu.vector_load %arg8[%get3A_1790] {strides = array<i32>} : memref<2560xf32, #tpu.memory_space<vmem>>, vector<16xf32>,
    %get3A_1792 = arith.constant 1616 : index
    %get3A_1793 = tpu.vector_load %arg8[%get3A_1792] {strides = array<i32>} : memref<2560xf32, #tpu.memory_space<vmem>>, vector<16xf32>,
    %get3A_1794 = arith.constant 2256 : index
    %get3A_1795 = tpu.vector_load %arg8[%get3A_1794] {strides = array<i32>} : memref<2560xf32, #tpu.memory_space<vmem>>, vector<16xf32>,
    %add3A_1796 = arith.constant 0 : i32
    %add3A_1797 = vector.broadcast %add3A_1796 : i32 to vector<16xi32>
    %add3A_1798 = arith.addi %broadcast_in_dim3A_77, %add3A_1797 : vector<16xi32>
    tpu.vector_store_idx %arg11[%add3A_1784, %add3A_1798], %get3A_1789 : memref<640x16xf32, #tpu.memory_space<vmem>>[vector<16xi32>, vector<16xi32>], vector<16xf32>,
    %add3A_1799 = arith.constant 1 : i32
    %add3A_1800 = vector.broadcast %add3A_1799 : i32 to vector<16xi32>
    %add3A_1801 = arith.addi %broadcast_in_dim3A_77, %add3A_1800 : vector<16xi32>
    tpu.vector_store_idx %arg11[%add3A_1784, %add3A_1801], %get3A_1791 : memref<640x16xf32, #tpu.memory_space<vmem>>[vector<16xi32>, vector<16xi32>], vector<16xf32>,
    %add3A_1802 = arith.constant 2 : i32
    %add3A_1803 = vector.broadcast %add3A_1802 : i32 to vector<16xi32>
    %add3A_1804 = arith.addi %broadcast_in_dim3A_77, %add3A_1803 : vector<16xi32>
    tpu.vector_store_idx %arg11[%add3A_1784, %add3A_1804], %get3A_1793 : memref<640x16xf32, #tpu.memory_space<vmem>>[vector<16xi32>, vector<16xi32>], vector<16xf32>,
    %add3A_1805 = arith.constant 3 : i32
    %add3A_1806 = vector.broadcast %add3A_1805 : i32 to vector<16xi32>
    %add3A_1807 = arith.addi %broadcast_in_dim3A_77, %add3A_1806 : vector<16xi32>
    tpu.vector_store_idx %arg11[%add3A_1784, %add3A_1807], %get3A_1795 : memref<640x16xf32, #tpu.memory_space<vmem>>[vector<16xi32>, vector<16xi32>], vector<16xf32>,
    %add3A_1808 = arith.constant 4 : i32
    %add3A_1809 = vector.broadcast %add3A_1808 : i32 to vector<16xi32>
    %add3A_1810 = arith.addi %broadcast_in_dim3A_77, %add3A_1809 : vector<16xi32>
    tpu.vector_store_idx %arg11[%add3A_1784, %add3A_1810], %get3A_1743 : memref<640x16xf32, #tpu.memory_space<vmem>>[vector<16xi32>, vector<16xi32>], vector<16xf32>,
    %add3A_1811 = arith.constant 5 : i32
    %add3A_1812 = vector.broadcast %add3A_1811 : i32 to vector<16xi32>
    %add3A_1813 = arith.addi %broadcast_in_dim3A_77, %add3A_1812 : vector<16xi32>
    tpu.vector_store_idx %arg11[%add3A_1784, %add3A_1813], %convert_element_type3A_1787 : memref<640x16xf32, #tpu.memory_space<vmem>>[vector<16xi32>, vector<16xi32>], vector<16xf32>,
    %swap3A_1814 = arith.constant 2 : i32
    %swap3A_1815 = arith.index_cast %swap3A_1814 : i32 to index
    %swap3A_1816 = arith.constant 80 : index
    %swap3A_1817 = tpu.vector_load %arg12[%swap3A_1815, %swap3A_1816] {strides = array<i32>} : memref<5x128xi32, #tpu.memory_space<vmem>>, vector<16xi32>,
    tpu.vector_store %arg12[%swap3A_1815, %swap3A_1816], %select_n3A_1769 {strides = array<i32>} : memref<5x128xi32, #tpu.memory_space<vmem>>, vector<16xi32>,
    %get3A_1818 = arith.constant 352 : index
    %get3A_1819 = tpu.vector_load %arg7[%get3A_1818] {strides = array<i32>} : memref<640xf32, #tpu.memory_space<vmem>>, vector<16xf32>,
    %gt3A_1820 = arith.cmpf ogt, %get3A_1819, %gather3A_64 : vector<16xf32>
    %eq3A_1821 = arith.cmpf oeq, %get3A_1819, %gather3A_64 : vector<16xf32>
    %convert_element_type3A_1822 = arith.extui %gt3A_1820 : vector<16xi1> to vector<16xi32>
    %convert_element_type3A_1823 = arith.extui %eq3A_1821 : vector<16xi1> to vector<16xi32>
    %broadcast_in_dim3A_1824 = arith.constant true
    %broadcast_in_dim3A_1825 = vector.broadcast %broadcast_in_dim3A_1824 : i1 to vector<16xi1>
    %masked_cumsum3A_1826 = tpu.scan <sum>, %convert_element_type3A_1822 masked %broadcast_in_dim3A_1825 : vector<16xi32>, vector<16xi1> -> vector<16xi32>
    %broadcast_in_dim3A_1827 = arith.constant true
    %broadcast_in_dim3A_1828 = vector.broadcast %broadcast_in_dim3A_1827 : i1 to vector<16xi1>
    %masked_cumsum3A_1829 = tpu.scan <sum>, %convert_element_type3A_1823 masked %broadcast_in_dim3A_1828 : vector<16xi32>, vector<16xi1> -> vector<16xi32>
    %add3A_1830 = arith.addi %add3A_1781, %masked_cumsum3A_1829 : vector<16xi32>
    %sub3A_1831 = arith.constant 1 : i32
    %sub3A_1832 = vector.broadcast %sub3A_1831 : i32 to vector<16xi32>
    %sub3A_1833 = arith.subi %add3A_1830, %sub3A_1832 : vector<16xi32>
    %lt3A_1834 = arith.cmpi slt, %sub3A_1833, %convert_element_type3A_75 : vector<16xi32>
    %and3A_1835 = arith.andi %eq3A_1821, %lt3A_1834 : vector<16xi1>
    %add3A_1836 = arith.addi %add3A_1775, %masked_cumsum3A_1826 : vector<16xi32>
    %sub3A_1837 = arith.constant 1 : i32
    %sub3A_1838 = vector.broadcast %sub3A_1837 : i32 to vector<16xi32>
    %sub3A_1839 = arith.subi %add3A_1836, %sub3A_1838 : vector<16xi32>
    %add3A_1840 = arith.addi %convert_element_type3A, %sub3A_1833 : vector<16xi32>
    %add3A_1841 = arith.constant 2048 : i32
    %add3A_1842 = arith.addi %add3A_1841, %add3A : i32
    %broadcast_in_dim3A_1843 = vector.broadcast %add3A_1842 : i32 to vector<16xi32>
    %select_n3A_1844 = arith.select %and3A_1835, %add3A_1840, %broadcast_in_dim3A_1843 : vector<16xi1>, vector<16xi32>
    %select_n3A_1845 = arith.select %gt3A_1820, %sub3A_1839, %select_n3A_1844 : vector<16xi1>, vector<16xi32>
    %broadcast_in_dim3A_1846 = arith.constant 15 : i32
    %broadcast_in_dim3A_1847 = vector.broadcast %broadcast_in_dim3A_1846 : i32 to vector<16xi32>
    %broadcast_in_dim3A_1848 = vector.shape_cast %broadcast_in_dim3A_1847 : vector<16xi32> to vector<16x1xi32>
    %gather3A_1849 = vector.shape_cast %broadcast_in_dim3A_1848 : vector<16x1xi32> to vector<16xi32>
    %gather3A_1850 = tpu.dynamic_gather %masked_cumsum3A_1826[%gather3A_1849] in [0] : vector<16xi32>, vector<16xi32> -> vector<16xi32>
    %add3A_1851 = arith.addi %add3A_1775, %gather3A_1850 : vector<16xi32>
    %broadcast_in_dim3A_1852 = arith.constant 15 : i32
    %broadcast_in_dim3A_1853 = vector.broadcast %broadcast_in_dim3A_1852 : i32 to vector<16xi32>
    %broadcast_in_dim3A_1854 = vector.shape_cast %broadcast_in_dim3A_1853 : vector<16xi32> to vector<16x1xi32>
    %gather3A_1855 = vector.shape_cast %broadcast_in_dim3A_1854 : vector<16x1xi32> to vector<16xi32>
    %gather3A_1856 = tpu.dynamic_gather %masked_cumsum3A_1829[%gather3A_1855] in [0] : vector<16xi32>, vector<16xi32> -> vector<16xi32>
    %add3A_1857 = arith.addi %add3A_1781, %gather3A_1856 : vector<16xi32>
    %add3A_1858 = arith.constant 352 : i32
    %add3A_1859 = vector.broadcast %add3A_1858 : i32 to vector<16xi32>
    %add3A_1860 = arith.addi %add3A_1859, %iota3A : vector<16xi32>
    %add3A_1861 = vector.broadcast %mul3A_2 : i32 to vector<16xi32>
    %add3A_1862 = arith.addi %add3A_1861, %add3A_1860 : vector<16xi32>
    %convert_element_type3A_1863 = arith.sitofp %add3A_1862 : vector<16xi32> to vector<16xf32>
    %get3A_1864 = arith.constant 352 : index
    %get3A_1865 = tpu.vector_load %arg8[%get3A_1864] {strides = array<i32>} : memref<2560xf32, #tpu.memory_space<vmem>>, vector<16xf32>,
    %get3A_1866 = arith.constant 992 : index
    %get3A_1867 = tpu.vector_load %arg8[%get3A_1866] {strides = array<i32>} : memref<2560xf32, #tpu.memory_space<vmem>>, vector<16xf32>,
    %get3A_1868 = arith.constant 1632 : index
    %get3A_1869 = tpu.vector_load %arg8[%get3A_1868] {strides = array<i32>} : memref<2560xf32, #tpu.memory_space<vmem>>, vector<16xf32>,
    %get3A_1870 = arith.constant 2272 : index
    %get3A_1871 = tpu.vector_load %arg8[%get3A_1870] {strides = array<i32>} : memref<2560xf32, #tpu.memory_space<vmem>>, vector<16xf32>,
    %add3A_1872 = arith.constant 0 : i32
    %add3A_1873 = vector.broadcast %add3A_1872 : i32 to vector<16xi32>
    %add3A_1874 = arith.addi %broadcast_in_dim3A_77, %add3A_1873 : vector<16xi32>
    tpu.vector_store_idx %arg11[%add3A_1860, %add3A_1874], %get3A_1865 : memref<640x16xf32, #tpu.memory_space<vmem>>[vector<16xi32>, vector<16xi32>], vector<16xf32>,
    %add3A_1875 = arith.constant 1 : i32
    %add3A_1876 = vector.broadcast %add3A_1875 : i32 to vector<16xi32>
    %add3A_1877 = arith.addi %broadcast_in_dim3A_77, %add3A_1876 : vector<16xi32>
    tpu.vector_store_idx %arg11[%add3A_1860, %add3A_1877], %get3A_1867 : memref<640x16xf32, #tpu.memory_space<vmem>>[vector<16xi32>, vector<16xi32>], vector<16xf32>,
    %add3A_1878 = arith.constant 2 : i32
    %add3A_1879 = vector.broadcast %add3A_1878 : i32 to vector<16xi32>
    %add3A_1880 = arith.addi %broadcast_in_dim3A_77, %add3A_1879 : vector<16xi32>
    tpu.vector_store_idx %arg11[%add3A_1860, %add3A_1880], %get3A_1869 : memref<640x16xf32, #tpu.memory_space<vmem>>[vector<16xi32>, vector<16xi32>], vector<16xf32>,
    %add3A_1881 = arith.constant 3 : i32
    %add3A_1882 = vector.broadcast %add3A_1881 : i32 to vector<16xi32>
    %add3A_1883 = arith.addi %broadcast_in_dim3A_77, %add3A_1882 : vector<16xi32>
    tpu.vector_store_idx %arg11[%add3A_1860, %add3A_1883], %get3A_1871 : memref<640x16xf32, #tpu.memory_space<vmem>>[vector<16xi32>, vector<16xi32>], vector<16xf32>,
    %add3A_1884 = arith.constant 4 : i32
    %add3A_1885 = vector.broadcast %add3A_1884 : i32 to vector<16xi32>
    %add3A_1886 = arith.addi %broadcast_in_dim3A_77, %add3A_1885 : vector<16xi32>
    tpu.vector_store_idx %arg11[%add3A_1860, %add3A_1886], %get3A_1819 : memref<640x16xf32, #tpu.memory_space<vmem>>[vector<16xi32>, vector<16xi32>], vector<16xf32>,
    %add3A_1887 = arith.constant 5 : i32
    %add3A_1888 = vector.broadcast %add3A_1887 : i32 to vector<16xi32>
    %add3A_1889 = arith.addi %broadcast_in_dim3A_77, %add3A_1888 : vector<16xi32>
    tpu.vector_store_idx %arg11[%add3A_1860, %add3A_1889], %convert_element_type3A_1863 : memref<640x16xf32, #tpu.memory_space<vmem>>[vector<16xi32>, vector<16xi32>], vector<16xf32>,
    %swap3A_1890 = arith.constant 2 : i32
    %swap3A_1891 = arith.index_cast %swap3A_1890 : i32 to index
    %swap3A_1892 = arith.constant 96 : index
    %swap3A_1893 = tpu.vector_load %arg12[%swap3A_1891, %swap3A_1892] {strides = array<i32>} : memref<5x128xi32, #tpu.memory_space<vmem>>, vector<16xi32>,
    tpu.vector_store %arg12[%swap3A_1891, %swap3A_1892], %select_n3A_1845 {strides = array<i32>} : memref<5x128xi32, #tpu.memory_space<vmem>>, vector<16xi32>,
    %get3A_1894 = arith.constant 368 : index
    %get3A_1895 = tpu.vector_load %arg7[%get3A_1894] {strides = array<i32>} : memref<640xf32, #tpu.memory_space<vmem>>, vector<16xf32>,
    %gt3A_1896 = arith.cmpf ogt, %get3A_1895, %gather3A_64 : vector<16xf32>
    %eq3A_1897 = arith.cmpf oeq, %get3A_1895, %gather3A_64 : vector<16xf32>
    %convert_element_type3A_1898 = arith.extui %gt3A_1896 : vector<16xi1> to vector<16xi32>
    %convert_element_type3A_1899 = arith.extui %eq3A_1897 : vector<16xi1> to vector<16xi32>
    %broadcast_in_dim3A_1900 = arith.constant true
    %broadcast_in_dim3A_1901 = vector.broadcast %broadcast_in_dim3A_1900 : i1 to vector<16xi1>
    %masked_cumsum3A_1902 = tpu.scan <sum>, %convert_element_type3A_1898 masked %broadcast_in_dim3A_1901 : vector<16xi32>, vector<16xi1> -> vector<16xi32>
    %broadcast_in_dim3A_1903 = arith.constant true
    %broadcast_in_dim3A_1904 = vector.broadcast %broadcast_in_dim3A_1903 : i1 to vector<16xi1>
    %masked_cumsum3A_1905 = tpu.scan <sum>, %convert_element_type3A_1899 masked %broadcast_in_dim3A_1904 : vector<16xi32>, vector<16xi1> -> vector<16xi32>
    %add3A_1906 = arith.addi %add3A_1857, %masked_cumsum3A_1905 : vector<16xi32>
    %sub3A_1907 = arith.constant 1 : i32
    %sub3A_1908 = vector.broadcast %sub3A_1907 : i32 to vector<16xi32>
    %sub3A_1909 = arith.subi %add3A_1906, %sub3A_1908 : vector<16xi32>
    %lt3A_1910 = arith.cmpi slt, %sub3A_1909, %convert_element_type3A_75 : vector<16xi32>
    %and3A_1911 = arith.andi %eq3A_1897, %lt3A_1910 : vector<16xi1>
    %add3A_1912 = arith.addi %add3A_1851, %masked_cumsum3A_1902 : vector<16xi32>
    %sub3A_1913 = arith.constant 1 : i32
    %sub3A_1914 = vector.broadcast %sub3A_1913 : i32 to vector<16xi32>
    %sub3A_1915 = arith.subi %add3A_1912, %sub3A_1914 : vector<16xi32>
    %add3A_1916 = arith.addi %convert_element_type3A, %sub3A_1909 : vector<16xi32>
    %add3A_1917 = arith.constant 2048 : i32
    %add3A_1918 = arith.addi %add3A_1917, %add3A : i32
    %broadcast_in_dim3A_1919 = vector.broadcast %add3A_1918 : i32 to vector<16xi32>
    %select_n3A_1920 = arith.select %and3A_1911, %add3A_1916, %broadcast_in_dim3A_1919 : vector<16xi1>, vector<16xi32>
    %select_n3A_1921 = arith.select %gt3A_1896, %sub3A_1915, %select_n3A_1920 : vector<16xi1>, vector<16xi32>
    %broadcast_in_dim3A_1922 = arith.constant 15 : i32
    %broadcast_in_dim3A_1923 = vector.broadcast %broadcast_in_dim3A_1922 : i32 to vector<16xi32>
    %broadcast_in_dim3A_1924 = vector.shape_cast %broadcast_in_dim3A_1923 : vector<16xi32> to vector<16x1xi32>
    %gather3A_1925 = vector.shape_cast %broadcast_in_dim3A_1924 : vector<16x1xi32> to vector<16xi32>
    %gather3A_1926 = tpu.dynamic_gather %masked_cumsum3A_1902[%gather3A_1925] in [0] : vector<16xi32>, vector<16xi32> -> vector<16xi32>
    %add3A_1927 = arith.addi %add3A_1851, %gather3A_1926 : vector<16xi32>
    %broadcast_in_dim3A_1928 = arith.constant 15 : i32
    %broadcast_in_dim3A_1929 = vector.broadcast %broadcast_in_dim3A_1928 : i32 to vector<16xi32>
    %broadcast_in_dim3A_1930 = vector.shape_cast %broadcast_in_dim3A_1929 : vector<16xi32> to vector<16x1xi32>
    %gather3A_1931 = vector.shape_cast %broadcast_in_dim3A_1930 : vector<16x1xi32> to vector<16xi32>
    %gather3A_1932 = tpu.dynamic_gather %masked_cumsum3A_1905[%gather3A_1931] in [0] : vector<16xi32>, vector<16xi32> -> vector<16xi32>
    %add3A_1933 = arith.addi %add3A_1857, %gather3A_1932 : vector<16xi32>
    %add3A_1934 = arith.constant 368 : i32
    %add3A_1935 = vector.broadcast %add3A_1934 : i32 to vector<16xi32>
    %add3A_1936 = arith.addi %add3A_1935, %iota3A : vector<16xi32>
    %add3A_1937 = vector.broadcast %mul3A_2 : i32 to vector<16xi32>
    %add3A_1938 = arith.addi %add3A_1937, %add3A_1936 : vector<16xi32>
    %convert_element_type3A_1939 = arith.sitofp %add3A_1938 : vector<16xi32> to vector<16xf32>
    %get3A_1940 = arith.constant 368 : index
    %get3A_1941 = tpu.vector_load %arg8[%get3A_1940] {strides = array<i32>} : memref<2560xf32, #tpu.memory_space<vmem>>, vector<16xf32>,
    %get3A_1942 = arith.constant 1008 : index
    %get3A_1943 = tpu.vector_load %arg8[%get3A_1942] {strides = array<i32>} : memref<2560xf32, #tpu.memory_space<vmem>>, vector<16xf32>,
    %get3A_1944 = arith.constant 1648 : index
    %get3A_1945 = tpu.vector_load %arg8[%get3A_1944] {strides = array<i32>} : memref<2560xf32, #tpu.memory_space<vmem>>, vector<16xf32>,
    %get3A_1946 = arith.constant 2288 : index
    %get3A_1947 = tpu.vector_load %arg8[%get3A_1946] {strides = array<i32>} : memref<2560xf32, #tpu.memory_space<vmem>>, vector<16xf32>,
    %add3A_1948 = arith.constant 0 : i32
    %add3A_1949 = vector.broadcast %add3A_1948 : i32 to vector<16xi32>
    %add3A_1950 = arith.addi %broadcast_in_dim3A_77, %add3A_1949 : vector<16xi32>
    tpu.vector_store_idx %arg11[%add3A_1936, %add3A_1950], %get3A_1941 : memref<640x16xf32, #tpu.memory_space<vmem>>[vector<16xi32>, vector<16xi32>], vector<16xf32>,
    %add3A_1951 = arith.constant 1 : i32
    %add3A_1952 = vector.broadcast %add3A_1951 : i32 to vector<16xi32>
    %add3A_1953 = arith.addi %broadcast_in_dim3A_77, %add3A_1952 : vector<16xi32>
    tpu.vector_store_idx %arg11[%add3A_1936, %add3A_1953], %get3A_1943 : memref<640x16xf32, #tpu.memory_space<vmem>>[vector<16xi32>, vector<16xi32>], vector<16xf32>,
    %add3A_1954 = arith.constant 2 : i32
    %add3A_1955 = vector.broadcast %add3A_1954 : i32 to vector<16xi32>
    %add3A_1956 = arith.addi %broadcast_in_dim3A_77, %add3A_1955 : vector<16xi32>
    tpu.vector_store_idx %arg11[%add3A_1936, %add3A_1956], %get3A_1945 : memref<640x16xf32, #tpu.memory_space<vmem>>[vector<16xi32>, vector<16xi32>], vector<16xf32>,
    %add3A_1957 = arith.constant 3 : i32
    %add3A_1958 = vector.broadcast %add3A_1957 : i32 to vector<16xi32>
    %add3A_1959 = arith.addi %broadcast_in_dim3A_77, %add3A_1958 : vector<16xi32>
    tpu.vector_store_idx %arg11[%add3A_1936, %add3A_1959], %get3A_1947 : memref<640x16xf32, #tpu.memory_space<vmem>>[vector<16xi32>, vector<16xi32>], vector<16xf32>,
    %add3A_1960 = arith.constant 4 : i32
    %add3A_1961 = vector.broadcast %add3A_1960 : i32 to vector<16xi32>
    %add3A_1962 = arith.addi %broadcast_in_dim3A_77, %add3A_1961 : vector<16xi32>
    tpu.vector_store_idx %arg11[%add3A_1936, %add3A_1962], %get3A_1895 : memref<640x16xf32, #tpu.memory_space<vmem>>[vector<16xi32>, vector<16xi32>], vector<16xf32>,
    %add3A_1963 = arith.constant 5 : i32
    %add3A_1964 = vector.broadcast %add3A_1963 : i32 to vector<16xi32>
    %add3A_1965 = arith.addi %broadcast_in_dim3A_77, %add3A_1964 : vector<16xi32>
    tpu.vector_store_idx %arg11[%add3A_1936, %add3A_1965], %convert_element_type3A_1939 : memref<640x16xf32, #tpu.memory_space<vmem>>[vector<16xi32>, vector<16xi32>], vector<16xf32>,
    %swap3A_1966 = arith.constant 2 : i32
    %swap3A_1967 = arith.index_cast %swap3A_1966 : i32 to index
    %swap3A_1968 = arith.constant 112 : index
    %swap3A_1969 = tpu.vector_load %arg12[%swap3A_1967, %swap3A_1968] {strides = array<i32>} : memref<5x128xi32, #tpu.memory_space<vmem>>, vector<16xi32>,
    tpu.vector_store %arg12[%swap3A_1967, %swap3A_1968], %select_n3A_1921 {strides = array<i32>} : memref<5x128xi32, #tpu.memory_space<vmem>>, vector<16xi32>,
    %get3A_1970 = arith.constant 384 : index
    %get3A_1971 = tpu.vector_load %arg7[%get3A_1970] {strides = array<i32>} : memref<640xf32, #tpu.memory_space<vmem>>, vector<16xf32>,
    %gt3A_1972 = arith.cmpf ogt, %get3A_1971, %gather3A_64 : vector<16xf32>
    %eq3A_1973 = arith.cmpf oeq, %get3A_1971, %gather3A_64 : vector<16xf32>
    %convert_element_type3A_1974 = arith.extui %gt3A_1972 : vector<16xi1> to vector<16xi32>
    %convert_element_type3A_1975 = arith.extui %eq3A_1973 : vector<16xi1> to vector<16xi32>
    %broadcast_in_dim3A_1976 = arith.constant true
    %broadcast_in_dim3A_1977 = vector.broadcast %broadcast_in_dim3A_1976 : i1 to vector<16xi1>
    %masked_cumsum3A_1978 = tpu.scan <sum>, %convert_element_type3A_1974 masked %broadcast_in_dim3A_1977 : vector<16xi32>, vector<16xi1> -> vector<16xi32>
    %broadcast_in_dim3A_1979 = arith.constant true
    %broadcast_in_dim3A_1980 = vector.broadcast %broadcast_in_dim3A_1979 : i1 to vector<16xi1>
    %masked_cumsum3A_1981 = tpu.scan <sum>, %convert_element_type3A_1975 masked %broadcast_in_dim3A_1980 : vector<16xi32>, vector<16xi1> -> vector<16xi32>
    %add3A_1982 = arith.addi %add3A_1933, %masked_cumsum3A_1981 : vector<16xi32>
    %sub3A_1983 = arith.constant 1 : i32
    %sub3A_1984 = vector.broadcast %sub3A_1983 : i32 to vector<16xi32>
    %sub3A_1985 = arith.subi %add3A_1982, %sub3A_1984 : vector<16xi32>
    %lt3A_1986 = arith.cmpi slt, %sub3A_1985, %convert_element_type3A_75 : vector<16xi32>
    %and3A_1987 = arith.andi %eq3A_1973, %lt3A_1986 : vector<16xi1>
    %add3A_1988 = arith.addi %add3A_1927, %masked_cumsum3A_1978 : vector<16xi32>
    %sub3A_1989 = arith.constant 1 : i32
    %sub3A_1990 = vector.broadcast %sub3A_1989 : i32 to vector<16xi32>
    %sub3A_1991 = arith.subi %add3A_1988, %sub3A_1990 : vector<16xi32>
    %add3A_1992 = arith.addi %convert_element_type3A, %sub3A_1985 : vector<16xi32>
    %add3A_1993 = arith.constant 2048 : i32
    %add3A_1994 = arith.addi %add3A_1993, %add3A : i32
    %broadcast_in_dim3A_1995 = vector.broadcast %add3A_1994 : i32 to vector<16xi32>
    %select_n3A_1996 = arith.select %and3A_1987, %add3A_1992, %broadcast_in_dim3A_1995 : vector<16xi1>, vector<16xi32>
    %select_n3A_1997 = arith.select %gt3A_1972, %sub3A_1991, %select_n3A_1996 : vector<16xi1>, vector<16xi32>
    %broadcast_in_dim3A_1998 = arith.constant 15 : i32
    %broadcast_in_dim3A_1999 = vector.broadcast %broadcast_in_dim3A_1998 : i32 to vector<16xi32>
    %broadcast_in_dim3A_2000 = vector.shape_cast %broadcast_in_dim3A_1999 : vector<16xi32> to vector<16x1xi32>
    %gather3A_2001 = vector.shape_cast %broadcast_in_dim3A_2000 : vector<16x1xi32> to vector<16xi32>
    %gather3A_2002 = tpu.dynamic_gather %masked_cumsum3A_1978[%gather3A_2001] in [0] : vector<16xi32>, vector<16xi32> -> vector<16xi32>
    %add3A_2003 = arith.addi %add3A_1927, %gather3A_2002 : vector<16xi32>
    %broadcast_in_dim3A_2004 = arith.constant 15 : i32
    %broadcast_in_dim3A_2005 = vector.broadcast %broadcast_in_dim3A_2004 : i32 to vector<16xi32>
    %broadcast_in_dim3A_2006 = vector.shape_cast %broadcast_in_dim3A_2005 : vector<16xi32> to vector<16x1xi32>
    %gather3A_2007 = vector.shape_cast %broadcast_in_dim3A_2006 : vector<16x1xi32> to vector<16xi32>
    %gather3A_2008 = tpu.dynamic_gather %masked_cumsum3A_1981[%gather3A_2007] in [0] : vector<16xi32>, vector<16xi32> -> vector<16xi32>
    %add3A_2009 = arith.addi %add3A_1933, %gather3A_2008 : vector<16xi32>
    %add3A_2010 = arith.constant 384 : i32
    %add3A_2011 = vector.broadcast %add3A_2010 : i32 to vector<16xi32>
    %add3A_2012 = arith.addi %add3A_2011, %iota3A : vector<16xi32>
    %add3A_2013 = vector.broadcast %mul3A_2 : i32 to vector<16xi32>
    %add3A_2014 = arith.addi %add3A_2013, %add3A_2012 : vector<16xi32>
    %convert_element_type3A_2015 = arith.sitofp %add3A_2014 : vector<16xi32> to vector<16xf32>
    %get3A_2016 = arith.constant 384 : index
    %get3A_2017 = tpu.vector_load %arg8[%get3A_2016] {strides = array<i32>} : memref<2560xf32, #tpu.memory_space<vmem>>, vector<16xf32>,
    %get3A_2018 = arith.constant 1024 : index
    %get3A_2019 = tpu.vector_load %arg8[%get3A_2018] {strides = array<i32>} : memref<2560xf32, #tpu.memory_space<vmem>>, vector<16xf32>,
    %get3A_2020 = arith.constant 1664 : index
    %get3A_2021 = tpu.vector_load %arg8[%get3A_2020] {strides = array<i32>} : memref<2560xf32, #tpu.memory_space<vmem>>, vector<16xf32>,
    %get3A_2022 = arith.constant 2304 : index
    %get3A_2023 = tpu.vector_load %arg8[%get3A_2022] {strides = array<i32>} : memref<2560xf32, #tpu.memory_space<vmem>>, vector<16xf32>,
    %add3A_2024 = arith.constant 0 : i32
    %add3A_2025 = vector.broadcast %add3A_2024 : i32 to vector<16xi32>
    %add3A_2026 = arith.addi %broadcast_in_dim3A_77, %add3A_2025 : vector<16xi32>
    tpu.vector_store_idx %arg11[%add3A_2012, %add3A_2026], %get3A_2017 : memref<640x16xf32, #tpu.memory_space<vmem>>[vector<16xi32>, vector<16xi32>], vector<16xf32>,
    %add3A_2027 = arith.constant 1 : i32
    %add3A_2028 = vector.broadcast %add3A_2027 : i32 to vector<16xi32>
    %add3A_2029 = arith.addi %broadcast_in_dim3A_77, %add3A_2028 : vector<16xi32>
    tpu.vector_store_idx %arg11[%add3A_2012, %add3A_2029], %get3A_2019 : memref<640x16xf32, #tpu.memory_space<vmem>>[vector<16xi32>, vector<16xi32>], vector<16xf32>,
    %add3A_2030 = arith.constant 2 : i32
    %add3A_2031 = vector.broadcast %add3A_2030 : i32 to vector<16xi32>
    %add3A_2032 = arith.addi %broadcast_in_dim3A_77, %add3A_2031 : vector<16xi32>
    tpu.vector_store_idx %arg11[%add3A_2012, %add3A_2032], %get3A_2021 : memref<640x16xf32, #tpu.memory_space<vmem>>[vector<16xi32>, vector<16xi32>], vector<16xf32>,
    %add3A_2033 = arith.constant 3 : i32
    %add3A_2034 = vector.broadcast %add3A_2033 : i32 to vector<16xi32>
    %add3A_2035 = arith.addi %broadcast_in_dim3A_77, %add3A_2034 : vector<16xi32>
    tpu.vector_store_idx %arg11[%add3A_2012, %add3A_2035], %get3A_2023 : memref<640x16xf32, #tpu.memory_space<vmem>>[vector<16xi32>, vector<16xi32>], vector<16xf32>,
    %add3A_2036 = arith.constant 4 : i32
    %add3A_2037 = vector.broadcast %add3A_2036 : i32 to vector<16xi32>
    %add3A_2038 = arith.addi %broadcast_in_dim3A_77, %add3A_2037 : vector<16xi32>
    tpu.vector_store_idx %arg11[%add3A_2012, %add3A_2038], %get3A_1971 : memref<640x16xf32, #tpu.memory_space<vmem>>[vector<16xi32>, vector<16xi32>], vector<16xf32>,
    %add3A_2039 = arith.constant 5 : i32
    %add3A_2040 = vector.broadcast %add3A_2039 : i32 to vector<16xi32>
    %add3A_2041 = arith.addi %broadcast_in_dim3A_77, %add3A_2040 : vector<16xi32>
    tpu.vector_store_idx %arg11[%add3A_2012, %add3A_2041], %convert_element_type3A_2015 : memref<640x16xf32, #tpu.memory_space<vmem>>[vector<16xi32>, vector<16xi32>], vector<16xf32>,
    %swap3A_2042 = arith.constant 3 : i32
    %swap3A_2043 = arith.index_cast %swap3A_2042 : i32 to index
    %swap3A_2044 = arith.constant 0 : index
    %swap3A_2045 = tpu.vector_load %arg12[%swap3A_2043, %swap3A_2044] {strides = array<i32>} : memref<5x128xi32, #tpu.memory_space<vmem>>, vector<16xi32>,
    tpu.vector_store %arg12[%swap3A_2043, %swap3A_2044], %select_n3A_1997 {strides = array<i32>} : memref<5x128xi32, #tpu.memory_space<vmem>>, vector<16xi32>,
    %get3A_2046 = arith.constant 400 : index
    %get3A_2047 = tpu.vector_load %arg7[%get3A_2046] {strides = array<i32>} : memref<640xf32, #tpu.memory_space<vmem>>, vector<16xf32>,
    %gt3A_2048 = arith.cmpf ogt, %get3A_2047, %gather3A_64 : vector<16xf32>
    %eq3A_2049 = arith.cmpf oeq, %get3A_2047, %gather3A_64 : vector<16xf32>
    %convert_element_type3A_2050 = arith.extui %gt3A_2048 : vector<16xi1> to vector<16xi32>
    %convert_element_type3A_2051 = arith.extui %eq3A_2049 : vector<16xi1> to vector<16xi32>
    %broadcast_in_dim3A_2052 = arith.constant true
    %broadcast_in_dim3A_2053 = vector.broadcast %broadcast_in_dim3A_2052 : i1 to vector<16xi1>
    %masked_cumsum3A_2054 = tpu.scan <sum>, %convert_element_type3A_2050 masked %broadcast_in_dim3A_2053 : vector<16xi32>, vector<16xi1> -> vector<16xi32>
    %broadcast_in_dim3A_2055 = arith.constant true
    %broadcast_in_dim3A_2056 = vector.broadcast %broadcast_in_dim3A_2055 : i1 to vector<16xi1>
    %masked_cumsum3A_2057 = tpu.scan <sum>, %convert_element_type3A_2051 masked %broadcast_in_dim3A_2056 : vector<16xi32>, vector<16xi1> -> vector<16xi32>
    %add3A_2058 = arith.addi %add3A_2009, %masked_cumsum3A_2057 : vector<16xi32>
    %sub3A_2059 = arith.constant 1 : i32
    %sub3A_2060 = vector.broadcast %sub3A_2059 : i32 to vector<16xi32>
    %sub3A_2061 = arith.subi %add3A_2058, %sub3A_2060 : vector<16xi32>
    %lt3A_2062 = arith.cmpi slt, %sub3A_2061, %convert_element_type3A_75 : vector<16xi32>
    %and3A_2063 = arith.andi %eq3A_2049, %lt3A_2062 : vector<16xi1>
    %add3A_2064 = arith.addi %add3A_2003, %masked_cumsum3A_2054 : vector<16xi32>
    %sub3A_2065 = arith.constant 1 : i32
    %sub3A_2066 = vector.broadcast %sub3A_2065 : i32 to vector<16xi32>
    %sub3A_2067 = arith.subi %add3A_2064, %sub3A_2066 : vector<16xi32>
    %add3A_2068 = arith.addi %convert_element_type3A, %sub3A_2061 : vector<16xi32>
    %add3A_2069 = arith.constant 2048 : i32
    %add3A_2070 = arith.addi %add3A_2069, %add3A : i32
    %broadcast_in_dim3A_2071 = vector.broadcast %add3A_2070 : i32 to vector<16xi32>
    %select_n3A_2072 = arith.select %and3A_2063, %add3A_2068, %broadcast_in_dim3A_2071 : vector<16xi1>, vector<16xi32>
    %select_n3A_2073 = arith.select %gt3A_2048, %sub3A_2067, %select_n3A_2072 : vector<16xi1>, vector<16xi32>
    %broadcast_in_dim3A_2074 = arith.constant 15 : i32
    %broadcast_in_dim3A_2075 = vector.broadcast %broadcast_in_dim3A_2074 : i32 to vector<16xi32>
    %broadcast_in_dim3A_2076 = vector.shape_cast %broadcast_in_dim3A_2075 : vector<16xi32> to vector<16x1xi32>
    %gather3A_2077 = vector.shape_cast %broadcast_in_dim3A_2076 : vector<16x1xi32> to vector<16xi32>
    %gather3A_2078 = tpu.dynamic_gather %masked_cumsum3A_2054[%gather3A_2077] in [0] : vector<16xi32>, vector<16xi32> -> vector<16xi32>
    %add3A_2079 = arith.addi %add3A_2003, %gather3A_2078 : vector<16xi32>
    %broadcast_in_dim3A_2080 = arith.constant 15 : i32
    %broadcast_in_dim3A_2081 = vector.broadcast %broadcast_in_dim3A_2080 : i32 to vector<16xi32>
    %broadcast_in_dim3A_2082 = vector.shape_cast %broadcast_in_dim3A_2081 : vector<16xi32> to vector<16x1xi32>
    %gather3A_2083 = vector.shape_cast %broadcast_in_dim3A_2082 : vector<16x1xi32> to vector<16xi32>
    %gather3A_2084 = tpu.dynamic_gather %masked_cumsum3A_2057[%gather3A_2083] in [0] : vector<16xi32>, vector<16xi32> -> vector<16xi32>
    %add3A_2085 = arith.addi %add3A_2009, %gather3A_2084 : vector<16xi32>
    %add3A_2086 = arith.constant 400 : i32
    %add3A_2087 = vector.broadcast %add3A_2086 : i32 to vector<16xi32>
    %add3A_2088 = arith.addi %add3A_2087, %iota3A : vector<16xi32>
    %add3A_2089 = vector.broadcast %mul3A_2 : i32 to vector<16xi32>
    %add3A_2090 = arith.addi %add3A_2089, %add3A_2088 : vector<16xi32>
    %convert_element_type3A_2091 = arith.sitofp %add3A_2090 : vector<16xi32> to vector<16xf32>
    %get3A_2092 = arith.constant 400 : index
    %get3A_2093 = tpu.vector_load %arg8[%get3A_2092] {strides = array<i32>} : memref<2560xf32, #tpu.memory_space<vmem>>, vector<16xf32>,
    %get3A_2094 = arith.constant 1040 : index
    %get3A_2095 = tpu.vector_load %arg8[%get3A_2094] {strides = array<i32>} : memref<2560xf32, #tpu.memory_space<vmem>>, vector<16xf32>,
    %get3A_2096 = arith.constant 1680 : index
    %get3A_2097 = tpu.vector_load %arg8[%get3A_2096] {strides = array<i32>} : memref<2560xf32, #tpu.memory_space<vmem>>, vector<16xf32>,
    %get3A_2098 = arith.constant 2320 : index
    %get3A_2099 = tpu.vector_load %arg8[%get3A_2098] {strides = array<i32>} : memref<2560xf32, #tpu.memory_space<vmem>>, vector<16xf32>,
    %add3A_2100 = arith.constant 0 : i32
    %add3A_2101 = vector.broadcast %add3A_2100 : i32 to vector<16xi32>
    %add3A_2102 = arith.addi %broadcast_in_dim3A_77, %add3A_2101 : vector<16xi32>
    tpu.vector_store_idx %arg11[%add3A_2088, %add3A_2102], %get3A_2093 : memref<640x16xf32, #tpu.memory_space<vmem>>[vector<16xi32>, vector<16xi32>], vector<16xf32>,
    %add3A_2103 = arith.constant 1 : i32
    %add3A_2104 = vector.broadcast %add3A_2103 : i32 to vector<16xi32>
    %add3A_2105 = arith.addi %broadcast_in_dim3A_77, %add3A_2104 : vector<16xi32>
    tpu.vector_store_idx %arg11[%add3A_2088, %add3A_2105], %get3A_2095 : memref<640x16xf32, #tpu.memory_space<vmem>>[vector<16xi32>, vector<16xi32>], vector<16xf32>,
    %add3A_2106 = arith.constant 2 : i32
    %add3A_2107 = vector.broadcast %add3A_2106 : i32 to vector<16xi32>
    %add3A_2108 = arith.addi %broadcast_in_dim3A_77, %add3A_2107 : vector<16xi32>
    tpu.vector_store_idx %arg11[%add3A_2088, %add3A_2108], %get3A_2097 : memref<640x16xf32, #tpu.memory_space<vmem>>[vector<16xi32>, vector<16xi32>], vector<16xf32>,
    %add3A_2109 = arith.constant 3 : i32
    %add3A_2110 = vector.broadcast %add3A_2109 : i32 to vector<16xi32>
    %add3A_2111 = arith.addi %broadcast_in_dim3A_77, %add3A_2110 : vector<16xi32>
    tpu.vector_store_idx %arg11[%add3A_2088, %add3A_2111], %get3A_2099 : memref<640x16xf32, #tpu.memory_space<vmem>>[vector<16xi32>, vector<16xi32>], vector<16xf32>,
    %add3A_2112 = arith.constant 4 : i32
    %add3A_2113 = vector.broadcast %add3A_2112 : i32 to vector<16xi32>
    %add3A_2114 = arith.addi %broadcast_in_dim3A_77, %add3A_2113 : vector<16xi32>
    tpu.vector_store_idx %arg11[%add3A_2088, %add3A_2114], %get3A_2047 : memref<640x16xf32, #tpu.memory_space<vmem>>[vector<16xi32>, vector<16xi32>], vector<16xf32>,
    %add3A_2115 = arith.constant 5 : i32
    %add3A_2116 = vector.broadcast %add3A_2115 : i32 to vector<16xi32>
    %add3A_2117 = arith.addi %broadcast_in_dim3A_77, %add3A_2116 : vector<16xi32>
    tpu.vector_store_idx %arg11[%add3A_2088, %add3A_2117], %convert_element_type3A_2091 : memref<640x16xf32, #tpu.memory_space<vmem>>[vector<16xi32>, vector<16xi32>], vector<16xf32>,
    %swap3A_2118 = arith.constant 3 : i32
    %swap3A_2119 = arith.index_cast %swap3A_2118 : i32 to index
    %swap3A_2120 = arith.constant 16 : index
    %swap3A_2121 = tpu.vector_load %arg12[%swap3A_2119, %swap3A_2120] {strides = array<i32>} : memref<5x128xi32, #tpu.memory_space<vmem>>, vector<16xi32>,
    tpu.vector_store %arg12[%swap3A_2119, %swap3A_2120], %select_n3A_2073 {strides = array<i32>} : memref<5x128xi32, #tpu.memory_space<vmem>>, vector<16xi32>,
    %get3A_2122 = arith.constant 416 : index
    %get3A_2123 = tpu.vector_load %arg7[%get3A_2122] {strides = array<i32>} : memref<640xf32, #tpu.memory_space<vmem>>, vector<16xf32>,
    %gt3A_2124 = arith.cmpf ogt, %get3A_2123, %gather3A_64 : vector<16xf32>
    %eq3A_2125 = arith.cmpf oeq, %get3A_2123, %gather3A_64 : vector<16xf32>
    %convert_element_type3A_2126 = arith.extui %gt3A_2124 : vector<16xi1> to vector<16xi32>
    %convert_element_type3A_2127 = arith.extui %eq3A_2125 : vector<16xi1> to vector<16xi32>
    %broadcast_in_dim3A_2128 = arith.constant true
    %broadcast_in_dim3A_2129 = vector.broadcast %broadcast_in_dim3A_2128 : i1 to vector<16xi1>
    %masked_cumsum3A_2130 = tpu.scan <sum>, %convert_element_type3A_2126 masked %broadcast_in_dim3A_2129 : vector<16xi32>, vector<16xi1> -> vector<16xi32>
    %broadcast_in_dim3A_2131 = arith.constant true
    %broadcast_in_dim3A_2132 = vector.broadcast %broadcast_in_dim3A_2131 : i1 to vector<16xi1>
    %masked_cumsum3A_2133 = tpu.scan <sum>, %convert_element_type3A_2127 masked %broadcast_in_dim3A_2132 : vector<16xi32>, vector<16xi1> -> vector<16xi32>
    %add3A_2134 = arith.addi %add3A_2085, %masked_cumsum3A_2133 : vector<16xi32>
    %sub3A_2135 = arith.constant 1 : i32
    %sub3A_2136 = vector.broadcast %sub3A_2135 : i32 to vector<16xi32>
    %sub3A_2137 = arith.subi %add3A_2134, %sub3A_2136 : vector<16xi32>
    %lt3A_2138 = arith.cmpi slt, %sub3A_2137, %convert_element_type3A_75 : vector<16xi32>
    %and3A_2139 = arith.andi %eq3A_2125, %lt3A_2138 : vector<16xi1>
    %add3A_2140 = arith.addi %add3A_2079, %masked_cumsum3A_2130 : vector<16xi32>
    %sub3A_2141 = arith.constant 1 : i32
    %sub3A_2142 = vector.broadcast %sub3A_2141 : i32 to vector<16xi32>
    %sub3A_2143 = arith.subi %add3A_2140, %sub3A_2142 : vector<16xi32>
    %add3A_2144 = arith.addi %convert_element_type3A, %sub3A_2137 : vector<16xi32>
    %add3A_2145 = arith.constant 2048 : i32
    %add3A_2146 = arith.addi %add3A_2145, %add3A : i32
    %broadcast_in_dim3A_2147 = vector.broadcast %add3A_2146 : i32 to vector<16xi32>
    %select_n3A_2148 = arith.select %and3A_2139, %add3A_2144, %broadcast_in_dim3A_2147 : vector<16xi1>, vector<16xi32>
    %select_n3A_2149 = arith.select %gt3A_2124, %sub3A_2143, %select_n3A_2148 : vector<16xi1>, vector<16xi32>
    %broadcast_in_dim3A_2150 = arith.constant 15 : i32
    %broadcast_in_dim3A_2151 = vector.broadcast %broadcast_in_dim3A_2150 : i32 to vector<16xi32>
    %broadcast_in_dim3A_2152 = vector.shape_cast %broadcast_in_dim3A_2151 : vector<16xi32> to vector<16x1xi32>
    %gather3A_2153 = vector.shape_cast %broadcast_in_dim3A_2152 : vector<16x1xi32> to vector<16xi32>
    %gather3A_2154 = tpu.dynamic_gather %masked_cumsum3A_2130[%gather3A_2153] in [0] : vector<16xi32>, vector<16xi32> -> vector<16xi32>
    %add3A_2155 = arith.addi %add3A_2079, %gather3A_2154 : vector<16xi32>
    %broadcast_in_dim3A_2156 = arith.constant 15 : i32
    %broadcast_in_dim3A_2157 = vector.broadcast %broadcast_in_dim3A_2156 : i32 to vector<16xi32>
    %broadcast_in_dim3A_2158 = vector.shape_cast %broadcast_in_dim3A_2157 : vector<16xi32> to vector<16x1xi32>
    %gather3A_2159 = vector.shape_cast %broadcast_in_dim3A_2158 : vector<16x1xi32> to vector<16xi32>
    %gather3A_2160 = tpu.dynamic_gather %masked_cumsum3A_2133[%gather3A_2159] in [0] : vector<16xi32>, vector<16xi32> -> vector<16xi32>
    %add3A_2161 = arith.addi %add3A_2085, %gather3A_2160 : vector<16xi32>
    %add3A_2162 = arith.constant 416 : i32
    %add3A_2163 = vector.broadcast %add3A_2162 : i32 to vector<16xi32>
    %add3A_2164 = arith.addi %add3A_2163, %iota3A : vector<16xi32>
    %add3A_2165 = vector.broadcast %mul3A_2 : i32 to vector<16xi32>
    %add3A_2166 = arith.addi %add3A_2165, %add3A_2164 : vector<16xi32>
    %convert_element_type3A_2167 = arith.sitofp %add3A_2166 : vector<16xi32> to vector<16xf32>
    %get3A_2168 = arith.constant 416 : index
    %get3A_2169 = tpu.vector_load %arg8[%get3A_2168] {strides = array<i32>} : memref<2560xf32, #tpu.memory_space<vmem>>, vector<16xf32>,
    %get3A_2170 = arith.constant 1056 : index
    %get3A_2171 = tpu.vector_load %arg8[%get3A_2170] {strides = array<i32>} : memref<2560xf32, #tpu.memory_space<vmem>>, vector<16xf32>,
    %get3A_2172 = arith.constant 1696 : index
    %get3A_2173 = tpu.vector_load %arg8[%get3A_2172] {strides = array<i32>} : memref<2560xf32, #tpu.memory_space<vmem>>, vector<16xf32>,
    %get3A_2174 = arith.constant 2336 : index
    %get3A_2175 = tpu.vector_load %arg8[%get3A_2174] {strides = array<i32>} : memref<2560xf32, #tpu.memory_space<vmem>>, vector<16xf32>,
    %add3A_2176 = arith.constant 0 : i32
    %add3A_2177 = vector.broadcast %add3A_2176 : i32 to vector<16xi32>
    %add3A_2178 = arith.addi %broadcast_in_dim3A_77, %add3A_2177 : vector<16xi32>
    tpu.vector_store_idx %arg11[%add3A_2164, %add3A_2178], %get3A_2169 : memref<640x16xf32, #tpu.memory_space<vmem>>[vector<16xi32>, vector<16xi32>], vector<16xf32>,
    %add3A_2179 = arith.constant 1 : i32
    %add3A_2180 = vector.broadcast %add3A_2179 : i32 to vector<16xi32>
    %add3A_2181 = arith.addi %broadcast_in_dim3A_77, %add3A_2180 : vector<16xi32>
    tpu.vector_store_idx %arg11[%add3A_2164, %add3A_2181], %get3A_2171 : memref<640x16xf32, #tpu.memory_space<vmem>>[vector<16xi32>, vector<16xi32>], vector<16xf32>,
    %add3A_2182 = arith.constant 2 : i32
    %add3A_2183 = vector.broadcast %add3A_2182 : i32 to vector<16xi32>
    %add3A_2184 = arith.addi %broadcast_in_dim3A_77, %add3A_2183 : vector<16xi32>
    tpu.vector_store_idx %arg11[%add3A_2164, %add3A_2184], %get3A_2173 : memref<640x16xf32, #tpu.memory_space<vmem>>[vector<16xi32>, vector<16xi32>], vector<16xf32>,
    %add3A_2185 = arith.constant 3 : i32
    %add3A_2186 = vector.broadcast %add3A_2185 : i32 to vector<16xi32>
    %add3A_2187 = arith.addi %broadcast_in_dim3A_77, %add3A_2186 : vector<16xi32>
    tpu.vector_store_idx %arg11[%add3A_2164, %add3A_2187], %get3A_2175 : memref<640x16xf32, #tpu.memory_space<vmem>>[vector<16xi32>, vector<16xi32>], vector<16xf32>,
    %add3A_2188 = arith.constant 4 : i32
    %add3A_2189 = vector.broadcast %add3A_2188 : i32 to vector<16xi32>
    %add3A_2190 = arith.addi %broadcast_in_dim3A_77, %add3A_2189 : vector<16xi32>
    tpu.vector_store_idx %arg11[%add3A_2164, %add3A_2190], %get3A_2123 : memref<640x16xf32, #tpu.memory_space<vmem>>[vector<16xi32>, vector<16xi32>], vector<16xf32>,
    %add3A_2191 = arith.constant 5 : i32
    %add3A_2192 = vector.broadcast %add3A_2191 : i32 to vector<16xi32>
    %add3A_2193 = arith.addi %broadcast_in_dim3A_77, %add3A_2192 : vector<16xi32>
    tpu.vector_store_idx %arg11[%add3A_2164, %add3A_2193], %convert_element_type3A_2167 : memref<640x16xf32, #tpu.memory_space<vmem>>[vector<16xi32>, vector<16xi32>], vector<16xf32>,
    %swap3A_2194 = arith.constant 3 : i32
    %swap3A_2195 = arith.index_cast %swap3A_2194 : i32 to index
    %swap3A_2196 = arith.constant 32 : index
    %swap3A_2197 = tpu.vector_load %arg12[%swap3A_2195, %swap3A_2196] {strides = array<i32>} : memref<5x128xi32, #tpu.memory_space<vmem>>, vector<16xi32>,
    tpu.vector_store %arg12[%swap3A_2195, %swap3A_2196], %select_n3A_2149 {strides = array<i32>} : memref<5x128xi32, #tpu.memory_space<vmem>>, vector<16xi32>,
    %get3A_2198 = arith.constant 432 : index
    %get3A_2199 = tpu.vector_load %arg7[%get3A_2198] {strides = array<i32>} : memref<640xf32, #tpu.memory_space<vmem>>, vector<16xf32>,
    %gt3A_2200 = arith.cmpf ogt, %get3A_2199, %gather3A_64 : vector<16xf32>
    %eq3A_2201 = arith.cmpf oeq, %get3A_2199, %gather3A_64 : vector<16xf32>
    %convert_element_type3A_2202 = arith.extui %gt3A_2200 : vector<16xi1> to vector<16xi32>
    %convert_element_type3A_2203 = arith.extui %eq3A_2201 : vector<16xi1> to vector<16xi32>
    %broadcast_in_dim3A_2204 = arith.constant true
    %broadcast_in_dim3A_2205 = vector.broadcast %broadcast_in_dim3A_2204 : i1 to vector<16xi1>
    %masked_cumsum3A_2206 = tpu.scan <sum>, %convert_element_type3A_2202 masked %broadcast_in_dim3A_2205 : vector<16xi32>, vector<16xi1> -> vector<16xi32>
    %broadcast_in_dim3A_2207 = arith.constant true
    %broadcast_in_dim3A_2208 = vector.broadcast %broadcast_in_dim3A_2207 : i1 to vector<16xi1>
    %masked_cumsum3A_2209 = tpu.scan <sum>, %convert_element_type3A_2203 masked %broadcast_in_dim3A_2208 : vector<16xi32>, vector<16xi1> -> vector<16xi32>
    %add3A_2210 = arith.addi %add3A_2161, %masked_cumsum3A_2209 : vector<16xi32>
    %sub3A_2211 = arith.constant 1 : i32
    %sub3A_2212 = vector.broadcast %sub3A_2211 : i32 to vector<16xi32>
    %sub3A_2213 = arith.subi %add3A_2210, %sub3A_2212 : vector<16xi32>
    %lt3A_2214 = arith.cmpi slt, %sub3A_2213, %convert_element_type3A_75 : vector<16xi32>
    %and3A_2215 = arith.andi %eq3A_2201, %lt3A_2214 : vector<16xi1>
    %add3A_2216 = arith.addi %add3A_2155, %masked_cumsum3A_2206 : vector<16xi32>
    %sub3A_2217 = arith.constant 1 : i32
    %sub3A_2218 = vector.broadcast %sub3A_2217 : i32 to vector<16xi32>
    %sub3A_2219 = arith.subi %add3A_2216, %sub3A_2218 : vector<16xi32>
    %add3A_2220 = arith.addi %convert_element_type3A, %sub3A_2213 : vector<16xi32>
    %add3A_2221 = arith.constant 2048 : i32
    %add3A_2222 = arith.addi %add3A_2221, %add3A : i32
    %broadcast_in_dim3A_2223 = vector.broadcast %add3A_2222 : i32 to vector<16xi32>
    %select_n3A_2224 = arith.select %and3A_2215, %add3A_2220, %broadcast_in_dim3A_2223 : vector<16xi1>, vector<16xi32>
    %select_n3A_2225 = arith.select %gt3A_2200, %sub3A_2219, %select_n3A_2224 : vector<16xi1>, vector<16xi32>
    %broadcast_in_dim3A_2226 = arith.constant 15 : i32
    %broadcast_in_dim3A_2227 = vector.broadcast %broadcast_in_dim3A_2226 : i32 to vector<16xi32>
    %broadcast_in_dim3A_2228 = vector.shape_cast %broadcast_in_dim3A_2227 : vector<16xi32> to vector<16x1xi32>
    %gather3A_2229 = vector.shape_cast %broadcast_in_dim3A_2228 : vector<16x1xi32> to vector<16xi32>
    %gather3A_2230 = tpu.dynamic_gather %masked_cumsum3A_2206[%gather3A_2229] in [0] : vector<16xi32>, vector<16xi32> -> vector<16xi32>
    %add3A_2231 = arith.addi %add3A_2155, %gather3A_2230 : vector<16xi32>
    %broadcast_in_dim3A_2232 = arith.constant 15 : i32
    %broadcast_in_dim3A_2233 = vector.broadcast %broadcast_in_dim3A_2232 : i32 to vector<16xi32>
    %broadcast_in_dim3A_2234 = vector.shape_cast %broadcast_in_dim3A_2233 : vector<16xi32> to vector<16x1xi32>
    %gather3A_2235 = vector.shape_cast %broadcast_in_dim3A_2234 : vector<16x1xi32> to vector<16xi32>
    %gather3A_2236 = tpu.dynamic_gather %masked_cumsum3A_2209[%gather3A_2235] in [0] : vector<16xi32>, vector<16xi32> -> vector<16xi32>
    %add3A_2237 = arith.addi %add3A_2161, %gather3A_2236 : vector<16xi32>
    %add3A_2238 = arith.constant 432 : i32
    %add3A_2239 = vector.broadcast %add3A_2238 : i32 to vector<16xi32>
    %add3A_2240 = arith.addi %add3A_2239, %iota3A : vector<16xi32>
    %add3A_2241 = vector.broadcast %mul3A_2 : i32 to vector<16xi32>
    %add3A_2242 = arith.addi %add3A_2241, %add3A_2240 : vector<16xi32>
    %convert_element_type3A_2243 = arith.sitofp %add3A_2242 : vector<16xi32> to vector<16xf32>
    %get3A_2244 = arith.constant 432 : index
    %get3A_2245 = tpu.vector_load %arg8[%get3A_2244] {strides = array<i32>} : memref<2560xf32, #tpu.memory_space<vmem>>, vector<16xf32>,
    %get3A_2246 = arith.constant 1072 : index
    %get3A_2247 = tpu.vector_load %arg8[%get3A_2246] {strides = array<i32>} : memref<2560xf32, #tpu.memory_space<vmem>>, vector<16xf32>,
    %get3A_2248 = arith.constant 1712 : index
    %get3A_2249 = tpu.vector_load %arg8[%get3A_2248] {strides = array<i32>} : memref<2560xf32, #tpu.memory_space<vmem>>, vector<16xf32>,
    %get3A_2250 = arith.constant 2352 : index
    %get3A_2251 = tpu.vector_load %arg8[%get3A_2250] {strides = array<i32>} : memref<2560xf32, #tpu.memory_space<vmem>>, vector<16xf32>,
    %add3A_2252 = arith.constant 0 : i32
    %add3A_2253 = vector.broadcast %add3A_2252 : i32 to vector<16xi32>
    %add3A_2254 = arith.addi %broadcast_in_dim3A_77, %add3A_2253 : vector<16xi32>
    tpu.vector_store_idx %arg11[%add3A_2240, %add3A_2254], %get3A_2245 : memref<640x16xf32, #tpu.memory_space<vmem>>[vector<16xi32>, vector<16xi32>], vector<16xf32>,
    %add3A_2255 = arith.constant 1 : i32
    %add3A_2256 = vector.broadcast %add3A_2255 : i32 to vector<16xi32>
    %add3A_2257 = arith.addi %broadcast_in_dim3A_77, %add3A_2256 : vector<16xi32>
    tpu.vector_store_idx %arg11[%add3A_2240, %add3A_2257], %get3A_2247 : memref<640x16xf32, #tpu.memory_space<vmem>>[vector<16xi32>, vector<16xi32>], vector<16xf32>,
    %add3A_2258 = arith.constant 2 : i32
    %add3A_2259 = vector.broadcast %add3A_2258 : i32 to vector<16xi32>
    %add3A_2260 = arith.addi %broadcast_in_dim3A_77, %add3A_2259 : vector<16xi32>
    tpu.vector_store_idx %arg11[%add3A_2240, %add3A_2260], %get3A_2249 : memref<640x16xf32, #tpu.memory_space<vmem>>[vector<16xi32>, vector<16xi32>], vector<16xf32>,
    %add3A_2261 = arith.constant 3 : i32
    %add3A_2262 = vector.broadcast %add3A_2261 : i32 to vector<16xi32>
    %add3A_2263 = arith.addi %broadcast_in_dim3A_77, %add3A_2262 : vector<16xi32>
    tpu.vector_store_idx %arg11[%add3A_2240, %add3A_2263], %get3A_2251 : memref<640x16xf32, #tpu.memory_space<vmem>>[vector<16xi32>, vector<16xi32>], vector<16xf32>,
    %add3A_2264 = arith.constant 4 : i32
    %add3A_2265 = vector.broadcast %add3A_2264 : i32 to vector<16xi32>
    %add3A_2266 = arith.addi %broadcast_in_dim3A_77, %add3A_2265 : vector<16xi32>
    tpu.vector_store_idx %arg11[%add3A_2240, %add3A_2266], %get3A_2199 : memref<640x16xf32, #tpu.memory_space<vmem>>[vector<16xi32>, vector<16xi32>], vector<16xf32>,
    %add3A_2267 = arith.constant 5 : i32
    %add3A_2268 = vector.broadcast %add3A_2267 : i32 to vector<16xi32>
    %add3A_2269 = arith.addi %broadcast_in_dim3A_77, %add3A_2268 : vector<16xi32>
    tpu.vector_store_idx %arg11[%add3A_2240, %add3A_2269], %convert_element_type3A_2243 : memref<640x16xf32, #tpu.memory_space<vmem>>[vector<16xi32>, vector<16xi32>], vector<16xf32>,
    %swap3A_2270 = arith.constant 3 : i32
    %swap3A_2271 = arith.index_cast %swap3A_2270 : i32 to index
    %swap3A_2272 = arith.constant 48 : index
    %swap3A_2273 = tpu.vector_load %arg12[%swap3A_2271, %swap3A_2272] {strides = array<i32>} : memref<5x128xi32, #tpu.memory_space<vmem>>, vector<16xi32>,
    tpu.vector_store %arg12[%swap3A_2271, %swap3A_2272], %select_n3A_2225 {strides = array<i32>} : memref<5x128xi32, #tpu.memory_space<vmem>>, vector<16xi32>,
    %get3A_2274 = arith.constant 448 : index
    %get3A_2275 = tpu.vector_load %arg7[%get3A_2274] {strides = array<i32>} : memref<640xf32, #tpu.memory_space<vmem>>, vector<16xf32>,
    %gt3A_2276 = arith.cmpf ogt, %get3A_2275, %gather3A_64 : vector<16xf32>
    %eq3A_2277 = arith.cmpf oeq, %get3A_2275, %gather3A_64 : vector<16xf32>
    %convert_element_type3A_2278 = arith.extui %gt3A_2276 : vector<16xi1> to vector<16xi32>
    %convert_element_type3A_2279 = arith.extui %eq3A_2277 : vector<16xi1> to vector<16xi32>
    %broadcast_in_dim3A_2280 = arith.constant true
    %broadcast_in_dim3A_2281 = vector.broadcast %broadcast_in_dim3A_2280 : i1 to vector<16xi1>
    %masked_cumsum3A_2282 = tpu.scan <sum>, %convert_element_type3A_2278 masked %broadcast_in_dim3A_2281 : vector<16xi32>, vector<16xi1> -> vector<16xi32>
    %broadcast_in_dim3A_2283 = arith.constant true
    %broadcast_in_dim3A_2284 = vector.broadcast %broadcast_in_dim3A_2283 : i1 to vector<16xi1>
    %masked_cumsum3A_2285 = tpu.scan <sum>, %convert_element_type3A_2279 masked %broadcast_in_dim3A_2284 : vector<16xi32>, vector<16xi1> -> vector<16xi32>
    %add3A_2286 = arith.addi %add3A_2237, %masked_cumsum3A_2285 : vector<16xi32>
    %sub3A_2287 = arith.constant 1 : i32
    %sub3A_2288 = vector.broadcast %sub3A_2287 : i32 to vector<16xi32>
    %sub3A_2289 = arith.subi %add3A_2286, %sub3A_2288 : vector<16xi32>
    %lt3A_2290 = arith.cmpi slt, %sub3A_2289, %convert_element_type3A_75 : vector<16xi32>
    %and3A_2291 = arith.andi %eq3A_2277, %lt3A_2290 : vector<16xi1>
    %add3A_2292 = arith.addi %add3A_2231, %masked_cumsum3A_2282 : vector<16xi32>
    %sub3A_2293 = arith.constant 1 : i32
    %sub3A_2294 = vector.broadcast %sub3A_2293 : i32 to vector<16xi32>
    %sub3A_2295 = arith.subi %add3A_2292, %sub3A_2294 : vector<16xi32>
    %add3A_2296 = arith.addi %convert_element_type3A, %sub3A_2289 : vector<16xi32>
    %add3A_2297 = arith.constant 2048 : i32
    %add3A_2298 = arith.addi %add3A_2297, %add3A : i32
    %broadcast_in_dim3A_2299 = vector.broadcast %add3A_2298 : i32 to vector<16xi32>
    %select_n3A_2300 = arith.select %and3A_2291, %add3A_2296, %broadcast_in_dim3A_2299 : vector<16xi1>, vector<16xi32>
    %select_n3A_2301 = arith.select %gt3A_2276, %sub3A_2295, %select_n3A_2300 : vector<16xi1>, vector<16xi32>
    %broadcast_in_dim3A_2302 = arith.constant 15 : i32
    %broadcast_in_dim3A_2303 = vector.broadcast %broadcast_in_dim3A_2302 : i32 to vector<16xi32>
    %broadcast_in_dim3A_2304 = vector.shape_cast %broadcast_in_dim3A_2303 : vector<16xi32> to vector<16x1xi32>
    %gather3A_2305 = vector.shape_cast %broadcast_in_dim3A_2304 : vector<16x1xi32> to vector<16xi32>
    %gather3A_2306 = tpu.dynamic_gather %masked_cumsum3A_2282[%gather3A_2305] in [0] : vector<16xi32>, vector<16xi32> -> vector<16xi32>
    %add3A_2307 = arith.addi %add3A_2231, %gather3A_2306 : vector<16xi32>
    %broadcast_in_dim3A_2308 = arith.constant 15 : i32
    %broadcast_in_dim3A_2309 = vector.broadcast %broadcast_in_dim3A_2308 : i32 to vector<16xi32>
    %broadcast_in_dim3A_2310 = vector.shape_cast %broadcast_in_dim3A_2309 : vector<16xi32> to vector<16x1xi32>
    %gather3A_2311 = vector.shape_cast %broadcast_in_dim3A_2310 : vector<16x1xi32> to vector<16xi32>
    %gather3A_2312 = tpu.dynamic_gather %masked_cumsum3A_2285[%gather3A_2311] in [0] : vector<16xi32>, vector<16xi32> -> vector<16xi32>
    %add3A_2313 = arith.addi %add3A_2237, %gather3A_2312 : vector<16xi32>
    %add3A_2314 = arith.constant 448 : i32
    %add3A_2315 = vector.broadcast %add3A_2314 : i32 to vector<16xi32>
    %add3A_2316 = arith.addi %add3A_2315, %iota3A : vector<16xi32>
    %add3A_2317 = vector.broadcast %mul3A_2 : i32 to vector<16xi32>
    %add3A_2318 = arith.addi %add3A_2317, %add3A_2316 : vector<16xi32>
    %convert_element_type3A_2319 = arith.sitofp %add3A_2318 : vector<16xi32> to vector<16xf32>
    %get3A_2320 = arith.constant 448 : index
    %get3A_2321 = tpu.vector_load %arg8[%get3A_2320] {strides = array<i32>} : memref<2560xf32, #tpu.memory_space<vmem>>, vector<16xf32>,
    %get3A_2322 = arith.constant 1088 : index
    %get3A_2323 = tpu.vector_load %arg8[%get3A_2322] {strides = array<i32>} : memref<2560xf32, #tpu.memory_space<vmem>>, vector<16xf32>,
    %get3A_2324 = arith.constant 1728 : index
    %get3A_2325 = tpu.vector_load %arg8[%get3A_2324] {strides = array<i32>} : memref<2560xf32, #tpu.memory_space<vmem>>, vector<16xf32>,
    %get3A_2326 = arith.constant 2368 : index
    %get3A_2327 = tpu.vector_load %arg8[%get3A_2326] {strides = array<i32>} : memref<2560xf32, #tpu.memory_space<vmem>>, vector<16xf32>,
    %add3A_2328 = arith.constant 0 : i32
    %add3A_2329 = vector.broadcast %add3A_2328 : i32 to vector<16xi32>
    %add3A_2330 = arith.addi %broadcast_in_dim3A_77, %add3A_2329 : vector<16xi32>
    tpu.vector_store_idx %arg11[%add3A_2316, %add3A_2330], %get3A_2321 : memref<640x16xf32, #tpu.memory_space<vmem>>[vector<16xi32>, vector<16xi32>], vector<16xf32>,
    %add3A_2331 = arith.constant 1 : i32
    %add3A_2332 = vector.broadcast %add3A_2331 : i32 to vector<16xi32>
    %add3A_2333 = arith.addi %broadcast_in_dim3A_77, %add3A_2332 : vector<16xi32>
    tpu.vector_store_idx %arg11[%add3A_2316, %add3A_2333], %get3A_2323 : memref<640x16xf32, #tpu.memory_space<vmem>>[vector<16xi32>, vector<16xi32>], vector<16xf32>,
    %add3A_2334 = arith.constant 2 : i32
    %add3A_2335 = vector.broadcast %add3A_2334 : i32 to vector<16xi32>
    %add3A_2336 = arith.addi %broadcast_in_dim3A_77, %add3A_2335 : vector<16xi32>
    tpu.vector_store_idx %arg11[%add3A_2316, %add3A_2336], %get3A_2325 : memref<640x16xf32, #tpu.memory_space<vmem>>[vector<16xi32>, vector<16xi32>], vector<16xf32>,
    %add3A_2337 = arith.constant 3 : i32
    %add3A_2338 = vector.broadcast %add3A_2337 : i32 to vector<16xi32>
    %add3A_2339 = arith.addi %broadcast_in_dim3A_77, %add3A_2338 : vector<16xi32>
    tpu.vector_store_idx %arg11[%add3A_2316, %add3A_2339], %get3A_2327 : memref<640x16xf32, #tpu.memory_space<vmem>>[vector<16xi32>, vector<16xi32>], vector<16xf32>,
    %add3A_2340 = arith.constant 4 : i32
    %add3A_2341 = vector.broadcast %add3A_2340 : i32 to vector<16xi32>
    %add3A_2342 = arith.addi %broadcast_in_dim3A_77, %add3A_2341 : vector<16xi32>
    tpu.vector_store_idx %arg11[%add3A_2316, %add3A_2342], %get3A_2275 : memref<640x16xf32, #tpu.memory_space<vmem>>[vector<16xi32>, vector<16xi32>], vector<16xf32>,
    %add3A_2343 = arith.constant 5 : i32
    %add3A_2344 = vector.broadcast %add3A_2343 : i32 to vector<16xi32>
    %add3A_2345 = arith.addi %broadcast_in_dim3A_77, %add3A_2344 : vector<16xi32>
    tpu.vector_store_idx %arg11[%add3A_2316, %add3A_2345], %convert_element_type3A_2319 : memref<640x16xf32, #tpu.memory_space<vmem>>[vector<16xi32>, vector<16xi32>], vector<16xf32>,
    %swap3A_2346 = arith.constant 3 : i32
    %swap3A_2347 = arith.index_cast %swap3A_2346 : i32 to index
    %swap3A_2348 = arith.constant 64 : index
    %swap3A_2349 = tpu.vector_load %arg12[%swap3A_2347, %swap3A_2348] {strides = array<i32>} : memref<5x128xi32, #tpu.memory_space<vmem>>, vector<16xi32>,
    tpu.vector_store %arg12[%swap3A_2347, %swap3A_2348], %select_n3A_2301 {strides = array<i32>} : memref<5x128xi32, #tpu.memory_space<vmem>>, vector<16xi32>,
    %get3A_2350 = arith.constant 464 : index
    %get3A_2351 = tpu.vector_load %arg7[%get3A_2350] {strides = array<i32>} : memref<640xf32, #tpu.memory_space<vmem>>, vector<16xf32>,
    %gt3A_2352 = arith.cmpf ogt, %get3A_2351, %gather3A_64 : vector<16xf32>
    %eq3A_2353 = arith.cmpf oeq, %get3A_2351, %gather3A_64 : vector<16xf32>
    %convert_element_type3A_2354 = arith.extui %gt3A_2352 : vector<16xi1> to vector<16xi32>
    %convert_element_type3A_2355 = arith.extui %eq3A_2353 : vector<16xi1> to vector<16xi32>
    %broadcast_in_dim3A_2356 = arith.constant true
    %broadcast_in_dim3A_2357 = vector.broadcast %broadcast_in_dim3A_2356 : i1 to vector<16xi1>
    %masked_cumsum3A_2358 = tpu.scan <sum>, %convert_element_type3A_2354 masked %broadcast_in_dim3A_2357 : vector<16xi32>, vector<16xi1> -> vector<16xi32>
    %broadcast_in_dim3A_2359 = arith.constant true
    %broadcast_in_dim3A_2360 = vector.broadcast %broadcast_in_dim3A_2359 : i1 to vector<16xi1>
    %masked_cumsum3A_2361 = tpu.scan <sum>, %convert_element_type3A_2355 masked %broadcast_in_dim3A_2360 : vector<16xi32>, vector<16xi1> -> vector<16xi32>
    %add3A_2362 = arith.addi %add3A_2313, %masked_cumsum3A_2361 : vector<16xi32>
    %sub3A_2363 = arith.constant 1 : i32
    %sub3A_2364 = vector.broadcast %sub3A_2363 : i32 to vector<16xi32>
    %sub3A_2365 = arith.subi %add3A_2362, %sub3A_2364 : vector<16xi32>
    %lt3A_2366 = arith.cmpi slt, %sub3A_2365, %convert_element_type3A_75 : vector<16xi32>
    %and3A_2367 = arith.andi %eq3A_2353, %lt3A_2366 : vector<16xi1>
    %add3A_2368 = arith.addi %add3A_2307, %masked_cumsum3A_2358 : vector<16xi32>
    %sub3A_2369 = arith.constant 1 : i32
    %sub3A_2370 = vector.broadcast %sub3A_2369 : i32 to vector<16xi32>
    %sub3A_2371 = arith.subi %add3A_2368, %sub3A_2370 : vector<16xi32>
    %add3A_2372 = arith.addi %convert_element_type3A, %sub3A_2365 : vector<16xi32>
    %add3A_2373 = arith.constant 2048 : i32
    %add3A_2374 = arith.addi %add3A_2373, %add3A : i32
    %broadcast_in_dim3A_2375 = vector.broadcast %add3A_2374 : i32 to vector<16xi32>
    %select_n3A_2376 = arith.select %and3A_2367, %add3A_2372, %broadcast_in_dim3A_2375 : vector<16xi1>, vector<16xi32>
    %select_n3A_2377 = arith.select %gt3A_2352, %sub3A_2371, %select_n3A_2376 : vector<16xi1>, vector<16xi32>
    %broadcast_in_dim3A_2378 = arith.constant 15 : i32
    %broadcast_in_dim3A_2379 = vector.broadcast %broadcast_in_dim3A_2378 : i32 to vector<16xi32>
    %broadcast_in_dim3A_2380 = vector.shape_cast %broadcast_in_dim3A_2379 : vector<16xi32> to vector<16x1xi32>
    %gather3A_2381 = vector.shape_cast %broadcast_in_dim3A_2380 : vector<16x1xi32> to vector<16xi32>
    %gather3A_2382 = tpu.dynamic_gather %masked_cumsum3A_2358[%gather3A_2381] in [0] : vector<16xi32>, vector<16xi32> -> vector<16xi32>
    %add3A_2383 = arith.addi %add3A_2307, %gather3A_2382 : vector<16xi32>
    %broadcast_in_dim3A_2384 = arith.constant 15 : i32
    %broadcast_in_dim3A_2385 = vector.broadcast %broadcast_in_dim3A_2384 : i32 to vector<16xi32>
    %broadcast_in_dim3A_2386 = vector.shape_cast %broadcast_in_dim3A_2385 : vector<16xi32> to vector<16x1xi32>
    %gather3A_2387 = vector.shape_cast %broadcast_in_dim3A_2386 : vector<16x1xi32> to vector<16xi32>
    %gather3A_2388 = tpu.dynamic_gather %masked_cumsum3A_2361[%gather3A_2387] in [0] : vector<16xi32>, vector<16xi32> -> vector<16xi32>
    %add3A_2389 = arith.addi %add3A_2313, %gather3A_2388 : vector<16xi32>
    %add3A_2390 = arith.constant 464 : i32
    %add3A_2391 = vector.broadcast %add3A_2390 : i32 to vector<16xi32>
    %add3A_2392 = arith.addi %add3A_2391, %iota3A : vector<16xi32>
    %add3A_2393 = vector.broadcast %mul3A_2 : i32 to vector<16xi32>
    %add3A_2394 = arith.addi %add3A_2393, %add3A_2392 : vector<16xi32>
    %convert_element_type3A_2395 = arith.sitofp %add3A_2394 : vector<16xi32> to vector<16xf32>
    %get3A_2396 = arith.constant 464 : index
    %get3A_2397 = tpu.vector_load %arg8[%get3A_2396] {strides = array<i32>} : memref<2560xf32, #tpu.memory_space<vmem>>, vector<16xf32>,
    %get3A_2398 = arith.constant 1104 : index
    %get3A_2399 = tpu.vector_load %arg8[%get3A_2398] {strides = array<i32>} : memref<2560xf32, #tpu.memory_space<vmem>>, vector<16xf32>,
    %get3A_2400 = arith.constant 1744 : index
    %get3A_2401 = tpu.vector_load %arg8[%get3A_2400] {strides = array<i32>} : memref<2560xf32, #tpu.memory_space<vmem>>, vector<16xf32>,
    %get3A_2402 = arith.constant 2384 : index
    %get3A_2403 = tpu.vector_load %arg8[%get3A_2402] {strides = array<i32>} : memref<2560xf32, #tpu.memory_space<vmem>>, vector<16xf32>,
    %add3A_2404 = arith.constant 0 : i32
    %add3A_2405 = vector.broadcast %add3A_2404 : i32 to vector<16xi32>
    %add3A_2406 = arith.addi %broadcast_in_dim3A_77, %add3A_2405 : vector<16xi32>
    tpu.vector_store_idx %arg11[%add3A_2392, %add3A_2406], %get3A_2397 : memref<640x16xf32, #tpu.memory_space<vmem>>[vector<16xi32>, vector<16xi32>], vector<16xf32>,
    %add3A_2407 = arith.constant 1 : i32
    %add3A_2408 = vector.broadcast %add3A_2407 : i32 to vector<16xi32>
    %add3A_2409 = arith.addi %broadcast_in_dim3A_77, %add3A_2408 : vector<16xi32>
    tpu.vector_store_idx %arg11[%add3A_2392, %add3A_2409], %get3A_2399 : memref<640x16xf32, #tpu.memory_space<vmem>>[vector<16xi32>, vector<16xi32>], vector<16xf32>,
    %add3A_2410 = arith.constant 2 : i32
    %add3A_2411 = vector.broadcast %add3A_2410 : i32 to vector<16xi32>
    %add3A_2412 = arith.addi %broadcast_in_dim3A_77, %add3A_2411 : vector<16xi32>
    tpu.vector_store_idx %arg11[%add3A_2392, %add3A_2412], %get3A_2401 : memref<640x16xf32, #tpu.memory_space<vmem>>[vector<16xi32>, vector<16xi32>], vector<16xf32>,
    %add3A_2413 = arith.constant 3 : i32
    %add3A_2414 = vector.broadcast %add3A_2413 : i32 to vector<16xi32>
    %add3A_2415 = arith.addi %broadcast_in_dim3A_77, %add3A_2414 : vector<16xi32>
    tpu.vector_store_idx %arg11[%add3A_2392, %add3A_2415], %get3A_2403 : memref<640x16xf32, #tpu.memory_space<vmem>>[vector<16xi32>, vector<16xi32>], vector<16xf32>,
    %add3A_2416 = arith.constant 4 : i32
    %add3A_2417 = vector.broadcast %add3A_2416 : i32 to vector<16xi32>
    %add3A_2418 = arith.addi %broadcast_in_dim3A_77, %add3A_2417 : vector<16xi32>
    tpu.vector_store_idx %arg11[%add3A_2392, %add3A_2418], %get3A_2351 : memref<640x16xf32, #tpu.memory_space<vmem>>[vector<16xi32>, vector<16xi32>], vector<16xf32>,
    %add3A_2419 = arith.constant 5 : i32
    %add3A_2420 = vector.broadcast %add3A_2419 : i32 to vector<16xi32>
    %add3A_2421 = arith.addi %broadcast_in_dim3A_77, %add3A_2420 : vector<16xi32>
    tpu.vector_store_idx %arg11[%add3A_2392, %add3A_2421], %convert_element_type3A_2395 : memref<640x16xf32, #tpu.memory_space<vmem>>[vector<16xi32>, vector<16xi32>], vector<16xf32>,
    %swap3A_2422 = arith.constant 3 : i32
    %swap3A_2423 = arith.index_cast %swap3A_2422 : i32 to index
    %swap3A_2424 = arith.constant 80 : index
    %swap3A_2425 = tpu.vector_load %arg12[%swap3A_2423, %swap3A_2424] {strides = array<i32>} : memref<5x128xi32, #tpu.memory_space<vmem>>, vector<16xi32>,
    tpu.vector_store %arg12[%swap3A_2423, %swap3A_2424], %select_n3A_2377 {strides = array<i32>} : memref<5x128xi32, #tpu.memory_space<vmem>>, vector<16xi32>,
    %get3A_2426 = arith.constant 480 : index
    %get3A_2427 = tpu.vector_load %arg7[%get3A_2426] {strides = array<i32>} : memref<640xf32, #tpu.memory_space<vmem>>, vector<16xf32>,
    %gt3A_2428 = arith.cmpf ogt, %get3A_2427, %gather3A_64 : vector<16xf32>
    %eq3A_2429 = arith.cmpf oeq, %get3A_2427, %gather3A_64 : vector<16xf32>
    %convert_element_type3A_2430 = arith.extui %gt3A_2428 : vector<16xi1> to vector<16xi32>
    %convert_element_type3A_2431 = arith.extui %eq3A_2429 : vector<16xi1> to vector<16xi32>
    %broadcast_in_dim3A_2432 = arith.constant true
    %broadcast_in_dim3A_2433 = vector.broadcast %broadcast_in_dim3A_2432 : i1 to vector<16xi1>
    %masked_cumsum3A_2434 = tpu.scan <sum>, %convert_element_type3A_2430 masked %broadcast_in_dim3A_2433 : vector<16xi32>, vector<16xi1> -> vector<16xi32>
    %broadcast_in_dim3A_2435 = arith.constant true
    %broadcast_in_dim3A_2436 = vector.broadcast %broadcast_in_dim3A_2435 : i1 to vector<16xi1>
    %masked_cumsum3A_2437 = tpu.scan <sum>, %convert_element_type3A_2431 masked %broadcast_in_dim3A_2436 : vector<16xi32>, vector<16xi1> -> vector<16xi32>
    %add3A_2438 = arith.addi %add3A_2389, %masked_cumsum3A_2437 : vector<16xi32>
    %sub3A_2439 = arith.constant 1 : i32
    %sub3A_2440 = vector.broadcast %sub3A_2439 : i32 to vector<16xi32>
    %sub3A_2441 = arith.subi %add3A_2438, %sub3A_2440 : vector<16xi32>
    %lt3A_2442 = arith.cmpi slt, %sub3A_2441, %convert_element_type3A_75 : vector<16xi32>
    %and3A_2443 = arith.andi %eq3A_2429, %lt3A_2442 : vector<16xi1>
    %add3A_2444 = arith.addi %add3A_2383, %masked_cumsum3A_2434 : vector<16xi32>
    %sub3A_2445 = arith.constant 1 : i32
    %sub3A_2446 = vector.broadcast %sub3A_2445 : i32 to vector<16xi32>
    %sub3A_2447 = arith.subi %add3A_2444, %sub3A_2446 : vector<16xi32>
    %add3A_2448 = arith.addi %convert_element_type3A, %sub3A_2441 : vector<16xi32>
    %add3A_2449 = arith.constant 2048 : i32
    %add3A_2450 = arith.addi %add3A_2449, %add3A : i32
    %broadcast_in_dim3A_2451 = vector.broadcast %add3A_2450 : i32 to vector<16xi32>
    %select_n3A_2452 = arith.select %and3A_2443, %add3A_2448, %broadcast_in_dim3A_2451 : vector<16xi1>, vector<16xi32>
    %select_n3A_2453 = arith.select %gt3A_2428, %sub3A_2447, %select_n3A_2452 : vector<16xi1>, vector<16xi32>
    %broadcast_in_dim3A_2454 = arith.constant 15 : i32
    %broadcast_in_dim3A_2455 = vector.broadcast %broadcast_in_dim3A_2454 : i32 to vector<16xi32>
    %broadcast_in_dim3A_2456 = vector.shape_cast %broadcast_in_dim3A_2455 : vector<16xi32> to vector<16x1xi32>
    %gather3A_2457 = vector.shape_cast %broadcast_in_dim3A_2456 : vector<16x1xi32> to vector<16xi32>
    %gather3A_2458 = tpu.dynamic_gather %masked_cumsum3A_2434[%gather3A_2457] in [0] : vector<16xi32>, vector<16xi32> -> vector<16xi32>
    %add3A_2459 = arith.addi %add3A_2383, %gather3A_2458 : vector<16xi32>
    %broadcast_in_dim3A_2460 = arith.constant 15 : i32
    %broadcast_in_dim3A_2461 = vector.broadcast %broadcast_in_dim3A_2460 : i32 to vector<16xi32>
    %broadcast_in_dim3A_2462 = vector.shape_cast %broadcast_in_dim3A_2461 : vector<16xi32> to vector<16x1xi32>
    %gather3A_2463 = vector.shape_cast %broadcast_in_dim3A_2462 : vector<16x1xi32> to vector<16xi32>
    %gather3A_2464 = tpu.dynamic_gather %masked_cumsum3A_2437[%gather3A_2463] in [0] : vector<16xi32>, vector<16xi32> -> vector<16xi32>
    %add3A_2465 = arith.addi %add3A_2389, %gather3A_2464 : vector<16xi32>
    %add3A_2466 = arith.constant 480 : i32
    %add3A_2467 = vector.broadcast %add3A_2466 : i32 to vector<16xi32>
    %add3A_2468 = arith.addi %add3A_2467, %iota3A : vector<16xi32>
    %add3A_2469 = vector.broadcast %mul3A_2 : i32 to vector<16xi32>
    %add3A_2470 = arith.addi %add3A_2469, %add3A_2468 : vector<16xi32>
    %convert_element_type3A_2471 = arith.sitofp %add3A_2470 : vector<16xi32> to vector<16xf32>
    %get3A_2472 = arith.constant 480 : index
    %get3A_2473 = tpu.vector_load %arg8[%get3A_2472] {strides = array<i32>} : memref<2560xf32, #tpu.memory_space<vmem>>, vector<16xf32>,
    %get3A_2474 = arith.constant 1120 : index
    %get3A_2475 = tpu.vector_load %arg8[%get3A_2474] {strides = array<i32>} : memref<2560xf32, #tpu.memory_space<vmem>>, vector<16xf32>,
    %get3A_2476 = arith.constant 1760 : index
    %get3A_2477 = tpu.vector_load %arg8[%get3A_2476] {strides = array<i32>} : memref<2560xf32, #tpu.memory_space<vmem>>, vector<16xf32>,
    %get3A_2478 = arith.constant 2400 : index
    %get3A_2479 = tpu.vector_load %arg8[%get3A_2478] {strides = array<i32>} : memref<2560xf32, #tpu.memory_space<vmem>>, vector<16xf32>,
    %add3A_2480 = arith.constant 0 : i32
    %add3A_2481 = vector.broadcast %add3A_2480 : i32 to vector<16xi32>
    %add3A_2482 = arith.addi %broadcast_in_dim3A_77, %add3A_2481 : vector<16xi32>
    tpu.vector_store_idx %arg11[%add3A_2468, %add3A_2482], %get3A_2473 : memref<640x16xf32, #tpu.memory_space<vmem>>[vector<16xi32>, vector<16xi32>], vector<16xf32>,
    %add3A_2483 = arith.constant 1 : i32
    %add3A_2484 = vector.broadcast %add3A_2483 : i32 to vector<16xi32>
    %add3A_2485 = arith.addi %broadcast_in_dim3A_77, %add3A_2484 : vector<16xi32>
    tpu.vector_store_idx %arg11[%add3A_2468, %add3A_2485], %get3A_2475 : memref<640x16xf32, #tpu.memory_space<vmem>>[vector<16xi32>, vector<16xi32>], vector<16xf32>,
    %add3A_2486 = arith.constant 2 : i32
    %add3A_2487 = vector.broadcast %add3A_2486 : i32 to vector<16xi32>
    %add3A_2488 = arith.addi %broadcast_in_dim3A_77, %add3A_2487 : vector<16xi32>
    tpu.vector_store_idx %arg11[%add3A_2468, %add3A_2488], %get3A_2477 : memref<640x16xf32, #tpu.memory_space<vmem>>[vector<16xi32>, vector<16xi32>], vector<16xf32>,
    %add3A_2489 = arith.constant 3 : i32
    %add3A_2490 = vector.broadcast %add3A_2489 : i32 to vector<16xi32>
    %add3A_2491 = arith.addi %broadcast_in_dim3A_77, %add3A_2490 : vector<16xi32>
    tpu.vector_store_idx %arg11[%add3A_2468, %add3A_2491], %get3A_2479 : memref<640x16xf32, #tpu.memory_space<vmem>>[vector<16xi32>, vector<16xi32>], vector<16xf32>,
    %add3A_2492 = arith.constant 4 : i32
    %add3A_2493 = vector.broadcast %add3A_2492 : i32 to vector<16xi32>
    %add3A_2494 = arith.addi %broadcast_in_dim3A_77, %add3A_2493 : vector<16xi32>
    tpu.vector_store_idx %arg11[%add3A_2468, %add3A_2494], %get3A_2427 : memref<640x16xf32, #tpu.memory_space<vmem>>[vector<16xi32>, vector<16xi32>], vector<16xf32>,
    %add3A_2495 = arith.constant 5 : i32
    %add3A_2496 = vector.broadcast %add3A_2495 : i32 to vector<16xi32>
    %add3A_2497 = arith.addi %broadcast_in_dim3A_77, %add3A_2496 : vector<16xi32>
    tpu.vector_store_idx %arg11[%add3A_2468, %add3A_2497], %convert_element_type3A_2471 : memref<640x16xf32, #tpu.memory_space<vmem>>[vector<16xi32>, vector<16xi32>], vector<16xf32>,
    %swap3A_2498 = arith.constant 3 : i32
    %swap3A_2499 = arith.index_cast %swap3A_2498 : i32 to index
    %swap3A_2500 = arith.constant 96 : index
    %swap3A_2501 = tpu.vector_load %arg12[%swap3A_2499, %swap3A_2500] {strides = array<i32>} : memref<5x128xi32, #tpu.memory_space<vmem>>, vector<16xi32>,
    tpu.vector_store %arg12[%swap3A_2499, %swap3A_2500], %select_n3A_2453 {strides = array<i32>} : memref<5x128xi32, #tpu.memory_space<vmem>>, vector<16xi32>,
    %get3A_2502 = arith.constant 496 : index
    %get3A_2503 = tpu.vector_load %arg7[%get3A_2502] {strides = array<i32>} : memref<640xf32, #tpu.memory_space<vmem>>, vector<16xf32>,
    %gt3A_2504 = arith.cmpf ogt, %get3A_2503, %gather3A_64 : vector<16xf32>
    %eq3A_2505 = arith.cmpf oeq, %get3A_2503, %gather3A_64 : vector<16xf32>
    %convert_element_type3A_2506 = arith.extui %gt3A_2504 : vector<16xi1> to vector<16xi32>
    %convert_element_type3A_2507 = arith.extui %eq3A_2505 : vector<16xi1> to vector<16xi32>
    %broadcast_in_dim3A_2508 = arith.constant true
    %broadcast_in_dim3A_2509 = vector.broadcast %broadcast_in_dim3A_2508 : i1 to vector<16xi1>
    %masked_cumsum3A_2510 = tpu.scan <sum>, %convert_element_type3A_2506 masked %broadcast_in_dim3A_2509 : vector<16xi32>, vector<16xi1> -> vector<16xi32>
    %broadcast_in_dim3A_2511 = arith.constant true
    %broadcast_in_dim3A_2512 = vector.broadcast %broadcast_in_dim3A_2511 : i1 to vector<16xi1>
    %masked_cumsum3A_2513 = tpu.scan <sum>, %convert_element_type3A_2507 masked %broadcast_in_dim3A_2512 : vector<16xi32>, vector<16xi1> -> vector<16xi32>
    %add3A_2514 = arith.addi %add3A_2465, %masked_cumsum3A_2513 : vector<16xi32>
    %sub3A_2515 = arith.constant 1 : i32
    %sub3A_2516 = vector.broadcast %sub3A_2515 : i32 to vector<16xi32>
    %sub3A_2517 = arith.subi %add3A_2514, %sub3A_2516 : vector<16xi32>
    %lt3A_2518 = arith.cmpi slt, %sub3A_2517, %convert_element_type3A_75 : vector<16xi32>
    %and3A_2519 = arith.andi %eq3A_2505, %lt3A_2518 : vector<16xi1>
    %add3A_2520 = arith.addi %add3A_2459, %masked_cumsum3A_2510 : vector<16xi32>
    %sub3A_2521 = arith.constant 1 : i32
    %sub3A_2522 = vector.broadcast %sub3A_2521 : i32 to vector<16xi32>
    %sub3A_2523 = arith.subi %add3A_2520, %sub3A_2522 : vector<16xi32>
    %add3A_2524 = arith.addi %convert_element_type3A, %sub3A_2517 : vector<16xi32>
    %add3A_2525 = arith.constant 2048 : i32
    %add3A_2526 = arith.addi %add3A_2525, %add3A : i32
    %broadcast_in_dim3A_2527 = vector.broadcast %add3A_2526 : i32 to vector<16xi32>
    %select_n3A_2528 = arith.select %and3A_2519, %add3A_2524, %broadcast_in_dim3A_2527 : vector<16xi1>, vector<16xi32>
    %select_n3A_2529 = arith.select %gt3A_2504, %sub3A_2523, %select_n3A_2528 : vector<16xi1>, vector<16xi32>
    %broadcast_in_dim3A_2530 = arith.constant 15 : i32
    %broadcast_in_dim3A_2531 = vector.broadcast %broadcast_in_dim3A_2530 : i32 to vector<16xi32>
    %broadcast_in_dim3A_2532 = vector.shape_cast %broadcast_in_dim3A_2531 : vector<16xi32> to vector<16x1xi32>
    %gather3A_2533 = vector.shape_cast %broadcast_in_dim3A_2532 : vector<16x1xi32> to vector<16xi32>
    %gather3A_2534 = tpu.dynamic_gather %masked_cumsum3A_2510[%gather3A_2533] in [0] : vector<16xi32>, vector<16xi32> -> vector<16xi32>
    %add3A_2535 = arith.addi %add3A_2459, %gather3A_2534 : vector<16xi32>
    %broadcast_in_dim3A_2536 = arith.constant 15 : i32
    %broadcast_in_dim3A_2537 = vector.broadcast %broadcast_in_dim3A_2536 : i32 to vector<16xi32>
    %broadcast_in_dim3A_2538 = vector.shape_cast %broadcast_in_dim3A_2537 : vector<16xi32> to vector<16x1xi32>
    %gather3A_2539 = vector.shape_cast %broadcast_in_dim3A_2538 : vector<16x1xi32> to vector<16xi32>
    %gather3A_2540 = tpu.dynamic_gather %masked_cumsum3A_2513[%gather3A_2539] in [0] : vector<16xi32>, vector<16xi32> -> vector<16xi32>
    %add3A_2541 = arith.addi %add3A_2465, %gather3A_2540 : vector<16xi32>
    %add3A_2542 = arith.constant 496 : i32
    %add3A_2543 = vector.broadcast %add3A_2542 : i32 to vector<16xi32>
    %add3A_2544 = arith.addi %add3A_2543, %iota3A : vector<16xi32>
    %add3A_2545 = vector.broadcast %mul3A_2 : i32 to vector<16xi32>
    %add3A_2546 = arith.addi %add3A_2545, %add3A_2544 : vector<16xi32>
    %convert_element_type3A_2547 = arith.sitofp %add3A_2546 : vector<16xi32> to vector<16xf32>
    %get3A_2548 = arith.constant 496 : index
    %get3A_2549 = tpu.vector_load %arg8[%get3A_2548] {strides = array<i32>} : memref<2560xf32, #tpu.memory_space<vmem>>, vector<16xf32>,
    %get3A_2550 = arith.constant 1136 : index
    %get3A_2551 = tpu.vector_load %arg8[%get3A_2550] {strides = array<i32>} : memref<2560xf32, #tpu.memory_space<vmem>>, vector<16xf32>,
    %get3A_2552 = arith.constant 1776 : index
    %get3A_2553 = tpu.vector_load %arg8[%get3A_2552] {strides = array<i32>} : memref<2560xf32, #tpu.memory_space<vmem>>, vector<16xf32>,
    %get3A_2554 = arith.constant 2416 : index
    %get3A_2555 = tpu.vector_load %arg8[%get3A_2554] {strides = array<i32>} : memref<2560xf32, #tpu.memory_space<vmem>>, vector<16xf32>,
    %add3A_2556 = arith.constant 0 : i32
    %add3A_2557 = vector.broadcast %add3A_2556 : i32 to vector<16xi32>
    %add3A_2558 = arith.addi %broadcast_in_dim3A_77, %add3A_2557 : vector<16xi32>
    tpu.vector_store_idx %arg11[%add3A_2544, %add3A_2558], %get3A_2549 : memref<640x16xf32, #tpu.memory_space<vmem>>[vector<16xi32>, vector<16xi32>], vector<16xf32>,
    %add3A_2559 = arith.constant 1 : i32
    %add3A_2560 = vector.broadcast %add3A_2559 : i32 to vector<16xi32>
    %add3A_2561 = arith.addi %broadcast_in_dim3A_77, %add3A_2560 : vector<16xi32>
    tpu.vector_store_idx %arg11[%add3A_2544, %add3A_2561], %get3A_2551 : memref<640x16xf32, #tpu.memory_space<vmem>>[vector<16xi32>, vector<16xi32>], vector<16xf32>,
    %add3A_2562 = arith.constant 2 : i32
    %add3A_2563 = vector.broadcast %add3A_2562 : i32 to vector<16xi32>
    %add3A_2564 = arith.addi %broadcast_in_dim3A_77, %add3A_2563 : vector<16xi32>
    tpu.vector_store_idx %arg11[%add3A_2544, %add3A_2564], %get3A_2553 : memref<640x16xf32, #tpu.memory_space<vmem>>[vector<16xi32>, vector<16xi32>], vector<16xf32>,
    %add3A_2565 = arith.constant 3 : i32
    %add3A_2566 = vector.broadcast %add3A_2565 : i32 to vector<16xi32>
    %add3A_2567 = arith.addi %broadcast_in_dim3A_77, %add3A_2566 : vector<16xi32>
    tpu.vector_store_idx %arg11[%add3A_2544, %add3A_2567], %get3A_2555 : memref<640x16xf32, #tpu.memory_space<vmem>>[vector<16xi32>, vector<16xi32>], vector<16xf32>,
    %add3A_2568 = arith.constant 4 : i32
    %add3A_2569 = vector.broadcast %add3A_2568 : i32 to vector<16xi32>
    %add3A_2570 = arith.addi %broadcast_in_dim3A_77, %add3A_2569 : vector<16xi32>
    tpu.vector_store_idx %arg11[%add3A_2544, %add3A_2570], %get3A_2503 : memref<640x16xf32, #tpu.memory_space<vmem>>[vector<16xi32>, vector<16xi32>], vector<16xf32>,
    %add3A_2571 = arith.constant 5 : i32
    %add3A_2572 = vector.broadcast %add3A_2571 : i32 to vector<16xi32>
    %add3A_2573 = arith.addi %broadcast_in_dim3A_77, %add3A_2572 : vector<16xi32>
    tpu.vector_store_idx %arg11[%add3A_2544, %add3A_2573], %convert_element_type3A_2547 : memref<640x16xf32, #tpu.memory_space<vmem>>[vector<16xi32>, vector<16xi32>], vector<16xf32>,
    %swap3A_2574 = arith.constant 3 : i32
    %swap3A_2575 = arith.index_cast %swap3A_2574 : i32 to index
    %swap3A_2576 = arith.constant 112 : index
    %swap3A_2577 = tpu.vector_load %arg12[%swap3A_2575, %swap3A_2576] {strides = array<i32>} : memref<5x128xi32, #tpu.memory_space<vmem>>, vector<16xi32>,
    tpu.vector_store %arg12[%swap3A_2575, %swap3A_2576], %select_n3A_2529 {strides = array<i32>} : memref<5x128xi32, #tpu.memory_space<vmem>>, vector<16xi32>,
    %get3A_2578 = arith.constant 512 : index
    %get3A_2579 = tpu.vector_load %arg7[%get3A_2578] {strides = array<i32>} : memref<640xf32, #tpu.memory_space<vmem>>, vector<16xf32>,
    %gt3A_2580 = arith.cmpf ogt, %get3A_2579, %gather3A_64 : vector<16xf32>
    %eq3A_2581 = arith.cmpf oeq, %get3A_2579, %gather3A_64 : vector<16xf32>
    %convert_element_type3A_2582 = arith.extui %gt3A_2580 : vector<16xi1> to vector<16xi32>
    %convert_element_type3A_2583 = arith.extui %eq3A_2581 : vector<16xi1> to vector<16xi32>
    %broadcast_in_dim3A_2584 = arith.constant true
    %broadcast_in_dim3A_2585 = vector.broadcast %broadcast_in_dim3A_2584 : i1 to vector<16xi1>
    %masked_cumsum3A_2586 = tpu.scan <sum>, %convert_element_type3A_2582 masked %broadcast_in_dim3A_2585 : vector<16xi32>, vector<16xi1> -> vector<16xi32>
    %broadcast_in_dim3A_2587 = arith.constant true
    %broadcast_in_dim3A_2588 = vector.broadcast %broadcast_in_dim3A_2587 : i1 to vector<16xi1>
    %masked_cumsum3A_2589 = tpu.scan <sum>, %convert_element_type3A_2583 masked %broadcast_in_dim3A_2588 : vector<16xi32>, vector<16xi1> -> vector<16xi32>
    %add3A_2590 = arith.addi %add3A_2541, %masked_cumsum3A_2589 : vector<16xi32>
    %sub3A_2591 = arith.constant 1 : i32
    %sub3A_2592 = vector.broadcast %sub3A_2591 : i32 to vector<16xi32>
    %sub3A_2593 = arith.subi %add3A_2590, %sub3A_2592 : vector<16xi32>
    %lt3A_2594 = arith.cmpi slt, %sub3A_2593, %convert_element_type3A_75 : vector<16xi32>
    %and3A_2595 = arith.andi %eq3A_2581, %lt3A_2594 : vector<16xi1>
    %add3A_2596 = arith.addi %add3A_2535, %masked_cumsum3A_2586 : vector<16xi32>
    %sub3A_2597 = arith.constant 1 : i32
    %sub3A_2598 = vector.broadcast %sub3A_2597 : i32 to vector<16xi32>
    %sub3A_2599 = arith.subi %add3A_2596, %sub3A_2598 : vector<16xi32>
    %add3A_2600 = arith.addi %convert_element_type3A, %sub3A_2593 : vector<16xi32>
    %add3A_2601 = arith.constant 2048 : i32
    %add3A_2602 = arith.addi %add3A_2601, %add3A : i32
    %broadcast_in_dim3A_2603 = vector.broadcast %add3A_2602 : i32 to vector<16xi32>
    %select_n3A_2604 = arith.select %and3A_2595, %add3A_2600, %broadcast_in_dim3A_2603 : vector<16xi1>, vector<16xi32>
    %select_n3A_2605 = arith.select %gt3A_2580, %sub3A_2599, %select_n3A_2604 : vector<16xi1>, vector<16xi32>
    %broadcast_in_dim3A_2606 = arith.constant 15 : i32
    %broadcast_in_dim3A_2607 = vector.broadcast %broadcast_in_dim3A_2606 : i32 to vector<16xi32>
    %broadcast_in_dim3A_2608 = vector.shape_cast %broadcast_in_dim3A_2607 : vector<16xi32> to vector<16x1xi32>
    %gather3A_2609 = vector.shape_cast %broadcast_in_dim3A_2608 : vector<16x1xi32> to vector<16xi32>
    %gather3A_2610 = tpu.dynamic_gather %masked_cumsum3A_2586[%gather3A_2609] in [0] : vector<16xi32>, vector<16xi32> -> vector<16xi32>
    %add3A_2611 = arith.addi %add3A_2535, %gather3A_2610 : vector<16xi32>
    %broadcast_in_dim3A_2612 = arith.constant 15 : i32
    %broadcast_in_dim3A_2613 = vector.broadcast %broadcast_in_dim3A_2612 : i32 to vector<16xi32>
    %broadcast_in_dim3A_2614 = vector.shape_cast %broadcast_in_dim3A_2613 : vector<16xi32> to vector<16x1xi32>
    %gather3A_2615 = vector.shape_cast %broadcast_in_dim3A_2614 : vector<16x1xi32> to vector<16xi32>
    %gather3A_2616 = tpu.dynamic_gather %masked_cumsum3A_2589[%gather3A_2615] in [0] : vector<16xi32>, vector<16xi32> -> vector<16xi32>
    %add3A_2617 = arith.addi %add3A_2541, %gather3A_2616 : vector<16xi32>
    %add3A_2618 = arith.constant 512 : i32
    %add3A_2619 = vector.broadcast %add3A_2618 : i32 to vector<16xi32>
    %add3A_2620 = arith.addi %add3A_2619, %iota3A : vector<16xi32>
    %add3A_2621 = vector.broadcast %mul3A_2 : i32 to vector<16xi32>
    %add3A_2622 = arith.addi %add3A_2621, %add3A_2620 : vector<16xi32>
    %convert_element_type3A_2623 = arith.sitofp %add3A_2622 : vector<16xi32> to vector<16xf32>
    %get3A_2624 = arith.constant 512 : index
    %get3A_2625 = tpu.vector_load %arg8[%get3A_2624] {strides = array<i32>} : memref<2560xf32, #tpu.memory_space<vmem>>, vector<16xf32>,
    %get3A_2626 = arith.constant 1152 : index
    %get3A_2627 = tpu.vector_load %arg8[%get3A_2626] {strides = array<i32>} : memref<2560xf32, #tpu.memory_space<vmem>>, vector<16xf32>,
    %get3A_2628 = arith.constant 1792 : index
    %get3A_2629 = tpu.vector_load %arg8[%get3A_2628] {strides = array<i32>} : memref<2560xf32, #tpu.memory_space<vmem>>, vector<16xf32>,
    %get3A_2630 = arith.constant 2432 : index
    %get3A_2631 = tpu.vector_load %arg8[%get3A_2630] {strides = array<i32>} : memref<2560xf32, #tpu.memory_space<vmem>>, vector<16xf32>,
    %add3A_2632 = arith.constant 0 : i32
    %add3A_2633 = vector.broadcast %add3A_2632 : i32 to vector<16xi32>
    %add3A_2634 = arith.addi %broadcast_in_dim3A_77, %add3A_2633 : vector<16xi32>
    tpu.vector_store_idx %arg11[%add3A_2620, %add3A_2634], %get3A_2625 : memref<640x16xf32, #tpu.memory_space<vmem>>[vector<16xi32>, vector<16xi32>], vector<16xf32>,
    %add3A_2635 = arith.constant 1 : i32
    %add3A_2636 = vector.broadcast %add3A_2635 : i32 to vector<16xi32>
    %add3A_2637 = arith.addi %broadcast_in_dim3A_77, %add3A_2636 : vector<16xi32>
    tpu.vector_store_idx %arg11[%add3A_2620, %add3A_2637], %get3A_2627 : memref<640x16xf32, #tpu.memory_space<vmem>>[vector<16xi32>, vector<16xi32>], vector<16xf32>,
    %add3A_2638 = arith.constant 2 : i32
    %add3A_2639 = vector.broadcast %add3A_2638 : i32 to vector<16xi32>
    %add3A_2640 = arith.addi %broadcast_in_dim3A_77, %add3A_2639 : vector<16xi32>
    tpu.vector_store_idx %arg11[%add3A_2620, %add3A_2640], %get3A_2629 : memref<640x16xf32, #tpu.memory_space<vmem>>[vector<16xi32>, vector<16xi32>], vector<16xf32>,
    %add3A_2641 = arith.constant 3 : i32
    %add3A_2642 = vector.broadcast %add3A_2641 : i32 to vector<16xi32>
    %add3A_2643 = arith.addi %broadcast_in_dim3A_77, %add3A_2642 : vector<16xi32>
    tpu.vector_store_idx %arg11[%add3A_2620, %add3A_2643], %get3A_2631 : memref<640x16xf32, #tpu.memory_space<vmem>>[vector<16xi32>, vector<16xi32>], vector<16xf32>,
    %add3A_2644 = arith.constant 4 : i32
    %add3A_2645 = vector.broadcast %add3A_2644 : i32 to vector<16xi32>
    %add3A_2646 = arith.addi %broadcast_in_dim3A_77, %add3A_2645 : vector<16xi32>
    tpu.vector_store_idx %arg11[%add3A_2620, %add3A_2646], %get3A_2579 : memref<640x16xf32, #tpu.memory_space<vmem>>[vector<16xi32>, vector<16xi32>], vector<16xf32>,
    %add3A_2647 = arith.constant 5 : i32
    %add3A_2648 = vector.broadcast %add3A_2647 : i32 to vector<16xi32>
    %add3A_2649 = arith.addi %broadcast_in_dim3A_77, %add3A_2648 : vector<16xi32>
    tpu.vector_store_idx %arg11[%add3A_2620, %add3A_2649], %convert_element_type3A_2623 : memref<640x16xf32, #tpu.memory_space<vmem>>[vector<16xi32>, vector<16xi32>], vector<16xf32>,
    %swap3A_2650 = arith.constant 4 : i32
    %swap3A_2651 = arith.index_cast %swap3A_2650 : i32 to index
    %swap3A_2652 = arith.constant 0 : index
    %swap3A_2653 = tpu.vector_load %arg12[%swap3A_2651, %swap3A_2652] {strides = array<i32>} : memref<5x128xi32, #tpu.memory_space<vmem>>, vector<16xi32>,
    tpu.vector_store %arg12[%swap3A_2651, %swap3A_2652], %select_n3A_2605 {strides = array<i32>} : memref<5x128xi32, #tpu.memory_space<vmem>>, vector<16xi32>,
    %get3A_2654 = arith.constant 528 : index
    %get3A_2655 = tpu.vector_load %arg7[%get3A_2654] {strides = array<i32>} : memref<640xf32, #tpu.memory_space<vmem>>, vector<16xf32>,
    %gt3A_2656 = arith.cmpf ogt, %get3A_2655, %gather3A_64 : vector<16xf32>
    %eq3A_2657 = arith.cmpf oeq, %get3A_2655, %gather3A_64 : vector<16xf32>
    %convert_element_type3A_2658 = arith.extui %gt3A_2656 : vector<16xi1> to vector<16xi32>
    %convert_element_type3A_2659 = arith.extui %eq3A_2657 : vector<16xi1> to vector<16xi32>
    %broadcast_in_dim3A_2660 = arith.constant true
    %broadcast_in_dim3A_2661 = vector.broadcast %broadcast_in_dim3A_2660 : i1 to vector<16xi1>
    %masked_cumsum3A_2662 = tpu.scan <sum>, %convert_element_type3A_2658 masked %broadcast_in_dim3A_2661 : vector<16xi32>, vector<16xi1> -> vector<16xi32>
    %broadcast_in_dim3A_2663 = arith.constant true
    %broadcast_in_dim3A_2664 = vector.broadcast %broadcast_in_dim3A_2663 : i1 to vector<16xi1>
    %masked_cumsum3A_2665 = tpu.scan <sum>, %convert_element_type3A_2659 masked %broadcast_in_dim3A_2664 : vector<16xi32>, vector<16xi1> -> vector<16xi32>
    %add3A_2666 = arith.addi %add3A_2617, %masked_cumsum3A_2665 : vector<16xi32>
    %sub3A_2667 = arith.constant 1 : i32
    %sub3A_2668 = vector.broadcast %sub3A_2667 : i32 to vector<16xi32>
    %sub3A_2669 = arith.subi %add3A_2666, %sub3A_2668 : vector<16xi32>
    %lt3A_2670 = arith.cmpi slt, %sub3A_2669, %convert_element_type3A_75 : vector<16xi32>
    %and3A_2671 = arith.andi %eq3A_2657, %lt3A_2670 : vector<16xi1>
    %add3A_2672 = arith.addi %add3A_2611, %masked_cumsum3A_2662 : vector<16xi32>
    %sub3A_2673 = arith.constant 1 : i32
    %sub3A_2674 = vector.broadcast %sub3A_2673 : i32 to vector<16xi32>
    %sub3A_2675 = arith.subi %add3A_2672, %sub3A_2674 : vector<16xi32>
    %add3A_2676 = arith.addi %convert_element_type3A, %sub3A_2669 : vector<16xi32>
    %add3A_2677 = arith.constant 2048 : i32
    %add3A_2678 = arith.addi %add3A_2677, %add3A : i32
    %broadcast_in_dim3A_2679 = vector.broadcast %add3A_2678 : i32 to vector<16xi32>
    %select_n3A_2680 = arith.select %and3A_2671, %add3A_2676, %broadcast_in_dim3A_2679 : vector<16xi1>, vector<16xi32>
    %select_n3A_2681 = arith.select %gt3A_2656, %sub3A_2675, %select_n3A_2680 : vector<16xi1>, vector<16xi32>
    %broadcast_in_dim3A_2682 = arith.constant 15 : i32
    %broadcast_in_dim3A_2683 = vector.broadcast %broadcast_in_dim3A_2682 : i32 to vector<16xi32>
    %broadcast_in_dim3A_2684 = vector.shape_cast %broadcast_in_dim3A_2683 : vector<16xi32> to vector<16x1xi32>
    %gather3A_2685 = vector.shape_cast %broadcast_in_dim3A_2684 : vector<16x1xi32> to vector<16xi32>
    %gather3A_2686 = tpu.dynamic_gather %masked_cumsum3A_2662[%gather3A_2685] in [0] : vector<16xi32>, vector<16xi32> -> vector<16xi32>
    %add3A_2687 = arith.addi %add3A_2611, %gather3A_2686 : vector<16xi32>
    %broadcast_in_dim3A_2688 = arith.constant 15 : i32
    %broadcast_in_dim3A_2689 = vector.broadcast %broadcast_in_dim3A_2688 : i32 to vector<16xi32>
    %broadcast_in_dim3A_2690 = vector.shape_cast %broadcast_in_dim3A_2689 : vector<16xi32> to vector<16x1xi32>
    %gather3A_2691 = vector.shape_cast %broadcast_in_dim3A_2690 : vector<16x1xi32> to vector<16xi32>
    %gather3A_2692 = tpu.dynamic_gather %masked_cumsum3A_2665[%gather3A_2691] in [0] : vector<16xi32>, vector<16xi32> -> vector<16xi32>
    %add3A_2693 = arith.addi %add3A_2617, %gather3A_2692 : vector<16xi32>
    %add3A_2694 = arith.constant 528 : i32
    %add3A_2695 = vector.broadcast %add3A_2694 : i32 to vector<16xi32>
    %add3A_2696 = arith.addi %add3A_2695, %iota3A : vector<16xi32>
    %add3A_2697 = vector.broadcast %mul3A_2 : i32 to vector<16xi32>
    %add3A_2698 = arith.addi %add3A_2697, %add3A_2696 : vector<16xi32>
    %convert_element_type3A_2699 = arith.sitofp %add3A_2698 : vector<16xi32> to vector<16xf32>
    %get3A_2700 = arith.constant 528 : index
    %get3A_2701 = tpu.vector_load %arg8[%get3A_2700] {strides = array<i32>} : memref<2560xf32, #tpu.memory_space<vmem>>, vector<16xf32>,
    %get3A_2702 = arith.constant 1168 : index
    %get3A_2703 = tpu.vector_load %arg8[%get3A_2702] {strides = array<i32>} : memref<2560xf32, #tpu.memory_space<vmem>>, vector<16xf32>,
    %get3A_2704 = arith.constant 1808 : index
    %get3A_2705 = tpu.vector_load %arg8[%get3A_2704] {strides = array<i32>} : memref<2560xf32, #tpu.memory_space<vmem>>, vector<16xf32>,
    %get3A_2706 = arith.constant 2448 : index
    %get3A_2707 = tpu.vector_load %arg8[%get3A_2706] {strides = array<i32>} : memref<2560xf32, #tpu.memory_space<vmem>>, vector<16xf32>,
    %add3A_2708 = arith.constant 0 : i32
    %add3A_2709 = vector.broadcast %add3A_2708 : i32 to vector<16xi32>
    %add3A_2710 = arith.addi %broadcast_in_dim3A_77, %add3A_2709 : vector<16xi32>
    tpu.vector_store_idx %arg11[%add3A_2696, %add3A_2710], %get3A_2701 : memref<640x16xf32, #tpu.memory_space<vmem>>[vector<16xi32>, vector<16xi32>], vector<16xf32>,
    %add3A_2711 = arith.constant 1 : i32
    %add3A_2712 = vector.broadcast %add3A_2711 : i32 to vector<16xi32>
    %add3A_2713 = arith.addi %broadcast_in_dim3A_77, %add3A_2712 : vector<16xi32>
    tpu.vector_store_idx %arg11[%add3A_2696, %add3A_2713], %get3A_2703 : memref<640x16xf32, #tpu.memory_space<vmem>>[vector<16xi32>, vector<16xi32>], vector<16xf32>,
    %add3A_2714 = arith.constant 2 : i32
    %add3A_2715 = vector.broadcast %add3A_2714 : i32 to vector<16xi32>
    %add3A_2716 = arith.addi %broadcast_in_dim3A_77, %add3A_2715 : vector<16xi32>
    tpu.vector_store_idx %arg11[%add3A_2696, %add3A_2716], %get3A_2705 : memref<640x16xf32, #tpu.memory_space<vmem>>[vector<16xi32>, vector<16xi32>], vector<16xf32>,
    %add3A_2717 = arith.constant 3 : i32
    %add3A_2718 = vector.broadcast %add3A_2717 : i32 to vector<16xi32>
    %add3A_2719 = arith.addi %broadcast_in_dim3A_77, %add3A_2718 : vector<16xi32>
    tpu.vector_store_idx %arg11[%add3A_2696, %add3A_2719], %get3A_2707 : memref<640x16xf32, #tpu.memory_space<vmem>>[vector<16xi32>, vector<16xi32>], vector<16xf32>,
    %add3A_2720 = arith.constant 4 : i32
    %add3A_2721 = vector.broadcast %add3A_2720 : i32 to vector<16xi32>
    %add3A_2722 = arith.addi %broadcast_in_dim3A_77, %add3A_2721 : vector<16xi32>
    tpu.vector_store_idx %arg11[%add3A_2696, %add3A_2722], %get3A_2655 : memref<640x16xf32, #tpu.memory_space<vmem>>[vector<16xi32>, vector<16xi32>], vector<16xf32>,
    %add3A_2723 = arith.constant 5 : i32
    %add3A_2724 = vector.broadcast %add3A_2723 : i32 to vector<16xi32>
    %add3A_2725 = arith.addi %broadcast_in_dim3A_77, %add3A_2724 : vector<16xi32>
    tpu.vector_store_idx %arg11[%add3A_2696, %add3A_2725], %convert_element_type3A_2699 : memref<640x16xf32, #tpu.memory_space<vmem>>[vector<16xi32>, vector<16xi32>], vector<16xf32>,
    %swap3A_2726 = arith.constant 4 : i32
    %swap3A_2727 = arith.index_cast %swap3A_2726 : i32 to index
    %swap3A_2728 = arith.constant 16 : index
    %swap3A_2729 = tpu.vector_load %arg12[%swap3A_2727, %swap3A_2728] {strides = array<i32>} : memref<5x128xi32, #tpu.memory_space<vmem>>, vector<16xi32>,
    tpu.vector_store %arg12[%swap3A_2727, %swap3A_2728], %select_n3A_2681 {strides = array<i32>} : memref<5x128xi32, #tpu.memory_space<vmem>>, vector<16xi32>,
    %get3A_2730 = arith.constant 544 : index
    %get3A_2731 = tpu.vector_load %arg7[%get3A_2730] {strides = array<i32>} : memref<640xf32, #tpu.memory_space<vmem>>, vector<16xf32>,
    %gt3A_2732 = arith.cmpf ogt, %get3A_2731, %gather3A_64 : vector<16xf32>
    %eq3A_2733 = arith.cmpf oeq, %get3A_2731, %gather3A_64 : vector<16xf32>
    %convert_element_type3A_2734 = arith.extui %gt3A_2732 : vector<16xi1> to vector<16xi32>
    %convert_element_type3A_2735 = arith.extui %eq3A_2733 : vector<16xi1> to vector<16xi32>
    %broadcast_in_dim3A_2736 = arith.constant true
    %broadcast_in_dim3A_2737 = vector.broadcast %broadcast_in_dim3A_2736 : i1 to vector<16xi1>
    %masked_cumsum3A_2738 = tpu.scan <sum>, %convert_element_type3A_2734 masked %broadcast_in_dim3A_2737 : vector<16xi32>, vector<16xi1> -> vector<16xi32>
    %broadcast_in_dim3A_2739 = arith.constant true
    %broadcast_in_dim3A_2740 = vector.broadcast %broadcast_in_dim3A_2739 : i1 to vector<16xi1>
    %masked_cumsum3A_2741 = tpu.scan <sum>, %convert_element_type3A_2735 masked %broadcast_in_dim3A_2740 : vector<16xi32>, vector<16xi1> -> vector<16xi32>
    %add3A_2742 = arith.addi %add3A_2693, %masked_cumsum3A_2741 : vector<16xi32>
    %sub3A_2743 = arith.constant 1 : i32
    %sub3A_2744 = vector.broadcast %sub3A_2743 : i32 to vector<16xi32>
    %sub3A_2745 = arith.subi %add3A_2742, %sub3A_2744 : vector<16xi32>
    %lt3A_2746 = arith.cmpi slt, %sub3A_2745, %convert_element_type3A_75 : vector<16xi32>
    %and3A_2747 = arith.andi %eq3A_2733, %lt3A_2746 : vector<16xi1>
    %add3A_2748 = arith.addi %add3A_2687, %masked_cumsum3A_2738 : vector<16xi32>
    %sub3A_2749 = arith.constant 1 : i32
    %sub3A_2750 = vector.broadcast %sub3A_2749 : i32 to vector<16xi32>
    %sub3A_2751 = arith.subi %add3A_2748, %sub3A_2750 : vector<16xi32>
    %add3A_2752 = arith.addi %convert_element_type3A, %sub3A_2745 : vector<16xi32>
    %add3A_2753 = arith.constant 2048 : i32
    %add3A_2754 = arith.addi %add3A_2753, %add3A : i32
    %broadcast_in_dim3A_2755 = vector.broadcast %add3A_2754 : i32 to vector<16xi32>
    %select_n3A_2756 = arith.select %and3A_2747, %add3A_2752, %broadcast_in_dim3A_2755 : vector<16xi1>, vector<16xi32>
    %select_n3A_2757 = arith.select %gt3A_2732, %sub3A_2751, %select_n3A_2756 : vector<16xi1>, vector<16xi32>
    %broadcast_in_dim3A_2758 = arith.constant 15 : i32
    %broadcast_in_dim3A_2759 = vector.broadcast %broadcast_in_dim3A_2758 : i32 to vector<16xi32>
    %broadcast_in_dim3A_2760 = vector.shape_cast %broadcast_in_dim3A_2759 : vector<16xi32> to vector<16x1xi32>
    %gather3A_2761 = vector.shape_cast %broadcast_in_dim3A_2760 : vector<16x1xi32> to vector<16xi32>
    %gather3A_2762 = tpu.dynamic_gather %masked_cumsum3A_2738[%gather3A_2761] in [0] : vector<16xi32>, vector<16xi32> -> vector<16xi32>
    %add3A_2763 = arith.addi %add3A_2687, %gather3A_2762 : vector<16xi32>
    %broadcast_in_dim3A_2764 = arith.constant 15 : i32
    %broadcast_in_dim3A_2765 = vector.broadcast %broadcast_in_dim3A_2764 : i32 to vector<16xi32>
    %broadcast_in_dim3A_2766 = vector.shape_cast %broadcast_in_dim3A_2765 : vector<16xi32> to vector<16x1xi32>
    %gather3A_2767 = vector.shape_cast %broadcast_in_dim3A_2766 : vector<16x1xi32> to vector<16xi32>
    %gather3A_2768 = tpu.dynamic_gather %masked_cumsum3A_2741[%gather3A_2767] in [0] : vector<16xi32>, vector<16xi32> -> vector<16xi32>
    %add3A_2769 = arith.addi %add3A_2693, %gather3A_2768 : vector<16xi32>
    %add3A_2770 = arith.constant 544 : i32
    %add3A_2771 = vector.broadcast %add3A_2770 : i32 to vector<16xi32>
    %add3A_2772 = arith.addi %add3A_2771, %iota3A : vector<16xi32>
    %add3A_2773 = vector.broadcast %mul3A_2 : i32 to vector<16xi32>
    %add3A_2774 = arith.addi %add3A_2773, %add3A_2772 : vector<16xi32>
    %convert_element_type3A_2775 = arith.sitofp %add3A_2774 : vector<16xi32> to vector<16xf32>
    %get3A_2776 = arith.constant 544 : index
    %get3A_2777 = tpu.vector_load %arg8[%get3A_2776] {strides = array<i32>} : memref<2560xf32, #tpu.memory_space<vmem>>, vector<16xf32>,
    %get3A_2778 = arith.constant 1184 : index
    %get3A_2779 = tpu.vector_load %arg8[%get3A_2778] {strides = array<i32>} : memref<2560xf32, #tpu.memory_space<vmem>>, vector<16xf32>,
    %get3A_2780 = arith.constant 1824 : index
    %get3A_2781 = tpu.vector_load %arg8[%get3A_2780] {strides = array<i32>} : memref<2560xf32, #tpu.memory_space<vmem>>, vector<16xf32>,
    %get3A_2782 = arith.constant 2464 : index
    %get3A_2783 = tpu.vector_load %arg8[%get3A_2782] {strides = array<i32>} : memref<2560xf32, #tpu.memory_space<vmem>>, vector<16xf32>,
    %add3A_2784 = arith.constant 0 : i32
    %add3A_2785 = vector.broadcast %add3A_2784 : i32 to vector<16xi32>
    %add3A_2786 = arith.addi %broadcast_in_dim3A_77, %add3A_2785 : vector<16xi32>
    tpu.vector_store_idx %arg11[%add3A_2772, %add3A_2786], %get3A_2777 : memref<640x16xf32, #tpu.memory_space<vmem>>[vector<16xi32>, vector<16xi32>], vector<16xf32>,
    %add3A_2787 = arith.constant 1 : i32
    %add3A_2788 = vector.broadcast %add3A_2787 : i32 to vector<16xi32>
    %add3A_2789 = arith.addi %broadcast_in_dim3A_77, %add3A_2788 : vector<16xi32>
    tpu.vector_store_idx %arg11[%add3A_2772, %add3A_2789], %get3A_2779 : memref<640x16xf32, #tpu.memory_space<vmem>>[vector<16xi32>, vector<16xi32>], vector<16xf32>,
    %add3A_2790 = arith.constant 2 : i32
    %add3A_2791 = vector.broadcast %add3A_2790 : i32 to vector<16xi32>
    %add3A_2792 = arith.addi %broadcast_in_dim3A_77, %add3A_2791 : vector<16xi32>
    tpu.vector_store_idx %arg11[%add3A_2772, %add3A_2792], %get3A_2781 : memref<640x16xf32, #tpu.memory_space<vmem>>[vector<16xi32>, vector<16xi32>], vector<16xf32>,
    %add3A_2793 = arith.constant 3 : i32
    %add3A_2794 = vector.broadcast %add3A_2793 : i32 to vector<16xi32>
    %add3A_2795 = arith.addi %broadcast_in_dim3A_77, %add3A_2794 : vector<16xi32>
    tpu.vector_store_idx %arg11[%add3A_2772, %add3A_2795], %get3A_2783 : memref<640x16xf32, #tpu.memory_space<vmem>>[vector<16xi32>, vector<16xi32>], vector<16xf32>,
    %add3A_2796 = arith.constant 4 : i32
    %add3A_2797 = vector.broadcast %add3A_2796 : i32 to vector<16xi32>
    %add3A_2798 = arith.addi %broadcast_in_dim3A_77, %add3A_2797 : vector<16xi32>
    tpu.vector_store_idx %arg11[%add3A_2772, %add3A_2798], %get3A_2731 : memref<640x16xf32, #tpu.memory_space<vmem>>[vector<16xi32>, vector<16xi32>], vector<16xf32>,
    %add3A_2799 = arith.constant 5 : i32
    %add3A_2800 = vector.broadcast %add3A_2799 : i32 to vector<16xi32>
    %add3A_2801 = arith.addi %broadcast_in_dim3A_77, %add3A_2800 : vector<16xi32>
    tpu.vector_store_idx %arg11[%add3A_2772, %add3A_2801], %convert_element_type3A_2775 : memref<640x16xf32, #tpu.memory_space<vmem>>[vector<16xi32>, vector<16xi32>], vector<16xf32>,
    %swap3A_2802 = arith.constant 4 : i32
    %swap3A_2803 = arith.index_cast %swap3A_2802 : i32 to index
    %swap3A_2804 = arith.constant 32 : index
    %swap3A_2805 = tpu.vector_load %arg12[%swap3A_2803, %swap3A_2804] {strides = array<i32>} : memref<5x128xi32, #tpu.memory_space<vmem>>, vector<16xi32>,
    tpu.vector_store %arg12[%swap3A_2803, %swap3A_2804], %select_n3A_2757 {strides = array<i32>} : memref<5x128xi32, #tpu.memory_space<vmem>>, vector<16xi32>,
    %get3A_2806 = arith.constant 560 : index
    %get3A_2807 = tpu.vector_load %arg7[%get3A_2806] {strides = array<i32>} : memref<640xf32, #tpu.memory_space<vmem>>, vector<16xf32>,
    %gt3A_2808 = arith.cmpf ogt, %get3A_2807, %gather3A_64 : vector<16xf32>
    %eq3A_2809 = arith.cmpf oeq, %get3A_2807, %gather3A_64 : vector<16xf32>
    %convert_element_type3A_2810 = arith.extui %gt3A_2808 : vector<16xi1> to vector<16xi32>
    %convert_element_type3A_2811 = arith.extui %eq3A_2809 : vector<16xi1> to vector<16xi32>
    %broadcast_in_dim3A_2812 = arith.constant true
    %broadcast_in_dim3A_2813 = vector.broadcast %broadcast_in_dim3A_2812 : i1 to vector<16xi1>
    %masked_cumsum3A_2814 = tpu.scan <sum>, %convert_element_type3A_2810 masked %broadcast_in_dim3A_2813 : vector<16xi32>, vector<16xi1> -> vector<16xi32>
    %broadcast_in_dim3A_2815 = arith.constant true
    %broadcast_in_dim3A_2816 = vector.broadcast %broadcast_in_dim3A_2815 : i1 to vector<16xi1>
    %masked_cumsum3A_2817 = tpu.scan <sum>, %convert_element_type3A_2811 masked %broadcast_in_dim3A_2816 : vector<16xi32>, vector<16xi1> -> vector<16xi32>
    %add3A_2818 = arith.addi %add3A_2769, %masked_cumsum3A_2817 : vector<16xi32>
    %sub3A_2819 = arith.constant 1 : i32
    %sub3A_2820 = vector.broadcast %sub3A_2819 : i32 to vector<16xi32>
    %sub3A_2821 = arith.subi %add3A_2818, %sub3A_2820 : vector<16xi32>
    %lt3A_2822 = arith.cmpi slt, %sub3A_2821, %convert_element_type3A_75 : vector<16xi32>
    %and3A_2823 = arith.andi %eq3A_2809, %lt3A_2822 : vector<16xi1>
    %add3A_2824 = arith.addi %add3A_2763, %masked_cumsum3A_2814 : vector<16xi32>
    %sub3A_2825 = arith.constant 1 : i32
    %sub3A_2826 = vector.broadcast %sub3A_2825 : i32 to vector<16xi32>
    %sub3A_2827 = arith.subi %add3A_2824, %sub3A_2826 : vector<16xi32>
    %add3A_2828 = arith.addi %convert_element_type3A, %sub3A_2821 : vector<16xi32>
    %add3A_2829 = arith.constant 2048 : i32
    %add3A_2830 = arith.addi %add3A_2829, %add3A : i32
    %broadcast_in_dim3A_2831 = vector.broadcast %add3A_2830 : i32 to vector<16xi32>
    %select_n3A_2832 = arith.select %and3A_2823, %add3A_2828, %broadcast_in_dim3A_2831 : vector<16xi1>, vector<16xi32>
    %select_n3A_2833 = arith.select %gt3A_2808, %sub3A_2827, %select_n3A_2832 : vector<16xi1>, vector<16xi32>
    %broadcast_in_dim3A_2834 = arith.constant 15 : i32
    %broadcast_in_dim3A_2835 = vector.broadcast %broadcast_in_dim3A_2834 : i32 to vector<16xi32>
    %broadcast_in_dim3A_2836 = vector.shape_cast %broadcast_in_dim3A_2835 : vector<16xi32> to vector<16x1xi32>
    %gather3A_2837 = vector.shape_cast %broadcast_in_dim3A_2836 : vector<16x1xi32> to vector<16xi32>
    %gather3A_2838 = tpu.dynamic_gather %masked_cumsum3A_2814[%gather3A_2837] in [0] : vector<16xi32>, vector<16xi32> -> vector<16xi32>
    %add3A_2839 = arith.addi %add3A_2763, %gather3A_2838 : vector<16xi32>
    %broadcast_in_dim3A_2840 = arith.constant 15 : i32
    %broadcast_in_dim3A_2841 = vector.broadcast %broadcast_in_dim3A_2840 : i32 to vector<16xi32>
    %broadcast_in_dim3A_2842 = vector.shape_cast %broadcast_in_dim3A_2841 : vector<16xi32> to vector<16x1xi32>
    %gather3A_2843 = vector.shape_cast %broadcast_in_dim3A_2842 : vector<16x1xi32> to vector<16xi32>
    %gather3A_2844 = tpu.dynamic_gather %masked_cumsum3A_2817[%gather3A_2843] in [0] : vector<16xi32>, vector<16xi32> -> vector<16xi32>
    %add3A_2845 = arith.addi %add3A_2769, %gather3A_2844 : vector<16xi32>
    %add3A_2846 = arith.constant 560 : i32
    %add3A_2847 = vector.broadcast %add3A_2846 : i32 to vector<16xi32>
    %add3A_2848 = arith.addi %add3A_2847, %iota3A : vector<16xi32>
    %add3A_2849 = vector.broadcast %mul3A_2 : i32 to vector<16xi32>
    %add3A_2850 = arith.addi %add3A_2849, %add3A_2848 : vector<16xi32>
    %convert_element_type3A_2851 = arith.sitofp %add3A_2850 : vector<16xi32> to vector<16xf32>
    %get3A_2852 = arith.constant 560 : index
    %get3A_2853 = tpu.vector_load %arg8[%get3A_2852] {strides = array<i32>} : memref<2560xf32, #tpu.memory_space<vmem>>, vector<16xf32>,
    %get3A_2854 = arith.constant 1200 : index
    %get3A_2855 = tpu.vector_load %arg8[%get3A_2854] {strides = array<i32>} : memref<2560xf32, #tpu.memory_space<vmem>>, vector<16xf32>,
    %get3A_2856 = arith.constant 1840 : index
    %get3A_2857 = tpu.vector_load %arg8[%get3A_2856] {strides = array<i32>} : memref<2560xf32, #tpu.memory_space<vmem>>, vector<16xf32>,
    %get3A_2858 = arith.constant 2480 : index
    %get3A_2859 = tpu.vector_load %arg8[%get3A_2858] {strides = array<i32>} : memref<2560xf32, #tpu.memory_space<vmem>>, vector<16xf32>,
    %add3A_2860 = arith.constant 0 : i32
    %add3A_2861 = vector.broadcast %add3A_2860 : i32 to vector<16xi32>
    %add3A_2862 = arith.addi %broadcast_in_dim3A_77, %add3A_2861 : vector<16xi32>
    tpu.vector_store_idx %arg11[%add3A_2848, %add3A_2862], %get3A_2853 : memref<640x16xf32, #tpu.memory_space<vmem>>[vector<16xi32>, vector<16xi32>], vector<16xf32>,
    %add3A_2863 = arith.constant 1 : i32
    %add3A_2864 = vector.broadcast %add3A_2863 : i32 to vector<16xi32>
    %add3A_2865 = arith.addi %broadcast_in_dim3A_77, %add3A_2864 : vector<16xi32>
    tpu.vector_store_idx %arg11[%add3A_2848, %add3A_2865], %get3A_2855 : memref<640x16xf32, #tpu.memory_space<vmem>>[vector<16xi32>, vector<16xi32>], vector<16xf32>,
    %add3A_2866 = arith.constant 2 : i32
    %add3A_2867 = vector.broadcast %add3A_2866 : i32 to vector<16xi32>
    %add3A_2868 = arith.addi %broadcast_in_dim3A_77, %add3A_2867 : vector<16xi32>
    tpu.vector_store_idx %arg11[%add3A_2848, %add3A_2868], %get3A_2857 : memref<640x16xf32, #tpu.memory_space<vmem>>[vector<16xi32>, vector<16xi32>], vector<16xf32>,
    %add3A_2869 = arith.constant 3 : i32
    %add3A_2870 = vector.broadcast %add3A_2869 : i32 to vector<16xi32>
    %add3A_2871 = arith.addi %broadcast_in_dim3A_77, %add3A_2870 : vector<16xi32>
    tpu.vector_store_idx %arg11[%add3A_2848, %add3A_2871], %get3A_2859 : memref<640x16xf32, #tpu.memory_space<vmem>>[vector<16xi32>, vector<16xi32>], vector<16xf32>,
    %add3A_2872 = arith.constant 4 : i32
    %add3A_2873 = vector.broadcast %add3A_2872 : i32 to vector<16xi32>
    %add3A_2874 = arith.addi %broadcast_in_dim3A_77, %add3A_2873 : vector<16xi32>
    tpu.vector_store_idx %arg11[%add3A_2848, %add3A_2874], %get3A_2807 : memref<640x16xf32, #tpu.memory_space<vmem>>[vector<16xi32>, vector<16xi32>], vector<16xf32>,
    %add3A_2875 = arith.constant 5 : i32
    %add3A_2876 = vector.broadcast %add3A_2875 : i32 to vector<16xi32>
    %add3A_2877 = arith.addi %broadcast_in_dim3A_77, %add3A_2876 : vector<16xi32>
    tpu.vector_store_idx %arg11[%add3A_2848, %add3A_2877], %convert_element_type3A_2851 : memref<640x16xf32, #tpu.memory_space<vmem>>[vector<16xi32>, vector<16xi32>], vector<16xf32>,
    %swap3A_2878 = arith.constant 4 : i32
    %swap3A_2879 = arith.index_cast %swap3A_2878 : i32 to index
    %swap3A_2880 = arith.constant 48 : index
    %swap3A_2881 = tpu.vector_load %arg12[%swap3A_2879, %swap3A_2880] {strides = array<i32>} : memref<5x128xi32, #tpu.memory_space<vmem>>, vector<16xi32>,
    tpu.vector_store %arg12[%swap3A_2879, %swap3A_2880], %select_n3A_2833 {strides = array<i32>} : memref<5x128xi32, #tpu.memory_space<vmem>>, vector<16xi32>,
    %get3A_2882 = arith.constant 576 : index
    %get3A_2883 = tpu.vector_load %arg7[%get3A_2882] {strides = array<i32>} : memref<640xf32, #tpu.memory_space<vmem>>, vector<16xf32>,
    %gt3A_2884 = arith.cmpf ogt, %get3A_2883, %gather3A_64 : vector<16xf32>
    %eq3A_2885 = arith.cmpf oeq, %get3A_2883, %gather3A_64 : vector<16xf32>
    %convert_element_type3A_2886 = arith.extui %gt3A_2884 : vector<16xi1> to vector<16xi32>
    %convert_element_type3A_2887 = arith.extui %eq3A_2885 : vector<16xi1> to vector<16xi32>
    %broadcast_in_dim3A_2888 = arith.constant true
    %broadcast_in_dim3A_2889 = vector.broadcast %broadcast_in_dim3A_2888 : i1 to vector<16xi1>
    %masked_cumsum3A_2890 = tpu.scan <sum>, %convert_element_type3A_2886 masked %broadcast_in_dim3A_2889 : vector<16xi32>, vector<16xi1> -> vector<16xi32>
    %broadcast_in_dim3A_2891 = arith.constant true
    %broadcast_in_dim3A_2892 = vector.broadcast %broadcast_in_dim3A_2891 : i1 to vector<16xi1>
    %masked_cumsum3A_2893 = tpu.scan <sum>, %convert_element_type3A_2887 masked %broadcast_in_dim3A_2892 : vector<16xi32>, vector<16xi1> -> vector<16xi32>
    %add3A_2894 = arith.addi %add3A_2845, %masked_cumsum3A_2893 : vector<16xi32>
    %sub3A_2895 = arith.constant 1 : i32
    %sub3A_2896 = vector.broadcast %sub3A_2895 : i32 to vector<16xi32>
    %sub3A_2897 = arith.subi %add3A_2894, %sub3A_2896 : vector<16xi32>
    %lt3A_2898 = arith.cmpi slt, %sub3A_2897, %convert_element_type3A_75 : vector<16xi32>
    %and3A_2899 = arith.andi %eq3A_2885, %lt3A_2898 : vector<16xi1>
    %add3A_2900 = arith.addi %add3A_2839, %masked_cumsum3A_2890 : vector<16xi32>
    %sub3A_2901 = arith.constant 1 : i32
    %sub3A_2902 = vector.broadcast %sub3A_2901 : i32 to vector<16xi32>
    %sub3A_2903 = arith.subi %add3A_2900, %sub3A_2902 : vector<16xi32>
    %add3A_2904 = arith.addi %convert_element_type3A, %sub3A_2897 : vector<16xi32>
    %add3A_2905 = arith.constant 2048 : i32
    %add3A_2906 = arith.addi %add3A_2905, %add3A : i32
    %broadcast_in_dim3A_2907 = vector.broadcast %add3A_2906 : i32 to vector<16xi32>
    %select_n3A_2908 = arith.select %and3A_2899, %add3A_2904, %broadcast_in_dim3A_2907 : vector<16xi1>, vector<16xi32>
    %select_n3A_2909 = arith.select %gt3A_2884, %sub3A_2903, %select_n3A_2908 : vector<16xi1>, vector<16xi32>
    %broadcast_in_dim3A_2910 = arith.constant 15 : i32
    %broadcast_in_dim3A_2911 = vector.broadcast %broadcast_in_dim3A_2910 : i32 to vector<16xi32>
    %broadcast_in_dim3A_2912 = vector.shape_cast %broadcast_in_dim3A_2911 : vector<16xi32> to vector<16x1xi32>
    %gather3A_2913 = vector.shape_cast %broadcast_in_dim3A_2912 : vector<16x1xi32> to vector<16xi32>
    %gather3A_2914 = tpu.dynamic_gather %masked_cumsum3A_2890[%gather3A_2913] in [0] : vector<16xi32>, vector<16xi32> -> vector<16xi32>
    %add3A_2915 = arith.addi %add3A_2839, %gather3A_2914 : vector<16xi32>
    %broadcast_in_dim3A_2916 = arith.constant 15 : i32
    %broadcast_in_dim3A_2917 = vector.broadcast %broadcast_in_dim3A_2916 : i32 to vector<16xi32>
    %broadcast_in_dim3A_2918 = vector.shape_cast %broadcast_in_dim3A_2917 : vector<16xi32> to vector<16x1xi32>
    %gather3A_2919 = vector.shape_cast %broadcast_in_dim3A_2918 : vector<16x1xi32> to vector<16xi32>
    %gather3A_2920 = tpu.dynamic_gather %masked_cumsum3A_2893[%gather3A_2919] in [0] : vector<16xi32>, vector<16xi32> -> vector<16xi32>
    %add3A_2921 = arith.addi %add3A_2845, %gather3A_2920 : vector<16xi32>
    %add3A_2922 = arith.constant 576 : i32
    %add3A_2923 = vector.broadcast %add3A_2922 : i32 to vector<16xi32>
    %add3A_2924 = arith.addi %add3A_2923, %iota3A : vector<16xi32>
    %add3A_2925 = vector.broadcast %mul3A_2 : i32 to vector<16xi32>
    %add3A_2926 = arith.addi %add3A_2925, %add3A_2924 : vector<16xi32>
    %convert_element_type3A_2927 = arith.sitofp %add3A_2926 : vector<16xi32> to vector<16xf32>
    %get3A_2928 = arith.constant 576 : index
    %get3A_2929 = tpu.vector_load %arg8[%get3A_2928] {strides = array<i32>} : memref<2560xf32, #tpu.memory_space<vmem>>, vector<16xf32>,
    %get3A_2930 = arith.constant 1216 : index
    %get3A_2931 = tpu.vector_load %arg8[%get3A_2930] {strides = array<i32>} : memref<2560xf32, #tpu.memory_space<vmem>>, vector<16xf32>,
    %get3A_2932 = arith.constant 1856 : index
    %get3A_2933 = tpu.vector_load %arg8[%get3A_2932] {strides = array<i32>} : memref<2560xf32, #tpu.memory_space<vmem>>, vector<16xf32>,
    %get3A_2934 = arith.constant 2496 : index
    %get3A_2935 = tpu.vector_load %arg8[%get3A_2934] {strides = array<i32>} : memref<2560xf32, #tpu.memory_space<vmem>>, vector<16xf32>,
    %add3A_2936 = arith.constant 0 : i32
    %add3A_2937 = vector.broadcast %add3A_2936 : i32 to vector<16xi32>
    %add3A_2938 = arith.addi %broadcast_in_dim3A_77, %add3A_2937 : vector<16xi32>
    tpu.vector_store_idx %arg11[%add3A_2924, %add3A_2938], %get3A_2929 : memref<640x16xf32, #tpu.memory_space<vmem>>[vector<16xi32>, vector<16xi32>], vector<16xf32>,
    %add3A_2939 = arith.constant 1 : i32
    %add3A_2940 = vector.broadcast %add3A_2939 : i32 to vector<16xi32>
    %add3A_2941 = arith.addi %broadcast_in_dim3A_77, %add3A_2940 : vector<16xi32>
    tpu.vector_store_idx %arg11[%add3A_2924, %add3A_2941], %get3A_2931 : memref<640x16xf32, #tpu.memory_space<vmem>>[vector<16xi32>, vector<16xi32>], vector<16xf32>,
    %add3A_2942 = arith.constant 2 : i32
    %add3A_2943 = vector.broadcast %add3A_2942 : i32 to vector<16xi32>
    %add3A_2944 = arith.addi %broadcast_in_dim3A_77, %add3A_2943 : vector<16xi32>
    tpu.vector_store_idx %arg11[%add3A_2924, %add3A_2944], %get3A_2933 : memref<640x16xf32, #tpu.memory_space<vmem>>[vector<16xi32>, vector<16xi32>], vector<16xf32>,
    %add3A_2945 = arith.constant 3 : i32
    %add3A_2946 = vector.broadcast %add3A_2945 : i32 to vector<16xi32>
    %add3A_2947 = arith.addi %broadcast_in_dim3A_77, %add3A_2946 : vector<16xi32>
    tpu.vector_store_idx %arg11[%add3A_2924, %add3A_2947], %get3A_2935 : memref<640x16xf32, #tpu.memory_space<vmem>>[vector<16xi32>, vector<16xi32>], vector<16xf32>,
    %add3A_2948 = arith.constant 4 : i32
    %add3A_2949 = vector.broadcast %add3A_2948 : i32 to vector<16xi32>
    %add3A_2950 = arith.addi %broadcast_in_dim3A_77, %add3A_2949 : vector<16xi32>
    tpu.vector_store_idx %arg11[%add3A_2924, %add3A_2950], %get3A_2883 : memref<640x16xf32, #tpu.memory_space<vmem>>[vector<16xi32>, vector<16xi32>], vector<16xf32>,
    %add3A_2951 = arith.constant 5 : i32
    %add3A_2952 = vector.broadcast %add3A_2951 : i32 to vector<16xi32>
    %add3A_2953 = arith.addi %broadcast_in_dim3A_77, %add3A_2952 : vector<16xi32>
    tpu.vector_store_idx %arg11[%add3A_2924, %add3A_2953], %convert_element_type3A_2927 : memref<640x16xf32, #tpu.memory_space<vmem>>[vector<16xi32>, vector<16xi32>], vector<16xf32>,
    %swap3A_2954 = arith.constant 4 : i32
    %swap3A_2955 = arith.index_cast %swap3A_2954 : i32 to index
    %swap3A_2956 = arith.constant 64 : index
    %swap3A_2957 = tpu.vector_load %arg12[%swap3A_2955, %swap3A_2956] {strides = array<i32>} : memref<5x128xi32, #tpu.memory_space<vmem>>, vector<16xi32>,
    tpu.vector_store %arg12[%swap3A_2955, %swap3A_2956], %select_n3A_2909 {strides = array<i32>} : memref<5x128xi32, #tpu.memory_space<vmem>>, vector<16xi32>,
    %get3A_2958 = arith.constant 592 : index
    %get3A_2959 = tpu.vector_load %arg7[%get3A_2958] {strides = array<i32>} : memref<640xf32, #tpu.memory_space<vmem>>, vector<16xf32>,
    %gt3A_2960 = arith.cmpf ogt, %get3A_2959, %gather3A_64 : vector<16xf32>
    %eq3A_2961 = arith.cmpf oeq, %get3A_2959, %gather3A_64 : vector<16xf32>
    %convert_element_type3A_2962 = arith.extui %gt3A_2960 : vector<16xi1> to vector<16xi32>
    %convert_element_type3A_2963 = arith.extui %eq3A_2961 : vector<16xi1> to vector<16xi32>
    %broadcast_in_dim3A_2964 = arith.constant true
    %broadcast_in_dim3A_2965 = vector.broadcast %broadcast_in_dim3A_2964 : i1 to vector<16xi1>
    %masked_cumsum3A_2966 = tpu.scan <sum>, %convert_element_type3A_2962 masked %broadcast_in_dim3A_2965 : vector<16xi32>, vector<16xi1> -> vector<16xi32>
    %broadcast_in_dim3A_2967 = arith.constant true
    %broadcast_in_dim3A_2968 = vector.broadcast %broadcast_in_dim3A_2967 : i1 to vector<16xi1>
    %masked_cumsum3A_2969 = tpu.scan <sum>, %convert_element_type3A_2963 masked %broadcast_in_dim3A_2968 : vector<16xi32>, vector<16xi1> -> vector<16xi32>
    %add3A_2970 = arith.addi %add3A_2921, %masked_cumsum3A_2969 : vector<16xi32>
    %sub3A_2971 = arith.constant 1 : i32
    %sub3A_2972 = vector.broadcast %sub3A_2971 : i32 to vector<16xi32>
    %sub3A_2973 = arith.subi %add3A_2970, %sub3A_2972 : vector<16xi32>
    %lt3A_2974 = arith.cmpi slt, %sub3A_2973, %convert_element_type3A_75 : vector<16xi32>
    %and3A_2975 = arith.andi %eq3A_2961, %lt3A_2974 : vector<16xi1>
    %add3A_2976 = arith.addi %add3A_2915, %masked_cumsum3A_2966 : vector<16xi32>
    %sub3A_2977 = arith.constant 1 : i32
    %sub3A_2978 = vector.broadcast %sub3A_2977 : i32 to vector<16xi32>
    %sub3A_2979 = arith.subi %add3A_2976, %sub3A_2978 : vector<16xi32>
    %add3A_2980 = arith.addi %convert_element_type3A, %sub3A_2973 : vector<16xi32>
    %add3A_2981 = arith.constant 2048 : i32
    %add3A_2982 = arith.addi %add3A_2981, %add3A : i32
    %broadcast_in_dim3A_2983 = vector.broadcast %add3A_2982 : i32 to vector<16xi32>
    %select_n3A_2984 = arith.select %and3A_2975, %add3A_2980, %broadcast_in_dim3A_2983 : vector<16xi1>, vector<16xi32>
    %select_n3A_2985 = arith.select %gt3A_2960, %sub3A_2979, %select_n3A_2984 : vector<16xi1>, vector<16xi32>
    %broadcast_in_dim3A_2986 = arith.constant 15 : i32
    %broadcast_in_dim3A_2987 = vector.broadcast %broadcast_in_dim3A_2986 : i32 to vector<16xi32>
    %broadcast_in_dim3A_2988 = vector.shape_cast %broadcast_in_dim3A_2987 : vector<16xi32> to vector<16x1xi32>
    %gather3A_2989 = vector.shape_cast %broadcast_in_dim3A_2988 : vector<16x1xi32> to vector<16xi32>
    %gather3A_2990 = tpu.dynamic_gather %masked_cumsum3A_2966[%gather3A_2989] in [0] : vector<16xi32>, vector<16xi32> -> vector<16xi32>
    %add3A_2991 = arith.addi %add3A_2915, %gather3A_2990 : vector<16xi32>
    %broadcast_in_dim3A_2992 = arith.constant 15 : i32
    %broadcast_in_dim3A_2993 = vector.broadcast %broadcast_in_dim3A_2992 : i32 to vector<16xi32>
    %broadcast_in_dim3A_2994 = vector.shape_cast %broadcast_in_dim3A_2993 : vector<16xi32> to vector<16x1xi32>
    %gather3A_2995 = vector.shape_cast %broadcast_in_dim3A_2994 : vector<16x1xi32> to vector<16xi32>
    %gather3A_2996 = tpu.dynamic_gather %masked_cumsum3A_2969[%gather3A_2995] in [0] : vector<16xi32>, vector<16xi32> -> vector<16xi32>
    %add3A_2997 = arith.addi %add3A_2921, %gather3A_2996 : vector<16xi32>
    %add3A_2998 = arith.constant 592 : i32
    %add3A_2999 = vector.broadcast %add3A_2998 : i32 to vector<16xi32>
    %add3A_3000 = arith.addi %add3A_2999, %iota3A : vector<16xi32>
    %add3A_3001 = vector.broadcast %mul3A_2 : i32 to vector<16xi32>
    %add3A_3002 = arith.addi %add3A_3001, %add3A_3000 : vector<16xi32>
    %convert_element_type3A_3003 = arith.sitofp %add3A_3002 : vector<16xi32> to vector<16xf32>
    %get3A_3004 = arith.constant 592 : index
    %get3A_3005 = tpu.vector_load %arg8[%get3A_3004] {strides = array<i32>} : memref<2560xf32, #tpu.memory_space<vmem>>, vector<16xf32>,
    %get3A_3006 = arith.constant 1232 : index
    %get3A_3007 = tpu.vector_load %arg8[%get3A_3006] {strides = array<i32>} : memref<2560xf32, #tpu.memory_space<vmem>>, vector<16xf32>,
    %get3A_3008 = arith.constant 1872 : index
    %get3A_3009 = tpu.vector_load %arg8[%get3A_3008] {strides = array<i32>} : memref<2560xf32, #tpu.memory_space<vmem>>, vector<16xf32>,
    %get3A_3010 = arith.constant 2512 : index
    %get3A_3011 = tpu.vector_load %arg8[%get3A_3010] {strides = array<i32>} : memref<2560xf32, #tpu.memory_space<vmem>>, vector<16xf32>,
    %add3A_3012 = arith.constant 0 : i32
    %add3A_3013 = vector.broadcast %add3A_3012 : i32 to vector<16xi32>
    %add3A_3014 = arith.addi %broadcast_in_dim3A_77, %add3A_3013 : vector<16xi32>
    tpu.vector_store_idx %arg11[%add3A_3000, %add3A_3014], %get3A_3005 : memref<640x16xf32, #tpu.memory_space<vmem>>[vector<16xi32>, vector<16xi32>], vector<16xf32>,
    %add3A_3015 = arith.constant 1 : i32
    %add3A_3016 = vector.broadcast %add3A_3015 : i32 to vector<16xi32>
    %add3A_3017 = arith.addi %broadcast_in_dim3A_77, %add3A_3016 : vector<16xi32>
    tpu.vector_store_idx %arg11[%add3A_3000, %add3A_3017], %get3A_3007 : memref<640x16xf32, #tpu.memory_space<vmem>>[vector<16xi32>, vector<16xi32>], vector<16xf32>,
    %add3A_3018 = arith.constant 2 : i32
    %add3A_3019 = vector.broadcast %add3A_3018 : i32 to vector<16xi32>
    %add3A_3020 = arith.addi %broadcast_in_dim3A_77, %add3A_3019 : vector<16xi32>
    tpu.vector_store_idx %arg11[%add3A_3000, %add3A_3020], %get3A_3009 : memref<640x16xf32, #tpu.memory_space<vmem>>[vector<16xi32>, vector<16xi32>], vector<16xf32>,
    %add3A_3021 = arith.constant 3 : i32
    %add3A_3022 = vector.broadcast %add3A_3021 : i32 to vector<16xi32>
    %add3A_3023 = arith.addi %broadcast_in_dim3A_77, %add3A_3022 : vector<16xi32>
    tpu.vector_store_idx %arg11[%add3A_3000, %add3A_3023], %get3A_3011 : memref<640x16xf32, #tpu.memory_space<vmem>>[vector<16xi32>, vector<16xi32>], vector<16xf32>,
    %add3A_3024 = arith.constant 4 : i32
    %add3A_3025 = vector.broadcast %add3A_3024 : i32 to vector<16xi32>
    %add3A_3026 = arith.addi %broadcast_in_dim3A_77, %add3A_3025 : vector<16xi32>
    tpu.vector_store_idx %arg11[%add3A_3000, %add3A_3026], %get3A_2959 : memref<640x16xf32, #tpu.memory_space<vmem>>[vector<16xi32>, vector<16xi32>], vector<16xf32>,
    %add3A_3027 = arith.constant 5 : i32
    %add3A_3028 = vector.broadcast %add3A_3027 : i32 to vector<16xi32>
    %add3A_3029 = arith.addi %broadcast_in_dim3A_77, %add3A_3028 : vector<16xi32>
    tpu.vector_store_idx %arg11[%add3A_3000, %add3A_3029], %convert_element_type3A_3003 : memref<640x16xf32, #tpu.memory_space<vmem>>[vector<16xi32>, vector<16xi32>], vector<16xf32>,
    %swap3A_3030 = arith.constant 4 : i32
    %swap3A_3031 = arith.index_cast %swap3A_3030 : i32 to index
    %swap3A_3032 = arith.constant 80 : index
    %swap3A_3033 = tpu.vector_load %arg12[%swap3A_3031, %swap3A_3032] {strides = array<i32>} : memref<5x128xi32, #tpu.memory_space<vmem>>, vector<16xi32>,
    tpu.vector_store %arg12[%swap3A_3031, %swap3A_3032], %select_n3A_2985 {strides = array<i32>} : memref<5x128xi32, #tpu.memory_space<vmem>>, vector<16xi32>,
    %get3A_3034 = arith.constant 608 : index
    %get3A_3035 = tpu.vector_load %arg7[%get3A_3034] {strides = array<i32>} : memref<640xf32, #tpu.memory_space<vmem>>, vector<16xf32>,
    %gt3A_3036 = arith.cmpf ogt, %get3A_3035, %gather3A_64 : vector<16xf32>
    %eq3A_3037 = arith.cmpf oeq, %get3A_3035, %gather3A_64 : vector<16xf32>
    %convert_element_type3A_3038 = arith.extui %gt3A_3036 : vector<16xi1> to vector<16xi32>
    %convert_element_type3A_3039 = arith.extui %eq3A_3037 : vector<16xi1> to vector<16xi32>
    %broadcast_in_dim3A_3040 = arith.constant true
    %broadcast_in_dim3A_3041 = vector.broadcast %broadcast_in_dim3A_3040 : i1 to vector<16xi1>
    %masked_cumsum3A_3042 = tpu.scan <sum>, %convert_element_type3A_3038 masked %broadcast_in_dim3A_3041 : vector<16xi32>, vector<16xi1> -> vector<16xi32>
    %broadcast_in_dim3A_3043 = arith.constant true
    %broadcast_in_dim3A_3044 = vector.broadcast %broadcast_in_dim3A_3043 : i1 to vector<16xi1>
    %masked_cumsum3A_3045 = tpu.scan <sum>, %convert_element_type3A_3039 masked %broadcast_in_dim3A_3044 : vector<16xi32>, vector<16xi1> -> vector<16xi32>
    %add3A_3046 = arith.addi %add3A_2997, %masked_cumsum3A_3045 : vector<16xi32>
    %sub3A_3047 = arith.constant 1 : i32
    %sub3A_3048 = vector.broadcast %sub3A_3047 : i32 to vector<16xi32>
    %sub3A_3049 = arith.subi %add3A_3046, %sub3A_3048 : vector<16xi32>
    %lt3A_3050 = arith.cmpi slt, %sub3A_3049, %convert_element_type3A_75 : vector<16xi32>
    %and3A_3051 = arith.andi %eq3A_3037, %lt3A_3050 : vector<16xi1>
    %add3A_3052 = arith.addi %add3A_2991, %masked_cumsum3A_3042 : vector<16xi32>
    %sub3A_3053 = arith.constant 1 : i32
    %sub3A_3054 = vector.broadcast %sub3A_3053 : i32 to vector<16xi32>
    %sub3A_3055 = arith.subi %add3A_3052, %sub3A_3054 : vector<16xi32>
    %add3A_3056 = arith.addi %convert_element_type3A, %sub3A_3049 : vector<16xi32>
    %add3A_3057 = arith.constant 2048 : i32
    %add3A_3058 = arith.addi %add3A_3057, %add3A : i32
    %broadcast_in_dim3A_3059 = vector.broadcast %add3A_3058 : i32 to vector<16xi32>
    %select_n3A_3060 = arith.select %and3A_3051, %add3A_3056, %broadcast_in_dim3A_3059 : vector<16xi1>, vector<16xi32>
    %select_n3A_3061 = arith.select %gt3A_3036, %sub3A_3055, %select_n3A_3060 : vector<16xi1>, vector<16xi32>
    %broadcast_in_dim3A_3062 = arith.constant 15 : i32
    %broadcast_in_dim3A_3063 = vector.broadcast %broadcast_in_dim3A_3062 : i32 to vector<16xi32>
    %broadcast_in_dim3A_3064 = vector.shape_cast %broadcast_in_dim3A_3063 : vector<16xi32> to vector<16x1xi32>
    %gather3A_3065 = vector.shape_cast %broadcast_in_dim3A_3064 : vector<16x1xi32> to vector<16xi32>
    %gather3A_3066 = tpu.dynamic_gather %masked_cumsum3A_3042[%gather3A_3065] in [0] : vector<16xi32>, vector<16xi32> -> vector<16xi32>
    %add3A_3067 = arith.addi %add3A_2991, %gather3A_3066 : vector<16xi32>
    %broadcast_in_dim3A_3068 = arith.constant 15 : i32
    %broadcast_in_dim3A_3069 = vector.broadcast %broadcast_in_dim3A_3068 : i32 to vector<16xi32>
    %broadcast_in_dim3A_3070 = vector.shape_cast %broadcast_in_dim3A_3069 : vector<16xi32> to vector<16x1xi32>
    %gather3A_3071 = vector.shape_cast %broadcast_in_dim3A_3070 : vector<16x1xi32> to vector<16xi32>
    %gather3A_3072 = tpu.dynamic_gather %masked_cumsum3A_3045[%gather3A_3071] in [0] : vector<16xi32>, vector<16xi32> -> vector<16xi32>
    %add3A_3073 = arith.addi %add3A_2997, %gather3A_3072 : vector<16xi32>
    %add3A_3074 = arith.constant 608 : i32
    %add3A_3075 = vector.broadcast %add3A_3074 : i32 to vector<16xi32>
    %add3A_3076 = arith.addi %add3A_3075, %iota3A : vector<16xi32>
    %add3A_3077 = vector.broadcast %mul3A_2 : i32 to vector<16xi32>
    %add3A_3078 = arith.addi %add3A_3077, %add3A_3076 : vector<16xi32>
    %convert_element_type3A_3079 = arith.sitofp %add3A_3078 : vector<16xi32> to vector<16xf32>
    %get3A_3080 = arith.constant 608 : index
    %get3A_3081 = tpu.vector_load %arg8[%get3A_3080] {strides = array<i32>} : memref<2560xf32, #tpu.memory_space<vmem>>, vector<16xf32>,
    %get3A_3082 = arith.constant 1248 : index
    %get3A_3083 = tpu.vector_load %arg8[%get3A_3082] {strides = array<i32>} : memref<2560xf32, #tpu.memory_space<vmem>>, vector<16xf32>,
    %get3A_3084 = arith.constant 1888 : index
    %get3A_3085 = tpu.vector_load %arg8[%get3A_3084] {strides = array<i32>} : memref<2560xf32, #tpu.memory_space<vmem>>, vector<16xf32>,
    %get3A_3086 = arith.constant 2528 : index
    %get3A_3087 = tpu.vector_load %arg8[%get3A_3086] {strides = array<i32>} : memref<2560xf32, #tpu.memory_space<vmem>>, vector<16xf32>,
    %add3A_3088 = arith.constant 0 : i32
    %add3A_3089 = vector.broadcast %add3A_3088 : i32 to vector<16xi32>
    %add3A_3090 = arith.addi %broadcast_in_dim3A_77, %add3A_3089 : vector<16xi32>
    tpu.vector_store_idx %arg11[%add3A_3076, %add3A_3090], %get3A_3081 : memref<640x16xf32, #tpu.memory_space<vmem>>[vector<16xi32>, vector<16xi32>], vector<16xf32>,
    %add3A_3091 = arith.constant 1 : i32
    %add3A_3092 = vector.broadcast %add3A_3091 : i32 to vector<16xi32>
    %add3A_3093 = arith.addi %broadcast_in_dim3A_77, %add3A_3092 : vector<16xi32>
    tpu.vector_store_idx %arg11[%add3A_3076, %add3A_3093], %get3A_3083 : memref<640x16xf32, #tpu.memory_space<vmem>>[vector<16xi32>, vector<16xi32>], vector<16xf32>,
    %add3A_3094 = arith.constant 2 : i32
    %add3A_3095 = vector.broadcast %add3A_3094 : i32 to vector<16xi32>
    %add3A_3096 = arith.addi %broadcast_in_dim3A_77, %add3A_3095 : vector<16xi32>
    tpu.vector_store_idx %arg11[%add3A_3076, %add3A_3096], %get3A_3085 : memref<640x16xf32, #tpu.memory_space<vmem>>[vector<16xi32>, vector<16xi32>], vector<16xf32>,
    %add3A_3097 = arith.constant 3 : i32
    %add3A_3098 = vector.broadcast %add3A_3097 : i32 to vector<16xi32>
    %add3A_3099 = arith.addi %broadcast_in_dim3A_77, %add3A_3098 : vector<16xi32>
    tpu.vector_store_idx %arg11[%add3A_3076, %add3A_3099], %get3A_3087 : memref<640x16xf32, #tpu.memory_space<vmem>>[vector<16xi32>, vector<16xi32>], vector<16xf32>,
    %add3A_3100 = arith.constant 4 : i32
    %add3A_3101 = vector.broadcast %add3A_3100 : i32 to vector<16xi32>
    %add3A_3102 = arith.addi %broadcast_in_dim3A_77, %add3A_3101 : vector<16xi32>
    tpu.vector_store_idx %arg11[%add3A_3076, %add3A_3102], %get3A_3035 : memref<640x16xf32, #tpu.memory_space<vmem>>[vector<16xi32>, vector<16xi32>], vector<16xf32>,
    %add3A_3103 = arith.constant 5 : i32
    %add3A_3104 = vector.broadcast %add3A_3103 : i32 to vector<16xi32>
    %add3A_3105 = arith.addi %broadcast_in_dim3A_77, %add3A_3104 : vector<16xi32>
    tpu.vector_store_idx %arg11[%add3A_3076, %add3A_3105], %convert_element_type3A_3079 : memref<640x16xf32, #tpu.memory_space<vmem>>[vector<16xi32>, vector<16xi32>], vector<16xf32>,
    %swap3A_3106 = arith.constant 4 : i32
    %swap3A_3107 = arith.index_cast %swap3A_3106 : i32 to index
    %swap3A_3108 = arith.constant 96 : index
    %swap3A_3109 = tpu.vector_load %arg12[%swap3A_3107, %swap3A_3108] {strides = array<i32>} : memref<5x128xi32, #tpu.memory_space<vmem>>, vector<16xi32>,
    tpu.vector_store %arg12[%swap3A_3107, %swap3A_3108], %select_n3A_3061 {strides = array<i32>} : memref<5x128xi32, #tpu.memory_space<vmem>>, vector<16xi32>,
    %get3A_3110 = arith.constant 624 : index
    %get3A_3111 = tpu.vector_load %arg7[%get3A_3110] {strides = array<i32>} : memref<640xf32, #tpu.memory_space<vmem>>, vector<16xf32>,
    %gt3A_3112 = arith.cmpf ogt, %get3A_3111, %gather3A_64 : vector<16xf32>
    %eq3A_3113 = arith.cmpf oeq, %get3A_3111, %gather3A_64 : vector<16xf32>
    %convert_element_type3A_3114 = arith.extui %gt3A_3112 : vector<16xi1> to vector<16xi32>
    %convert_element_type3A_3115 = arith.extui %eq3A_3113 : vector<16xi1> to vector<16xi32>
    %broadcast_in_dim3A_3116 = arith.constant true
    %broadcast_in_dim3A_3117 = vector.broadcast %broadcast_in_dim3A_3116 : i1 to vector<16xi1>
    %masked_cumsum3A_3118 = tpu.scan <sum>, %convert_element_type3A_3114 masked %broadcast_in_dim3A_3117 : vector<16xi32>, vector<16xi1> -> vector<16xi32>
    %broadcast_in_dim3A_3119 = arith.constant true
    %broadcast_in_dim3A_3120 = vector.broadcast %broadcast_in_dim3A_3119 : i1 to vector<16xi1>
    %masked_cumsum3A_3121 = tpu.scan <sum>, %convert_element_type3A_3115 masked %broadcast_in_dim3A_3120 : vector<16xi32>, vector<16xi1> -> vector<16xi32>
    %add3A_3122 = arith.addi %add3A_3073, %masked_cumsum3A_3121 : vector<16xi32>
    %sub3A_3123 = arith.constant 1 : i32
    %sub3A_3124 = vector.broadcast %sub3A_3123 : i32 to vector<16xi32>
    %sub3A_3125 = arith.subi %add3A_3122, %sub3A_3124 : vector<16xi32>
    %lt3A_3126 = arith.cmpi slt, %sub3A_3125, %convert_element_type3A_75 : vector<16xi32>
    %and3A_3127 = arith.andi %eq3A_3113, %lt3A_3126 : vector<16xi1>
    %add3A_3128 = arith.addi %add3A_3067, %masked_cumsum3A_3118 : vector<16xi32>
    %sub3A_3129 = arith.constant 1 : i32
    %sub3A_3130 = vector.broadcast %sub3A_3129 : i32 to vector<16xi32>
    %sub3A_3131 = arith.subi %add3A_3128, %sub3A_3130 : vector<16xi32>
    %add3A_3132 = arith.addi %convert_element_type3A, %sub3A_3125 : vector<16xi32>
    %add3A_3133 = arith.constant 2048 : i32
    %add3A_3134 = arith.addi %add3A_3133, %add3A : i32
    %broadcast_in_dim3A_3135 = vector.broadcast %add3A_3134 : i32 to vector<16xi32>
    %select_n3A_3136 = arith.select %and3A_3127, %add3A_3132, %broadcast_in_dim3A_3135 : vector<16xi1>, vector<16xi32>
    %select_n3A_3137 = arith.select %gt3A_3112, %sub3A_3131, %select_n3A_3136 : vector<16xi1>, vector<16xi32>
    %broadcast_in_dim3A_3138 = arith.constant 15 : i32
    %broadcast_in_dim3A_3139 = vector.broadcast %broadcast_in_dim3A_3138 : i32 to vector<16xi32>
    %broadcast_in_dim3A_3140 = vector.shape_cast %broadcast_in_dim3A_3139 : vector<16xi32> to vector<16x1xi32>
    %gather3A_3141 = vector.shape_cast %broadcast_in_dim3A_3140 : vector<16x1xi32> to vector<16xi32>
    %gather3A_3142 = tpu.dynamic_gather %masked_cumsum3A_3118[%gather3A_3141] in [0] : vector<16xi32>, vector<16xi32> -> vector<16xi32>
    %add3A_3143 = arith.addi %add3A_3067, %gather3A_3142 : vector<16xi32>
    %broadcast_in_dim3A_3144 = arith.constant 15 : i32
    %broadcast_in_dim3A_3145 = vector.broadcast %broadcast_in_dim3A_3144 : i32 to vector<16xi32>
    %broadcast_in_dim3A_3146 = vector.shape_cast %broadcast_in_dim3A_3145 : vector<16xi32> to vector<16x1xi32>
    %gather3A_3147 = vector.shape_cast %broadcast_in_dim3A_3146 : vector<16x1xi32> to vector<16xi32>
    %gather3A_3148 = tpu.dynamic_gather %masked_cumsum3A_3121[%gather3A_3147] in [0] : vector<16xi32>, vector<16xi32> -> vector<16xi32>
    %add3A_3149 = arith.addi %add3A_3073, %gather3A_3148 : vector<16xi32>
    %add3A_3150 = arith.constant 624 : i32
    %add3A_3151 = vector.broadcast %add3A_3150 : i32 to vector<16xi32>
    %add3A_3152 = arith.addi %add3A_3151, %iota3A : vector<16xi32>
    %add3A_3153 = vector.broadcast %mul3A_2 : i32 to vector<16xi32>
    %add3A_3154 = arith.addi %add3A_3153, %add3A_3152 : vector<16xi32>
    %convert_element_type3A_3155 = arith.sitofp %add3A_3154 : vector<16xi32> to vector<16xf32>
    %get3A_3156 = arith.constant 624 : index
    %get3A_3157 = tpu.vector_load %arg8[%get3A_3156] {strides = array<i32>} : memref<2560xf32, #tpu.memory_space<vmem>>, vector<16xf32>,
    %get3A_3158 = arith.constant 1264 : index
    %get3A_3159 = tpu.vector_load %arg8[%get3A_3158] {strides = array<i32>} : memref<2560xf32, #tpu.memory_space<vmem>>, vector<16xf32>,
    %get3A_3160 = arith.constant 1904 : index
    %get3A_3161 = tpu.vector_load %arg8[%get3A_3160] {strides = array<i32>} : memref<2560xf32, #tpu.memory_space<vmem>>, vector<16xf32>,
    %get3A_3162 = arith.constant 2544 : index
    %get3A_3163 = tpu.vector_load %arg8[%get3A_3162] {strides = array<i32>} : memref<2560xf32, #tpu.memory_space<vmem>>, vector<16xf32>,
    %add3A_3164 = arith.constant 0 : i32
    %add3A_3165 = vector.broadcast %add3A_3164 : i32 to vector<16xi32>
    %add3A_3166 = arith.addi %broadcast_in_dim3A_77, %add3A_3165 : vector<16xi32>
    tpu.vector_store_idx %arg11[%add3A_3152, %add3A_3166], %get3A_3157 : memref<640x16xf32, #tpu.memory_space<vmem>>[vector<16xi32>, vector<16xi32>], vector<16xf32>,
    %add3A_3167 = arith.constant 1 : i32
    %add3A_3168 = vector.broadcast %add3A_3167 : i32 to vector<16xi32>
    %add3A_3169 = arith.addi %broadcast_in_dim3A_77, %add3A_3168 : vector<16xi32>
    tpu.vector_store_idx %arg11[%add3A_3152, %add3A_3169], %get3A_3159 : memref<640x16xf32, #tpu.memory_space<vmem>>[vector<16xi32>, vector<16xi32>], vector<16xf32>,
    %add3A_3170 = arith.constant 2 : i32
    %add3A_3171 = vector.broadcast %add3A_3170 : i32 to vector<16xi32>
    %add3A_3172 = arith.addi %broadcast_in_dim3A_77, %add3A_3171 : vector<16xi32>
    tpu.vector_store_idx %arg11[%add3A_3152, %add3A_3172], %get3A_3161 : memref<640x16xf32, #tpu.memory_space<vmem>>[vector<16xi32>, vector<16xi32>], vector<16xf32>,
    %add3A_3173 = arith.constant 3 : i32
    %add3A_3174 = vector.broadcast %add3A_3173 : i32 to vector<16xi32>
    %add3A_3175 = arith.addi %broadcast_in_dim3A_77, %add3A_3174 : vector<16xi32>
    tpu.vector_store_idx %arg11[%add3A_3152, %add3A_3175], %get3A_3163 : memref<640x16xf32, #tpu.memory_space<vmem>>[vector<16xi32>, vector<16xi32>], vector<16xf32>,
    %add3A_3176 = arith.constant 4 : i32
    %add3A_3177 = vector.broadcast %add3A_3176 : i32 to vector<16xi32>
    %add3A_3178 = arith.addi %broadcast_in_dim3A_77, %add3A_3177 : vector<16xi32>
    tpu.vector_store_idx %arg11[%add3A_3152, %add3A_3178], %get3A_3111 : memref<640x16xf32, #tpu.memory_space<vmem>>[vector<16xi32>, vector<16xi32>], vector<16xf32>,
    %add3A_3179 = arith.constant 5 : i32
    %add3A_3180 = vector.broadcast %add3A_3179 : i32 to vector<16xi32>
    %add3A_3181 = arith.addi %broadcast_in_dim3A_77, %add3A_3180 : vector<16xi32>
    tpu.vector_store_idx %arg11[%add3A_3152, %add3A_3181], %convert_element_type3A_3155 : memref<640x16xf32, #tpu.memory_space<vmem>>[vector<16xi32>, vector<16xi32>], vector<16xf32>,
    %swap3A_3182 = arith.constant 4 : i32
    %swap3A_3183 = arith.index_cast %swap3A_3182 : i32 to index
    %swap3A_3184 = arith.constant 112 : index
    %swap3A_3185 = tpu.vector_load %arg12[%swap3A_3183, %swap3A_3184] {strides = array<i32>} : memref<5x128xi32, #tpu.memory_space<vmem>>, vector<16xi32>,
    tpu.vector_store %arg12[%swap3A_3183, %swap3A_3184], %select_n3A_3137 {strides = array<i32>} : memref<5x128xi32, #tpu.memory_space<vmem>>, vector<16xi32>,
    %dma_start3A_3186 = arith.constant 0 : i32
    %dma_start3A_3187 = arith.constant 0 : i32
    %dma_start3A_3188 = arith.constant 0 : i32
    %dma_start3A_3189 = tpu.memref_slice %arg11[%dma_start3A_3187, %dma_start3A_3188] : memref<640x16xf32, #tpu.memory_space<vmem>> -> memref<128x16xf32, #tpu.memory_space<vmem>>
    %dma_start3A_3190 = arith.constant 0 : i32
    %dma_start3A_3191 = tpu.memref_slice %arg12[%dma_start3A_3186, %dma_start3A_3190] : memref<5x128xi32, #tpu.memory_space<vmem>> -> memref<1x128xi32, #tpu.memory_space<vmem>>
    %dma_start3A_3192 = tpu.memref_squeeze %dma_start3A_3191 : memref<1x128xi32, #tpu.memory_space<vmem>> -> memref<128xi32, #tpu.memory_space<vmem>>
    %dma_start3A_3193 = arith.constant 0 : i32
    %dma_start3A_3194 = arith.constant 0 : i32
    %dma_start3A_3195 = tpu.memref_slice %arg6[%dma_start3A_3193, %dma_start3A_3194] : memref<2080x16xf32, #tpu.memory_space<hbm>> -> memref<2080x16xf32, #tpu.memory_space<hbm>>
    tpu.enqueue_indirect_dma source(%dma_start3A_3189 : memref<128x16xf32, #tpu.memory_space<vmem>>) target(%dma_start3A_3195 : memref<2080x16xf32, #tpu.memory_space<hbm>>) offsets(%dma_start3A_3192 : memref<128xi32, #tpu.memory_space<vmem>>) semaphore(%arg13 : memref<!tpu.dma_semaphore, #tpu.memory_space<semaphore_mem>>)
    %dma_start3A_3196 = arith.constant 1 : i32
    %dma_start3A_3197 = arith.constant 128 : i32
    %dma_start3A_3198 = arith.constant 0 : i32
    %dma_start3A_3199 = tpu.memref_slice %arg11[%dma_start3A_3197, %dma_start3A_3198] : memref<640x16xf32, #tpu.memory_space<vmem>> -> memref<128x16xf32, #tpu.memory_space<vmem>>
    %dma_start3A_3200 = arith.constant 0 : i32
    %dma_start3A_3201 = tpu.memref_slice %arg12[%dma_start3A_3196, %dma_start3A_3200] : memref<5x128xi32, #tpu.memory_space<vmem>> -> memref<1x128xi32, #tpu.memory_space<vmem>>
    %dma_start3A_3202 = tpu.memref_squeeze %dma_start3A_3201 : memref<1x128xi32, #tpu.memory_space<vmem>> -> memref<128xi32, #tpu.memory_space<vmem>>
    %dma_start3A_3203 = arith.constant 0 : i32
    %dma_start3A_3204 = arith.constant 0 : i32
    %dma_start3A_3205 = tpu.memref_slice %arg6[%dma_start3A_3203, %dma_start3A_3204] : memref<2080x16xf32, #tpu.memory_space<hbm>> -> memref<2080x16xf32, #tpu.memory_space<hbm>>
    tpu.enqueue_indirect_dma source(%dma_start3A_3199 : memref<128x16xf32, #tpu.memory_space<vmem>>) target(%dma_start3A_3205 : memref<2080x16xf32, #tpu.memory_space<hbm>>) offsets(%dma_start3A_3202 : memref<128xi32, #tpu.memory_space<vmem>>) semaphore(%arg13 : memref<!tpu.dma_semaphore, #tpu.memory_space<semaphore_mem>>)
    %dma_start3A_3206 = arith.constant 2 : i32
    %dma_start3A_3207 = arith.constant 256 : i32
    %dma_start3A_3208 = arith.constant 0 : i32
    %dma_start3A_3209 = tpu.memref_slice %arg11[%dma_start3A_3207, %dma_start3A_3208] : memref<640x16xf32, #tpu.memory_space<vmem>> -> memref<128x16xf32, #tpu.memory_space<vmem>>
    %dma_start3A_3210 = arith.constant 0 : i32
    %dma_start3A_3211 = tpu.memref_slice %arg12[%dma_start3A_3206, %dma_start3A_3210] : memref<5x128xi32, #tpu.memory_space<vmem>> -> memref<1x128xi32, #tpu.memory_space<vmem>>
    %dma_start3A_3212 = tpu.memref_squeeze %dma_start3A_3211 : memref<1x128xi32, #tpu.memory_space<vmem>> -> memref<128xi32, #tpu.memory_space<vmem>>
    %dma_start3A_3213 = arith.constant 0 : i32
    %dma_start3A_3214 = arith.constant 0 : i32
    %dma_start3A_3215 = tpu.memref_slice %arg6[%dma_start3A_3213, %dma_start3A_3214] : memref<2080x16xf32, #tpu.memory_space<hbm>> -> memref<2080x16xf32, #tpu.memory_space<hbm>>
    tpu.enqueue_indirect_dma source(%dma_start3A_3209 : memref<128x16xf32, #tpu.memory_space<vmem>>) target(%dma_start3A_3215 : memref<2080x16xf32, #tpu.memory_space<hbm>>) offsets(%dma_start3A_3212 : memref<128xi32, #tpu.memory_space<vmem>>) semaphore(%arg13 : memref<!tpu.dma_semaphore, #tpu.memory_space<semaphore_mem>>)
    %dma_start3A_3216 = arith.constant 3 : i32
    %dma_start3A_3217 = arith.constant 384 : i32
    %dma_start3A_3218 = arith.constant 0 : i32
    %dma_start3A_3219 = tpu.memref_slice %arg11[%dma_start3A_3217, %dma_start3A_3218] : memref<640x16xf32, #tpu.memory_space<vmem>> -> memref<128x16xf32, #tpu.memory_space<vmem>>
    %dma_start3A_3220 = arith.constant 0 : i32
    %dma_start3A_3221 = tpu.memref_slice %arg12[%dma_start3A_3216, %dma_start3A_3220] : memref<5x128xi32, #tpu.memory_space<vmem>> -> memref<1x128xi32, #tpu.memory_space<vmem>>
    %dma_start3A_3222 = tpu.memref_squeeze %dma_start3A_3221 : memref<1x128xi32, #tpu.memory_space<vmem>> -> memref<128xi32, #tpu.memory_space<vmem>>
    %dma_start3A_3223 = arith.constant 0 : i32
    %dma_start3A_3224 = arith.constant 0 : i32
    %dma_start3A_3225 = tpu.memref_slice %arg6[%dma_start3A_3223, %dma_start3A_3224] : memref<2080x16xf32, #tpu.memory_space<hbm>> -> memref<2080x16xf32, #tpu.memory_space<hbm>>
    tpu.enqueue_indirect_dma source(%dma_start3A_3219 : memref<128x16xf32, #tpu.memory_space<vmem>>) target(%dma_start3A_3225 : memref<2080x16xf32, #tpu.memory_space<hbm>>) offsets(%dma_start3A_3222 : memref<128xi32, #tpu.memory_space<vmem>>) semaphore(%arg13 : memref<!tpu.dma_semaphore, #tpu.memory_space<semaphore_mem>>)
    %dma_start3A_3226 = arith.constant 4 : i32
    %dma_start3A_3227 = arith.constant 512 : i32
    %dma_start3A_3228 = arith.constant 0 : i32
    %dma_start3A_3229 = tpu.memref_slice %arg11[%dma_start3A_3227, %dma_start3A_3228] : memref<640x16xf32, #tpu.memory_space<vmem>> -> memref<128x16xf32, #tpu.memory_space<vmem>>
    %dma_start3A_3230 = arith.constant 0 : i32
    %dma_start3A_3231 = tpu.memref_slice %arg12[%dma_start3A_3226, %dma_start3A_3230] : memref<5x128xi32, #tpu.memory_space<vmem>> -> memref<1x128xi32, #tpu.memory_space<vmem>>
    %dma_start3A_3232 = tpu.memref_squeeze %dma_start3A_3231 : memref<1x128xi32, #tpu.memory_space<vmem>> -> memref<128xi32, #tpu.memory_space<vmem>>
    %dma_start3A_3233 = arith.constant 0 : i32
    %dma_start3A_3234 = arith.constant 0 : i32
    %dma_start3A_3235 = tpu.memref_slice %arg6[%dma_start3A_3233, %dma_start3A_3234] : memref<2080x16xf32, #tpu.memory_space<hbm>> -> memref<2080x16xf32, #tpu.memory_space<hbm>>
    tpu.enqueue_indirect_dma source(%dma_start3A_3229 : memref<128x16xf32, #tpu.memory_space<vmem>>) target(%dma_start3A_3235 : memref<2080x16xf32, #tpu.memory_space<hbm>>) offsets(%dma_start3A_3232 : memref<128xi32, #tpu.memory_space<vmem>>) semaphore(%arg13 : memref<!tpu.dma_semaphore, #tpu.memory_space<semaphore_mem>>)
    %dma_wait3A_3236 = arith.constant 0 : i32
    %dma_wait3A_3237 = arith.constant 0 : i32
    %dma_wait3A_3238 = arith.constant 0 : i32
    %dma_wait3A_3239 = tpu.memref_slice %arg11[%dma_wait3A_3237, %dma_wait3A_3238] : memref<640x16xf32, #tpu.memory_space<vmem>> -> memref<128x16xf32, #tpu.memory_space<vmem>>
    %dma_wait3A_3240 = arith.constant 0 : i32
    %dma_wait3A_3241 = tpu.memref_slice %arg12[%dma_wait3A_3236, %dma_wait3A_3240] : memref<5x128xi32, #tpu.memory_space<vmem>> -> memref<1x128xi32, #tpu.memory_space<vmem>>
    %dma_wait3A_3242 = tpu.memref_squeeze %dma_wait3A_3241 : memref<1x128xi32, #tpu.memory_space<vmem>> -> memref<128xi32, #tpu.memory_space<vmem>>
    %dma_wait3A_3243 = arith.constant 0 : i32
    %dma_wait3A_3244 = arith.constant 0 : i32
    %dma_wait3A_3245 = tpu.memref_slice %arg6[%dma_wait3A_3243, %dma_wait3A_3244] : memref<2080x16xf32, #tpu.memory_space<hbm>> -> memref<2080x16xf32, #tpu.memory_space<hbm>>
    tpu.wait_indirect_dma semaphore(%arg13 : memref<!tpu.dma_semaphore, #tpu.memory_space<semaphore_mem>>) src(%dma_wait3A_3239 : memref<128x16xf32, #tpu.memory_space<vmem>>) dst(%dma_wait3A_3245 : memref<2080x16xf32, #tpu.memory_space<hbm>>)
    %dma_wait3A_3246 = arith.constant 1 : i32
    %dma_wait3A_3247 = arith.constant 128 : i32
    %dma_wait3A_3248 = arith.constant 0 : i32
    %dma_wait3A_3249 = tpu.memref_slice %arg11[%dma_wait3A_3247, %dma_wait3A_3248] : memref<640x16xf32, #tpu.memory_space<vmem>> -> memref<128x16xf32, #tpu.memory_space<vmem>>
    %dma_wait3A_3250 = arith.constant 0 : i32
    %dma_wait3A_3251 = tpu.memref_slice %arg12[%dma_wait3A_3246, %dma_wait3A_3250] : memref<5x128xi32, #tpu.memory_space<vmem>> -> memref<1x128xi32, #tpu.memory_space<vmem>>
    %dma_wait3A_3252 = tpu.memref_squeeze %dma_wait3A_3251 : memref<1x128xi32, #tpu.memory_space<vmem>> -> memref<128xi32, #tpu.memory_space<vmem>>
    %dma_wait3A_3253 = arith.constant 0 : i32
    %dma_wait3A_3254 = arith.constant 0 : i32
    %dma_wait3A_3255 = tpu.memref_slice %arg6[%dma_wait3A_3253, %dma_wait3A_3254] : memref<2080x16xf32, #tpu.memory_space<hbm>> -> memref<2080x16xf32, #tpu.memory_space<hbm>>
    tpu.wait_indirect_dma semaphore(%arg13 : memref<!tpu.dma_semaphore, #tpu.memory_space<semaphore_mem>>) src(%dma_wait3A_3249 : memref<128x16xf32, #tpu.memory_space<vmem>>) dst(%dma_wait3A_3255 : memref<2080x16xf32, #tpu.memory_space<hbm>>)
    %dma_wait3A_3256 = arith.constant 2 : i32
    %dma_wait3A_3257 = arith.constant 256 : i32
    %dma_wait3A_3258 = arith.constant 0 : i32
    %dma_wait3A_3259 = tpu.memref_slice %arg11[%dma_wait3A_3257, %dma_wait3A_3258] : memref<640x16xf32, #tpu.memory_space<vmem>> -> memref<128x16xf32, #tpu.memory_space<vmem>>
    %dma_wait3A_3260 = arith.constant 0 : i32
    %dma_wait3A_3261 = tpu.memref_slice %arg12[%dma_wait3A_3256, %dma_wait3A_3260] : memref<5x128xi32, #tpu.memory_space<vmem>> -> memref<1x128xi32, #tpu.memory_space<vmem>>
    %dma_wait3A_3262 = tpu.memref_squeeze %dma_wait3A_3261 : memref<1x128xi32, #tpu.memory_space<vmem>> -> memref<128xi32, #tpu.memory_space<vmem>>
    %dma_wait3A_3263 = arith.constant 0 : i32
    %dma_wait3A_3264 = arith.constant 0 : i32
    %dma_wait3A_3265 = tpu.memref_slice %arg6[%dma_wait3A_3263, %dma_wait3A_3264] : memref<2080x16xf32, #tpu.memory_space<hbm>> -> memref<2080x16xf32, #tpu.memory_space<hbm>>
    tpu.wait_indirect_dma semaphore(%arg13 : memref<!tpu.dma_semaphore, #tpu.memory_space<semaphore_mem>>) src(%dma_wait3A_3259 : memref<128x16xf32, #tpu.memory_space<vmem>>) dst(%dma_wait3A_3265 : memref<2080x16xf32, #tpu.memory_space<hbm>>)
    %dma_wait3A_3266 = arith.constant 3 : i32
    %dma_wait3A_3267 = arith.constant 384 : i32
    %dma_wait3A_3268 = arith.constant 0 : i32
    %dma_wait3A_3269 = tpu.memref_slice %arg11[%dma_wait3A_3267, %dma_wait3A_3268] : memref<640x16xf32, #tpu.memory_space<vmem>> -> memref<128x16xf32, #tpu.memory_space<vmem>>
    %dma_wait3A_3270 = arith.constant 0 : i32
    %dma_wait3A_3271 = tpu.memref_slice %arg12[%dma_wait3A_3266, %dma_wait3A_3270] : memref<5x128xi32, #tpu.memory_space<vmem>> -> memref<1x128xi32, #tpu.memory_space<vmem>>
    %dma_wait3A_3272 = tpu.memref_squeeze %dma_wait3A_3271 : memref<1x128xi32, #tpu.memory_space<vmem>> -> memref<128xi32, #tpu.memory_space<vmem>>
    %dma_wait3A_3273 = arith.constant 0 : i32
    %dma_wait3A_3274 = arith.constant 0 : i32
    %dma_wait3A_3275 = tpu.memref_slice %arg6[%dma_wait3A_3273, %dma_wait3A_3274] : memref<2080x16xf32, #tpu.memory_space<hbm>> -> memref<2080x16xf32, #tpu.memory_space<hbm>>
    tpu.wait_indirect_dma semaphore(%arg13 : memref<!tpu.dma_semaphore, #tpu.memory_space<semaphore_mem>>) src(%dma_wait3A_3269 : memref<128x16xf32, #tpu.memory_space<vmem>>) dst(%dma_wait3A_3275 : memref<2080x16xf32, #tpu.memory_space<hbm>>)
    %dma_wait3A_3276 = arith.constant 4 : i32
    %dma_wait3A_3277 = arith.constant 512 : i32
    %dma_wait3A_3278 = arith.constant 0 : i32
    %dma_wait3A_3279 = tpu.memref_slice %arg11[%dma_wait3A_3277, %dma_wait3A_3278] : memref<640x16xf32, #tpu.memory_space<vmem>> -> memref<128x16xf32, #tpu.memory_space<vmem>>
    %dma_wait3A_3280 = arith.constant 0 : i32
    %dma_wait3A_3281 = tpu.memref_slice %arg12[%dma_wait3A_3276, %dma_wait3A_3280] : memref<5x128xi32, #tpu.memory_space<vmem>> -> memref<1x128xi32, #tpu.memory_space<vmem>>
    %dma_wait3A_3282 = tpu.memref_squeeze %dma_wait3A_3281 : memref<1x128xi32, #tpu.memory_space<vmem>> -> memref<128xi32, #tpu.memory_space<vmem>>
    %dma_wait3A_3283 = arith.constant 0 : i32
    %dma_wait3A_3284 = arith.constant 0 : i32
    %dma_wait3A_3285 = tpu.memref_slice %arg6[%dma_wait3A_3283, %dma_wait3A_3284] : memref<2080x16xf32, #tpu.memory_space<hbm>> -> memref<2080x16xf32, #tpu.memory_space<hbm>>
    tpu.wait_indirect_dma semaphore(%arg13 : memref<!tpu.dma_semaphore, #tpu.memory_space<semaphore_mem>>) src(%dma_wait3A_3279 : memref<128x16xf32, #tpu.memory_space<vmem>>) dst(%dma_wait3A_3285 : memref<2080x16xf32, #tpu.memory_space<hbm>>)
    return
  }
}

module attributes {stable_mosaic.version = 14 : i64} {
  func.func @_thresh_core(%arg0: memref<8x2560xi32, #tpu.memory_space<vmem>>, %arg1: memref<32x640xi32, #tpu.memory_space<vmem>>, %arg2: memref<1x128xf32, #tpu.memory_space<vmem>>, %arg3: memref<32x8xf32, #tpu.memory_space<vmem>>) attributes {dimension_semantics = [], scalar_prefetch = 0 : i64, scratch_operands = 0 : i64, tpu.core_type = #tpu.core_type<tc>} {
    %get3A = arith.constant 0 : index
    %get3A_0 = arith.constant 0 : index
    %get3A_1 = vector.load %arg0[%get3A, %get3A_0] : memref<8x2560xi32, #tpu.memory_space<vmem>>, vector<8x2560xi32>
    %scan3A = arith.constant 0 : i32
    %scan3A_2 = arith.constant 2130706432 : i32
    %scan3A_3 = arith.constant 0 : i32
    %scan3A_4 = arith.constant 31 : i32
    %scan3A_5 = arith.addi %scan3A_3, %scan3A_4 : i32
    %scan3A_6 = arith.constant 1 : i32
    %scan3A_7:2 = scf.for %scan3A_75 = %scan3A_3 to %scan3A_5 step %scan3A_6 iter_args(%scan3A_76 = %scan3A, %scan3A_77 = %scan3A_2) -> (i32, i32)  : i32 {
      %sub3A_78 = arith.subi %scan3A_77, %scan3A_76 : i32
      %div3A = arith.constant 2 : i32
      %div3A_79 = arith.divsi %sub3A_78, %div3A : i32
      %add3A = arith.addi %scan3A_76, %div3A_79 : i32
      %gt3A_80 = vector.broadcast %add3A : i32 to vector<8x2560xi32>
      %gt3A_81 = arith.cmpi sgt, %get3A_1, %gt3A_80 : vector<8x2560xi32>
      %jit3A_82 = arith.constant 1.000000e+00 : f32
      %jit3A_83 = arith.constant 0.000000e+00 : f32
      %broadcast_in_dim3A_84 = vector.broadcast %jit3A_82 : f32 to vector<8x2560xf32>
      %broadcast_in_dim3A_85 = vector.broadcast %jit3A_83 : f32 to vector<8x2560xf32>
      %select_n3A_86 = arith.select %gt3A_81, %broadcast_in_dim3A_84, %broadcast_in_dim3A_85 : vector<8x2560xi1>, vector<8x2560xf32>
      %reduce_sum3A_87 = vector.shape_cast %select_n3A_86 : vector<8x2560xf32> to vector<1x8x2560xf32>
      %reduce_sum3A_88 = arith.constant dense<0.000000e+00> : vector<1xf32>
      %reduce_sum3A_89 = vector.multi_reduction <add>, %reduce_sum3A_87, %reduce_sum3A_88 [1, 2] : vector<1x8x2560xf32> to vector<1xf32>
      %reduce_sum3A_90 = vector.shape_cast %reduce_sum3A_89 : vector<1xf32> to vector<1x1x1xf32>
      %reduce_sum3A_91 = vector.extract %reduce_sum3A_90[0, 0, 0] : f32 from vector<1x1x1xf32>
      %lt3A = arith.constant 2.048000e+03 : f32
      %lt3A_92 = arith.cmpf olt, %reduce_sum3A_91, %lt3A : f32
      %add3A_93 = arith.constant 1 : i32
      %add3A_94 = arith.addi %add3A, %add3A_93 : i32
      %select_n3A_95 = arith.select %lt3A_92, %scan3A_76, %add3A_94 : i32
      %lt3A_96 = arith.constant 2.048000e+03 : f32
      %lt3A_97 = arith.cmpf olt, %reduce_sum3A_91, %lt3A_96 : f32
      %select_n3A_98 = arith.select %lt3A_97, %add3A, %scan3A_77 : i32
      scf.yield %select_n3A_95, %select_n3A_98 : i32, i32
    }
    %gt3A = vector.broadcast %scan3A_7#0 : i32 to vector<8x2560xi32>
    %gt3A_8 = arith.cmpi sgt, %get3A_1, %gt3A : vector<8x2560xi32>
    %jit3A = arith.constant 1.000000e+00 : f32
    %jit3A_9 = arith.constant 0.000000e+00 : f32
    %broadcast_in_dim3A = vector.broadcast %jit3A : f32 to vector<8x2560xf32>
    %broadcast_in_dim3A_10 = vector.broadcast %jit3A_9 : f32 to vector<8x2560xf32>
    %select_n3A = arith.select %gt3A_8, %broadcast_in_dim3A, %broadcast_in_dim3A_10 : vector<8x2560xi1>, vector<8x2560xf32>
    %reduce_sum3A = vector.shape_cast %select_n3A : vector<8x2560xf32> to vector<1x8x2560xf32>
    %reduce_sum3A_11 = arith.constant dense<0.000000e+00> : vector<1xf32>
    %reduce_sum3A_12 = vector.multi_reduction <add>, %reduce_sum3A, %reduce_sum3A_11 [1, 2] : vector<1x8x2560xf32> to vector<1xf32>
    %reduce_sum3A_13 = vector.shape_cast %reduce_sum3A_12 : vector<1xf32> to vector<1x1x1xf32>
    %reduce_sum3A_14 = vector.extract %reduce_sum3A_13[0, 0, 0] : f32 from vector<1x1x1xf32>
    %sub3A = arith.constant 2.048000e+03 : f32
    %sub3A_15 = arith.subf %sub3A, %reduce_sum3A_14 : f32
    %iota3A = tpu.iota {dimensions = array<i32: 1>} : vector<1x128xi32>
    %broadcast_in_dim3A_16 = vector.broadcast %scan3A_7#0 : i32 to vector<1x128xi32>
    %bitcast_convert_type3A = tpu.bitcast %broadcast_in_dim3A_16 : vector<1x128xi32> -> vector<1x128xf32>
    %eq3A = arith.constant 0 : i32
    %eq3A_17 = vector.broadcast %eq3A : i32 to vector<1x128xi32>
    %eq3A_18 = arith.cmpi eq, %iota3A, %eq3A_17 : vector<1x128xi32>
    %eq3A_19 = arith.constant 1 : i32
    %eq3A_20 = vector.broadcast %eq3A_19 : i32 to vector<1x128xi32>
    %eq3A_21 = arith.cmpi eq, %iota3A, %eq3A_20 : vector<1x128xi32>
    %eq3A_22 = arith.constant 2 : i32
    %eq3A_23 = vector.broadcast %eq3A_22 : i32 to vector<1x128xi32>
    %eq3A_24 = arith.cmpi eq, %iota3A, %eq3A_23 : vector<1x128xi32>
    %jit3A_25 = arith.constant 0.000000e+00 : f32
    %broadcast_in_dim3A_26 = vector.broadcast %sub3A_15 : f32 to vector<1x128xf32>
    %broadcast_in_dim3A_27 = vector.broadcast %jit3A_25 : f32 to vector<1x128xf32>
    %select_n3A_28 = arith.select %eq3A_24, %broadcast_in_dim3A_26, %broadcast_in_dim3A_27 : vector<1x128xi1>, vector<1x128xf32>
    %broadcast_in_dim3A_29 = vector.broadcast %reduce_sum3A_14 : f32 to vector<1x128xf32>
    %select_n3A_30 = arith.select %eq3A_21, %broadcast_in_dim3A_29, %select_n3A_28 : vector<1x128xi1>, vector<1x128xf32>
    %select_n3A_31 = arith.select %eq3A_18, %bitcast_convert_type3A, %select_n3A_30 : vector<1x128xi1>, vector<1x128xf32>
    %swap3A = arith.constant 0 : index
    %swap3A_32 = arith.constant 0 : index
    %swap3A_33 = vector.load %arg2[%swap3A, %swap3A_32] : memref<1x128xf32, #tpu.memory_space<vmem>>, vector<1x128xf32>
    tpu.vector_store %arg2[%swap3A, %swap3A_32], %select_n3A_31 {strides = array<i32>} : memref<1x128xf32, #tpu.memory_space<vmem>>, vector<1x128xf32>,
    %get3A_34 = arith.constant 0 : index
    %get3A_35 = arith.constant 0 : index
    %get3A_36 = vector.load %arg1[%get3A_34, %get3A_35] : memref<32x640xi32, #tpu.memory_space<vmem>>, vector<32x640xi32>
    %gt3A_37 = vector.broadcast %scan3A_7#0 : i32 to vector<32x640xi32>
    %gt3A_38 = arith.cmpi sgt, %get3A_36, %gt3A_37 : vector<32x640xi32>
    %jit3A_39 = arith.constant 1.000000e+00 : f32
    %jit3A_40 = arith.constant 0.000000e+00 : f32
    %broadcast_in_dim3A_41 = vector.broadcast %jit3A_39 : f32 to vector<32x640xf32>
    %broadcast_in_dim3A_42 = vector.broadcast %jit3A_40 : f32 to vector<32x640xf32>
    %select_n3A_43 = arith.select %gt3A_38, %broadcast_in_dim3A_41, %broadcast_in_dim3A_42 : vector<32x640xi1>, vector<32x640xf32>
    %reduce_sum3A_44 = arith.constant dense<0.000000e+00> : vector<32xf32>
    %reduce_sum3A_45 = vector.multi_reduction <add>, %select_n3A_43, %reduce_sum3A_44 [1] : vector<32x640xf32> to vector<32xf32>
    %broadcast_in_dim3A_46 = vector.shape_cast %reduce_sum3A_45 : vector<32xf32> to vector<32x1xf32>
    %eq3A_47 = vector.broadcast %scan3A_7#0 : i32 to vector<32x640xi32>
    %eq3A_48 = arith.cmpi eq, %get3A_36, %eq3A_47 : vector<32x640xi32>
    %jit3A_49 = arith.constant 1.000000e+00 : f32
    %jit3A_50 = arith.constant 0.000000e+00 : f32
    %broadcast_in_dim3A_51 = vector.broadcast %jit3A_49 : f32 to vector<32x640xf32>
    %broadcast_in_dim3A_52 = vector.broadcast %jit3A_50 : f32 to vector<32x640xf32>
    %select_n3A_53 = arith.select %eq3A_48, %broadcast_in_dim3A_51, %broadcast_in_dim3A_52 : vector<32x640xi1>, vector<32x640xf32>
    %reduce_sum3A_54 = arith.constant dense<0.000000e+00> : vector<32xf32>
    %reduce_sum3A_55 = vector.multi_reduction <add>, %select_n3A_53, %reduce_sum3A_54 [1] : vector<32x640xf32> to vector<32xf32>
    %broadcast_in_dim3A_56 = vector.shape_cast %reduce_sum3A_55 : vector<32xf32> to vector<32x1xf32>
    %iota3A_57 = tpu.iota {dimensions = array<i32: 1>} : vector<32x8xi32>
    %eq3A_58 = arith.constant 0 : i32
    %eq3A_59 = vector.broadcast %eq3A_58 : i32 to vector<32x8xi32>
    %eq3A_60 = arith.cmpi eq, %iota3A_57, %eq3A_59 : vector<32x8xi32>
    %eq3A_61 = arith.constant 1 : i32
    %eq3A_62 = vector.broadcast %eq3A_61 : i32 to vector<32x8xi32>
    %eq3A_63 = arith.cmpi eq, %iota3A_57, %eq3A_62 : vector<32x8xi32>
    %jit3A_64 = arith.constant 0.000000e+00 : f32
    %broadcast_in_dim3A_65 = vector.shape_cast %broadcast_in_dim3A_56 : vector<32x1xf32> to vector<32x1xf32>
    %broadcast_in_dim3A_66 = vector.broadcast %broadcast_in_dim3A_65 : vector<32x1xf32> to vector<32x8xf32>
    %broadcast_in_dim3A_67 = vector.broadcast %jit3A_64 : f32 to vector<32x8xf32>
    %select_n3A_68 = arith.select %eq3A_63, %broadcast_in_dim3A_66, %broadcast_in_dim3A_67 : vector<32x8xi1>, vector<32x8xf32>
    %broadcast_in_dim3A_69 = vector.shape_cast %broadcast_in_dim3A_46 : vector<32x1xf32> to vector<32x1xf32>
    %broadcast_in_dim3A_70 = vector.broadcast %broadcast_in_dim3A_69 : vector<32x1xf32> to vector<32x8xf32>
    %select_n3A_71 = arith.select %eq3A_60, %broadcast_in_dim3A_70, %select_n3A_68 : vector<32x8xi1>, vector<32x8xf32>
    %swap3A_72 = arith.constant 0 : index
    %swap3A_73 = arith.constant 0 : index
    %swap3A_74 = vector.load %arg3[%swap3A_72, %swap3A_73] : memref<32x8xf32, #tpu.memory_space<vmem>>, vector<32x8xf32>
    tpu.vector_store %arg3[%swap3A_72, %swap3A_73], %select_n3A_71 {strides = array<i32>} : memref<32x8xf32, #tpu.memory_space<vmem>>, vector<32x8xf32>,
    return
  }
}

module attributes {stable_mosaic.version = 14 : i64} {
  func.func @_nms_core(%arg0: memref<2048x16xf32, #tpu.memory_space<vmem>>, %arg1: memref<128x16xf32, #tpu.memory_space<vmem>>, %arg2: memref<2048x2048xbf16, #tpu.memory_space<vmem>>, %arg3: memref<2048x2048xbf16, #tpu.memory_space<vmem>>, %arg4: memref<2048x16xf32, #tpu.memory_space<vmem>>, %arg5: memref<8x2048xf32, #tpu.memory_space<vmem>>) attributes {dimension_semantics = [], scalar_prefetch = 0 : i64, scratch_operands = 4 : i64, tpu.core_type = #tpu.core_type<tc>} {
    %get3A = arith.constant 0 : index
    %get3A_0 = arith.constant 0 : index
    %get3A_1 = vector.load %arg0[%get3A, %get3A_0] : memref<2048x16xf32, #tpu.memory_space<vmem>>, vector<2048x16xf32>
    %slice3A = vector.extract_strided_slice %get3A_1 {offsets = [0, 4], sizes = [2048, 2], strides = [1, 1]} : vector<2048x16xf32> to vector<2048x2xf32>
    %transpose3A = tpu.transpose %slice3A, [1, 0] : vector<2048x2xf32> -> vector<2x2048xf32>
    %broadcast_in_dim3A = arith.constant 0.000000e+00 : f32
    %broadcast_in_dim3A_2 = vector.broadcast %broadcast_in_dim3A : f32 to vector<1x2048xf32>
    %scan3A = arith.constant 0 : i32
    %scan3A_3 = arith.constant 8 : i32
    %scan3A_4 = arith.addi %scan3A, %scan3A_3 : i32
    %scan3A_5 = arith.constant 1 : i32
    %scan3A_6 = scf.for %scan3A_834 = %scan3A to %scan3A_4 step %scan3A_5 iter_args(%scan3A_835 = %broadcast_in_dim3A_2) -> (vector<1x2048xf32>)  : i32 {
      %mul3A_836 = arith.constant 256 : i32
      %mul3A_837 = arith.muli %scan3A_834, %mul3A_836 : i32
      %get3A_838 = arith.index_cast %mul3A_837 : i32 to index
      %get3A_839 = arith.constant 4 : index
      %get3A_840 = vector.load %arg0[%get3A_838, %get3A_839] : memref<2048x16xf32, #tpu.memory_space<vmem>>, vector<256x1xf32>
      %get3A_841 = arith.index_cast %mul3A_837 : i32 to index
      %get3A_842 = arith.constant 5 : index
      %get3A_843 = vector.load %arg0[%get3A_841, %get3A_842] : memref<2048x16xf32, #tpu.memory_space<vmem>>, vector<256x1xf32>
      %slice3A_844 = vector.extract_strided_slice %transpose3A {offsets = [0, 0], sizes = [1, 2048], strides = [1, 1]} : vector<2x2048xf32> to vector<1x2048xf32>
      %slice3A_845 = vector.extract_strided_slice %transpose3A {offsets = [1, 0], sizes = [1, 2048], strides = [1, 1]} : vector<2x2048xf32> to vector<1x2048xf32>
      %gt3A_846 = vector.broadcast %get3A_840 : vector<256x1xf32> to vector<256x2048xf32>
      %gt3A_847 = vector.broadcast %slice3A_844 : vector<1x2048xf32> to vector<256x2048xf32>
      %gt3A_848 = arith.cmpf ogt, %gt3A_846, %gt3A_847 : vector<256x2048xf32>
      %eq3A_849 = vector.broadcast %get3A_840 : vector<256x1xf32> to vector<256x2048xf32>
      %eq3A_850 = vector.broadcast %slice3A_844 : vector<1x2048xf32> to vector<256x2048xf32>
      %eq3A_851 = arith.cmpf oeq, %eq3A_849, %eq3A_850 : vector<256x2048xf32>
      %lt3A_852 = vector.broadcast %get3A_843 : vector<256x1xf32> to vector<256x2048xf32>
      %lt3A_853 = vector.broadcast %slice3A_845 : vector<1x2048xf32> to vector<256x2048xf32>
      %lt3A_854 = arith.cmpf olt, %lt3A_852, %lt3A_853 : vector<256x2048xf32>
      %and3A_855 = arith.andi %eq3A_851, %lt3A_854 : vector<256x2048xi1>
      %or3A = arith.ori %gt3A_848, %and3A_855 : vector<256x2048xi1>
      %jit3A_856 = arith.constant 1.000000e+00 : f32
      %jit3A_857 = arith.constant 0.000000e+00 : f32
      %broadcast_in_dim3A_858 = vector.broadcast %jit3A_856 : f32 to vector<256x2048xf32>
      %broadcast_in_dim3A_859 = vector.broadcast %jit3A_857 : f32 to vector<256x2048xf32>
      %select_n3A_860 = arith.select %or3A, %broadcast_in_dim3A_858, %broadcast_in_dim3A_859 : vector<256x2048xi1>, vector<256x2048xf32>
      %reduce_sum3A_861 = arith.constant dense<0.000000e+00> : vector<2048xf32>
      %reduce_sum3A_862 = vector.multi_reduction <add>, %select_n3A_860, %reduce_sum3A_861 [0] : vector<256x2048xf32> to vector<2048xf32>
      %broadcast_in_dim3A_863 = vector.shape_cast %reduce_sum3A_862 : vector<2048xf32> to vector<1x2048xf32>
      %add3A_864 = arith.addf %scan3A_835, %broadcast_in_dim3A_863 : vector<1x2048xf32>
      scf.yield %add3A_864 : vector<1x2048xf32>
    }
    %scan3A_7 = arith.constant 8 : i32
    %convert_element_type3A = arith.fptosi %scan3A_6 : vector<1x2048xf32> to vector<1x2048xi32>
    %scan3A_8 = arith.constant 0 : i32
    %scan3A_9 = arith.constant 8 : i32
    %scan3A_10 = arith.addi %scan3A_8, %scan3A_9 : i32
    %scan3A_11 = arith.constant 1 : i32
    scf.for %scan3A_834 = %scan3A_8 to %scan3A_10 step %scan3A_11  : i32 {
      %mul3A_835 = arith.constant 256 : i32
      %mul3A_836 = arith.muli %scan3A_834, %mul3A_835 : i32
      %iota3A_837 = tpu.iota {dimensions = array<i32: 0>} : vector<256x2048xi32>
      %mul3A_838 = arith.constant 256 : i32
      %mul3A_839 = arith.muli %scan3A_834, %mul3A_838 : i32
      %add3A_840 = vector.broadcast %mul3A_839 : i32 to vector<256x2048xi32>
      %add3A_841 = arith.addi %iota3A_837, %add3A_840 : vector<256x2048xi32>
      %broadcast_in_dim3A_842 = vector.shape_cast %convert_element_type3A : vector<1x2048xi32> to vector<1x2048xi32>
      %broadcast_in_dim3A_843 = vector.broadcast %broadcast_in_dim3A_842 : vector<1x2048xi32> to vector<256x2048xi32>
      %eq3A_844 = arith.cmpi eq, %add3A_841, %broadcast_in_dim3A_843 : vector<256x2048xi32>
      %jit3A_845 = arith.constant 1.000000e+00 : f32
      %jit3A_846 = arith.constant 0.000000e+00 : f32
      %broadcast_in_dim3A_847 = vector.broadcast %jit3A_845 : f32 to vector<256x2048xf32>
      %broadcast_in_dim3A_848 = vector.broadcast %jit3A_846 : f32 to vector<256x2048xf32>
      %select_n3A_849 = arith.select %eq3A_844, %broadcast_in_dim3A_847, %broadcast_in_dim3A_848 : vector<256x2048xi1>, vector<256x2048xf32>
      %convert_element_type3A_850 = arith.truncf %select_n3A_849 : vector<256x2048xf32> to vector<256x2048xbf16>
      %swap3A_851 = arith.index_cast %mul3A_836 : i32 to index
      %swap3A_852 = arith.constant 0 : index
      %swap3A_853 = vector.load %arg2[%swap3A_851, %swap3A_852] : memref<2048x2048xbf16, #tpu.memory_space<vmem>>, vector<256x2048xbf16>
      tpu.vector_store %arg2[%swap3A_851, %swap3A_852], %convert_element_type3A_850 {strides = array<i32>} : memref<2048x2048xbf16, #tpu.memory_space<vmem>>, vector<256x2048xbf16>,
    }
    %scan3A_12 = arith.constant 8 : i32
    %get3A_13 = arith.constant 0 : index
    %get3A_14 = arith.constant 0 : index
    %get3A_15 = vector.load %arg0[%get3A_13, %get3A_14] : memref<2048x16xf32, #tpu.memory_space<vmem>>, vector<2048x16xf32>
    %convert_element_type3A_16 = arith.truncf %get3A_15 : vector<2048x16xf32> to vector<2048x16xbf16>
    %convert_element_type3A_17 = arith.extf %convert_element_type3A_16 : vector<2048x16xbf16> to vector<2048x16xf32>
    %sub3A = arith.subf %get3A_15, %convert_element_type3A_17 : vector<2048x16xf32>
    %convert_element_type3A_18 = arith.truncf %sub3A : vector<2048x16xf32> to vector<2048x16xbf16>
    %convert_element_type3A_19 = arith.extf %convert_element_type3A_18 : vector<2048x16xbf16> to vector<2048x16xf32>
    %sub3A_20 = arith.subf %sub3A, %convert_element_type3A_19 : vector<2048x16xf32>
    %convert_element_type3A_21 = arith.truncf %sub3A_20 : vector<2048x16xf32> to vector<2048x16xbf16>
    %get3A_22 = arith.constant 0 : index
    %get3A_23 = arith.constant 0 : index
    %get3A_24 = vector.load %arg2[%get3A_22, %get3A_23] : memref<2048x2048xbf16, #tpu.memory_space<vmem>>, vector<2048x2048xbf16>
    %dot_general3A = arith.constant dense<0.000000e+00> : vector<2048x16xf32>
    %dot_general3A_25 = tpu.matmul %get3A_24, %convert_element_type3A_16, %dot_general3A {dimension_numbers = #tpu.dot_dimension_numbers<[1], [0], [0], [1], [0, 0, 1, 1], [], []>, transpose_lhs_hint = false} : vector<2048x2048xbf16>, vector<2048x16xbf16>, vector<2048x16xf32> -> vector<2048x16xf32>
    %dot_general3A_26 = arith.constant dense<0.000000e+00> : vector<2048x16xf32>
    %dot_general3A_27 = tpu.matmul %get3A_24, %convert_element_type3A_18, %dot_general3A_26 {dimension_numbers = #tpu.dot_dimension_numbers<[1], [0], [0], [1], [0, 0, 1, 1], [], []>, transpose_lhs_hint = false} : vector<2048x2048xbf16>, vector<2048x16xbf16>, vector<2048x16xf32> -> vector<2048x16xf32>
    %add3A = arith.addf %dot_general3A_25, %dot_general3A_27 : vector<2048x16xf32>
    %dot_general3A_28 = arith.constant dense<0.000000e+00> : vector<2048x16xf32>
    %dot_general3A_29 = tpu.matmul %get3A_24, %convert_element_type3A_21, %dot_general3A_28 {dimension_numbers = #tpu.dot_dimension_numbers<[1], [0], [0], [1], [0, 0, 1, 1], [], []>, transpose_lhs_hint = false} : vector<2048x2048xbf16>, vector<2048x16xbf16>, vector<2048x16xf32> -> vector<2048x16xf32>
    %add3A_30 = arith.addf %add3A, %dot_general3A_29 : vector<2048x16xf32>
    %swap3A = arith.constant 0 : index
    %swap3A_31 = arith.constant 0 : index
    %swap3A_32 = vector.load %arg4[%swap3A, %swap3A_31] : memref<2048x16xf32, #tpu.memory_space<vmem>>, vector<2048x16xf32>
    tpu.vector_store %arg4[%swap3A, %swap3A_31], %add3A_30 {strides = array<i32>} : memref<2048x16xf32, #tpu.memory_space<vmem>>, vector<2048x16xf32>,
    %slice3A_33 = vector.extract_strided_slice %add3A_30 {offsets = [0, 0], sizes = [2048, 4], strides = [1, 1]} : vector<2048x16xf32> to vector<2048x4xf32>
    %transpose3A_34 = tpu.transpose %slice3A_33, [1, 0] : vector<2048x4xf32> -> vector<4x2048xf32>
    %swap3A_35 = arith.constant 0 : index
    %swap3A_36 = arith.constant 0 : index
    %swap3A_37 = vector.load %arg5[%swap3A_35, %swap3A_36] : memref<8x2048xf32, #tpu.memory_space<vmem>>, vector<4x2048xf32>
    tpu.vector_store %arg5[%swap3A_35, %swap3A_36], %transpose3A_34 {strides = array<i32>} : memref<8x2048xf32, #tpu.memory_space<vmem>>, vector<4x2048xf32>,
    %get3A_38 = arith.constant 0 : index
    %get3A_39 = arith.constant 0 : index
    %get3A_40 = vector.load %arg4[%get3A_38, %get3A_39] : memref<2048x16xf32, #tpu.memory_space<vmem>>, vector<256x16xf32>
    %slice3A_41 = vector.extract_strided_slice %get3A_40 {offsets = [0, 0], sizes = [256, 1], strides = [1, 1]} : vector<256x16xf32> to vector<256x1xf32>
    %slice3A_42 = vector.extract_strided_slice %get3A_40 {offsets = [0, 1], sizes = [256, 1], strides = [1, 1]} : vector<256x16xf32> to vector<256x1xf32>
    %slice3A_43 = vector.extract_strided_slice %get3A_40 {offsets = [0, 2], sizes = [256, 1], strides = [1, 1]} : vector<256x16xf32> to vector<256x1xf32>
    %slice3A_44 = vector.extract_strided_slice %get3A_40 {offsets = [0, 3], sizes = [256, 1], strides = [1, 1]} : vector<256x16xf32> to vector<256x1xf32>
    %sub3A_45 = arith.subf %slice3A_43, %slice3A_41 : vector<256x1xf32>
    %sub3A_46 = arith.subf %slice3A_44, %slice3A_42 : vector<256x1xf32>
    %mul3A = arith.mulf %sub3A_45, %sub3A_46 : vector<256x1xf32>
    %get3A_47 = arith.constant 0 : index
    %get3A_48 = arith.constant 0 : index
    %get3A_49 = vector.load %arg5[%get3A_47, %get3A_48] : memref<8x2048xf32, #tpu.memory_space<vmem>>, vector<1x2048xf32>
    %get3A_50 = arith.constant 1 : index
    %get3A_51 = arith.constant 0 : index
    %get3A_52 = vector.load %arg5[%get3A_50, %get3A_51] : memref<8x2048xf32, #tpu.memory_space<vmem>>, vector<1x2048xf32>
    %get3A_53 = arith.constant 2 : index
    %get3A_54 = arith.constant 0 : index
    %get3A_55 = vector.load %arg5[%get3A_53, %get3A_54] : memref<8x2048xf32, #tpu.memory_space<vmem>>, vector<1x2048xf32>
    %get3A_56 = arith.constant 3 : index
    %get3A_57 = arith.constant 0 : index
    %get3A_58 = vector.load %arg5[%get3A_56, %get3A_57] : memref<8x2048xf32, #tpu.memory_space<vmem>>, vector<1x2048xf32>
    %sub3A_59 = arith.subf %get3A_55, %get3A_49 : vector<1x2048xf32>
    %sub3A_60 = arith.subf %get3A_58, %get3A_52 : vector<1x2048xf32>
    %mul3A_61 = arith.mulf %sub3A_59, %sub3A_60 : vector<1x2048xf32>
    %min3A = vector.broadcast %slice3A_43 : vector<256x1xf32> to vector<256x2048xf32>
    %min3A_62 = vector.broadcast %get3A_55 : vector<1x2048xf32> to vector<256x2048xf32>
    %min3A_63 = arith.minimumf %min3A, %min3A_62 : vector<256x2048xf32>
    %max3A = vector.broadcast %slice3A_41 : vector<256x1xf32> to vector<256x2048xf32>
    %max3A_64 = vector.broadcast %get3A_49 : vector<1x2048xf32> to vector<256x2048xf32>
    %max3A_65 = arith.maximumf %max3A, %max3A_64 : vector<256x2048xf32>
    %sub3A_66 = arith.subf %min3A_63, %max3A_65 : vector<256x2048xf32>
    %max3A_67 = arith.constant 0.000000e+00 : f32
    %max3A_68 = vector.broadcast %max3A_67 : f32 to vector<256x2048xf32>
    %max3A_69 = arith.maximumf %sub3A_66, %max3A_68 : vector<256x2048xf32>
    %min3A_70 = vector.broadcast %slice3A_44 : vector<256x1xf32> to vector<256x2048xf32>
    %min3A_71 = vector.broadcast %get3A_58 : vector<1x2048xf32> to vector<256x2048xf32>
    %min3A_72 = arith.minimumf %min3A_70, %min3A_71 : vector<256x2048xf32>
    %max3A_73 = vector.broadcast %slice3A_42 : vector<256x1xf32> to vector<256x2048xf32>
    %max3A_74 = vector.broadcast %get3A_52 : vector<1x2048xf32> to vector<256x2048xf32>
    %max3A_75 = arith.maximumf %max3A_73, %max3A_74 : vector<256x2048xf32>
    %sub3A_76 = arith.subf %min3A_72, %max3A_75 : vector<256x2048xf32>
    %max3A_77 = arith.constant 0.000000e+00 : f32
    %max3A_78 = vector.broadcast %max3A_77 : f32 to vector<256x2048xf32>
    %max3A_79 = arith.maximumf %sub3A_76, %max3A_78 : vector<256x2048xf32>
    %mul3A_80 = arith.mulf %max3A_69, %max3A_79 : vector<256x2048xf32>
    %add3A_81 = vector.broadcast %mul3A : vector<256x1xf32> to vector<256x2048xf32>
    %add3A_82 = vector.broadcast %mul3A_61 : vector<1x2048xf32> to vector<256x2048xf32>
    %add3A_83 = arith.addf %add3A_81, %add3A_82 : vector<256x2048xf32>
    %sub3A_84 = arith.subf %add3A_83, %mul3A_80 : vector<256x2048xf32>
    %max3A_85 = arith.constant 9.99999971E-10 : f32
    %max3A_86 = vector.broadcast %max3A_85 : f32 to vector<256x2048xf32>
    %max3A_87 = arith.maximumf %sub3A_84, %max3A_86 : vector<256x2048xf32>
    %div3A = arith.divf %mul3A_80, %max3A_87 : vector<256x2048xf32>
    %iota3A = tpu.iota {dimensions = array<i32: 0>} : vector<256x2048xi32>
    %add3A_88 = arith.constant 0 : i32
    %add3A_89 = vector.broadcast %add3A_88 : i32 to vector<256x2048xi32>
    %add3A_90 = arith.addi %iota3A, %add3A_89 : vector<256x2048xi32>
    %iota3A_91 = tpu.iota {dimensions = array<i32: 1>} : vector<256x2048xi32>
    %add3A_92 = arith.constant 0 : i32
    %add3A_93 = vector.broadcast %add3A_92 : i32 to vector<256x2048xi32>
    %add3A_94 = arith.addi %iota3A_91, %add3A_93 : vector<256x2048xi32>
    %gt3A = arith.constant 5.000000e-01 : f32
    %gt3A_95 = vector.broadcast %gt3A : f32 to vector<256x2048xf32>
    %gt3A_96 = arith.cmpf ogt, %div3A, %gt3A_95 : vector<256x2048xf32>
    %lt3A = arith.cmpi slt, %add3A_90, %add3A_94 : vector<256x2048xi32>
    %and3A = arith.andi %gt3A_96, %lt3A : vector<256x2048xi1>
    %jit3A = arith.constant 1.000000e+00 : f32
    %jit3A_97 = arith.constant 0.000000e+00 : f32
    %broadcast_in_dim3A_98 = vector.broadcast %jit3A : f32 to vector<256x2048xf32>
    %broadcast_in_dim3A_99 = vector.broadcast %jit3A_97 : f32 to vector<256x2048xf32>
    %select_n3A = arith.select %and3A, %broadcast_in_dim3A_98, %broadcast_in_dim3A_99 : vector<256x2048xi1>, vector<256x2048xf32>
    %convert_element_type3A_100 = arith.truncf %select_n3A : vector<256x2048xf32> to vector<256x2048xbf16>
    %swap3A_101 = arith.constant 0 : index
    %swap3A_102 = arith.constant 0 : index
    %swap3A_103 = vector.load %arg2[%swap3A_101, %swap3A_102] : memref<2048x2048xbf16, #tpu.memory_space<vmem>>, vector<256x2048xbf16>
    tpu.vector_store %arg2[%swap3A_101, %swap3A_102], %convert_element_type3A_100 {strides = array<i32>} : memref<2048x2048xbf16, #tpu.memory_space<vmem>>, vector<256x2048xbf16>,
    %le3A = arith.cmpi sle, %add3A_90, %add3A_94 : vector<256x2048xi32>
    %jit3A_104 = arith.constant 1.000000e+00 : f32
    %jit3A_105 = arith.constant 0.000000e+00 : f32
    %broadcast_in_dim3A_106 = vector.broadcast %jit3A_104 : f32 to vector<256x2048xf32>
    %broadcast_in_dim3A_107 = vector.broadcast %jit3A_105 : f32 to vector<256x2048xf32>
    %select_n3A_108 = arith.select %le3A, %broadcast_in_dim3A_106, %broadcast_in_dim3A_107 : vector<256x2048xi1>, vector<256x2048xf32>
    %convert_element_type3A_109 = arith.truncf %select_n3A_108 : vector<256x2048xf32> to vector<256x2048xbf16>
    %swap3A_110 = arith.constant 0 : index
    %swap3A_111 = arith.constant 0 : index
    %swap3A_112 = vector.load %arg3[%swap3A_110, %swap3A_111] : memref<2048x2048xbf16, #tpu.memory_space<vmem>>, vector<256x2048xbf16>
    tpu.vector_store %arg3[%swap3A_110, %swap3A_111], %convert_element_type3A_109 {strides = array<i32>} : memref<2048x2048xbf16, #tpu.memory_space<vmem>>, vector<256x2048xbf16>,
    %get3A_113 = arith.constant 256 : index
    %get3A_114 = arith.constant 0 : index
    %get3A_115 = vector.load %arg4[%get3A_113, %get3A_114] : memref<2048x16xf32, #tpu.memory_space<vmem>>, vector<256x16xf32>
    %slice3A_116 = vector.extract_strided_slice %get3A_115 {offsets = [0, 0], sizes = [256, 1], strides = [1, 1]} : vector<256x16xf32> to vector<256x1xf32>
    %slice3A_117 = vector.extract_strided_slice %get3A_115 {offsets = [0, 1], sizes = [256, 1], strides = [1, 1]} : vector<256x16xf32> to vector<256x1xf32>
    %slice3A_118 = vector.extract_strided_slice %get3A_115 {offsets = [0, 2], sizes = [256, 1], strides = [1, 1]} : vector<256x16xf32> to vector<256x1xf32>
    %slice3A_119 = vector.extract_strided_slice %get3A_115 {offsets = [0, 3], sizes = [256, 1], strides = [1, 1]} : vector<256x16xf32> to vector<256x1xf32>
    %sub3A_120 = arith.subf %slice3A_118, %slice3A_116 : vector<256x1xf32>
    %sub3A_121 = arith.subf %slice3A_119, %slice3A_117 : vector<256x1xf32>
    %mul3A_122 = arith.mulf %sub3A_120, %sub3A_121 : vector<256x1xf32>
    %get3A_123 = arith.constant 0 : index
    %get3A_124 = arith.constant 256 : index
    %get3A_125 = vector.load %arg5[%get3A_123, %get3A_124] : memref<8x2048xf32, #tpu.memory_space<vmem>>, vector<1x1792xf32>
    %get3A_126 = arith.constant 1 : index
    %get3A_127 = arith.constant 256 : index
    %get3A_128 = vector.load %arg5[%get3A_126, %get3A_127] : memref<8x2048xf32, #tpu.memory_space<vmem>>, vector<1x1792xf32>
    %get3A_129 = arith.constant 2 : index
    %get3A_130 = arith.constant 256 : index
    %get3A_131 = vector.load %arg5[%get3A_129, %get3A_130] : memref<8x2048xf32, #tpu.memory_space<vmem>>, vector<1x1792xf32>
    %get3A_132 = arith.constant 3 : index
    %get3A_133 = arith.constant 256 : index
    %get3A_134 = vector.load %arg5[%get3A_132, %get3A_133] : memref<8x2048xf32, #tpu.memory_space<vmem>>, vector<1x1792xf32>
    %sub3A_135 = arith.subf %get3A_131, %get3A_125 : vector<1x1792xf32>
    %sub3A_136 = arith.subf %get3A_134, %get3A_128 : vector<1x1792xf32>
    %mul3A_137 = arith.mulf %sub3A_135, %sub3A_136 : vector<1x1792xf32>
    %min3A_138 = vector.broadcast %slice3A_118 : vector<256x1xf32> to vector<256x1792xf32>
    %min3A_139 = vector.broadcast %get3A_131 : vector<1x1792xf32> to vector<256x1792xf32>
    %min3A_140 = arith.minimumf %min3A_138, %min3A_139 : vector<256x1792xf32>
    %max3A_141 = vector.broadcast %slice3A_116 : vector<256x1xf32> to vector<256x1792xf32>
    %max3A_142 = vector.broadcast %get3A_125 : vector<1x1792xf32> to vector<256x1792xf32>
    %max3A_143 = arith.maximumf %max3A_141, %max3A_142 : vector<256x1792xf32>
    %sub3A_144 = arith.subf %min3A_140, %max3A_143 : vector<256x1792xf32>
    %max3A_145 = arith.constant 0.000000e+00 : f32
    %max3A_146 = vector.broadcast %max3A_145 : f32 to vector<256x1792xf32>
    %max3A_147 = arith.maximumf %sub3A_144, %max3A_146 : vector<256x1792xf32>
    %min3A_148 = vector.broadcast %slice3A_119 : vector<256x1xf32> to vector<256x1792xf32>
    %min3A_149 = vector.broadcast %get3A_134 : vector<1x1792xf32> to vector<256x1792xf32>
    %min3A_150 = arith.minimumf %min3A_148, %min3A_149 : vector<256x1792xf32>
    %max3A_151 = vector.broadcast %slice3A_117 : vector<256x1xf32> to vector<256x1792xf32>
    %max3A_152 = vector.broadcast %get3A_128 : vector<1x1792xf32> to vector<256x1792xf32>
    %max3A_153 = arith.maximumf %max3A_151, %max3A_152 : vector<256x1792xf32>
    %sub3A_154 = arith.subf %min3A_150, %max3A_153 : vector<256x1792xf32>
    %max3A_155 = arith.constant 0.000000e+00 : f32
    %max3A_156 = vector.broadcast %max3A_155 : f32 to vector<256x1792xf32>
    %max3A_157 = arith.maximumf %sub3A_154, %max3A_156 : vector<256x1792xf32>
    %mul3A_158 = arith.mulf %max3A_147, %max3A_157 : vector<256x1792xf32>
    %add3A_159 = vector.broadcast %mul3A_122 : vector<256x1xf32> to vector<256x1792xf32>
    %add3A_160 = vector.broadcast %mul3A_137 : vector<1x1792xf32> to vector<256x1792xf32>
    %add3A_161 = arith.addf %add3A_159, %add3A_160 : vector<256x1792xf32>
    %sub3A_162 = arith.subf %add3A_161, %mul3A_158 : vector<256x1792xf32>
    %max3A_163 = arith.constant 9.99999971E-10 : f32
    %max3A_164 = vector.broadcast %max3A_163 : f32 to vector<256x1792xf32>
    %max3A_165 = arith.maximumf %sub3A_162, %max3A_164 : vector<256x1792xf32>
    %div3A_166 = arith.divf %mul3A_158, %max3A_165 : vector<256x1792xf32>
    %iota3A_167 = tpu.iota {dimensions = array<i32: 0>} : vector<256x1792xi32>
    %add3A_168 = arith.constant 256 : i32
    %add3A_169 = vector.broadcast %add3A_168 : i32 to vector<256x1792xi32>
    %add3A_170 = arith.addi %iota3A_167, %add3A_169 : vector<256x1792xi32>
    %iota3A_171 = tpu.iota {dimensions = array<i32: 1>} : vector<256x1792xi32>
    %add3A_172 = arith.constant 256 : i32
    %add3A_173 = vector.broadcast %add3A_172 : i32 to vector<256x1792xi32>
    %add3A_174 = arith.addi %iota3A_171, %add3A_173 : vector<256x1792xi32>
    %gt3A_175 = arith.constant 5.000000e-01 : f32
    %gt3A_176 = vector.broadcast %gt3A_175 : f32 to vector<256x1792xf32>
    %gt3A_177 = arith.cmpf ogt, %div3A_166, %gt3A_176 : vector<256x1792xf32>
    %lt3A_178 = arith.cmpi slt, %add3A_170, %add3A_174 : vector<256x1792xi32>
    %and3A_179 = arith.andi %gt3A_177, %lt3A_178 : vector<256x1792xi1>
    %jit3A_180 = arith.constant 1.000000e+00 : f32
    %jit3A_181 = arith.constant 0.000000e+00 : f32
    %broadcast_in_dim3A_182 = vector.broadcast %jit3A_180 : f32 to vector<256x1792xf32>
    %broadcast_in_dim3A_183 = vector.broadcast %jit3A_181 : f32 to vector<256x1792xf32>
    %select_n3A_184 = arith.select %and3A_179, %broadcast_in_dim3A_182, %broadcast_in_dim3A_183 : vector<256x1792xi1>, vector<256x1792xf32>
    %convert_element_type3A_185 = arith.truncf %select_n3A_184 : vector<256x1792xf32> to vector<256x1792xbf16>
    %swap3A_186 = arith.constant 256 : index
    %swap3A_187 = arith.constant 256 : index
    %swap3A_188 = vector.load %arg2[%swap3A_186, %swap3A_187] : memref<2048x2048xbf16, #tpu.memory_space<vmem>>, vector<256x1792xbf16>
    tpu.vector_store %arg2[%swap3A_186, %swap3A_187], %convert_element_type3A_185 {strides = array<i32>} : memref<2048x2048xbf16, #tpu.memory_space<vmem>>, vector<256x1792xbf16>,
    %le3A_189 = arith.cmpi sle, %add3A_170, %add3A_174 : vector<256x1792xi32>
    %jit3A_190 = arith.constant 1.000000e+00 : f32
    %jit3A_191 = arith.constant 0.000000e+00 : f32
    %broadcast_in_dim3A_192 = vector.broadcast %jit3A_190 : f32 to vector<256x1792xf32>
    %broadcast_in_dim3A_193 = vector.broadcast %jit3A_191 : f32 to vector<256x1792xf32>
    %select_n3A_194 = arith.select %le3A_189, %broadcast_in_dim3A_192, %broadcast_in_dim3A_193 : vector<256x1792xi1>, vector<256x1792xf32>
    %convert_element_type3A_195 = arith.truncf %select_n3A_194 : vector<256x1792xf32> to vector<256x1792xbf16>
    %swap3A_196 = arith.constant 256 : index
    %swap3A_197 = arith.constant 256 : index
    %swap3A_198 = vector.load %arg3[%swap3A_196, %swap3A_197] : memref<2048x2048xbf16, #tpu.memory_space<vmem>>, vector<256x1792xbf16>
    tpu.vector_store %arg3[%swap3A_196, %swap3A_197], %convert_element_type3A_195 {strides = array<i32>} : memref<2048x2048xbf16, #tpu.memory_space<vmem>>, vector<256x1792xbf16>,
    %broadcast_in_dim3A_199 = arith.constant 0.000000e+00 : bf16
    %broadcast_in_dim3A_200 = vector.broadcast %broadcast_in_dim3A_199 : bf16 to vector<256x256xbf16>
    %swap3A_201 = arith.constant 256 : index
    %swap3A_202 = arith.constant 0 : index
    %swap3A_203 = vector.load %arg2[%swap3A_201, %swap3A_202] : memref<2048x2048xbf16, #tpu.memory_space<vmem>>, vector<256x256xbf16>
    tpu.vector_store %arg2[%swap3A_201, %swap3A_202], %broadcast_in_dim3A_200 {strides = array<i32>} : memref<2048x2048xbf16, #tpu.memory_space<vmem>>, vector<256x256xbf16>,
    %swap3A_204 = arith.constant 256 : index
    %swap3A_205 = arith.constant 0 : index
    %swap3A_206 = vector.load %arg3[%swap3A_204, %swap3A_205] : memref<2048x2048xbf16, #tpu.memory_space<vmem>>, vector<256x256xbf16>
    tpu.vector_store %arg3[%swap3A_204, %swap3A_205], %broadcast_in_dim3A_200 {strides = array<i32>} : memref<2048x2048xbf16, #tpu.memory_space<vmem>>, vector<256x256xbf16>,
    %get3A_207 = arith.constant 512 : index
    %get3A_208 = arith.constant 0 : index
    %get3A_209 = vector.load %arg4[%get3A_207, %get3A_208] : memref<2048x16xf32, #tpu.memory_space<vmem>>, vector<256x16xf32>
    %slice3A_210 = vector.extract_strided_slice %get3A_209 {offsets = [0, 0], sizes = [256, 1], strides = [1, 1]} : vector<256x16xf32> to vector<256x1xf32>
    %slice3A_211 = vector.extract_strided_slice %get3A_209 {offsets = [0, 1], sizes = [256, 1], strides = [1, 1]} : vector<256x16xf32> to vector<256x1xf32>
    %slice3A_212 = vector.extract_strided_slice %get3A_209 {offsets = [0, 2], sizes = [256, 1], strides = [1, 1]} : vector<256x16xf32> to vector<256x1xf32>
    %slice3A_213 = vector.extract_strided_slice %get3A_209 {offsets = [0, 3], sizes = [256, 1], strides = [1, 1]} : vector<256x16xf32> to vector<256x1xf32>
    %sub3A_214 = arith.subf %slice3A_212, %slice3A_210 : vector<256x1xf32>
    %sub3A_215 = arith.subf %slice3A_213, %slice3A_211 : vector<256x1xf32>
    %mul3A_216 = arith.mulf %sub3A_214, %sub3A_215 : vector<256x1xf32>
    %get3A_217 = arith.constant 0 : index
    %get3A_218 = arith.constant 512 : index
    %get3A_219 = vector.load %arg5[%get3A_217, %get3A_218] : memref<8x2048xf32, #tpu.memory_space<vmem>>, vector<1x1536xf32>
    %get3A_220 = arith.constant 1 : index
    %get3A_221 = arith.constant 512 : index
    %get3A_222 = vector.load %arg5[%get3A_220, %get3A_221] : memref<8x2048xf32, #tpu.memory_space<vmem>>, vector<1x1536xf32>
    %get3A_223 = arith.constant 2 : index
    %get3A_224 = arith.constant 512 : index
    %get3A_225 = vector.load %arg5[%get3A_223, %get3A_224] : memref<8x2048xf32, #tpu.memory_space<vmem>>, vector<1x1536xf32>
    %get3A_226 = arith.constant 3 : index
    %get3A_227 = arith.constant 512 : index
    %get3A_228 = vector.load %arg5[%get3A_226, %get3A_227] : memref<8x2048xf32, #tpu.memory_space<vmem>>, vector<1x1536xf32>
    %sub3A_229 = arith.subf %get3A_225, %get3A_219 : vector<1x1536xf32>
    %sub3A_230 = arith.subf %get3A_228, %get3A_222 : vector<1x1536xf32>
    %mul3A_231 = arith.mulf %sub3A_229, %sub3A_230 : vector<1x1536xf32>
    %min3A_232 = vector.broadcast %slice3A_212 : vector<256x1xf32> to vector<256x1536xf32>
    %min3A_233 = vector.broadcast %get3A_225 : vector<1x1536xf32> to vector<256x1536xf32>
    %min3A_234 = arith.minimumf %min3A_232, %min3A_233 : vector<256x1536xf32>
    %max3A_235 = vector.broadcast %slice3A_210 : vector<256x1xf32> to vector<256x1536xf32>
    %max3A_236 = vector.broadcast %get3A_219 : vector<1x1536xf32> to vector<256x1536xf32>
    %max3A_237 = arith.maximumf %max3A_235, %max3A_236 : vector<256x1536xf32>
    %sub3A_238 = arith.subf %min3A_234, %max3A_237 : vector<256x1536xf32>
    %max3A_239 = arith.constant 0.000000e+00 : f32
    %max3A_240 = vector.broadcast %max3A_239 : f32 to vector<256x1536xf32>
    %max3A_241 = arith.maximumf %sub3A_238, %max3A_240 : vector<256x1536xf32>
    %min3A_242 = vector.broadcast %slice3A_213 : vector<256x1xf32> to vector<256x1536xf32>
    %min3A_243 = vector.broadcast %get3A_228 : vector<1x1536xf32> to vector<256x1536xf32>
    %min3A_244 = arith.minimumf %min3A_242, %min3A_243 : vector<256x1536xf32>
    %max3A_245 = vector.broadcast %slice3A_211 : vector<256x1xf32> to vector<256x1536xf32>
    %max3A_246 = vector.broadcast %get3A_222 : vector<1x1536xf32> to vector<256x1536xf32>
    %max3A_247 = arith.maximumf %max3A_245, %max3A_246 : vector<256x1536xf32>
    %sub3A_248 = arith.subf %min3A_244, %max3A_247 : vector<256x1536xf32>
    %max3A_249 = arith.constant 0.000000e+00 : f32
    %max3A_250 = vector.broadcast %max3A_249 : f32 to vector<256x1536xf32>
    %max3A_251 = arith.maximumf %sub3A_248, %max3A_250 : vector<256x1536xf32>
    %mul3A_252 = arith.mulf %max3A_241, %max3A_251 : vector<256x1536xf32>
    %add3A_253 = vector.broadcast %mul3A_216 : vector<256x1xf32> to vector<256x1536xf32>
    %add3A_254 = vector.broadcast %mul3A_231 : vector<1x1536xf32> to vector<256x1536xf32>
    %add3A_255 = arith.addf %add3A_253, %add3A_254 : vector<256x1536xf32>
    %sub3A_256 = arith.subf %add3A_255, %mul3A_252 : vector<256x1536xf32>
    %max3A_257 = arith.constant 9.99999971E-10 : f32
    %max3A_258 = vector.broadcast %max3A_257 : f32 to vector<256x1536xf32>
    %max3A_259 = arith.maximumf %sub3A_256, %max3A_258 : vector<256x1536xf32>
    %div3A_260 = arith.divf %mul3A_252, %max3A_259 : vector<256x1536xf32>
    %iota3A_261 = tpu.iota {dimensions = array<i32: 0>} : vector<256x1536xi32>
    %add3A_262 = arith.constant 512 : i32
    %add3A_263 = vector.broadcast %add3A_262 : i32 to vector<256x1536xi32>
    %add3A_264 = arith.addi %iota3A_261, %add3A_263 : vector<256x1536xi32>
    %iota3A_265 = tpu.iota {dimensions = array<i32: 1>} : vector<256x1536xi32>
    %add3A_266 = arith.constant 512 : i32
    %add3A_267 = vector.broadcast %add3A_266 : i32 to vector<256x1536xi32>
    %add3A_268 = arith.addi %iota3A_265, %add3A_267 : vector<256x1536xi32>
    %gt3A_269 = arith.constant 5.000000e-01 : f32
    %gt3A_270 = vector.broadcast %gt3A_269 : f32 to vector<256x1536xf32>
    %gt3A_271 = arith.cmpf ogt, %div3A_260, %gt3A_270 : vector<256x1536xf32>
    %lt3A_272 = arith.cmpi slt, %add3A_264, %add3A_268 : vector<256x1536xi32>
    %and3A_273 = arith.andi %gt3A_271, %lt3A_272 : vector<256x1536xi1>
    %jit3A_274 = arith.constant 1.000000e+00 : f32
    %jit3A_275 = arith.constant 0.000000e+00 : f32
    %broadcast_in_dim3A_276 = vector.broadcast %jit3A_274 : f32 to vector<256x1536xf32>
    %broadcast_in_dim3A_277 = vector.broadcast %jit3A_275 : f32 to vector<256x1536xf32>
    %select_n3A_278 = arith.select %and3A_273, %broadcast_in_dim3A_276, %broadcast_in_dim3A_277 : vector<256x1536xi1>, vector<256x1536xf32>
    %convert_element_type3A_279 = arith.truncf %select_n3A_278 : vector<256x1536xf32> to vector<256x1536xbf16>
    %swap3A_280 = arith.constant 512 : index
    %swap3A_281 = arith.constant 512 : index
    %swap3A_282 = vector.load %arg2[%swap3A_280, %swap3A_281] : memref<2048x2048xbf16, #tpu.memory_space<vmem>>, vector<256x1536xbf16>
    tpu.vector_store %arg2[%swap3A_280, %swap3A_281], %convert_element_type3A_279 {strides = array<i32>} : memref<2048x2048xbf16, #tpu.memory_space<vmem>>, vector<256x1536xbf16>,
    %le3A_283 = arith.cmpi sle, %add3A_264, %add3A_268 : vector<256x1536xi32>
    %jit3A_284 = arith.constant 1.000000e+00 : f32
    %jit3A_285 = arith.constant 0.000000e+00 : f32
    %broadcast_in_dim3A_286 = vector.broadcast %jit3A_284 : f32 to vector<256x1536xf32>
    %broadcast_in_dim3A_287 = vector.broadcast %jit3A_285 : f32 to vector<256x1536xf32>
    %select_n3A_288 = arith.select %le3A_283, %broadcast_in_dim3A_286, %broadcast_in_dim3A_287 : vector<256x1536xi1>, vector<256x1536xf32>
    %convert_element_type3A_289 = arith.truncf %select_n3A_288 : vector<256x1536xf32> to vector<256x1536xbf16>
    %swap3A_290 = arith.constant 512 : index
    %swap3A_291 = arith.constant 512 : index
    %swap3A_292 = vector.load %arg3[%swap3A_290, %swap3A_291] : memref<2048x2048xbf16, #tpu.memory_space<vmem>>, vector<256x1536xbf16>
    tpu.vector_store %arg3[%swap3A_290, %swap3A_291], %convert_element_type3A_289 {strides = array<i32>} : memref<2048x2048xbf16, #tpu.memory_space<vmem>>, vector<256x1536xbf16>,
    %broadcast_in_dim3A_293 = arith.constant 0.000000e+00 : bf16
    %broadcast_in_dim3A_294 = vector.broadcast %broadcast_in_dim3A_293 : bf16 to vector<256x512xbf16>
    %swap3A_295 = arith.constant 512 : index
    %swap3A_296 = arith.constant 0 : index
    %swap3A_297 = vector.load %arg2[%swap3A_295, %swap3A_296] : memref<2048x2048xbf16, #tpu.memory_space<vmem>>, vector<256x512xbf16>
    tpu.vector_store %arg2[%swap3A_295, %swap3A_296], %broadcast_in_dim3A_294 {strides = array<i32>} : memref<2048x2048xbf16, #tpu.memory_space<vmem>>, vector<256x512xbf16>,
    %swap3A_298 = arith.constant 512 : index
    %swap3A_299 = arith.constant 0 : index
    %swap3A_300 = vector.load %arg3[%swap3A_298, %swap3A_299] : memref<2048x2048xbf16, #tpu.memory_space<vmem>>, vector<256x512xbf16>
    tpu.vector_store %arg3[%swap3A_298, %swap3A_299], %broadcast_in_dim3A_294 {strides = array<i32>} : memref<2048x2048xbf16, #tpu.memory_space<vmem>>, vector<256x512xbf16>,
    %get3A_301 = arith.constant 768 : index
    %get3A_302 = arith.constant 0 : index
    %get3A_303 = vector.load %arg4[%get3A_301, %get3A_302] : memref<2048x16xf32, #tpu.memory_space<vmem>>, vector<256x16xf32>
    %slice3A_304 = vector.extract_strided_slice %get3A_303 {offsets = [0, 0], sizes = [256, 1], strides = [1, 1]} : vector<256x16xf32> to vector<256x1xf32>
    %slice3A_305 = vector.extract_strided_slice %get3A_303 {offsets = [0, 1], sizes = [256, 1], strides = [1, 1]} : vector<256x16xf32> to vector<256x1xf32>
    %slice3A_306 = vector.extract_strided_slice %get3A_303 {offsets = [0, 2], sizes = [256, 1], strides = [1, 1]} : vector<256x16xf32> to vector<256x1xf32>
    %slice3A_307 = vector.extract_strided_slice %get3A_303 {offsets = [0, 3], sizes = [256, 1], strides = [1, 1]} : vector<256x16xf32> to vector<256x1xf32>
    %sub3A_308 = arith.subf %slice3A_306, %slice3A_304 : vector<256x1xf32>
    %sub3A_309 = arith.subf %slice3A_307, %slice3A_305 : vector<256x1xf32>
    %mul3A_310 = arith.mulf %sub3A_308, %sub3A_309 : vector<256x1xf32>
    %get3A_311 = arith.constant 0 : index
    %get3A_312 = arith.constant 768 : index
    %get3A_313 = vector.load %arg5[%get3A_311, %get3A_312] : memref<8x2048xf32, #tpu.memory_space<vmem>>, vector<1x1280xf32>
    %get3A_314 = arith.constant 1 : index
    %get3A_315 = arith.constant 768 : index
    %get3A_316 = vector.load %arg5[%get3A_314, %get3A_315] : memref<8x2048xf32, #tpu.memory_space<vmem>>, vector<1x1280xf32>
    %get3A_317 = arith.constant 2 : index
    %get3A_318 = arith.constant 768 : index
    %get3A_319 = vector.load %arg5[%get3A_317, %get3A_318] : memref<8x2048xf32, #tpu.memory_space<vmem>>, vector<1x1280xf32>
    %get3A_320 = arith.constant 3 : index
    %get3A_321 = arith.constant 768 : index
    %get3A_322 = vector.load %arg5[%get3A_320, %get3A_321] : memref<8x2048xf32, #tpu.memory_space<vmem>>, vector<1x1280xf32>
    %sub3A_323 = arith.subf %get3A_319, %get3A_313 : vector<1x1280xf32>
    %sub3A_324 = arith.subf %get3A_322, %get3A_316 : vector<1x1280xf32>
    %mul3A_325 = arith.mulf %sub3A_323, %sub3A_324 : vector<1x1280xf32>
    %min3A_326 = vector.broadcast %slice3A_306 : vector<256x1xf32> to vector<256x1280xf32>
    %min3A_327 = vector.broadcast %get3A_319 : vector<1x1280xf32> to vector<256x1280xf32>
    %min3A_328 = arith.minimumf %min3A_326, %min3A_327 : vector<256x1280xf32>
    %max3A_329 = vector.broadcast %slice3A_304 : vector<256x1xf32> to vector<256x1280xf32>
    %max3A_330 = vector.broadcast %get3A_313 : vector<1x1280xf32> to vector<256x1280xf32>
    %max3A_331 = arith.maximumf %max3A_329, %max3A_330 : vector<256x1280xf32>
    %sub3A_332 = arith.subf %min3A_328, %max3A_331 : vector<256x1280xf32>
    %max3A_333 = arith.constant 0.000000e+00 : f32
    %max3A_334 = vector.broadcast %max3A_333 : f32 to vector<256x1280xf32>
    %max3A_335 = arith.maximumf %sub3A_332, %max3A_334 : vector<256x1280xf32>
    %min3A_336 = vector.broadcast %slice3A_307 : vector<256x1xf32> to vector<256x1280xf32>
    %min3A_337 = vector.broadcast %get3A_322 : vector<1x1280xf32> to vector<256x1280xf32>
    %min3A_338 = arith.minimumf %min3A_336, %min3A_337 : vector<256x1280xf32>
    %max3A_339 = vector.broadcast %slice3A_305 : vector<256x1xf32> to vector<256x1280xf32>
    %max3A_340 = vector.broadcast %get3A_316 : vector<1x1280xf32> to vector<256x1280xf32>
    %max3A_341 = arith.maximumf %max3A_339, %max3A_340 : vector<256x1280xf32>
    %sub3A_342 = arith.subf %min3A_338, %max3A_341 : vector<256x1280xf32>
    %max3A_343 = arith.constant 0.000000e+00 : f32
    %max3A_344 = vector.broadcast %max3A_343 : f32 to vector<256x1280xf32>
    %max3A_345 = arith.maximumf %sub3A_342, %max3A_344 : vector<256x1280xf32>
    %mul3A_346 = arith.mulf %max3A_335, %max3A_345 : vector<256x1280xf32>
    %add3A_347 = vector.broadcast %mul3A_310 : vector<256x1xf32> to vector<256x1280xf32>
    %add3A_348 = vector.broadcast %mul3A_325 : vector<1x1280xf32> to vector<256x1280xf32>
    %add3A_349 = arith.addf %add3A_347, %add3A_348 : vector<256x1280xf32>
    %sub3A_350 = arith.subf %add3A_349, %mul3A_346 : vector<256x1280xf32>
    %max3A_351 = arith.constant 9.99999971E-10 : f32
    %max3A_352 = vector.broadcast %max3A_351 : f32 to vector<256x1280xf32>
    %max3A_353 = arith.maximumf %sub3A_350, %max3A_352 : vector<256x1280xf32>
    %div3A_354 = arith.divf %mul3A_346, %max3A_353 : vector<256x1280xf32>
    %iota3A_355 = tpu.iota {dimensions = array<i32: 0>} : vector<256x1280xi32>
    %add3A_356 = arith.constant 768 : i32
    %add3A_357 = vector.broadcast %add3A_356 : i32 to vector<256x1280xi32>
    %add3A_358 = arith.addi %iota3A_355, %add3A_357 : vector<256x1280xi32>
    %iota3A_359 = tpu.iota {dimensions = array<i32: 1>} : vector<256x1280xi32>
    %add3A_360 = arith.constant 768 : i32
    %add3A_361 = vector.broadcast %add3A_360 : i32 to vector<256x1280xi32>
    %add3A_362 = arith.addi %iota3A_359, %add3A_361 : vector<256x1280xi32>
    %gt3A_363 = arith.constant 5.000000e-01 : f32
    %gt3A_364 = vector.broadcast %gt3A_363 : f32 to vector<256x1280xf32>
    %gt3A_365 = arith.cmpf ogt, %div3A_354, %gt3A_364 : vector<256x1280xf32>
    %lt3A_366 = arith.cmpi slt, %add3A_358, %add3A_362 : vector<256x1280xi32>
    %and3A_367 = arith.andi %gt3A_365, %lt3A_366 : vector<256x1280xi1>
    %jit3A_368 = arith.constant 1.000000e+00 : f32
    %jit3A_369 = arith.constant 0.000000e+00 : f32
    %broadcast_in_dim3A_370 = vector.broadcast %jit3A_368 : f32 to vector<256x1280xf32>
    %broadcast_in_dim3A_371 = vector.broadcast %jit3A_369 : f32 to vector<256x1280xf32>
    %select_n3A_372 = arith.select %and3A_367, %broadcast_in_dim3A_370, %broadcast_in_dim3A_371 : vector<256x1280xi1>, vector<256x1280xf32>
    %convert_element_type3A_373 = arith.truncf %select_n3A_372 : vector<256x1280xf32> to vector<256x1280xbf16>
    %swap3A_374 = arith.constant 768 : index
    %swap3A_375 = arith.constant 768 : index
    %swap3A_376 = vector.load %arg2[%swap3A_374, %swap3A_375] : memref<2048x2048xbf16, #tpu.memory_space<vmem>>, vector<256x1280xbf16>
    tpu.vector_store %arg2[%swap3A_374, %swap3A_375], %convert_element_type3A_373 {strides = array<i32>} : memref<2048x2048xbf16, #tpu.memory_space<vmem>>, vector<256x1280xbf16>,
    %le3A_377 = arith.cmpi sle, %add3A_358, %add3A_362 : vector<256x1280xi32>
    %jit3A_378 = arith.constant 1.000000e+00 : f32
    %jit3A_379 = arith.constant 0.000000e+00 : f32
    %broadcast_in_dim3A_380 = vector.broadcast %jit3A_378 : f32 to vector<256x1280xf32>
    %broadcast_in_dim3A_381 = vector.broadcast %jit3A_379 : f32 to vector<256x1280xf32>
    %select_n3A_382 = arith.select %le3A_377, %broadcast_in_dim3A_380, %broadcast_in_dim3A_381 : vector<256x1280xi1>, vector<256x1280xf32>
    %convert_element_type3A_383 = arith.truncf %select_n3A_382 : vector<256x1280xf32> to vector<256x1280xbf16>
    %swap3A_384 = arith.constant 768 : index
    %swap3A_385 = arith.constant 768 : index
    %swap3A_386 = vector.load %arg3[%swap3A_384, %swap3A_385] : memref<2048x2048xbf16, #tpu.memory_space<vmem>>, vector<256x1280xbf16>
    tpu.vector_store %arg3[%swap3A_384, %swap3A_385], %convert_element_type3A_383 {strides = array<i32>} : memref<2048x2048xbf16, #tpu.memory_space<vmem>>, vector<256x1280xbf16>,
    %broadcast_in_dim3A_387 = arith.constant 0.000000e+00 : bf16
    %broadcast_in_dim3A_388 = vector.broadcast %broadcast_in_dim3A_387 : bf16 to vector<256x768xbf16>
    %swap3A_389 = arith.constant 768 : index
    %swap3A_390 = arith.constant 0 : index
    %swap3A_391 = vector.load %arg2[%swap3A_389, %swap3A_390] : memref<2048x2048xbf16, #tpu.memory_space<vmem>>, vector<256x768xbf16>
    tpu.vector_store %arg2[%swap3A_389, %swap3A_390], %broadcast_in_dim3A_388 {strides = array<i32>} : memref<2048x2048xbf16, #tpu.memory_space<vmem>>, vector<256x768xbf16>,
    %swap3A_392 = arith.constant 768 : index
    %swap3A_393 = arith.constant 0 : index
    %swap3A_394 = vector.load %arg3[%swap3A_392, %swap3A_393] : memref<2048x2048xbf16, #tpu.memory_space<vmem>>, vector<256x768xbf16>
    tpu.vector_store %arg3[%swap3A_392, %swap3A_393], %broadcast_in_dim3A_388 {strides = array<i32>} : memref<2048x2048xbf16, #tpu.memory_space<vmem>>, vector<256x768xbf16>,
    %get3A_395 = arith.constant 1024 : index
    %get3A_396 = arith.constant 0 : index
    %get3A_397 = vector.load %arg4[%get3A_395, %get3A_396] : memref<2048x16xf32, #tpu.memory_space<vmem>>, vector<256x16xf32>
    %slice3A_398 = vector.extract_strided_slice %get3A_397 {offsets = [0, 0], sizes = [256, 1], strides = [1, 1]} : vector<256x16xf32> to vector<256x1xf32>
    %slice3A_399 = vector.extract_strided_slice %get3A_397 {offsets = [0, 1], sizes = [256, 1], strides = [1, 1]} : vector<256x16xf32> to vector<256x1xf32>
    %slice3A_400 = vector.extract_strided_slice %get3A_397 {offsets = [0, 2], sizes = [256, 1], strides = [1, 1]} : vector<256x16xf32> to vector<256x1xf32>
    %slice3A_401 = vector.extract_strided_slice %get3A_397 {offsets = [0, 3], sizes = [256, 1], strides = [1, 1]} : vector<256x16xf32> to vector<256x1xf32>
    %sub3A_402 = arith.subf %slice3A_400, %slice3A_398 : vector<256x1xf32>
    %sub3A_403 = arith.subf %slice3A_401, %slice3A_399 : vector<256x1xf32>
    %mul3A_404 = arith.mulf %sub3A_402, %sub3A_403 : vector<256x1xf32>
    %get3A_405 = arith.constant 0 : index
    %get3A_406 = arith.constant 1024 : index
    %get3A_407 = vector.load %arg5[%get3A_405, %get3A_406] : memref<8x2048xf32, #tpu.memory_space<vmem>>, vector<1x1024xf32>
    %get3A_408 = arith.constant 1 : index
    %get3A_409 = arith.constant 1024 : index
    %get3A_410 = vector.load %arg5[%get3A_408, %get3A_409] : memref<8x2048xf32, #tpu.memory_space<vmem>>, vector<1x1024xf32>
    %get3A_411 = arith.constant 2 : index
    %get3A_412 = arith.constant 1024 : index
    %get3A_413 = vector.load %arg5[%get3A_411, %get3A_412] : memref<8x2048xf32, #tpu.memory_space<vmem>>, vector<1x1024xf32>
    %get3A_414 = arith.constant 3 : index
    %get3A_415 = arith.constant 1024 : index
    %get3A_416 = vector.load %arg5[%get3A_414, %get3A_415] : memref<8x2048xf32, #tpu.memory_space<vmem>>, vector<1x1024xf32>
    %sub3A_417 = arith.subf %get3A_413, %get3A_407 : vector<1x1024xf32>
    %sub3A_418 = arith.subf %get3A_416, %get3A_410 : vector<1x1024xf32>
    %mul3A_419 = arith.mulf %sub3A_417, %sub3A_418 : vector<1x1024xf32>
    %min3A_420 = vector.broadcast %slice3A_400 : vector<256x1xf32> to vector<256x1024xf32>
    %min3A_421 = vector.broadcast %get3A_413 : vector<1x1024xf32> to vector<256x1024xf32>
    %min3A_422 = arith.minimumf %min3A_420, %min3A_421 : vector<256x1024xf32>
    %max3A_423 = vector.broadcast %slice3A_398 : vector<256x1xf32> to vector<256x1024xf32>
    %max3A_424 = vector.broadcast %get3A_407 : vector<1x1024xf32> to vector<256x1024xf32>
    %max3A_425 = arith.maximumf %max3A_423, %max3A_424 : vector<256x1024xf32>
    %sub3A_426 = arith.subf %min3A_422, %max3A_425 : vector<256x1024xf32>
    %max3A_427 = arith.constant 0.000000e+00 : f32
    %max3A_428 = vector.broadcast %max3A_427 : f32 to vector<256x1024xf32>
    %max3A_429 = arith.maximumf %sub3A_426, %max3A_428 : vector<256x1024xf32>
    %min3A_430 = vector.broadcast %slice3A_401 : vector<256x1xf32> to vector<256x1024xf32>
    %min3A_431 = vector.broadcast %get3A_416 : vector<1x1024xf32> to vector<256x1024xf32>
    %min3A_432 = arith.minimumf %min3A_430, %min3A_431 : vector<256x1024xf32>
    %max3A_433 = vector.broadcast %slice3A_399 : vector<256x1xf32> to vector<256x1024xf32>
    %max3A_434 = vector.broadcast %get3A_410 : vector<1x1024xf32> to vector<256x1024xf32>
    %max3A_435 = arith.maximumf %max3A_433, %max3A_434 : vector<256x1024xf32>
    %sub3A_436 = arith.subf %min3A_432, %max3A_435 : vector<256x1024xf32>
    %max3A_437 = arith.constant 0.000000e+00 : f32
    %max3A_438 = vector.broadcast %max3A_437 : f32 to vector<256x1024xf32>
    %max3A_439 = arith.maximumf %sub3A_436, %max3A_438 : vector<256x1024xf32>
    %mul3A_440 = arith.mulf %max3A_429, %max3A_439 : vector<256x1024xf32>
    %add3A_441 = vector.broadcast %mul3A_404 : vector<256x1xf32> to vector<256x1024xf32>
    %add3A_442 = vector.broadcast %mul3A_419 : vector<1x1024xf32> to vector<256x1024xf32>
    %add3A_443 = arith.addf %add3A_441, %add3A_442 : vector<256x1024xf32>
    %sub3A_444 = arith.subf %add3A_443, %mul3A_440 : vector<256x1024xf32>
    %max3A_445 = arith.constant 9.99999971E-10 : f32
    %max3A_446 = vector.broadcast %max3A_445 : f32 to vector<256x1024xf32>
    %max3A_447 = arith.maximumf %sub3A_444, %max3A_446 : vector<256x1024xf32>
    %div3A_448 = arith.divf %mul3A_440, %max3A_447 : vector<256x1024xf32>
    %iota3A_449 = tpu.iota {dimensions = array<i32: 0>} : vector<256x1024xi32>
    %add3A_450 = arith.constant 1024 : i32
    %add3A_451 = vector.broadcast %add3A_450 : i32 to vector<256x1024xi32>
    %add3A_452 = arith.addi %iota3A_449, %add3A_451 : vector<256x1024xi32>
    %iota3A_453 = tpu.iota {dimensions = array<i32: 1>} : vector<256x1024xi32>
    %add3A_454 = arith.constant 1024 : i32
    %add3A_455 = vector.broadcast %add3A_454 : i32 to vector<256x1024xi32>
    %add3A_456 = arith.addi %iota3A_453, %add3A_455 : vector<256x1024xi32>
    %gt3A_457 = arith.constant 5.000000e-01 : f32
    %gt3A_458 = vector.broadcast %gt3A_457 : f32 to vector<256x1024xf32>
    %gt3A_459 = arith.cmpf ogt, %div3A_448, %gt3A_458 : vector<256x1024xf32>
    %lt3A_460 = arith.cmpi slt, %add3A_452, %add3A_456 : vector<256x1024xi32>
    %and3A_461 = arith.andi %gt3A_459, %lt3A_460 : vector<256x1024xi1>
    %jit3A_462 = arith.constant 1.000000e+00 : f32
    %jit3A_463 = arith.constant 0.000000e+00 : f32
    %broadcast_in_dim3A_464 = vector.broadcast %jit3A_462 : f32 to vector<256x1024xf32>
    %broadcast_in_dim3A_465 = vector.broadcast %jit3A_463 : f32 to vector<256x1024xf32>
    %select_n3A_466 = arith.select %and3A_461, %broadcast_in_dim3A_464, %broadcast_in_dim3A_465 : vector<256x1024xi1>, vector<256x1024xf32>
    %convert_element_type3A_467 = arith.truncf %select_n3A_466 : vector<256x1024xf32> to vector<256x1024xbf16>
    %swap3A_468 = arith.constant 1024 : index
    %swap3A_469 = arith.constant 1024 : index
    %swap3A_470 = vector.load %arg2[%swap3A_468, %swap3A_469] : memref<2048x2048xbf16, #tpu.memory_space<vmem>>, vector<256x1024xbf16>
    tpu.vector_store %arg2[%swap3A_468, %swap3A_469], %convert_element_type3A_467 {strides = array<i32>} : memref<2048x2048xbf16, #tpu.memory_space<vmem>>, vector<256x1024xbf16>,
    %le3A_471 = arith.cmpi sle, %add3A_452, %add3A_456 : vector<256x1024xi32>
    %jit3A_472 = arith.constant 1.000000e+00 : f32
    %jit3A_473 = arith.constant 0.000000e+00 : f32
    %broadcast_in_dim3A_474 = vector.broadcast %jit3A_472 : f32 to vector<256x1024xf32>
    %broadcast_in_dim3A_475 = vector.broadcast %jit3A_473 : f32 to vector<256x1024xf32>
    %select_n3A_476 = arith.select %le3A_471, %broadcast_in_dim3A_474, %broadcast_in_dim3A_475 : vector<256x1024xi1>, vector<256x1024xf32>
    %convert_element_type3A_477 = arith.truncf %select_n3A_476 : vector<256x1024xf32> to vector<256x1024xbf16>
    %swap3A_478 = arith.constant 1024 : index
    %swap3A_479 = arith.constant 1024 : index
    %swap3A_480 = vector.load %arg3[%swap3A_478, %swap3A_479] : memref<2048x2048xbf16, #tpu.memory_space<vmem>>, vector<256x1024xbf16>
    tpu.vector_store %arg3[%swap3A_478, %swap3A_479], %convert_element_type3A_477 {strides = array<i32>} : memref<2048x2048xbf16, #tpu.memory_space<vmem>>, vector<256x1024xbf16>,
    %broadcast_in_dim3A_481 = arith.constant 0.000000e+00 : bf16
    %broadcast_in_dim3A_482 = vector.broadcast %broadcast_in_dim3A_481 : bf16 to vector<256x1024xbf16>
    %swap3A_483 = arith.constant 1024 : index
    %swap3A_484 = arith.constant 0 : index
    %swap3A_485 = vector.load %arg2[%swap3A_483, %swap3A_484] : memref<2048x2048xbf16, #tpu.memory_space<vmem>>, vector<256x1024xbf16>
    tpu.vector_store %arg2[%swap3A_483, %swap3A_484], %broadcast_in_dim3A_482 {strides = array<i32>} : memref<2048x2048xbf16, #tpu.memory_space<vmem>>, vector<256x1024xbf16>,
    %swap3A_486 = arith.constant 1024 : index
    %swap3A_487 = arith.constant 0 : index
    %swap3A_488 = vector.load %arg3[%swap3A_486, %swap3A_487] : memref<2048x2048xbf16, #tpu.memory_space<vmem>>, vector<256x1024xbf16>
    tpu.vector_store %arg3[%swap3A_486, %swap3A_487], %broadcast_in_dim3A_482 {strides = array<i32>} : memref<2048x2048xbf16, #tpu.memory_space<vmem>>, vector<256x1024xbf16>,
    %get3A_489 = arith.constant 1280 : index
    %get3A_490 = arith.constant 0 : index
    %get3A_491 = vector.load %arg4[%get3A_489, %get3A_490] : memref<2048x16xf32, #tpu.memory_space<vmem>>, vector<256x16xf32>
    %slice3A_492 = vector.extract_strided_slice %get3A_491 {offsets = [0, 0], sizes = [256, 1], strides = [1, 1]} : vector<256x16xf32> to vector<256x1xf32>
    %slice3A_493 = vector.extract_strided_slice %get3A_491 {offsets = [0, 1], sizes = [256, 1], strides = [1, 1]} : vector<256x16xf32> to vector<256x1xf32>
    %slice3A_494 = vector.extract_strided_slice %get3A_491 {offsets = [0, 2], sizes = [256, 1], strides = [1, 1]} : vector<256x16xf32> to vector<256x1xf32>
    %slice3A_495 = vector.extract_strided_slice %get3A_491 {offsets = [0, 3], sizes = [256, 1], strides = [1, 1]} : vector<256x16xf32> to vector<256x1xf32>
    %sub3A_496 = arith.subf %slice3A_494, %slice3A_492 : vector<256x1xf32>
    %sub3A_497 = arith.subf %slice3A_495, %slice3A_493 : vector<256x1xf32>
    %mul3A_498 = arith.mulf %sub3A_496, %sub3A_497 : vector<256x1xf32>
    %get3A_499 = arith.constant 0 : index
    %get3A_500 = arith.constant 1280 : index
    %get3A_501 = vector.load %arg5[%get3A_499, %get3A_500] : memref<8x2048xf32, #tpu.memory_space<vmem>>, vector<1x768xf32>
    %get3A_502 = arith.constant 1 : index
    %get3A_503 = arith.constant 1280 : index
    %get3A_504 = vector.load %arg5[%get3A_502, %get3A_503] : memref<8x2048xf32, #tpu.memory_space<vmem>>, vector<1x768xf32>
    %get3A_505 = arith.constant 2 : index
    %get3A_506 = arith.constant 1280 : index
    %get3A_507 = vector.load %arg5[%get3A_505, %get3A_506] : memref<8x2048xf32, #tpu.memory_space<vmem>>, vector<1x768xf32>
    %get3A_508 = arith.constant 3 : index
    %get3A_509 = arith.constant 1280 : index
    %get3A_510 = vector.load %arg5[%get3A_508, %get3A_509] : memref<8x2048xf32, #tpu.memory_space<vmem>>, vector<1x768xf32>
    %sub3A_511 = arith.subf %get3A_507, %get3A_501 : vector<1x768xf32>
    %sub3A_512 = arith.subf %get3A_510, %get3A_504 : vector<1x768xf32>
    %mul3A_513 = arith.mulf %sub3A_511, %sub3A_512 : vector<1x768xf32>
    %min3A_514 = vector.broadcast %slice3A_494 : vector<256x1xf32> to vector<256x768xf32>
    %min3A_515 = vector.broadcast %get3A_507 : vector<1x768xf32> to vector<256x768xf32>
    %min3A_516 = arith.minimumf %min3A_514, %min3A_515 : vector<256x768xf32>
    %max3A_517 = vector.broadcast %slice3A_492 : vector<256x1xf32> to vector<256x768xf32>
    %max3A_518 = vector.broadcast %get3A_501 : vector<1x768xf32> to vector<256x768xf32>
    %max3A_519 = arith.maximumf %max3A_517, %max3A_518 : vector<256x768xf32>
    %sub3A_520 = arith.subf %min3A_516, %max3A_519 : vector<256x768xf32>
    %max3A_521 = arith.constant 0.000000e+00 : f32
    %max3A_522 = vector.broadcast %max3A_521 : f32 to vector<256x768xf32>
    %max3A_523 = arith.maximumf %sub3A_520, %max3A_522 : vector<256x768xf32>
    %min3A_524 = vector.broadcast %slice3A_495 : vector<256x1xf32> to vector<256x768xf32>
    %min3A_525 = vector.broadcast %get3A_510 : vector<1x768xf32> to vector<256x768xf32>
    %min3A_526 = arith.minimumf %min3A_524, %min3A_525 : vector<256x768xf32>
    %max3A_527 = vector.broadcast %slice3A_493 : vector<256x1xf32> to vector<256x768xf32>
    %max3A_528 = vector.broadcast %get3A_504 : vector<1x768xf32> to vector<256x768xf32>
    %max3A_529 = arith.maximumf %max3A_527, %max3A_528 : vector<256x768xf32>
    %sub3A_530 = arith.subf %min3A_526, %max3A_529 : vector<256x768xf32>
    %max3A_531 = arith.constant 0.000000e+00 : f32
    %max3A_532 = vector.broadcast %max3A_531 : f32 to vector<256x768xf32>
    %max3A_533 = arith.maximumf %sub3A_530, %max3A_532 : vector<256x768xf32>
    %mul3A_534 = arith.mulf %max3A_523, %max3A_533 : vector<256x768xf32>
    %add3A_535 = vector.broadcast %mul3A_498 : vector<256x1xf32> to vector<256x768xf32>
    %add3A_536 = vector.broadcast %mul3A_513 : vector<1x768xf32> to vector<256x768xf32>
    %add3A_537 = arith.addf %add3A_535, %add3A_536 : vector<256x768xf32>
    %sub3A_538 = arith.subf %add3A_537, %mul3A_534 : vector<256x768xf32>
    %max3A_539 = arith.constant 9.99999971E-10 : f32
    %max3A_540 = vector.broadcast %max3A_539 : f32 to vector<256x768xf32>
    %max3A_541 = arith.maximumf %sub3A_538, %max3A_540 : vector<256x768xf32>
    %div3A_542 = arith.divf %mul3A_534, %max3A_541 : vector<256x768xf32>
    %iota3A_543 = tpu.iota {dimensions = array<i32: 0>} : vector<256x768xi32>
    %add3A_544 = arith.constant 1280 : i32
    %add3A_545 = vector.broadcast %add3A_544 : i32 to vector<256x768xi32>
    %add3A_546 = arith.addi %iota3A_543, %add3A_545 : vector<256x768xi32>
    %iota3A_547 = tpu.iota {dimensions = array<i32: 1>} : vector<256x768xi32>
    %add3A_548 = arith.constant 1280 : i32
    %add3A_549 = vector.broadcast %add3A_548 : i32 to vector<256x768xi32>
    %add3A_550 = arith.addi %iota3A_547, %add3A_549 : vector<256x768xi32>
    %gt3A_551 = arith.constant 5.000000e-01 : f32
    %gt3A_552 = vector.broadcast %gt3A_551 : f32 to vector<256x768xf32>
    %gt3A_553 = arith.cmpf ogt, %div3A_542, %gt3A_552 : vector<256x768xf32>
    %lt3A_554 = arith.cmpi slt, %add3A_546, %add3A_550 : vector<256x768xi32>
    %and3A_555 = arith.andi %gt3A_553, %lt3A_554 : vector<256x768xi1>
    %jit3A_556 = arith.constant 1.000000e+00 : f32
    %jit3A_557 = arith.constant 0.000000e+00 : f32
    %broadcast_in_dim3A_558 = vector.broadcast %jit3A_556 : f32 to vector<256x768xf32>
    %broadcast_in_dim3A_559 = vector.broadcast %jit3A_557 : f32 to vector<256x768xf32>
    %select_n3A_560 = arith.select %and3A_555, %broadcast_in_dim3A_558, %broadcast_in_dim3A_559 : vector<256x768xi1>, vector<256x768xf32>
    %convert_element_type3A_561 = arith.truncf %select_n3A_560 : vector<256x768xf32> to vector<256x768xbf16>
    %swap3A_562 = arith.constant 1280 : index
    %swap3A_563 = arith.constant 1280 : index
    %swap3A_564 = vector.load %arg2[%swap3A_562, %swap3A_563] : memref<2048x2048xbf16, #tpu.memory_space<vmem>>, vector<256x768xbf16>
    tpu.vector_store %arg2[%swap3A_562, %swap3A_563], %convert_element_type3A_561 {strides = array<i32>} : memref<2048x2048xbf16, #tpu.memory_space<vmem>>, vector<256x768xbf16>,
    %le3A_565 = arith.cmpi sle, %add3A_546, %add3A_550 : vector<256x768xi32>
    %jit3A_566 = arith.constant 1.000000e+00 : f32
    %jit3A_567 = arith.constant 0.000000e+00 : f32
    %broadcast_in_dim3A_568 = vector.broadcast %jit3A_566 : f32 to vector<256x768xf32>
    %broadcast_in_dim3A_569 = vector.broadcast %jit3A_567 : f32 to vector<256x768xf32>
    %select_n3A_570 = arith.select %le3A_565, %broadcast_in_dim3A_568, %broadcast_in_dim3A_569 : vector<256x768xi1>, vector<256x768xf32>
    %convert_element_type3A_571 = arith.truncf %select_n3A_570 : vector<256x768xf32> to vector<256x768xbf16>
    %swap3A_572 = arith.constant 1280 : index
    %swap3A_573 = arith.constant 1280 : index
    %swap3A_574 = vector.load %arg3[%swap3A_572, %swap3A_573] : memref<2048x2048xbf16, #tpu.memory_space<vmem>>, vector<256x768xbf16>
    tpu.vector_store %arg3[%swap3A_572, %swap3A_573], %convert_element_type3A_571 {strides = array<i32>} : memref<2048x2048xbf16, #tpu.memory_space<vmem>>, vector<256x768xbf16>,
    %broadcast_in_dim3A_575 = arith.constant 0.000000e+00 : bf16
    %broadcast_in_dim3A_576 = vector.broadcast %broadcast_in_dim3A_575 : bf16 to vector<256x1280xbf16>
    %swap3A_577 = arith.constant 1280 : index
    %swap3A_578 = arith.constant 0 : index
    %swap3A_579 = vector.load %arg2[%swap3A_577, %swap3A_578] : memref<2048x2048xbf16, #tpu.memory_space<vmem>>, vector<256x1280xbf16>
    tpu.vector_store %arg2[%swap3A_577, %swap3A_578], %broadcast_in_dim3A_576 {strides = array<i32>} : memref<2048x2048xbf16, #tpu.memory_space<vmem>>, vector<256x1280xbf16>,
    %swap3A_580 = arith.constant 1280 : index
    %swap3A_581 = arith.constant 0 : index
    %swap3A_582 = vector.load %arg3[%swap3A_580, %swap3A_581] : memref<2048x2048xbf16, #tpu.memory_space<vmem>>, vector<256x1280xbf16>
    tpu.vector_store %arg3[%swap3A_580, %swap3A_581], %broadcast_in_dim3A_576 {strides = array<i32>} : memref<2048x2048xbf16, #tpu.memory_space<vmem>>, vector<256x1280xbf16>,
    %get3A_583 = arith.constant 1536 : index
    %get3A_584 = arith.constant 0 : index
    %get3A_585 = vector.load %arg4[%get3A_583, %get3A_584] : memref<2048x16xf32, #tpu.memory_space<vmem>>, vector<256x16xf32>
    %slice3A_586 = vector.extract_strided_slice %get3A_585 {offsets = [0, 0], sizes = [256, 1], strides = [1, 1]} : vector<256x16xf32> to vector<256x1xf32>
    %slice3A_587 = vector.extract_strided_slice %get3A_585 {offsets = [0, 1], sizes = [256, 1], strides = [1, 1]} : vector<256x16xf32> to vector<256x1xf32>
    %slice3A_588 = vector.extract_strided_slice %get3A_585 {offsets = [0, 2], sizes = [256, 1], strides = [1, 1]} : vector<256x16xf32> to vector<256x1xf32>
    %slice3A_589 = vector.extract_strided_slice %get3A_585 {offsets = [0, 3], sizes = [256, 1], strides = [1, 1]} : vector<256x16xf32> to vector<256x1xf32>
    %sub3A_590 = arith.subf %slice3A_588, %slice3A_586 : vector<256x1xf32>
    %sub3A_591 = arith.subf %slice3A_589, %slice3A_587 : vector<256x1xf32>
    %mul3A_592 = arith.mulf %sub3A_590, %sub3A_591 : vector<256x1xf32>
    %get3A_593 = arith.constant 0 : index
    %get3A_594 = arith.constant 1536 : index
    %get3A_595 = vector.load %arg5[%get3A_593, %get3A_594] : memref<8x2048xf32, #tpu.memory_space<vmem>>, vector<1x512xf32>
    %get3A_596 = arith.constant 1 : index
    %get3A_597 = arith.constant 1536 : index
    %get3A_598 = vector.load %arg5[%get3A_596, %get3A_597] : memref<8x2048xf32, #tpu.memory_space<vmem>>, vector<1x512xf32>
    %get3A_599 = arith.constant 2 : index
    %get3A_600 = arith.constant 1536 : index
    %get3A_601 = vector.load %arg5[%get3A_599, %get3A_600] : memref<8x2048xf32, #tpu.memory_space<vmem>>, vector<1x512xf32>
    %get3A_602 = arith.constant 3 : index
    %get3A_603 = arith.constant 1536 : index
    %get3A_604 = vector.load %arg5[%get3A_602, %get3A_603] : memref<8x2048xf32, #tpu.memory_space<vmem>>, vector<1x512xf32>
    %sub3A_605 = arith.subf %get3A_601, %get3A_595 : vector<1x512xf32>
    %sub3A_606 = arith.subf %get3A_604, %get3A_598 : vector<1x512xf32>
    %mul3A_607 = arith.mulf %sub3A_605, %sub3A_606 : vector<1x512xf32>
    %min3A_608 = vector.broadcast %slice3A_588 : vector<256x1xf32> to vector<256x512xf32>
    %min3A_609 = vector.broadcast %get3A_601 : vector<1x512xf32> to vector<256x512xf32>
    %min3A_610 = arith.minimumf %min3A_608, %min3A_609 : vector<256x512xf32>
    %max3A_611 = vector.broadcast %slice3A_586 : vector<256x1xf32> to vector<256x512xf32>
    %max3A_612 = vector.broadcast %get3A_595 : vector<1x512xf32> to vector<256x512xf32>
    %max3A_613 = arith.maximumf %max3A_611, %max3A_612 : vector<256x512xf32>
    %sub3A_614 = arith.subf %min3A_610, %max3A_613 : vector<256x512xf32>
    %max3A_615 = arith.constant 0.000000e+00 : f32
    %max3A_616 = vector.broadcast %max3A_615 : f32 to vector<256x512xf32>
    %max3A_617 = arith.maximumf %sub3A_614, %max3A_616 : vector<256x512xf32>
    %min3A_618 = vector.broadcast %slice3A_589 : vector<256x1xf32> to vector<256x512xf32>
    %min3A_619 = vector.broadcast %get3A_604 : vector<1x512xf32> to vector<256x512xf32>
    %min3A_620 = arith.minimumf %min3A_618, %min3A_619 : vector<256x512xf32>
    %max3A_621 = vector.broadcast %slice3A_587 : vector<256x1xf32> to vector<256x512xf32>
    %max3A_622 = vector.broadcast %get3A_598 : vector<1x512xf32> to vector<256x512xf32>
    %max3A_623 = arith.maximumf %max3A_621, %max3A_622 : vector<256x512xf32>
    %sub3A_624 = arith.subf %min3A_620, %max3A_623 : vector<256x512xf32>
    %max3A_625 = arith.constant 0.000000e+00 : f32
    %max3A_626 = vector.broadcast %max3A_625 : f32 to vector<256x512xf32>
    %max3A_627 = arith.maximumf %sub3A_624, %max3A_626 : vector<256x512xf32>
    %mul3A_628 = arith.mulf %max3A_617, %max3A_627 : vector<256x512xf32>
    %add3A_629 = vector.broadcast %mul3A_592 : vector<256x1xf32> to vector<256x512xf32>
    %add3A_630 = vector.broadcast %mul3A_607 : vector<1x512xf32> to vector<256x512xf32>
    %add3A_631 = arith.addf %add3A_629, %add3A_630 : vector<256x512xf32>
    %sub3A_632 = arith.subf %add3A_631, %mul3A_628 : vector<256x512xf32>
    %max3A_633 = arith.constant 9.99999971E-10 : f32
    %max3A_634 = vector.broadcast %max3A_633 : f32 to vector<256x512xf32>
    %max3A_635 = arith.maximumf %sub3A_632, %max3A_634 : vector<256x512xf32>
    %div3A_636 = arith.divf %mul3A_628, %max3A_635 : vector<256x512xf32>
    %iota3A_637 = tpu.iota {dimensions = array<i32: 0>} : vector<256x512xi32>
    %add3A_638 = arith.constant 1536 : i32
    %add3A_639 = vector.broadcast %add3A_638 : i32 to vector<256x512xi32>
    %add3A_640 = arith.addi %iota3A_637, %add3A_639 : vector<256x512xi32>
    %iota3A_641 = tpu.iota {dimensions = array<i32: 1>} : vector<256x512xi32>
    %add3A_642 = arith.constant 1536 : i32
    %add3A_643 = vector.broadcast %add3A_642 : i32 to vector<256x512xi32>
    %add3A_644 = arith.addi %iota3A_641, %add3A_643 : vector<256x512xi32>
    %gt3A_645 = arith.constant 5.000000e-01 : f32
    %gt3A_646 = vector.broadcast %gt3A_645 : f32 to vector<256x512xf32>
    %gt3A_647 = arith.cmpf ogt, %div3A_636, %gt3A_646 : vector<256x512xf32>
    %lt3A_648 = arith.cmpi slt, %add3A_640, %add3A_644 : vector<256x512xi32>
    %and3A_649 = arith.andi %gt3A_647, %lt3A_648 : vector<256x512xi1>
    %jit3A_650 = arith.constant 1.000000e+00 : f32
    %jit3A_651 = arith.constant 0.000000e+00 : f32
    %broadcast_in_dim3A_652 = vector.broadcast %jit3A_650 : f32 to vector<256x512xf32>
    %broadcast_in_dim3A_653 = vector.broadcast %jit3A_651 : f32 to vector<256x512xf32>
    %select_n3A_654 = arith.select %and3A_649, %broadcast_in_dim3A_652, %broadcast_in_dim3A_653 : vector<256x512xi1>, vector<256x512xf32>
    %convert_element_type3A_655 = arith.truncf %select_n3A_654 : vector<256x512xf32> to vector<256x512xbf16>
    %swap3A_656 = arith.constant 1536 : index
    %swap3A_657 = arith.constant 1536 : index
    %swap3A_658 = vector.load %arg2[%swap3A_656, %swap3A_657] : memref<2048x2048xbf16, #tpu.memory_space<vmem>>, vector<256x512xbf16>
    tpu.vector_store %arg2[%swap3A_656, %swap3A_657], %convert_element_type3A_655 {strides = array<i32>} : memref<2048x2048xbf16, #tpu.memory_space<vmem>>, vector<256x512xbf16>,
    %le3A_659 = arith.cmpi sle, %add3A_640, %add3A_644 : vector<256x512xi32>
    %jit3A_660 = arith.constant 1.000000e+00 : f32
    %jit3A_661 = arith.constant 0.000000e+00 : f32
    %broadcast_in_dim3A_662 = vector.broadcast %jit3A_660 : f32 to vector<256x512xf32>
    %broadcast_in_dim3A_663 = vector.broadcast %jit3A_661 : f32 to vector<256x512xf32>
    %select_n3A_664 = arith.select %le3A_659, %broadcast_in_dim3A_662, %broadcast_in_dim3A_663 : vector<256x512xi1>, vector<256x512xf32>
    %convert_element_type3A_665 = arith.truncf %select_n3A_664 : vector<256x512xf32> to vector<256x512xbf16>
    %swap3A_666 = arith.constant 1536 : index
    %swap3A_667 = arith.constant 1536 : index
    %swap3A_668 = vector.load %arg3[%swap3A_666, %swap3A_667] : memref<2048x2048xbf16, #tpu.memory_space<vmem>>, vector<256x512xbf16>
    tpu.vector_store %arg3[%swap3A_666, %swap3A_667], %convert_element_type3A_665 {strides = array<i32>} : memref<2048x2048xbf16, #tpu.memory_space<vmem>>, vector<256x512xbf16>,
    %broadcast_in_dim3A_669 = arith.constant 0.000000e+00 : bf16
    %broadcast_in_dim3A_670 = vector.broadcast %broadcast_in_dim3A_669 : bf16 to vector<256x1536xbf16>
    %swap3A_671 = arith.constant 1536 : index
    %swap3A_672 = arith.constant 0 : index
    %swap3A_673 = vector.load %arg2[%swap3A_671, %swap3A_672] : memref<2048x2048xbf16, #tpu.memory_space<vmem>>, vector<256x1536xbf16>
    tpu.vector_store %arg2[%swap3A_671, %swap3A_672], %broadcast_in_dim3A_670 {strides = array<i32>} : memref<2048x2048xbf16, #tpu.memory_space<vmem>>, vector<256x1536xbf16>,
    %swap3A_674 = arith.constant 1536 : index
    %swap3A_675 = arith.constant 0 : index
    %swap3A_676 = vector.load %arg3[%swap3A_674, %swap3A_675] : memref<2048x2048xbf16, #tpu.memory_space<vmem>>, vector<256x1536xbf16>
    tpu.vector_store %arg3[%swap3A_674, %swap3A_675], %broadcast_in_dim3A_670 {strides = array<i32>} : memref<2048x2048xbf16, #tpu.memory_space<vmem>>, vector<256x1536xbf16>,
    %get3A_677 = arith.constant 1792 : index
    %get3A_678 = arith.constant 0 : index
    %get3A_679 = vector.load %arg4[%get3A_677, %get3A_678] : memref<2048x16xf32, #tpu.memory_space<vmem>>, vector<256x16xf32>
    %slice3A_680 = vector.extract_strided_slice %get3A_679 {offsets = [0, 0], sizes = [256, 1], strides = [1, 1]} : vector<256x16xf32> to vector<256x1xf32>
    %slice3A_681 = vector.extract_strided_slice %get3A_679 {offsets = [0, 1], sizes = [256, 1], strides = [1, 1]} : vector<256x16xf32> to vector<256x1xf32>
    %slice3A_682 = vector.extract_strided_slice %get3A_679 {offsets = [0, 2], sizes = [256, 1], strides = [1, 1]} : vector<256x16xf32> to vector<256x1xf32>
    %slice3A_683 = vector.extract_strided_slice %get3A_679 {offsets = [0, 3], sizes = [256, 1], strides = [1, 1]} : vector<256x16xf32> to vector<256x1xf32>
    %sub3A_684 = arith.subf %slice3A_682, %slice3A_680 : vector<256x1xf32>
    %sub3A_685 = arith.subf %slice3A_683, %slice3A_681 : vector<256x1xf32>
    %mul3A_686 = arith.mulf %sub3A_684, %sub3A_685 : vector<256x1xf32>
    %get3A_687 = arith.constant 0 : index
    %get3A_688 = arith.constant 1792 : index
    %get3A_689 = vector.load %arg5[%get3A_687, %get3A_688] : memref<8x2048xf32, #tpu.memory_space<vmem>>, vector<1x256xf32>
    %get3A_690 = arith.constant 1 : index
    %get3A_691 = arith.constant 1792 : index
    %get3A_692 = vector.load %arg5[%get3A_690, %get3A_691] : memref<8x2048xf32, #tpu.memory_space<vmem>>, vector<1x256xf32>
    %get3A_693 = arith.constant 2 : index
    %get3A_694 = arith.constant 1792 : index
    %get3A_695 = vector.load %arg5[%get3A_693, %get3A_694] : memref<8x2048xf32, #tpu.memory_space<vmem>>, vector<1x256xf32>
    %get3A_696 = arith.constant 3 : index
    %get3A_697 = arith.constant 1792 : index
    %get3A_698 = vector.load %arg5[%get3A_696, %get3A_697] : memref<8x2048xf32, #tpu.memory_space<vmem>>, vector<1x256xf32>
    %sub3A_699 = arith.subf %get3A_695, %get3A_689 : vector<1x256xf32>
    %sub3A_700 = arith.subf %get3A_698, %get3A_692 : vector<1x256xf32>
    %mul3A_701 = arith.mulf %sub3A_699, %sub3A_700 : vector<1x256xf32>
    %min3A_702 = vector.broadcast %slice3A_682 : vector<256x1xf32> to vector<256x256xf32>
    %min3A_703 = vector.broadcast %get3A_695 : vector<1x256xf32> to vector<256x256xf32>
    %min3A_704 = arith.minimumf %min3A_702, %min3A_703 : vector<256x256xf32>
    %max3A_705 = vector.broadcast %slice3A_680 : vector<256x1xf32> to vector<256x256xf32>
    %max3A_706 = vector.broadcast %get3A_689 : vector<1x256xf32> to vector<256x256xf32>
    %max3A_707 = arith.maximumf %max3A_705, %max3A_706 : vector<256x256xf32>
    %sub3A_708 = arith.subf %min3A_704, %max3A_707 : vector<256x256xf32>
    %max3A_709 = arith.constant 0.000000e+00 : f32
    %max3A_710 = vector.broadcast %max3A_709 : f32 to vector<256x256xf32>
    %max3A_711 = arith.maximumf %sub3A_708, %max3A_710 : vector<256x256xf32>
    %min3A_712 = vector.broadcast %slice3A_683 : vector<256x1xf32> to vector<256x256xf32>
    %min3A_713 = vector.broadcast %get3A_698 : vector<1x256xf32> to vector<256x256xf32>
    %min3A_714 = arith.minimumf %min3A_712, %min3A_713 : vector<256x256xf32>
    %max3A_715 = vector.broadcast %slice3A_681 : vector<256x1xf32> to vector<256x256xf32>
    %max3A_716 = vector.broadcast %get3A_692 : vector<1x256xf32> to vector<256x256xf32>
    %max3A_717 = arith.maximumf %max3A_715, %max3A_716 : vector<256x256xf32>
    %sub3A_718 = arith.subf %min3A_714, %max3A_717 : vector<256x256xf32>
    %max3A_719 = arith.constant 0.000000e+00 : f32
    %max3A_720 = vector.broadcast %max3A_719 : f32 to vector<256x256xf32>
    %max3A_721 = arith.maximumf %sub3A_718, %max3A_720 : vector<256x256xf32>
    %mul3A_722 = arith.mulf %max3A_711, %max3A_721 : vector<256x256xf32>
    %add3A_723 = vector.broadcast %mul3A_686 : vector<256x1xf32> to vector<256x256xf32>
    %add3A_724 = vector.broadcast %mul3A_701 : vector<1x256xf32> to vector<256x256xf32>
    %add3A_725 = arith.addf %add3A_723, %add3A_724 : vector<256x256xf32>
    %sub3A_726 = arith.subf %add3A_725, %mul3A_722 : vector<256x256xf32>
    %max3A_727 = arith.constant 9.99999971E-10 : f32
    %max3A_728 = vector.broadcast %max3A_727 : f32 to vector<256x256xf32>
    %max3A_729 = arith.maximumf %sub3A_726, %max3A_728 : vector<256x256xf32>
    %div3A_730 = arith.divf %mul3A_722, %max3A_729 : vector<256x256xf32>
    %iota3A_731 = tpu.iota {dimensions = array<i32: 0>} : vector<256x256xi32>
    %add3A_732 = arith.constant 1792 : i32
    %add3A_733 = vector.broadcast %add3A_732 : i32 to vector<256x256xi32>
    %add3A_734 = arith.addi %iota3A_731, %add3A_733 : vector<256x256xi32>
    %iota3A_735 = tpu.iota {dimensions = array<i32: 1>} : vector<256x256xi32>
    %add3A_736 = arith.constant 1792 : i32
    %add3A_737 = vector.broadcast %add3A_736 : i32 to vector<256x256xi32>
    %add3A_738 = arith.addi %iota3A_735, %add3A_737 : vector<256x256xi32>
    %gt3A_739 = arith.constant 5.000000e-01 : f32
    %gt3A_740 = vector.broadcast %gt3A_739 : f32 to vector<256x256xf32>
    %gt3A_741 = arith.cmpf ogt, %div3A_730, %gt3A_740 : vector<256x256xf32>
    %lt3A_742 = arith.cmpi slt, %add3A_734, %add3A_738 : vector<256x256xi32>
    %and3A_743 = arith.andi %gt3A_741, %lt3A_742 : vector<256x256xi1>
    %jit3A_744 = arith.constant 1.000000e+00 : f32
    %jit3A_745 = arith.constant 0.000000e+00 : f32
    %broadcast_in_dim3A_746 = vector.broadcast %jit3A_744 : f32 to vector<256x256xf32>
    %broadcast_in_dim3A_747 = vector.broadcast %jit3A_745 : f32 to vector<256x256xf32>
    %select_n3A_748 = arith.select %and3A_743, %broadcast_in_dim3A_746, %broadcast_in_dim3A_747 : vector<256x256xi1>, vector<256x256xf32>
    %convert_element_type3A_749 = arith.truncf %select_n3A_748 : vector<256x256xf32> to vector<256x256xbf16>
    %swap3A_750 = arith.constant 1792 : index
    %swap3A_751 = arith.constant 1792 : index
    %swap3A_752 = vector.load %arg2[%swap3A_750, %swap3A_751] : memref<2048x2048xbf16, #tpu.memory_space<vmem>>, vector<256x256xbf16>
    tpu.vector_store %arg2[%swap3A_750, %swap3A_751], %convert_element_type3A_749 {strides = array<i32>} : memref<2048x2048xbf16, #tpu.memory_space<vmem>>, vector<256x256xbf16>,
    %le3A_753 = arith.cmpi sle, %add3A_734, %add3A_738 : vector<256x256xi32>
    %jit3A_754 = arith.constant 1.000000e+00 : f32
    %jit3A_755 = arith.constant 0.000000e+00 : f32
    %broadcast_in_dim3A_756 = vector.broadcast %jit3A_754 : f32 to vector<256x256xf32>
    %broadcast_in_dim3A_757 = vector.broadcast %jit3A_755 : f32 to vector<256x256xf32>
    %select_n3A_758 = arith.select %le3A_753, %broadcast_in_dim3A_756, %broadcast_in_dim3A_757 : vector<256x256xi1>, vector<256x256xf32>
    %convert_element_type3A_759 = arith.truncf %select_n3A_758 : vector<256x256xf32> to vector<256x256xbf16>
    %swap3A_760 = arith.constant 1792 : index
    %swap3A_761 = arith.constant 1792 : index
    %swap3A_762 = vector.load %arg3[%swap3A_760, %swap3A_761] : memref<2048x2048xbf16, #tpu.memory_space<vmem>>, vector<256x256xbf16>
    tpu.vector_store %arg3[%swap3A_760, %swap3A_761], %convert_element_type3A_759 {strides = array<i32>} : memref<2048x2048xbf16, #tpu.memory_space<vmem>>, vector<256x256xbf16>,
    %broadcast_in_dim3A_763 = arith.constant 0.000000e+00 : bf16
    %broadcast_in_dim3A_764 = vector.broadcast %broadcast_in_dim3A_763 : bf16 to vector<256x1792xbf16>
    %swap3A_765 = arith.constant 1792 : index
    %swap3A_766 = arith.constant 0 : index
    %swap3A_767 = vector.load %arg2[%swap3A_765, %swap3A_766] : memref<2048x2048xbf16, #tpu.memory_space<vmem>>, vector<256x1792xbf16>
    tpu.vector_store %arg2[%swap3A_765, %swap3A_766], %broadcast_in_dim3A_764 {strides = array<i32>} : memref<2048x2048xbf16, #tpu.memory_space<vmem>>, vector<256x1792xbf16>,
    %swap3A_768 = arith.constant 1792 : index
    %swap3A_769 = arith.constant 0 : index
    %swap3A_770 = vector.load %arg3[%swap3A_768, %swap3A_769] : memref<2048x2048xbf16, #tpu.memory_space<vmem>>, vector<256x1792xbf16>
    tpu.vector_store %arg3[%swap3A_768, %swap3A_769], %broadcast_in_dim3A_764 {strides = array<i32>} : memref<2048x2048xbf16, #tpu.memory_space<vmem>>, vector<256x1792xbf16>,
    %get3A_771 = arith.constant 0 : index
    %get3A_772 = arith.constant 0 : index
    %get3A_773 = vector.load %arg2[%get3A_771, %get3A_772] : memref<2048x2048xbf16, #tpu.memory_space<vmem>>, vector<2048x2048xbf16>
    %broadcast_in_dim3A_774 = arith.constant 1.000000e+00 : f32
    %broadcast_in_dim3A_775 = vector.broadcast %broadcast_in_dim3A_774 : f32 to vector<8x2048xf32>
    %while3A = arith.constant true
    %while3A_776:2 = scf.while (%while3A_834 = %broadcast_in_dim3A_775, %while3A_835 = %while3A) : (vector<8x2048xf32>, i1) -> (vector<8x2048xf32>, i1) {
      scf.condition(%while3A_835) %while3A_834, %while3A_835 : vector<8x2048xf32>, i1
    } do {
    ^bb0(%while3A_834: vector<8x2048xf32>, %while3A_835: i1):
      %convert_element_type3A_836 = arith.truncf %while3A_834 : vector<8x2048xf32> to vector<8x2048xbf16>
      %dot_general3A_837 = arith.constant dense<0.000000e+00> : vector<8x2048xf32>
      %dot_general3A_838 = tpu.matmul %convert_element_type3A_836, %get3A_773, %dot_general3A_837 {dimension_numbers = #tpu.dot_dimension_numbers<[1], [0], [0], [1], [0, 0, 1, 1], [], []>, transpose_lhs_hint = false} : vector<8x2048xbf16>, vector<2048x2048xbf16>, vector<8x2048xf32> -> vector<8x2048xf32>
      %eq3A_839 = arith.constant 0.000000e+00 : f32
      %eq3A_840 = vector.broadcast %eq3A_839 : f32 to vector<8x2048xf32>
      %eq3A_841 = arith.cmpf oeq, %dot_general3A_838, %eq3A_840 : vector<8x2048xf32>
      %jit3A_842 = arith.constant 1.000000e+00 : f32
      %jit3A_843 = arith.constant 0.000000e+00 : f32
      %broadcast_in_dim3A_844 = vector.broadcast %jit3A_842 : f32 to vector<8x2048xf32>
      %broadcast_in_dim3A_845 = vector.broadcast %jit3A_843 : f32 to vector<8x2048xf32>
      %select_n3A_846 = arith.select %eq3A_841, %broadcast_in_dim3A_844, %broadcast_in_dim3A_845 : vector<8x2048xi1>, vector<8x2048xf32>
      %sub3A_847 = arith.subf %select_n3A_846, %while3A_834 : vector<8x2048xf32>
      %abs3A = math.absf %sub3A_847 : vector<8x2048xf32>
      %reduce_sum3A_848 = vector.shape_cast %abs3A : vector<8x2048xf32> to vector<1x8x2048xf32>
      %reduce_sum3A_849 = arith.constant dense<0.000000e+00> : vector<1xf32>
      %reduce_sum3A_850 = vector.multi_reduction <add>, %reduce_sum3A_848, %reduce_sum3A_849 [1, 2] : vector<1x8x2048xf32> to vector<1xf32>
      %reduce_sum3A_851 = vector.shape_cast %reduce_sum3A_850 : vector<1xf32> to vector<1x1x1xf32>
      %reduce_sum3A_852 = vector.extract %reduce_sum3A_851[0, 0, 0] : f32 from vector<1x1x1xf32>
      %gt3A_853 = arith.constant 0.000000e+00 : f32
      %gt3A_854 = arith.cmpf ogt, %reduce_sum3A_852, %gt3A_853 : f32
      scf.yield %select_n3A_846, %gt3A_854 : vector<8x2048xf32>, i1
    }
    %get3A_777 = arith.constant 0 : index
    %get3A_778 = arith.constant 0 : index
    %get3A_779 = vector.load %arg3[%get3A_777, %get3A_778] : memref<2048x2048xbf16, #tpu.memory_space<vmem>>, vector<2048x2048xbf16>
    %convert_element_type3A_780 = arith.truncf %while3A_776#0 : vector<8x2048xf32> to vector<8x2048xbf16>
    %dot_general3A_781 = arith.constant dense<0.000000e+00> : vector<8x2048xf32>
    %dot_general3A_782 = tpu.matmul %convert_element_type3A_780, %get3A_779, %dot_general3A_781 {dimension_numbers = #tpu.dot_dimension_numbers<[1], [0], [0], [1], [0, 0, 1, 1], [], []>, transpose_lhs_hint = false} : vector<8x2048xbf16>, vector<2048x2048xbf16>, vector<8x2048xf32> -> vector<8x2048xf32>
    %sub3A_783 = arith.constant 1.000000e+00 : f32
    %sub3A_784 = vector.broadcast %sub3A_783 : f32 to vector<8x2048xf32>
    %sub3A_785 = arith.subf %sub3A_784, %while3A_776#0 : vector<8x2048xf32>
    %convert_element_type3A_786 = arith.truncf %sub3A_785 : vector<8x2048xf32> to vector<8x2048xbf16>
    %dot_general3A_787 = arith.constant dense<0.000000e+00> : vector<8x2048xf32>
    %dot_general3A_788 = tpu.matmul %convert_element_type3A_786, %get3A_779, %dot_general3A_787 {dimension_numbers = #tpu.dot_dimension_numbers<[1], [0], [0], [1], [0, 0, 1, 1], [], []>, transpose_lhs_hint = false} : vector<8x2048xbf16>, vector<2048x2048xbf16>, vector<8x2048xf32> -> vector<8x2048xf32>
    %slice3A_789 = vector.extract_strided_slice %while3A_776#0 {offsets = [0, 0], sizes = [1, 2048], strides = [1, 1]} : vector<8x2048xf32> to vector<1x2048xf32>
    %reduce_sum3A = vector.shape_cast %slice3A_789 : vector<1x2048xf32> to vector<1x1x2048xf32>
    %reduce_sum3A_790 = arith.constant dense<0.000000e+00> : vector<1xf32>
    %reduce_sum3A_791 = vector.multi_reduction <add>, %reduce_sum3A, %reduce_sum3A_790 [1, 2] : vector<1x1x2048xf32> to vector<1xf32>
    %reduce_sum3A_792 = vector.shape_cast %reduce_sum3A_791 : vector<1xf32> to vector<1x1x1xf32>
    %reduce_sum3A_793 = vector.extract %reduce_sum3A_792[0, 0, 0] : f32 from vector<1x1x1xf32>
    %sub3A_794 = arith.subf %dot_general3A_782, %while3A_776#0 : vector<8x2048xf32>
    %sub3A_795 = arith.constant 1.000000e+00 : f32
    %sub3A_796 = vector.broadcast %sub3A_795 : f32 to vector<8x2048xf32>
    %sub3A_797 = arith.subf %sub3A_796, %while3A_776#0 : vector<8x2048xf32>
    %sub3A_798 = arith.subf %dot_general3A_788, %sub3A_797 : vector<8x2048xf32>
    %add3A_799 = vector.broadcast %reduce_sum3A_793 : f32 to vector<8x2048xf32>
    %add3A_800 = arith.addf %add3A_799, %sub3A_798 : vector<8x2048xf32>
    %gt3A_801 = arith.constant 5.000000e-01 : f32
    %gt3A_802 = vector.broadcast %gt3A_801 : f32 to vector<8x2048xf32>
    %gt3A_803 = arith.cmpf ogt, %while3A_776#0, %gt3A_802 : vector<8x2048xf32>
    %select_n3A_804 = arith.select %gt3A_803, %sub3A_794, %add3A_800 : vector<8x2048xi1>, vector<8x2048xf32>
    %slice3A_805 = vector.extract_strided_slice %select_n3A_804 {offsets = [0, 0], sizes = [1, 2048], strides = [1, 1]} : vector<8x2048xf32> to vector<1x2048xf32>
    %convert_element_type3A_806 = arith.fptosi %slice3A_805 : vector<1x2048xf32> to vector<1x2048xi32>
    %iota3A_807 = tpu.iota {dimensions = array<i32: 0>} : vector<128x2048xi32>
    %broadcast_in_dim3A_808 = vector.shape_cast %convert_element_type3A_806 : vector<1x2048xi32> to vector<1x2048xi32>
    %broadcast_in_dim3A_809 = vector.broadcast %broadcast_in_dim3A_808 : vector<1x2048xi32> to vector<128x2048xi32>
    %eq3A = arith.cmpi eq, %iota3A_807, %broadcast_in_dim3A_809 : vector<128x2048xi32>
    %jit3A_810 = arith.constant 1.000000e+00 : f32
    %jit3A_811 = arith.constant 0.000000e+00 : f32
    %broadcast_in_dim3A_812 = vector.broadcast %jit3A_810 : f32 to vector<128x2048xf32>
    %broadcast_in_dim3A_813 = vector.broadcast %jit3A_811 : f32 to vector<128x2048xf32>
    %select_n3A_814 = arith.select %eq3A, %broadcast_in_dim3A_812, %broadcast_in_dim3A_813 : vector<128x2048xi1>, vector<128x2048xf32>
    %get3A_815 = arith.constant 0 : index
    %get3A_816 = arith.constant 0 : index
    %get3A_817 = vector.load %arg4[%get3A_815, %get3A_816] : memref<2048x16xf32, #tpu.memory_space<vmem>>, vector<2048x16xf32>
    %dot_general3A_818 = arith.constant dense<0.000000e+00> : vector<128x16xf32>
    %dot_general3A_819 = tpu.matmul %select_n3A_814, %get3A_817, %dot_general3A_818 {dimension_numbers = #tpu.dot_dimension_numbers<[1], [0], [0], [1], [0, 0, 1, 1], [], []>, precision = #tpu.contract_precision<fp32>, transpose_lhs_hint = false} : vector<128x2048xf32>, vector<2048x16xf32>, vector<128x16xf32> -> vector<128x16xf32>
    %convert_element_type3A_820 = arith.fptosi %reduce_sum3A_793 : f32 to i32
    %iota3A_821 = tpu.iota {dimensions = array<i32: 0>} : vector<128x16xi32>
    %iota3A_822 = tpu.iota {dimensions = array<i32: 1>} : vector<128x16xi32>
    %ge3A = vector.broadcast %convert_element_type3A_820 : i32 to vector<128x16xi32>
    %ge3A_823 = arith.cmpi sge, %iota3A_821, %ge3A : vector<128x16xi32>
    %eq3A_824 = arith.constant 4 : i32
    %eq3A_825 = vector.broadcast %eq3A_824 : i32 to vector<128x16xi32>
    %eq3A_826 = arith.cmpi eq, %iota3A_822, %eq3A_825 : vector<128x16xi32>
    %and3A_827 = arith.andi %ge3A_823, %eq3A_826 : vector<128x16xi1>
    %jit3A_828 = arith.constant 0xFF800000 : f32
    %broadcast_in_dim3A_829 = vector.broadcast %jit3A_828 : f32 to vector<128x16xf32>
    %select_n3A_830 = arith.select %and3A_827, %broadcast_in_dim3A_829, %dot_general3A_819 : vector<128x16xi1>, vector<128x16xf32>
    %swap3A_831 = arith.constant 0 : index
    %swap3A_832 = arith.constant 0 : index
    %swap3A_833 = vector.load %arg1[%swap3A_831, %swap3A_832] : memref<128x16xf32, #tpu.memory_space<vmem>>, vector<128x16xf32>
    tpu.vector_store %arg1[%swap3A_831, %swap3A_832], %select_n3A_830 {strides = array<i32>} : memref<128x16xf32, #tpu.memory_space<vmem>>, vector<128x16xf32>,
    return
  }
}

</mosaic_0001>

<sc_bundles>
// kernel: kernel.5.cloned.1.call-start
scs
__scs_entry_jumppad:
0x0: {  	(pc) =	sbr.rel $0x88, $3  }
0x1: {  	(tag) =	ssettag $0x0;
	lr =	simm.s32 $0x1  }
0x2: {  	[smem:$0x3F9F] =	sst lr;
	_ =	strace $0xD0000000  }
0x3: {  	_ = 	snop  }
0x4: {  	_ = 	snop  }
0x5: {  	_ = 	snop  }
0x6: {  	_ = 	snop  }
0x7: {  	_ = 	snop  }
__scs_overlays_trampoline_lowered:
0x8: {  	[smem:$0x3FAE] =	sst s0  }
0x9: {  	[smem:$0x3FAF] =	sst s1  }
0xa: {  	[smem:$0x3FB0] =	sst s2  }
0xb: {  	[smem:$0x3FB1] =	sst s3  }
0xc: {  	[smem:$0x3FB2] =	sst s4  }
0xd: {  	[smem:$0x3FB3] =	sst s5  }
0xe: {  	[smem:$0x3FB4] =	sst s6  }
0xf: {  	[smem:$0x3FB5] =	sst s7  }
0x10: {  	[smem:$0x3FB6] =	sst s8  }
0x11: {  	[smem:$0x3FB7] =	sst s9;
	s0 =	simm.s32 @!p0 $0x0  }
0x12: {  	s1 =	sld [smem:$0x3F9D];
	s0 =	simm.s32 @p0 $0x1  }
0x13: {  	[smem:$0x3FB8] =	sst s0;
	s0 =	simm.s32 @!p1 $0x0  }
0x14: {  	s2 =	sld [smem:$0x3F9C];
	s0 =	simm.s32 @p1 $0x1  }
0x15: {  	[smem:$0x3FB9] =	sst s0;
	s0 =	simm.s32 @!p2 $0x0  }
0x16: {  	s3 =	sld [smem:$0x3FDB];
	s0 =	simm.s32 @p2 $0x1  }
0x17: {  	s4 =	simm.s32 $0x1BF5;
	[smem:$0x3FBB] =	sst s0  }
0x18: {  	s0 =	sld [smem:$0x3F9E];
	_ =	swait.ge [sflag:s4], $0x0  }
0x19: {  	s7 =	sld [smem:$0x3F9F]  }
0x1a: {  	s8 =	sadd.s32 $0xFFFFE003, lr  }
0x1b: {  	s9 =	sadd.s32 $0xFFFFFEF7, lr;
	s5 =	simm.s32 $0xFFFFFFFF;
	p2 =	slt.u32 s8, $0xFFFFF086  }
0x1c: {  	p1 =	slt.u32 s9, $0xF7A;
	s5 =	simm.s32 @!p2 $0x0  }
0x1d: {  	s5 =	simm.s32 @p1 $0x1;
	p0 =	seq.s32 s7, s2  }
0x1e: {  	s7 =	smul.u32 @!p0 $0xF7A, s2;
	p2 =	seq.s32 @!p0 s5, $0x0  }
0x1f: {  	s9 =	smul.u32 $0xF7A, s1;
	s8 =	simm.s32 @!p0 $0x1BF5;
	p2 =	por !p2, p0  }
0x20: {  	[sflag:s8] =	ssyncset.s32 @!p0 $0xFFFFF086;
	s6 =	sadd.s32 @!p0 s3, s7;
	s7 =	simm.s32 @!p0 $0x108  }
0x21: {  	s3 =	sadd.s32 s3, s9;
	s6 =	sadd.s32 @!p0 $0x88, s6;
	s7 =	simm.s32 @p2 $0x1082  }
0x22: {  	[simem:s7], [sflag:s8] =	dma.local @!p0 [hbm:s6], $0xF7A  }
0x23: {  	s9 =	sor.u32 $0xD0000000, s2;
	s6 =	simm.s32 $0x108;
	_ =	swait.ge @!p0 [sflag:s8], $0x0  }
0x24: {  	s3 =	sadd.s32 $0x88, s3;
	s6 =	simm.s32 @!p1 $0x1082;
	[sflag:s4] =	ssyncset.s32 $0xFFFFF086  }
0x25: {  	[simem:s6], [sflag:s4] =	dma.local [hbm:s3], $0xF7A  }
0x26: {  	[smem:$0x3F9F] =	sst s1;
	(tag) =	ssettag s2;
	_ =	strace s9  }
0x27: {  	s1 =	sld [smem:$0x3FAF]  }
0x28: {  	s2 =	sld [smem:$0x3FB0]  }
0x29: {  	s4 =	sld [smem:$0x3FB2]  }
0x2a: {  	p0 =	seq.s32 s5, $0x0;
	s5 =	sld [smem:$0x3FB3]  }
0x2b: {  	s6 =	sld [smem:$0x3FB4]  }
0x2c: {  	s7 =	sld [smem:$0x3FB5]  }
0x2d: {  	s3 =	simm.s32 $0x108;
	s8 =	sld [smem:$0x3FB6]  }
0x2e: {  	s3 =	simm.s32 @!p0 $0x1082;
	s9 =	sld [smem:$0x3FB7]  }
0x2f: {  	lr =	sadd.s32 s0, s3;
	s0 =	sld [smem:$0x3FAE]  }
0x30: {  	s3 =	sld [smem:$0x3FB1]  }
0x31: {  	[smem:$0x3FBA] =	sst s10  }
0x32: {  	s10 =	sld [smem:$0x3FB8];
	_ =	sdelay $0x3  }
0x33: {  	p0 =	seq.s32 s10, $0x1;
	s10 =	sld [smem:$0x3FBA];
	_ =	sdelay $0x3  }
0x34: {  	[smem:$0x3FBA] =	sst s10  }
0x35: {  	s10 =	sld [smem:$0x3FB9];
	_ =	sdelay $0x3  }
0x36: {  	p1 =	seq.s32 s10, $0x1;
	s10 =	sld [smem:$0x3FBA];
	_ =	sdelay $0x3  }
0x37: {  	[smem:$0x3FBA] =	sst s10  }
0x38: {  	s10 =	sld [smem:$0x3FBB]  }
0x39: {  	_ = 	snop;
	(pc) =	sbr.ind lr, $3  }
0x3a: {  	_ = 	snop  }
0x3b: {  	_ = 	snop  }
0x3c: {  	p2 =	seq.s32 s10, $0x1;
	s10 =	sld [smem:$0x3FBA]  }
0x3d: {  	_ =	shalt  }
0x3e: {  	_ =	shalt  }
0x3f: {  	_ =	shalt  }
0x40: {  	_ =	shalt  }
0x41: {  	_ =	shalt  }
0x42: {  	_ =	shalt  }
0x43: {  	_ =	shalt  }
0x44: {  	_ =	shalt  }
0x45: {  	_ =	shalt  }
0x46: {  	_ =	shalt  }
0x47: {  	_ =	shalt  }
0x48: {  	_ =	shalt  }
0x49: {  	_ =	shalt  }
0x4a: {  	_ =	shalt  }
0x4b: {  	_ =	shalt  }
0x4c: {  	_ =	shalt  }
0x4d: {  	_ =	shalt  }
0x4e: {  	_ =	shalt  }
0x4f: {  	_ =	shalt  }
0x50: {  	_ =	shalt  }
0x51: {  	_ =	shalt  }
0x52: {  	_ =	shalt  }
0x53: {  	_ =	shalt  }
0x54: {  	_ =	shalt  }
0x55: {  	_ =	shalt  }
0x56: {  	_ =	shalt  }
0x57: {  	_ =	shalt  }
0x58: {  	_ =	shalt  }
0x59: {  	_ =	shalt  }
0x5a: {  	_ =	shalt  }
0x5b: {  	_ =	shalt  }
0x5c: {  	_ =	shalt  }
0x5d: {  	_ =	shalt  }
0x5e: {  	_ =	shalt  }
0x5f: {  	_ =	shalt  }
0x60: {  	_ =	shalt  }
0x61: {  	_ =	shalt  }
0x62: {  	_ =	shalt  }
0x63: {  	_ =	shalt  }
0x64: {  	_ =	shalt  }
0x65: {  	_ =	shalt  }
0x66: {  	_ =	shalt  }
0x67: {  	_ =	shalt  }
0x68: {  	_ =	shalt  }
0x69: {  	_ =	shalt  }
0x6a: {  	_ =	shalt  }
0x6b: {  	_ =	shalt  }
0x6c: {  	_ =	shalt  }
0x6d: {  	_ =	shalt  }
0x6e: {  	_ =	shalt  }
0x6f: {  	_ =	shalt  }
0x70: {  	_ =	shalt  }
0x71: {  	_ =	shalt  }
0x72: {  	_ =	shalt  }
0x73: {  	_ =	shalt  }
0x74: {  	_ =	shalt  }
0x75: {  	_ =	shalt  }
0x76: {  	_ =	shalt  }
0x77: {  	_ =	shalt  }
0x78: {  	_ =	shalt  }
0x79: {  	_ =	shalt  }
0x7a: {  	_ =	shalt  }
0x7b: {  	_ =	shalt  }
0x7c: {  	_ =	shalt  }
0x7d: {  	_ =	shalt  }
0x7e: {  	_ =	shalt  }
0x7f: {  	_ =	shalt  }
0x80: {  	_ =	shalt  }
0x81: {  	_ =	shalt  }
0x82: {  	_ =	shalt  }
0x83: {  	_ =	shalt  }
0x84: {  	_ =	shalt  }
0x85: {  	_ =	shalt  }
0x86: {  	_ =	shalt  }
0x87: {  	_ =	shalt  }
.Lfunc_end0:
.L_simem_size_0:
called_computation_lowered:
.L_overlay_start_0:
0x88: {  	s2 =	sld [smem:$0x3FD9]  }
0x89: {  	s3 =	sld [smem:$0x3FFE];
	_ =	sdelay $0x1  }
0x8a: {  	s1 =	srdreg.scid  }
0x8b: {  	s0 =	sand.u32 $0x1, s1  }
0x8c: {  	s14 =	sshll.u32 s0, $0xA;
	s2 =	sadd.s32 s3, s2  }
0x8d: {  	s2 =	sadd.s32 s2, s14  }
0x8e: {  	[smem:$0x3FC6] =	sst s2  }
0x8f: {  	_ = 	snop  }
0x90: {  	s2 =	sld [smem:$0x3FD0];
	_ =	sdelay $0x2  }
0x91: {  	s15 =	simm.s32 $0xA;
	s4 =	simm.s32 $0x10  }
0x92: {  	[smem:s4], [sflag:s15] =	dma.local [hbm:s2], $0x1  }
0x93: {  	_ =	swait.eq [sflag:s15], $0x1  }
0x94: {  	[sflag:s15] =	ssyncset.done $0x0  }
0x95: {  	s16 =	sld [smem:$0x10];
	[sflag:s15] =	ssyncadd.s32 $0xFFFFFFFF  }
0x96: {  	s17 =	sld [smem:$0x11];
	(tm) =	ssettm $0x1  }
0x97: {  	s18 =	sld [smem:$0x3FFB];
	_ =	sdelay $0x3  }
0x98: {  	_ =	strace s18  }
0x99: {  	s4 =	sld [smem:$0x3FFC];
	_ =	sdelay $0x3  }
0x9a: {  	_ =	strace s4  }
0x9b: {  	s4 =	sld [smem:$0x3FFD];
	_ =	sdelay $0x3  }
0x9c: {  	_ =	strace s4  }
0x9d: {  	_ =	strace $0x8FFFFFFF  }
0x9e: {  	s19 =	sld [smem:$0x3FDB];
	_ =	sdelay $0x1  }
0x9f: {  	s5 =	simm.s32 $_scs_section_size  }
0xa0: {  	s6 =	simm.s32 $_size__tile_overlayer_lowered;
	s7 =	simm.s32 $_tile_overlayer_lowered  }
0xa1: {  	s22 =	simm.s32 $0x1BFF;
	s21 =	sshll.u32 s7, $0x1;
	s4 =	sadd.s32 s5, s19  }
0xa2: {  	s8 =	simm.s32 $0x0;
	s20 =	sshll.u32 s6, $0x1;
	s6 =	sadd.s32 s21, s4  }
0xa3: {  	[timem:s8], [sflag:s22] =	dma.local [hbm:s6], s20  }
0xa4: {  	_ =	swait.ge [sflag:s22], s20  }
0xa5: {  	s5 =	ssub.s32 $0x0, s20;
	[sflag:s22] =	ssyncset.done $0x0  }
0xa6: {  	[sflag:s22] =	ssyncadd.s32 s5;
	_ =	sdelay $0x1  }
0xa7: {  	s23 =	simm.s32 $0x1B8B  }
0xa8: {  	_ =	swait.ge [sflag:s23], $0x1  }
0xa9: {  	[sflag:s23] =	ssyncset.done $0x0  }
0xaa: {  	s25 =	simm.s32 $0x1B8E;
	s24 =	sld [smem:$0x3FFE];
	[sflag:s23] =	ssyncadd.s32 $0xFFFFFFFF  }
0xab: {  	s26 =	simm.s32 $execute0_lowered;
	[smem:$0x3FD2] =	sst s25  }
0xac: {  	s6 =	sshll.u32 s26, $0x1;
	_ =	strace $0x80000046;
	[dreg:$0x1] =	wrdreg $0xFFFFFFFF  }
0xad: {  	s28 =	simm.s32 $_size_execute0_lowered;
	s4 =	sadd.s32 s4, s6;
	[dreg:$0x0] =	wrdreg $0x0  }
0xae: {  	s6 =	sshll.u32 s28, $0x1;
	[dreg:$0x2] =	wrdreg s4  }
0xaf: {  	[dreg:$0x3] =	wrdreg s6  }
0xb0: {  	[dreg:$0x4] =	wrdreg $0xC0  }
0xb1: {  	_ =	task [dreg:s8], $0x5FFFF  }
0xb2: {  	[dreg:$0x1] =	wrdreg $0xFFFFFFFF  }
0xb3: {  	[dreg:$0x0] =	wrdreg $0x60  }
0xb4: {  	[dreg:$0x2] =	wrdreg s24  }
0xb5: {  	[dreg:$0x3] =	wrdreg s17  }
0xb6: {  	[dreg:$0x4] =	wrdreg s16  }
0xb7: {  	[dreg:$0x5] =	wrdreg $0x9  }
0xb8: {  	_ =	task.clear_ibuf [dreg:s8], $0x6FFFF;
	_ =	strace $0x90000046  }
0xb9: {  	s29 =	simm.s32 $0x9;
	_ =	strace $0x80000048  }
0xba: {  	_ =	swait.ge [sflag:s29], $0x1  }
0xbb: {  	[sflag:s29] =	ssyncadd.s32 $0xFFFFFFFF  }
0xbc: {  	_ =	strace $0x90000048  }
0xbd: {  	_ =	sfence  }
0xbe: {  	s30 =	sld [smem:$0x0];
	_ =	sdelay $0x2  }
0xbf: {  	s31 =	sshll.u32 s1, $0xD;
	s1 =	sshrl.u32 s1, $0x2  }
0xc0: {  	s3 =	sand.u32 $0x4000, s31;
	s1 =	sadd.s32 s1, s30  }
0xc1: {  	s0 =	sor.u32 s3, s0;
	s1 =	sshll.u32 s1, $0x11  }
0xc2: {  	s0 =	sor.u32 s1, s0  }
0xc3: {  	s0 =	sadd.s32 $0x8F2B, s0  }
0xc4: {  	[sflag:s0] =	ssyncadd.remote.s32 $0x1  }
0xc5: {  	_ =	sfence.sel $0xFFFF  }
0xc6: {  	[dreg:$0x0] =	wrdreg $0xFFFFFFFF;
	(pc) =	sbr.abs _section_cstart, $3  }
0xc7: {  	[dreg:$0x1] =	wrdreg $0xFFFFFFFF  }
0xc8: {  	_ =	task.clear_ibuf [dreg:s8], $0x2FFFF;
	_ =	strace $0x9FFFFFFF  }
0xc9: {  	(tm) =	ssettm $0x7FFFFFFF  }
tec
execute0_lowered:
.L_overlay_start_1:
0x0: {  	(tag) =	ssettag $0x1  }
0x1: {  	v43 =	vlaneseq.u32  }
0x2: {  	v49 =	vimm.s32 $0xF;
	v1 =	vor.u32 $0x10, v43;
	v2 =	vor.u32 $0x20, v43  }
0x3: {  	v3 =	vor.u32 $0x30, v43;
	v4 =	vor.u32 $0x40, v43;
	v5 =	vor.u32 $0x50, v43  }
0x4: {  	v6 =	vor.u32 $0x60, v43;
	v7 =	vor.u32 $0x70, v43;
	v8 =	vor.u32 $0x80, v43  }
0x5: {  	v9 =	vor.u32 $0x90, v43;
	v10 =	vor.u32 $0xA0, v43;
	v11 =	vor.u32 $0xB0, v43  }
0x6: {  	v12 =	vor.u32 $0xC0, v43;
	v13 =	vor.u32 $0xD0, v43;
	v14 =	vor.u32 $0xE0, v43  }
0x7: {  	v15 =	vor.u32 $0xF0, v43;
	v16 =	vor.u32 $0x100, v43;
	v17 =	vor.u32 $0x110, v43  }
0x8: {  	v18 =	vor.u32 $0x120, v43;
	v19 =	vor.u32 $0x130, v43;
	v20 =	vor.u32 $0x140, v43  }
0x9: {  	v21 =	vor.u32 $0x150, v43;
	v22 =	vor.u32 $0x160, v43;
	v23 =	vor.u32 $0x170, v43  }
0xa: {  	v24 =	vor.u32 $0x180, v43;
	v25 =	vor.u32 $0x190, v43;
	v26 =	vor.u32 $0x1A0, v43  }
0xb: {  	s1 =	srdreg.scid;
	s0 =	stileid.u32;
	v27 =	vor.u32 $0x1B0, v43;
	v28 =	vor.u32 $0x1C0, v43;
	v29 =	vor.u32 $0x1D0, v43  }
0xc: {  	s7 =	sand.u32 $0x1, s1;
	s31 =	sshll.u32 s0, $0x1;
	v30 =	vor.u32 $0x1E0, v43;
	v31 =	vor.u32 $0x1F0, v43;
	v32 =	vor.u32 $0x200, v43  }
0xd: {  	v33 =	vor.u32 $0x210, v43;
	v34 =	vor.u32 $0x220, v43;
	v35 =	vor.u32 $0x230, v43;
	s6 =	sor.u32 s7, s31  }
0xe: {  	v36 =	vor.u32 $0x240, v43;
	v37 =	vor.u32 $0x250, v43;
	v38 =	vor.u32 $0x260, v43;
	s5 =	smul.u32 $0x280, s6;
	s1 =	sadd.s32 $0xFFFFFFF0, s6  }
0xf: {  	v39 =	vor.u32 $0x270, v43;
	v41 =	vmov s6;
	v42 =	vmov s1  }
0x10: {  	vm1 =	vgt.u32 v41, v43;
	v41 =	vmul.u32 $0x8, v43;
	v0 =	vor.u32 s5, v43  }
0x11: {  	v1 =	vor.u32 s5, v1;
	v2 =	vor.u32 s5, v2;
	v3 =	vor.u32 s5, v3  }
0x12: {  	v4 =	vor.u32 s5, v4;
	v5 =	vor.u32 s5, v5;
	v6 =	vor.u32 s5, v6  }
0x13: {  	v7 =	vor.u32 s5, v7;
	v8 =	vadd.s32 s5, v8;
	v9 =	vadd.s32 s5, v9  }
0x14: {  	v10 =	vadd.s32 s5, v10;
	v11 =	vadd.s32 s5, v11;
	v12 =	vadd.s32 s5, v12  }
0x15: {  	v13 =	vadd.s32 s5, v13;
	v14 =	vadd.s32 s5, v14;
	v15 =	vadd.s32 s5, v15  }
0x16: {  	v16 =	vadd.s32 s5, v16;
	v17 =	vadd.s32 s5, v17;
	v18 =	vadd.s32 s5, v18  }
0x17: {  	v19 =	vadd.s32 s5, v19;
	v20 =	vadd.s32 s5, v20;
	v21 =	vadd.s32 s5, v21  }
0x18: {  	v22 =	vadd.s32 s5, v22;
	v23 =	vadd.s32 s5, v23;
	v24 =	vadd.s32 s5, v24  }
0x19: {  	v25 =	vadd.s32 s5, v25;
	v0 =	vcvt.s32.f32 v0;
	v50 =	vcvt.s32.f32 v1  }
0x1a: {  	v26 =	vadd.s32 s5, v26;
	v51 =	vcvt.s32.f32 v2;
	v52 =	vcvt.s32.f32 v3  }
0x1b: {  	v27 =	vadd.s32 s5, v27;
	v53 =	vcvt.s32.f32 v4;
	v54 =	vcvt.s32.f32 v5  }
0x1c: {  	v28 =	vadd.s32 s5, v28;
	v55 =	vcvt.s32.f32 v6;
	v56 =	vcvt.s32.f32 v7  }
0x1d: {  	v29 =	vadd.s32 s5, v29;
	v57 =	vcvt.s32.f32 v8;
	v58 =	vcvt.s32.f32 v9  }
0x1e: {  	v30 =	vadd.s32 s5, v30;
	v59 =	vcvt.s32.f32 v10;
	v60 =	vcvt.s32.f32 v11  }
0x1f: {  	v31 =	vadd.s32 s5, v31;
	v61 =	vcvt.s32.f32 v12;
	v62 =	vcvt.s32.f32 v13  }
0x20: {  	v32 =	vadd.s32 s5, v32;
	v63 =	vcvt.s32.f32 v14;
	v15 =	vcvt.s32.f32 v15  }
0x21: {  	v33 =	vadd.s32 s5, v33;
	v16 =	vcvt.s32.f32 v16;
	v17 =	vcvt.s32.f32 v17  }
0x22: {  	v34 =	vadd.s32 s5, v34;
	v18 =	vcvt.s32.f32 v18;
	v19 =	vcvt.s32.f32 v19;
	[tilespmem:$0x1FF10] =	vst v0  }
0x23: {  	v35 =	vadd.s32 s5, v35;
	v20 =	vcvt.s32.f32 v20;
	v21 =	vcvt.s32.f32 v21;
	[tilespmem:$0x1FF20] =	vst v50  }
0x24: {  	s8 =	rddreg [dreg:$0x0];
	v36 =	vadd.s32 s5, v36;
	v22 =	vcvt.s32.f32 v22;
	v23 =	vcvt.s32.f32 v23;
	[tilespmem:$0x1FF30] =	vst v51  }
0x25: {  	s3 =	rddreg [dreg:$0x2];
	v37 =	vadd.s32 s5, v37;
	v24 =	vcvt.s32.f32 v24;
	v25 =	vcvt.s32.f32 v25;
	[tilespmem:$0x1FF40] =	vst v52  }
0x26: {  	s2 =	rddreg [dreg:$0x3];
	s4 =	simm.s32 $0x0;
	s13 =	simm.s32 $0xD00;
	v40 =	vadd.s32 s5, v38;
	v26 =	vcvt.s32.f32 v26;
	v27 =	vcvt.s32.f32 v27;
	[tilespmem:$0x1FF50] =	vst v53  }
0x27: {  	s14 =	simm.s32 $0x280;
	s15 =	simm.s32 $0x500;
	s6 =	sor.u32 $0x800, s6;
	v44 =	vadd.s32 s5, v39;
	v28 =	vcvt.s32.f32 v28;
	v29 =	vcvt.s32.f32 v29;
	[tilespmem:$0x1FF60] =	vst v54  }
0x28: {  	s16 =	simm.s32 $0x780;
	s17 =	simm.s32 $0xA00;
	s18 =	simm.s32 $0x1;
	v38 =	vmov s6;
	v30 =	vcvt.s32.f32 v30;
	v31 =	vcvt.s32.f32 v31;
	[tilespmem:$0x1FF70] =	vst v55  }
0x29: {  	s19 =	simm.s32 $0xE00;
	s20 =	simm.s32 $0x80;
	s21 =	simm.s32 $0x3600;
	vm0 =	vgt.s32 v42, v43;
	v32 =	vcvt.s32.f32 v32;
	v33 =	vcvt.s32.f32 v33;
	[tilespmem:$0x1FF80] =	vst v56  }
0x2a: {  	s22 =	simm.s32 $0x3680;
	s23 =	simm.s32 $0x1600;
	s24 =	simm.s32 $0x3700;
	v42 =	vimm.s32 $0x0;
	v34 =	vcvt.s32.f32 v34;
	v35 =	vcvt.s32.f32 v35;
	[tilespmem:$0x1FF90] =	vst v57  }
0x2b: {  	s25 =	simm.s32 $0x1E00;
	s26 =	simm.s32 $0x3780;
	s28 =	simm.s32 $0x2600;
	v39 =	vcvt.s32.f32 v40;
	v40 =	vcvt.s32.f32 v44;
	v44 =	vmul.u32 $0x10, v43;
	[tilespmem:$0x1FFA0] =	vst v58  }
0x2c: {  	s29 =	simm.s32 $0x3800;
	s30 =	simm.s32 $0x2E00;
	s7 =	ssub.s32 $0x2, s7;
	v36 =	vcvt.s32.f32 v36;
	v37 =	vcvt.s32.f32 v37;
	v46 =	vor.u32 $0x80, v41;
	[tilespmem:$0x1FFB0] =	vst v59  }
0x2d: {  	[smem:$0x7FF] =	sst s4;
	s10 =	sshrl.u32 s7, $0x1;
	s9 =	sshrl.u32 s5, $0x3;
	v47 =	vor.u32 $0x1, v41;
	v48 =	vor.u32 $0x81, v41;
	[tilespmem:$0x1FFC0] =	vst v60;
	v50 =	vor.u32 $0x1, v44  }
0x2e: {  	s12 =	ssub.s32 s7, s10;
	s5 =	sadd.s32 $0x3600, s8;
	s11 =	sadd.s32 s9, s8;
	[tilespmem:$0x1FFD0] =	vst v61;
	v51 =	vor.u32 $0x2, v44;
	v52 =	vor.u32 $0x3, v44;
	v53 =	vor.u32 $0x4, v44  }
0x2f: {  	s6 =	sadd.s32 $0x400, s11;
	s7 =	sadd.s32 $0xE00, s11;
	s8 =	sadd.s32 $0x1800, s11;
	[tilespmem:$0x1FFE0] =	vst v62;
	v54 =	vor.u32 $0x5, v44;
	v55 =	vor.u32 $0x100, v44;
	v56 =	vor.u32 $0x101, v44  }
0x30: {  	s1 =	rddreg [dreg:$0x1];
	s9 =	sadd.s32 $0x2200, s11;
	s10 =	sadd.s32 $0x2C00, s11;
	[tilespmem:$0x1FFF0] =	vst v63;
	v57 =	vor.u32 $0x102, v44;
	v58 =	vor.u32 $0x103, v44;
	v59 =	vor.u32 $0x104, v44  }
0x31: {  	s11 =	smax.u32 s12, $0x1;
	s12 =	simm.s32 $0xC80;
	v60 =	vor.u32 $0x105, v44;
	v61 =	vor.u32 $0x200, v44;
	v62 =	vor.u32 $0x201, v44;
	_ =	strace $0x80000047  }
.LBB2_1:
0x32: {  	[tilespmem:s4], [sflag:$0x1] =	stream.linear.gather [hbm4b:s6+s4], $0x280, $0x38;
	[tilespmem:$0x3880] =	vst v63  }
0x33: {  	_ = 	snop  }
0x34: {  	[tilespmem:s12], [sflag:$0x1] =	stream.linear.gather [hbm4b:s1+s4], $0x80, $0x38;
	[tilespmem:$0x3880] =	vst v63  }
0x35: {  	_ = 	snop  }
0x36: {  	[tilespmem:s13], [sflag:$0x1] =	stream.linear.gather [hbm4b:s3+s4], $0x100, $0x38;
	[tilespmem:$0x3880] =	vst v63  }
0x37: {  	_ = 	snop  }
0x38: {  	[tilespmem:s14], [sflag:$0x1] =	stream.linear.gather [hbm4b:s7+s4], $0x280, $0x38;
	[tilespmem:$0x3880] =	vst v63  }
0x39: {  	_ = 	snop  }
0x3a: {  	[tilespmem:s15], [sflag:$0x1] =	stream.linear.gather [hbm4b:s8+s4], $0x280, $0x38;
	[tilespmem:$0x3880] =	vst v63  }
0x3b: {  	_ = 	snop  }
0x3c: {  	[tilespmem:s16], [sflag:$0x1] =	stream.linear.gather [hbm4b:s9+s4], $0x280, $0x38;
	[tilespmem:$0x3880] =	vst v63  }
0x3d: {  	_ = 	snop  }
0x3e: {  	[tilespmem:s17], [sflag:$0x1] =	stream.linear.gather [hbm4b:s10+s4], $0x280, $0x38;
	[tilespmem:$0x3880] =	vst v63  }
0x3f: {  	_ =	swait.ge [sflag:s18], $0x280  }
0x40: {  	[sflag:s18] =	ssyncset.done $0x0  }
0x41: {  	[sflag:s18] =	ssyncadd.s32 $0xFFFFFD80  }
0x42: {  	_ =	swait.ge [sflag:s18], $0x80  }
0x43: {  	[sflag:s18] =	ssyncset.done $0x0  }
0x44: {  	[sflag:s18] =	ssyncadd.s32 $0xFFFFFF80  }
0x45: {  	_ =	swait.ge [sflag:s18], $0x100  }
0x46: {  	[sflag:s18] =	ssyncset.done $0x0  }
0x47: {  	[sflag:s18] =	ssyncadd.s32 $0xFFFFFF00  }
0x48: {  	_ =	swait.ge [sflag:s18], $0x280  }
0x49: {  	[sflag:s18] =	ssyncset.done $0x0  }
0x4a: {  	[sflag:s18] =	ssyncadd.s32 $0xFFFFFD80  }
0x4b: {  	_ =	swait.ge [sflag:s18], $0x280  }
0x4c: {  	[sflag:s18] =	ssyncset.done $0x0  }
0x4d: {  	[sflag:s18] =	ssyncadd.s32 $0xFFFFFD80  }
0x4e: {  	_ =	swait.ge [sflag:s18], $0x280  }
0x4f: {  	[sflag:s18] =	ssyncset.done $0x0  }
0x50: {  	[sflag:s18] =	ssyncadd.s32 $0xFFFFFD80  }
0x51: {  	_ =	swait.ge [sflag:s18], $0x280  }
0x52: {  	[sflag:s18] =	ssyncset.done $0x0  }
0x53: {  	[sflag:s18] =	ssyncadd.s32 $0xFFFFFD80  }
0x54: {  	v43 =	vld.idx.msk [tilespmem:v41+s13+$0x0], $0xffff  }
0x55: {  	v45 =	vld.idx.msk [tilespmem:v46+s13+$0x0], $0xffff  }
0x56: {  	v63 =	vld.idx.msk [tilespmem:v47+s13+$0x0], $0xffff  }
0x57: {  	v0 =	vld.idx.msk [tilespmem:v48+s13+$0x0], $0xffff;
	_ =	sdelay $0x1  }
0x58: {  	v43 =	vnsel vm1, $0x0, v43  }
0x59: {  	v7 =	vnsel vm0, $0x0, v45;
	(xrf2) =	vadd.scan.msk.f32 $0xffff, v43  }
0x5a: {  	v8 =	vnsel vm1, $0x0, v63;
	(xrf2) =	vadd.scan.msk.f32 $0xffff, v7  }
0x5b: {  	v0 =	vnsel vm0, $0x0, v0;
	(xrf2) =	vadd.scan.msk.f32 $0xffff, v8  }
0x5c: {  	(xrf2) =	vadd.scan.msk.f32 $0xffff, v0;
	_ =	sdelay $0x1  }
0x5d: {  	v0 =	vld [tilespmem:$0xC80];
	_ =	sdelay $0x1  }
0x5e: {  	v45 =	vld [tilespmem:$0x0]  }
0x5f: {  	v63 =	vld [tilespmem:$0x280];
	_ =	sdelay $0x1  }
0x60: {  	v2 =	vld [tilespmem:$0x500];
	v43 =	vperm.xlane v0, v42;
	v1, _, _ =	vpop (xrf2)  }
0x61: {  	v4 =	vld [tilespmem:$0x780];
	v3, _, _ =	vpop (xrf2)  }
0x62: {  	v6 =	vld [tilespmem:$0xA00];
	vm2 =	vgt.f32 v45, v43;
	v5, _, _ =	vpop (xrf2)  }
0x63: {  	[tilespmem:v44+s19+$0x0] =	vst.idx.msk $0xffff, v63;
	vm3 =	veq.f32 v45, v43;
	v8 =	vsel vm2, $0x1, v42;
	v7, _, _ =	vpop (xrf2)  }
0x64: {  	v9 =	vsel vm3, $0x1, v42;
	(xrf0) =	vadd.scan.msk.s32 $0xffff, v8;
	v8 =	vld [tilespmem:$0x1FF10];
	v5 =	vperm.xlane v5, v49;
	v7 =	vperm.xlane v7, v49  }
0x65: {  	[tilespmem:v50+s19+$0x0] =	vst.idx.msk $0xffff, v2;
	v1 =	vperm.xlane v1, v49;
	v3 =	vperm.xlane v3, v49;
	(xrf0) =	vadd.scan.msk.s32 $0xffff, v9  }
0x66: {  	[tilespmem:v51+s19+$0x0] =	vst.idx.msk $0xffff, v4;
	v9 =	vimm.s32 $0x1;
	v5 =	vadd.f32 v7, v5  }
0x67: {  	v10 =	vimm.s32 $0x2;
	[tilespmem:v52+s19+$0x0] =	vst.idx.msk $0xffff, v6;
	v2 =	vperm.xlane v0, v9;
	v1 =	vadd.f32 v3, v1  }
0x68: {  	[tilespmem:v53+s19+$0x0] =	vst.idx.msk $0xffff, v45;
	v0 =	vperm.xlane v0, v10;
	v11 =	vtrunc.f32 v5  }
0x69: {  	[tilespmem:v54+s19+$0x0] =	vst.idx.msk $0xffff, v8;
	v45 =	vcvt.f32.s32 v11  }
0x6a: {  	v2 =	vtrunc.f32 v2;
	v0 =	vtrunc.f32 v0;
	v4, _, _ =	vpop (xrf0);
	v5 =	vld [tilespmem:$0x10]  }
0x6b: {  	v9 =	vtrunc.f32 v1;
	v63 =	vcvt.f32.s32 v0;
	v1, _, _ =	vpop (xrf0);
	v3 =	vadd.s32 $0xFFFFFFFF, v45  }
0x6c: {  	v0 =	vcvt.f32.s32 v9;
	v45 =	vcvt.f32.s32 v2;
	v10 =	vadd.s32 v1, v3  }
0x6d: {  	vm4 =	vlt.s32 v10, v63  }
0x6e: {  	v0 =	vadd.s32 $0xFFFFFFFF, v0;
	v2 =	vadd.s32 v45, v10;
	vm3 =	vmand vm3, vm4  }
0x6f: {  	v6 =	vld [tilespmem:$0x290];
	v8 =	vadd.s32 v4, v0;
	v2 =	vsel vm3, v2, v38;
	vm3 =	vgt.f32 v5, v43  }
0x70: {  	v7 =	vld [tilespmem:$0x510];
	v2 =	vsel vm2, v8, v2;
	vm2 =	veq.f32 v5, v43;
	v8 =	vsel vm3, $0x1, v42  }
0x71: {  	v9 =	vld [tilespmem:$0x790];
	v11 =	vsel vm2, $0x1, v42;
	(xrf0) =	vadd.scan.msk.s32 $0xffff, v8  }
0x72: {  	v10 =	vld [tilespmem:$0xA10];
	(xrf0) =	vadd.scan.msk.s32 $0xffff, v11  }
0x73: {  	[tilespmem:$0x3600] =	vst v2  }
0x74: {  	v8 =	vld [tilespmem:$0x1FF20];
	[tilespmem:v55+s19+$0x0] =	vst.idx.msk $0xffff, v6  }
0x75: {  	[tilespmem:v56+s19+$0x0] =	vst.idx.msk $0xffff, v7  }
0x76: {  	v1 =	vperm.xlane v1, v49;
	[tilespmem:v57+s19+$0x0] =	vst.idx.msk $0xffff, v9  }
0x77: {  	[tilespmem:v58+s19+$0x0] =	vst.idx.msk $0xffff, v10;
	v2, _, _ =	vpop (xrf0)  }
0x78: {  	v1 =	vadd.s32 v1, v3;
	[tilespmem:v59+s19+$0x0] =	vst.idx.msk $0xffff, v5;
	v5, _, _ =	vpop (xrf0)  }
0x79: {  	v4 =	vperm.xlane v4, v49;
	[tilespmem:v60+s19+$0x0] =	vst.idx.msk $0xffff, v8;
	v9 =	vadd.s32 v5, v1  }
0x7a: {  	v3 =	vld [tilespmem:$0x20];
	vm15 =	vlt.s32 v9, v63  }
0x7b: {  	v0 =	vadd.s32 v4, v0;
	v6 =	vld [tilespmem:$0x2A0];
	v10 =	vadd.s32 v45, v9;
	vm2 =	vmand vm2, vm15  }
0x7c: {  	v7 =	vadd.s32 v2, v0;
	v8 =	vld [tilespmem:$0x520];
	v4 =	vsel vm2, v10, v38  }
0x7d: {  	v9 =	vor.u32 $0x202, v44;
	v4 =	vsel vm3, v7, v4;
	v7 =	vld [tilespmem:$0x7A0]  }
0x7e: {  	v12 =	vor.u32 $0x203, v44;
	v11 =	vld [tilespmem:$0xA20]  }
0x7f: {  	[tilespmem:$0x3610] =	vst v4  }
0x80: {  	vm2 =	vgt.f32 v3, v43;
	[tilespmem:v61+s19+$0x0] =	vst.idx.msk $0xffff, v6  }
0x81: {  	vm3 =	veq.f32 v3, v43;
	v10 =	vsel vm2, $0x1, v42;
	[tilespmem:v62+s19+$0x0] =	vst.idx.msk $0xffff, v8  }
0x82: {  	v4 =	vsel vm3, $0x1, v42;
	(xrf0) =	vadd.scan.msk.s32 $0xffff, v10;
	v10 =	vor.u32 $0x204, v44;
	[tilespmem:v9+s19+$0x0] =	vst.idx.msk $0xffff, v7  }
0x83: {  	(xrf0) =	vadd.scan.msk.s32 $0xffff, v4;
	v4 =	vor.u32 $0x205, v44;
	[tilespmem:v12+s19+$0x0] =	vst.idx.msk $0xffff, v11;
	v11 =	vld [tilespmem:$0x1FF30];
	_ =	sdelay $0x3  }
0x84: {  	v5 =	vperm.xlane v5, v49;
	[tilespmem:v10+s19+$0x0] =	vst.idx.msk $0xffff, v3  }
0x85: {  	[tilespmem:v4+s19+$0x0] =	vst.idx.msk $0xffff, v11  }
0x86: {  	v1 =	vadd.s32 v5, v1;
	v3, _, _ =	vpop (xrf0);
	v5 =	vld [tilespmem:$0x30]  }
0x87: {  	v2 =	vperm.xlane v2, v49;
	v4, _, _ =	vpop (xrf0)  }
0x88: {  	v9 =	vadd.s32 v4, v1  }
0x89: {  	v0 =	vadd.s32 v2, v0;
	vm8 =	vlt.s32 v9, v63  }
0x8a: {  	v8 =	vor.u32 $0x300, v44;
	v7 =	vld [tilespmem:$0x2B0];
	v6 =	vadd.s32 v45, v9;
	vm3 =	vmand vm3, vm8  }
0x8b: {  	v10 =	vor.u32 $0x301, v44;
	v9 =	vld [tilespmem:$0x530];
	v6 =	vsel vm3, v6, v38;
	vm3 =	vgt.f32 v5, v43  }
0x8c: {  	v2 =	vadd.s32 v3, v0;
	vm9 =	veq.f32 v5, v43;
	v11 =	vsel vm3, $0x1, v42  }
0x8d: {  	v13 =	vor.u32 $0x302, v44;
	v12 =	vld [tilespmem:$0x7B0];
	v2 =	vsel vm2, v2, v6;
	v6 =	vsel vm9, $0x1, v42;
	(xrf0) =	vadd.scan.msk.s32 $0xffff, v11  }
0x8e: {  	v14 =	vor.u32 $0x303, v44;
	[tilespmem:$0x3620] =	vst v2;
	v11 =	vld [tilespmem:$0xA30];
	(xrf0) =	vadd.scan.msk.s32 $0xffff, v6  }
0x8f: {  	v2 =	vor.u32 $0x304, v44;
	[tilespmem:v8+s19+$0x0] =	vst.idx.msk $0xffff, v7  }
0x90: {  	v6 =	vor.u32 $0x305, v44;
	[tilespmem:v10+s19+$0x0] =	vst.idx.msk $0xffff, v9;
	v10 =	vld [tilespmem:$0x1FF40];
	_ =	sdelay $0x1  }
0x91: {  	v4 =	vperm.xlane v4, v49;
	[tilespmem:v13+s19+$0x0] =	vst.idx.msk $0xffff, v12  }
0x92: {  	[tilespmem:v14+s19+$0x0] =	vst.idx.msk $0xffff, v11;
	v7, _, _ =	vpop (xrf0)  }
0x93: {  	v3 =	vperm.xlane v3, v49;
	v1 =	vadd.s32 v4, v1;
	[tilespmem:v2+s19+$0x0] =	vst.idx.msk $0xffff, v5;
	v2, _, _ =	vpop (xrf0)  }
0x94: {  	[tilespmem:v6+s19+$0x0] =	vst.idx.msk $0xffff, v10;
	v11 =	vadd.s32 v2, v1  }
0x95: {  	v0 =	vadd.s32 v3, v0;
	v5 =	vld [tilespmem:$0x40];
	vm2 =	vlt.s32 v11, v63  }
0x96: {  	v6 =	vor.u32 $0x400, v44;
	v4 =	vld [tilespmem:$0x2C0];
	v3 =	vadd.s32 v45, v11;
	vm2 =	vmand vm9, vm2  }
0x97: {  	v8 =	vadd.s32 v7, v0;
	v10 =	vor.u32 $0x401, v44;
	v9 =	vld [tilespmem:$0x540];
	v3 =	vsel vm2, v3, v38  }
0x98: {  	v11 =	vor.u32 $0x402, v44;
	v3 =	vsel vm3, v8, v3;
	v8 =	vld [tilespmem:$0x7C0];
	_ =	sdelay $0x1  }
0x99: {  	vm2 =	vgt.f32 v5, v43;
	[tilespmem:$0x3630] =	vst v3  }
0x9a: {  	v14 =	vor.u32 $0x403, v44;
	v13 =	vld [tilespmem:$0xA40];
	vm3 =	veq.f32 v5, v43;
	v12 =	vsel vm2, $0x1, v42;
	[tilespmem:v6+s19+$0x0] =	vst.idx.msk $0xffff, v4  }
0x9b: {  	v3 =	vsel vm3, $0x1, v42;
	(xrf0) =	vadd.scan.msk.s32 $0xffff, v12;
	v12 =	vor.u32 $0x404, v44;
	[tilespmem:v10+s19+$0x0] =	vst.idx.msk $0xffff, v9  }
0x9c: {  	(xrf0) =	vadd.scan.msk.s32 $0xffff, v3;
	v3 =	vor.u32 $0x405, v44;
	[tilespmem:v11+s19+$0x0] =	vst.idx.msk $0xffff, v8;
	v8 =	vld [tilespmem:$0x1FF50];
	_ =	sdelay $0x2  }
0x9d: {  	[tilespmem:v14+s19+$0x0] =	vst.idx.msk $0xffff, v13  }
0x9e: {  	v2 =	vperm.xlane v2, v49;
	[tilespmem:v12+s19+$0x0] =	vst.idx.msk $0xffff, v5  }
0x9f: {  	[tilespmem:v3+s19+$0x0] =	vst.idx.msk $0xffff, v8  }
0xa0: {  	v1 =	vadd.s32 v2, v1;
	v4, _, _ =	vpop (xrf0);
	v2 =	vld [tilespmem:$0x50]  }
0xa1: {  	v9 =	vperm.xlane v7, v49;
	v3, _, _ =	vpop (xrf0)  }
0xa2: {  	v10 =	vadd.s32 v3, v1  }
0xa3: {  	v0 =	vadd.s32 v9, v0;
	vm10 =	vlt.s32 v10, v63  }
0xa4: {  	v8 =	vor.u32 $0x500, v44;
	v7 =	vld [tilespmem:$0x2D0];
	v6 =	vadd.s32 v45, v10;
	vm3 =	vmand vm3, vm10  }
0xa5: {  	v9 =	vld [tilespmem:$0x550];
	v10 =	vor.u32 $0x501, v44;
	v6 =	vsel vm3, v6, v38;
	vm3 =	vgt.f32 v2, v43  }
0xa6: {  	v13 =	vor.u32 $0x502, v44;
	v5 =	vadd.s32 v4, v0;
	v12 =	vld [tilespmem:$0x7D0];
	v11 =	vsel vm3, $0x1, v42  }
0xa7: {  	v14 =	vor.u32 $0x503, v44;
	v5 =	vsel vm2, v5, v6;
	(xrf0) =	vadd.scan.msk.s32 $0xffff, v11;
	v11 =	vld [tilespmem:$0xA50]  }
0xa8: {  	[tilespmem:$0x3640] =	vst v5  }
0xa9: {  	vm11 =	veq.f32 v2, v43;
	[tilespmem:v8+s19+$0x0] =	vst.idx.msk $0xffff, v7  }
0xaa: {  	v6 =	vsel vm11, $0x1, v42;
	[tilespmem:v10+s19+$0x0] =	vst.idx.msk $0xffff, v9  }
0xab: {  	v5 =	vor.u32 $0x504, v44;
	(xrf0) =	vadd.scan.msk.s32 $0xffff, v6;
	[tilespmem:v13+s19+$0x0] =	vst.idx.msk $0xffff, v12  }
0xac: {  	v6 =	vor.u32 $0x505, v44;
	[tilespmem:v14+s19+$0x0] =	vst.idx.msk $0xffff, v11;
	v11 =	vld [tilespmem:$0x1FF60];
	_ =	sdelay $0x2  }
0xad: {  	v3 =	vperm.xlane v3, v49  }
0xae: {  	v7, _, _ =	vpop (xrf0);
	[tilespmem:v5+s19+$0x0] =	vst.idx.msk $0xffff, v2  }
0xaf: {  	v4 =	vperm.xlane v4, v49;
	v1 =	vadd.s32 v3, v1;
	v2, _, _ =	vpop (xrf0);
	[tilespmem:v6+s19+$0x0] =	vst.idx.msk $0xffff, v11  }
0xb0: {  	v3 =	vadd.s32 v2, v1;
	v5 =	vld [tilespmem:$0x60]  }
0xb1: {  	v0 =	vadd.s32 v4, v0;
	v8 =	vor.u32 $0x600, v44;
	vm2 =	vlt.s32 v3, v63;
	v6 =	vld [tilespmem:$0x2E0]  }
0xb2: {  	v9 =	vor.u32 $0x601, v44;
	v3 =	vadd.s32 v45, v3;
	vm2 =	vmand vm11, vm2;
	v4 =	vld [tilespmem:$0x560]  }
0xb3: {  	v12 =	vor.u32 $0x602, v44;
	v10 =	vadd.s32 v7, v0;
	v3 =	vsel vm2, v3, v38;
	v11 =	vld [tilespmem:$0x7E0]  }
0xb4: {  	v13 =	vor.u32 $0x603, v44;
	v3 =	vsel vm3, v10, v3;
	v10 =	vld [tilespmem:$0xA60]  }
0xb5: {  	v14 =	vor.u32 $0x604, v44;
	[tilespmem:$0x3650] =	vst v3;
	vm3 =	vgt.f32 v5, v43  }
0xb6: {  	vm2 =	veq.f32 v5, v43;
	[tilespmem:v8+s19+$0x0] =	vst.idx.msk $0xffff, v6;
	v6 =	vor.u32 $0x605, v44;
	v8 =	vld [tilespmem:$0x1FF70];
	v3 =	vsel vm3, $0x1, v42  }
0xb7: {  	[tilespmem:v9+s19+$0x0] =	vst.idx.msk $0xffff, v4;
	(xrf0) =	vadd.scan.msk.s32 $0xffff, v3;
	v3 =	vsel vm2, $0x1, v42  }
0xb8: {  	[tilespmem:v12+s19+$0x0] =	vst.idx.msk $0xffff, v11;
	(xrf0) =	vadd.scan.msk.s32 $0xffff, v3  }
0xb9: {  	[tilespmem:v13+s19+$0x0] =	vst.idx.msk $0xffff, v10  }
0xba: {  	[tilespmem:v14+s19+$0x0] =	vst.idx.msk $0xffff, v5  }
0xbb: {  	[tilespmem:v6+s19+$0x0] =	vst.idx.msk $0xffff, v8  }
0xbc: {  	v2 =	vperm.xlane v2, v49;
	v4 =	vld [tilespmem:$0x70]  }
0xbd: {  	v9 =	vperm.xlane v7, v49;
	v3, _, _ =	vpop (xrf0)  }
0xbe: {  	v1 =	vadd.s32 v2, v1;
	v6, _, _ =	vpop (xrf0)  }
0xbf: {  	v11 =	vor.u32 $0x701, v44;
	v0 =	vadd.s32 v9, v0;
	v2 =	vadd.s32 v6, v1  }
0xc0: {  	v8 =	vor.u32 $0x700, v44;
	v7 =	vld [tilespmem:$0x2F0];
	v5 =	vadd.s32 v3, v0;
	vm12 =	vlt.s32 v2, v63  }
0xc1: {  	v10 =	vld [tilespmem:$0x570];
	v2 =	vadd.s32 v45, v2;
	vm4 =	vmand vm2, vm12;
	vm2 =	vgt.f32 v4, v43  }
0xc2: {  	vm5 =	veq.f32 v4, v43;
	v9 =	vsel vm2, $0x1, v42;
	v2 =	vsel vm4, v2, v38  }
0xc3: {  	v13 =	vor.u32 $0x702, v44;
	v12 =	vsel vm5, $0x1, v42;
	(xrf0) =	vadd.scan.msk.s32 $0xffff, v9;
	v9 =	vld [tilespmem:$0x7F0];
	v2 =	vsel vm3, v5, v2  }
0xc4: {  	v5 =	vld [tilespmem:$0xA70];
	(xrf0) =	vadd.scan.msk.s32 $0xffff, v12;
	v12 =	vor.u32 $0x703, v44;
	[tilespmem:$0x3660] =	vst v2  }
0xc5: {  	v2 =	vor.u32 $0x704, v44;
	[tilespmem:v8+s19+$0x0] =	vst.idx.msk $0xffff, v7  }
0xc6: {  	v7 =	vor.u32 $0x705, v44;
	[tilespmem:v11+s19+$0x0] =	vst.idx.msk $0xffff, v10;
	v11 =	vld [tilespmem:$0x1FF80];
	_ =	sdelay $0x1  }
0xc7: {  	[tilespmem:v13+s19+$0x0] =	vst.idx.msk $0xffff, v9  }
0xc8: {  	v6 =	vperm.xlane v6, v49;
	[tilespmem:v12+s19+$0x0] =	vst.idx.msk $0xffff, v5  }
0xc9: {  	v8, _, _ =	vpop (xrf0);
	[tilespmem:v2+s19+$0x0] =	vst.idx.msk $0xffff, v4  }
0xca: {  	v3 =	vperm.xlane v3, v49;
	v1 =	vadd.s32 v6, v1;
	v5, _, _ =	vpop (xrf0);
	[tilespmem:v7+s19+$0x0] =	vst.idx.msk $0xffff, v11  }
0xcb: {  	v10 =	vadd.s32 v5, v1;
	v4 =	vld [tilespmem:$0x80]  }
0xcc: {  	v0 =	vadd.s32 v3, v0;
	v7 =	vor.u32 $0x800, v44;
	vm3 =	vlt.s32 v10, v63;
	v6 =	vld [tilespmem:$0x300]  }
0xcd: {  	v9 =	vor.u32 $0x801, v44;
	v2 =	vadd.s32 v45, v10;
	v3 =	vld [tilespmem:$0x580];
	vm3 =	vmand vm5, vm3  }
0xce: {  	v12 =	vor.u32 $0x802, v44;
	v10 =	vadd.s32 v8, v0;
	v11 =	vld [tilespmem:$0x800];
	v2 =	vsel vm3, v2, v38  }
0xcf: {  	v13 =	vor.u32 $0x803, v44;
	v2 =	vsel vm2, v10, v2;
	v10 =	vld [tilespmem:$0xA80]  }
0xd0: {  	[tilespmem:$0x3670] =	vst v2;
	v2 =	vor.u32 $0x804, v44  }
0xd1: {  	[tilespmem:v7+s19+$0x0] =	vst.idx.msk $0xffff, v6;
	v6 =	vor.u32 $0x805, v44;
	v7 =	vld [tilespmem:$0x1FF90]  }
0xd2: {  	[tilespmem:v9+s19+$0x0] =	vst.idx.msk $0xffff, v3  }
0xd3: {  	[tilespmem:v12+s19+$0x0] =	vst.idx.msk $0xffff, v11  }
0xd4: {  	vm13 =	vgt.f32 v4, v43;
	[tilespmem:v13+s19+$0x0] =	vst.idx.msk $0xffff, v10  }
0xd5: {  	vm14 =	veq.f32 v4, v43;
	v9 =	vsel vm13, $0x1, v42;
	[tilespmem:v2+s19+$0x0] =	vst.idx.msk $0xffff, v4  }
0xd6: {  	v11 =	vsel vm14, $0x1, v42;
	(xrf0) =	vadd.scan.msk.s32 $0xffff, v9;
	[tilespmem:v6+s19+$0x0] =	vst.idx.msk $0xffff, v7  }
0xd7: {  	(xrf0) =	vadd.scan.msk.s32 $0xffff, v11;
	v2 =	vld [tilespmem:$0x90];
	_ =	sdelay $0x3  }
0xd8: {  	v9 =	vperm.xlane v5, v49  }
0xd9: {  	v4, _, _ =	vpop (xrf0);
	vm2 =	vgt.f32 v2, v43  }
0xda: {  	v1 =	vadd.s32 v9, v1;
	v5, _, _ =	vpop (xrf0);
	vm3 =	veq.f32 v2, v43;
	v6 =	vsel vm2, $0x1, v42  }
0xdb: {  	v7 =	vperm.xlane v8, v49;
	v3 =	vadd.s32 v5, v1;
	v8 =	vsel vm3, $0x1, v42;
	(xrf0) =	vadd.scan.msk.s32 $0xffff, v6  }
0xdc: {  	v9 =	vor.u32 $0x901, v44;
	vm6 =	vlt.s32 v3, v63;
	v6 =	vld [tilespmem:$0x310];
	(xrf0) =	vadd.scan.msk.s32 $0xffff, v8;
	v8 =	vor.u32 $0x900, v44  }
0xdd: {  	v0 =	vadd.s32 v7, v0;
	v7 =	vld [tilespmem:$0x590];
	v3 =	vadd.s32 v45, v3;
	vm5 =	vmand vm14, vm6  }
0xde: {  	v12 =	vor.u32 $0x902, v44;
	v11 =	vld [tilespmem:$0x810];
	v10 =	vadd.s32 v4, v0;
	v3 =	vsel vm5, v3, v38  }
0xdf: {  	v13 =	vor.u32 $0x903, v44;
	v3 =	vsel vm13, v10, v3;
	v10 =	vld [tilespmem:$0xA90]  }
0xe0: {  	[tilespmem:$0x3680] =	vst v3  }
0xe1: {  	[tilespmem:v8+s19+$0x0] =	vst.idx.msk $0xffff, v6  }
0xe2: {  	[tilespmem:v9+s19+$0x0] =	vst.idx.msk $0xffff, v7  }
0xe3: {  	v3 =	vor.u32 $0x904, v44;
	[tilespmem:v12+s19+$0x0] =	vst.idx.msk $0xffff, v11  }
0xe4: {  	v6 =	vor.u32 $0x905, v44;
	[tilespmem:v13+s19+$0x0] =	vst.idx.msk $0xffff, v10;
	v10 =	vld [tilespmem:$0x1FFA0];
	_ =	sdelay $0x1  }
0xe5: {  	v5 =	vperm.xlane v5, v49  }
0xe6: {  	v14, _, _ =	vpop (xrf0)  }
0xe7: {  	v4 =	vperm.xlane v4, v49;
	v1 =	vadd.s32 v5, v1;
	v8, _, _ =	vpop (xrf0);
	[tilespmem:v3+s19+$0x0] =	vst.idx.msk $0xffff, v2  }
0xe8: {  	v11 =	vadd.s32 v8, v1;
	[tilespmem:v6+s19+$0x0] =	vst.idx.msk $0xffff, v10  }
0xe9: {  	v0 =	vadd.s32 v4, v0;
	vm15 =	vlt.s32 v11, v63;
	v3 =	vld [tilespmem:$0xA0]  }
0xea: {  	v5 =	vor.u32 $0xA00, v44;
	vm3 =	vmand vm3, vm15;
	v2 =	vadd.s32 v45, v11;
	v4 =	vld [tilespmem:$0x320]  }
0xeb: {  	v9 =	vor.u32 $0xA01, v44;
	v2 =	vsel vm3, v2, v38;
	v6 =	vadd.s32 v14, v0;
	v7 =	vld [tilespmem:$0x5A0]  }
0xec: {  	v10 =	vor.u32 $0xA02, v44;
	v2 =	vsel vm2, v6, v2;
	v6 =	vld [tilespmem:$0x820];
	_ =	sdelay $0x1  }
0xed: {  	[tilespmem:$0x3690] =	vst v2;
	vm2 =	vgt.f32 v3, v43  }
0xee: {  	v13 =	vor.u32 $0xA03, v44;
	v12 =	vld [tilespmem:$0xAA0];
	vm3 =	veq.f32 v3, v43;
	[tilespmem:v5+s19+$0x0] =	vst.idx.msk $0xffff, v4;
	v11 =	vsel vm2, $0x1, v42  }
0xef: {  	v2 =	vsel vm3, $0x1, v42;
	[tilespmem:v9+s19+$0x0] =	vst.idx.msk $0xffff, v7;
	(xrf0) =	vadd.scan.msk.s32 $0xffff, v11;
	v11 =	vor.u32 $0xA04, v44  }
0xf0: {  	[tilespmem:v10+s19+$0x0] =	vst.idx.msk $0xffff, v6;
	v10 =	vld [tilespmem:$0x1FFB0];
	(xrf0) =	vadd.scan.msk.s32 $0xffff, v2;
	v2 =	vor.u32 $0xA05, v44;
	_ =	sdelay $0x2  }
0xf1: {  	[tilespmem:v13+s19+$0x0] =	vst.idx.msk $0xffff, v12  }
0xf2: {  	[tilespmem:v11+s19+$0x0] =	vst.idx.msk $0xffff, v3  }
0xf3: {  	v9 =	vperm.xlane v8, v49;
	[tilespmem:v2+s19+$0x0] =	vst.idx.msk $0xffff, v10  }
0xf4: {  	v3, _, _ =	vpop (xrf0);
	v4 =	vld [tilespmem:$0xB0]  }
0xf5: {  	v1 =	vadd.s32 v9, v1;
	v2, _, _ =	vpop (xrf0)  }
0xf6: {  	v11 =	vperm.xlane v14, v49;
	v9 =	vadd.s32 v2, v1  }
0xf7: {  	v8 =	vor.u32 $0xB00, v44;
	v10 =	vor.u32 $0xB01, v44;
	v7 =	vld [tilespmem:$0x330];
	vm8 =	vlt.s32 v9, v63  }
0xf8: {  	v0 =	vadd.s32 v11, v0;
	v6 =	vadd.s32 v45, v9;
	v9 =	vld [tilespmem:$0x5B0];
	vm3 =	vmand vm3, vm8  }
0xf9: {  	v5 =	vadd.s32 v3, v0;
	v6 =	vsel vm3, v6, v38;
	vm3 =	vgt.f32 v4, v43  }
0xfa: {  	v13 =	vor.u32 $0xB02, v44;
	v12 =	vld [tilespmem:$0x830];
	v5 =	vsel vm2, v5, v6;
	v11 =	vsel vm3, $0x1, v42  }
0xfb: {  	v14 =	vor.u32 $0xB03, v44;
	vm9 =	veq.f32 v4, v43;
	[tilespmem:$0x36A0] =	vst v5;
	(xrf0) =	vadd.scan.msk.s32 $0xffff, v11;
	v11 =	vld [tilespmem:$0xAB0]  }
0xfc: {  	v6 =	vsel vm9, $0x1, v42;
	v5 =	vor.u32 $0xB04, v44;
	[tilespmem:v8+s19+$0x0] =	vst.idx.msk $0xffff, v7  }
0xfd: {  	(xrf0) =	vadd.scan.msk.s32 $0xffff, v6;
	v6 =	vor.u32 $0xB05, v44;
	[tilespmem:v10+s19+$0x0] =	vst.idx.msk $0xffff, v9;
	v10 =	vld [tilespmem:$0x1FFC0];
	_ =	sdelay $0x1  }
0xfe: {  	[tilespmem:v13+s19+$0x0] =	vst.idx.msk $0xffff, v12  }
0xff: {  	[tilespmem:v14+s19+$0x0] =	vst.idx.msk $0xffff, v11  }
0x100: {  	v2 =	vperm.xlane v2, v49;
	[tilespmem:v5+s19+$0x0] =	vst.idx.msk $0xffff, v4  }
0x101: {  	v7, _, _ =	vpop (xrf0);
	[tilespmem:v6+s19+$0x0] =	vst.idx.msk $0xffff, v10  }
0x102: {  	v3 =	vperm.xlane v3, v49;
	v1 =	vadd.s32 v2, v1;
	v4, _, _ =	vpop (xrf0);
	v5 =	vld [tilespmem:$0xC0]  }
0x103: {  	v11 =	vadd.s32 v4, v1  }
0x104: {  	v0 =	vadd.s32 v3, v0;
	v6 =	vor.u32 $0xC00, v44;
	v3 =	vld [tilespmem:$0x340];
	vm2 =	vlt.s32 v11, v63  }
0x105: {  	v10 =	vor.u32 $0xC01, v44;
	v9 =	vld [tilespmem:$0x5C0];
	v2 =	vadd.s32 v45, v11;
	vm2 =	vmand vm9, vm2  }
0x106: {  	v8 =	vadd.s32 v7, v0;
	v2 =	vsel vm2, v2, v38  }
0x107: {  	v11 =	vor.u32 $0xC02, v44;
	v2 =	vsel vm3, v8, v2;
	v8 =	vld [tilespmem:$0x840];
	vm2 =	vgt.f32 v5, v43  }
0x108: {  	v14 =	vor.u32 $0xC03, v44;
	v13 =	vld [tilespmem:$0xAC0];
	vm3 =	veq.f32 v5, v43;
	[tilespmem:$0x36B0] =	vst v2;
	v12 =	vsel vm2, $0x1, v42  }
0x109: {  	v2 =	vsel vm3, $0x1, v42;
	[tilespmem:v6+s19+$0x0] =	vst.idx.msk $0xffff, v3;
	(xrf0) =	vadd.scan.msk.s32 $0xffff, v12;
	v12 =	vor.u32 $0xC04, v44  }
0x10a: {  	[tilespmem:v10+s19+$0x0] =	vst.idx.msk $0xffff, v9;
	v9 =	vld [tilespmem:$0x1FFD0];
	(xrf0) =	vadd.scan.msk.s32 $0xffff, v2;
	v2 =	vor.u32 $0xC05, v44;
	_ =	sdelay $0x1  }
0x10b: {  	[tilespmem:v11+s19+$0x0] =	vst.idx.msk $0xffff, v8  }
0x10c: {  	[tilespmem:v14+s19+$0x0] =	vst.idx.msk $0xffff, v13  }
0x10d: {  	[tilespmem:v12+s19+$0x0] =	vst.idx.msk $0xffff, v5  }
0x10e: {  	v8 =	vperm.xlane v4, v49;
	[tilespmem:v2+s19+$0x0] =	vst.idx.msk $0xffff, v9  }
0x10f: {  	v4, _, _ =	vpop (xrf0);
	v3 =	vld [tilespmem:$0xD0]  }
0x110: {  	v10 =	vperm.xlane v7, v49;
	v1 =	vadd.s32 v8, v1;
	v2, _, _ =	vpop (xrf0)  }
0x111: {  	v11 =	vadd.s32 v2, v1  }
0x112: {  	v0 =	vadd.s32 v10, v0;
	vm10 =	vlt.s32 v11, v63  }
0x113: {  	v8 =	vor.u32 $0xD00, v44;
	v7 =	vld [tilespmem:$0x350];
	v6 =	vadd.s32 v45, v11;
	vm3 =	vmand vm3, vm10  }
0x114: {  	v10 =	vor.u32 $0xD01, v44;
	v9 =	vld [tilespmem:$0x5D0];
	v6 =	vsel vm3, v6, v38;
	vm3 =	vgt.f32 v3, v43  }
0x115: {  	v13 =	vor.u32 $0xD02, v44;
	v5 =	vadd.s32 v4, v0;
	v12 =	vld [tilespmem:$0x850];
	v11 =	vsel vm3, $0x1, v42  }
0x116: {  	v14 =	vor.u32 $0xD03, v44;
	vm11 =	veq.f32 v3, v43;
	v5 =	vsel vm2, v5, v6;
	(xrf0) =	vadd.scan.msk.s32 $0xffff, v11;
	v11 =	vld [tilespmem:$0xAD0]  }
0x117: {  	v6 =	vsel vm11, $0x1, v42;
	[tilespmem:$0x36C0] =	vst v5;
	v5 =	vor.u32 $0xD04, v44  }
0x118: {  	[tilespmem:v8+s19+$0x0] =	vst.idx.msk $0xffff, v7;
	v8 =	vld [tilespmem:$0x1FFE0];
	(xrf0) =	vadd.scan.msk.s32 $0xffff, v6;
	v6 =	vor.u32 $0xD05, v44  }
0x119: {  	[tilespmem:v10+s19+$0x0] =	vst.idx.msk $0xffff, v9  }
0x11a: {  	[tilespmem:v13+s19+$0x0] =	vst.idx.msk $0xffff, v12  }
0x11b: {  	[tilespmem:v14+s19+$0x0] =	vst.idx.msk $0xffff, v11  }
0x11c: {  	v2 =	vperm.xlane v2, v49;
	[tilespmem:v5+s19+$0x0] =	vst.idx.msk $0xffff, v3  }
0x11d: {  	v7, _, _ =	vpop (xrf0);
	[tilespmem:v6+s19+$0x0] =	vst.idx.msk $0xffff, v8  }
0x11e: {  	v4 =	vperm.xlane v4, v49;
	v1 =	vadd.s32 v2, v1;
	v3, _, _ =	vpop (xrf0);
	v5 =	vld [tilespmem:$0xE0]  }
0x11f: {  	v9 =	vadd.s32 v3, v1  }
0x120: {  	v0 =	vadd.s32 v4, v0;
	v6 =	vor.u32 $0xE00, v44;
	v4 =	vld [tilespmem:$0x360];
	vm2 =	vlt.s32 v9, v63  }
0x121: {  	v10 =	vor.u32 $0xE01, v44;
	v2 =	vadd.s32 v45, v9;
	v9 =	vld [tilespmem:$0x5E0];
	vm2 =	vmand vm11, vm2  }
0x122: {  	v8 =	vadd.s32 v7, v0;
	v2 =	vsel vm2, v2, v38  }
0x123: {  	v11 =	vor.u32 $0xE02, v44;
	v2 =	vsel vm3, v8, v2;
	v8 =	vld [tilespmem:$0x860];
	vm2 =	vgt.f32 v5, v43  }
0x124: {  	v14 =	vor.u32 $0xE03, v44;
	v13 =	vld [tilespmem:$0xAE0];
	vm3 =	veq.f32 v5, v43;
	[tilespmem:$0x36D0] =	vst v2;
	v12 =	vsel vm2, $0x1, v42  }
0x125: {  	v2 =	vsel vm3, $0x1, v42;
	[tilespmem:v6+s19+$0x0] =	vst.idx.msk $0xffff, v4;
	(xrf0) =	vadd.scan.msk.s32 $0xffff, v12;
	v12 =	vor.u32 $0xE04, v44  }
0x126: {  	[tilespmem:v10+s19+$0x0] =	vst.idx.msk $0xffff, v9;
	v10 =	vld [tilespmem:$0x1FFF0];
	(xrf0) =	vadd.scan.msk.s32 $0xffff, v2;
	v2 =	vor.u32 $0xE05, v44;
	_ =	sdelay $0x1  }
0x127: {  	[tilespmem:v11+s19+$0x0] =	vst.idx.msk $0xffff, v8  }
0x128: {  	[tilespmem:v14+s19+$0x0] =	vst.idx.msk $0xffff, v13  }
0x129: {  	v3 =	vperm.xlane v3, v49;
	[tilespmem:v12+s19+$0x0] =	vst.idx.msk $0xffff, v5  }
0x12a: {  	[tilespmem:v2+s19+$0x0] =	vst.idx.msk $0xffff, v10  }
0x12b: {  	v1 =	vadd.s32 v3, v1;
	v4, _, _ =	vpop (xrf0);
	v3 =	vld [tilespmem:$0xF0]  }
0x12c: {  	v2, _, _ =	vpop (xrf0)  }
0x12d: {  	v11 =	vperm.xlane v7, v49;
	v9 =	vadd.s32 v2, v1  }
0x12e: {  	v8 =	vor.u32 $0xF00, v44;
	vm12 =	vlt.s32 v9, v63  }
0x12f: {  	v0 =	vadd.s32 v11, v0;
	v7 =	vld [tilespmem:$0x370];
	v6 =	vadd.s32 v45, v9;
	vm3 =	vmand vm3, vm12  }
0x130: {  	v10 =	vor.u32 $0xF01, v44;
	v9 =	vld [tilespmem:$0x5F0];
	v6 =	vsel vm3, v6, v38;
	vm3 =	vgt.f32 v3, v43  }
0x131: {  	v13 =	vor.u32 $0xF02, v44;
	v5 =	vadd.s32 v4, v0;
	v12 =	vld [tilespmem:$0x870];
	v11 =	vsel vm3, $0x1, v42  }
0x132: {  	v14 =	vor.u32 $0xF03, v44;
	vm13 =	veq.f32 v3, v43;
	v5 =	vsel vm2, v5, v6;
	(xrf0) =	vadd.scan.msk.s32 $0xffff, v11;
	v11 =	vld [tilespmem:$0xAF0]  }
0x133: {  	v6 =	vsel vm13, $0x1, v42;
	[tilespmem:$0x36E0] =	vst v5;
	v5 =	vor.u32 $0xF04, v44  }
0x134: {  	[tilespmem:v8+s19+$0x0] =	vst.idx.msk $0xffff, v7;
	(xrf0) =	vadd.scan.msk.s32 $0xffff, v6;
	v6 =	vor.u32 $0xF05, v44  }
0x135: {  	[tilespmem:v10+s19+$0x0] =	vst.idx.msk $0xffff, v9  }
0x136: {  	[tilespmem:v13+s19+$0x0] =	vst.idx.msk $0xffff, v12  }
0x137: {  	[tilespmem:v14+s19+$0x0] =	vst.idx.msk $0xffff, v11  }
0x138: {  	v2 =	vperm.xlane v2, v49;
	[tilespmem:v5+s19+$0x0] =	vst.idx.msk $0xffff, v3  }
0x139: {  	v7, _, _ =	vpop (xrf0);
	[tilespmem:v6+s19+$0x0] =	vst.idx.msk $0xffff, v15  }
0x13a: {  	v4 =	vperm.xlane v4, v49;
	v1 =	vadd.s32 v2, v1;
	v3, _, _ =	vpop (xrf0);
	v5 =	vld [tilespmem:$0x100]  }
0x13b: {  	v2 =	vadd.s32 v3, v1  }
0x13c: {  	v0 =	vadd.s32 v4, v0;
	vm2 =	vlt.s32 v2, v63  }
0x13d: {  	v6 =	vor.u32 $0x1000, v44;
	v4 =	vld [tilespmem:$0x380];
	v2 =	vadd.s32 v45, v2;
	vm2 =	vmand vm13, vm2  }
0x13e: {  	v10 =	vor.u32 $0x1001, v44;
	v8 =	vadd.s32 v7, v0;
	v9 =	vld [tilespmem:$0x600];
	v2 =	vsel vm2, v2, v38  }
0x13f: {  	v11 =	vor.u32 $0x1002, v44;
	v2 =	vsel vm3, v8, v2;
	v8 =	vld [tilespmem:$0x880];
	vm2 =	vgt.f32 v5, v43  }
0x140: {  	v14 =	vor.u32 $0x1003, v44;
	v13 =	vld [tilespmem:$0xB00];
	vm3 =	veq.f32 v5, v43;
	v12 =	vsel vm2, $0x1, v42  }
0x141: {  	[tilespmem:$0x36F0] =	vst v2;
	v2 =	vsel vm3, $0x1, v42;
	(xrf0) =	vadd.scan.msk.s32 $0xffff, v12;
	v12 =	vor.u32 $0x1004, v44  }
0x142: {  	[tilespmem:v6+s19+$0x0] =	vst.idx.msk $0xffff, v4;
	(xrf0) =	vadd.scan.msk.s32 $0xffff, v2;
	v2 =	vor.u32 $0x1005, v44  }
0x143: {  	[tilespmem:v10+s19+$0x0] =	vst.idx.msk $0xffff, v9  }
0x144: {  	[tilespmem:v11+s19+$0x0] =	vst.idx.msk $0xffff, v8  }
0x145: {  	[tilespmem:v14+s19+$0x0] =	vst.idx.msk $0xffff, v13  }
0x146: {  	v3 =	vperm.xlane v3, v49;
	[tilespmem:v12+s19+$0x0] =	vst.idx.msk $0xffff, v5  }
0x147: {  	[tilespmem:v2+s19+$0x0] =	vst.idx.msk $0xffff, v16  }
0x148: {  	v1 =	vadd.s32 v3, v1;
	v4, _, _ =	vpop (xrf0);
	v3 =	vld [tilespmem:$0x110]  }
0x149: {  	v10 =	vperm.xlane v7, v49;
	v2, _, _ =	vpop (xrf0)  }
0x14a: {  	v11 =	vadd.s32 v2, v1  }
0x14b: {  	v0 =	vadd.s32 v10, v0;
	vm14 =	vlt.s32 v11, v63  }
0x14c: {  	v8 =	vor.u32 $0x1100, v44;
	v7 =	vld [tilespmem:$0x390];
	v6 =	vadd.s32 v45, v11;
	vm3 =	vmand vm3, vm14  }
0x14d: {  	v10 =	vor.u32 $0x1101, v44;
	v9 =	vld [tilespmem:$0x610];
	v6 =	vsel vm3, v6, v38;
	vm3 =	vgt.f32 v3, v43  }
0x14e: {  	v13 =	vor.u32 $0x1102, v44;
	v5 =	vadd.s32 v4, v0;
	v12 =	vld [tilespmem:$0x890];
	v11 =	vsel vm3, $0x1, v42  }
0x14f: {  	v14 =	vor.u32 $0x1103, v44;
	vm15 =	veq.f32 v3, v43;
	v5 =	vsel vm2, v5, v6;
	(xrf0) =	vadd.scan.msk.s32 $0xffff, v11;
	v11 =	vld [tilespmem:$0xB10]  }
0x150: {  	v6 =	vsel vm15, $0x1, v42;
	[tilespmem:$0x3700] =	vst v5;
	v5 =	vor.u32 $0x1104, v44  }
0x151: {  	[tilespmem:v8+s19+$0x0] =	vst.idx.msk $0xffff, v7;
	(xrf0) =	vadd.scan.msk.s32 $0xffff, v6;
	v6 =	vor.u32 $0x1105, v44  }
0x152: {  	[tilespmem:v10+s19+$0x0] =	vst.idx.msk $0xffff, v9  }
0x153: {  	[tilespmem:v13+s19+$0x0] =	vst.idx.msk $0xffff, v12  }
0x154: {  	[tilespmem:v14+s19+$0x0] =	vst.idx.msk $0xffff, v11  }
0x155: {  	v2 =	vperm.xlane v2, v49;
	[tilespmem:v5+s19+$0x0] =	vst.idx.msk $0xffff, v3  }
0x156: {  	v7, _, _ =	vpop (xrf0);
	[tilespmem:v6+s19+$0x0] =	vst.idx.msk $0xffff, v17  }
0x157: {  	v4 =	vperm.xlane v4, v49;
	v1 =	vadd.s32 v2, v1;
	v3, _, _ =	vpop (xrf0);
	v5 =	vld [tilespmem:$0x120]  }
0x158: {  	v2 =	vadd.s32 v3, v1  }
0x159: {  	v0 =	vadd.s32 v4, v0;
	vm2 =	vlt.s32 v2, v63  }
0x15a: {  	v6 =	vor.u32 $0x1200, v44;
	v4 =	vld [tilespmem:$0x3A0];
	v2 =	vadd.s32 v45, v2;
	vm2 =	vmand vm15, vm2  }
0x15b: {  	v10 =	vor.u32 $0x1201, v44;
	v8 =	vadd.s32 v7, v0;
	v9 =	vld [tilespmem:$0x620];
	v2 =	vsel vm2, v2, v38  }
0x15c: {  	v11 =	vor.u32 $0x1202, v44;
	v2 =	vsel vm3, v8, v2;
	v8 =	vld [tilespmem:$0x8A0];
	vm2 =	vgt.f32 v5, v43  }
0x15d: {  	v14 =	vor.u32 $0x1203, v44;
	v13 =	vld [tilespmem:$0xB20];
	vm3 =	veq.f32 v5, v43;
	v12 =	vsel vm2, $0x1, v42  }
0x15e: {  	[tilespmem:$0x3710] =	vst v2;
	v2 =	vsel vm3, $0x1, v42;
	(xrf0) =	vadd.scan.msk.s32 $0xffff, v12;
	v12 =	vor.u32 $0x1204, v44  }
0x15f: {  	[tilespmem:v6+s19+$0x0] =	vst.idx.msk $0xffff, v4;
	(xrf0) =	vadd.scan.msk.s32 $0xffff, v2;
	v2 =	vor.u32 $0x1205, v44  }
0x160: {  	[tilespmem:v10+s19+$0x0] =	vst.idx.msk $0xffff, v9  }
0x161: {  	[tilespmem:v11+s19+$0x0] =	vst.idx.msk $0xffff, v8  }
0x162: {  	[tilespmem:v14+s19+$0x0] =	vst.idx.msk $0xffff, v13  }
0x163: {  	v3 =	vperm.xlane v3, v49;
	[tilespmem:v12+s19+$0x0] =	vst.idx.msk $0xffff, v5  }
0x164: {  	[tilespmem:v2+s19+$0x0] =	vst.idx.msk $0xffff, v18  }
0x165: {  	v1 =	vadd.s32 v3, v1;
	v4, _, _ =	vpop (xrf0);
	v3 =	vld [tilespmem:$0x130]  }
0x166: {  	v9 =	vperm.xlane v7, v49;
	v2, _, _ =	vpop (xrf0)  }
0x167: {  	v10 =	vadd.s32 v2, v1  }
0x168: {  	v0 =	vadd.s32 v9, v0;
	vm8 =	vlt.s32 v10, v63  }
0x169: {  	v8 =	vor.u32 $0x1300, v44;
	v7 =	vld [tilespmem:$0x3B0];
	v6 =	vadd.s32 v45, v10;
	vm3 =	vmand vm3, vm8  }
0x16a: {  	v9 =	vld [tilespmem:$0x630];
	v10 =	vor.u32 $0x1301, v44;
	v6 =	vsel vm3, v6, v38;
	vm3 =	vgt.f32 v3, v43  }
0x16b: {  	v13 =	vor.u32 $0x1302, v44;
	v5 =	vadd.s32 v4, v0;
	v12 =	vld [tilespmem:$0x8B0];
	v11 =	vsel vm3, $0x1, v42  }
0x16c: {  	v14 =	vor.u32 $0x1303, v44;
	vm9 =	veq.f32 v3, v43;
	v5 =	vsel vm2, v5, v6;
	(xrf0) =	vadd.scan.msk.s32 $0xffff, v11;
	v11 =	vld [tilespmem:$0xB30]  }
0x16d: {  	v6 =	vsel vm9, $0x1, v42;
	[tilespmem:$0x3720] =	vst v5;
	v5 =	vor.u32 $0x1304, v44  }
0x16e: {  	[tilespmem:v8+s19+$0x0] =	vst.idx.msk $0xffff, v7;
	(xrf0) =	vadd.scan.msk.s32 $0xffff, v6;
	v6 =	vor.u32 $0x1305, v44  }
0x16f: {  	[tilespmem:v10+s19+$0x0] =	vst.idx.msk $0xffff, v9  }
0x170: {  	[tilespmem:v13+s19+$0x0] =	vst.idx.msk $0xffff, v12  }
0x171: {  	[tilespmem:v14+s19+$0x0] =	vst.idx.msk $0xffff, v11  }
0x172: {  	v2 =	vperm.xlane v2, v49;
	[tilespmem:v5+s19+$0x0] =	vst.idx.msk $0xffff, v3  }
0x173: {  	v7, _, _ =	vpop (xrf0);
	[tilespmem:v6+s19+$0x0] =	vst.idx.msk $0xffff, v19  }
0x174: {  	v4 =	vperm.xlane v4, v49;
	v1 =	vadd.s32 v2, v1;
	v3, _, _ =	vpop (xrf0);
	v5 =	vld [tilespmem:$0x140]  }
0x175: {  	v2 =	vadd.s32 v3, v1  }
0x176: {  	v0 =	vadd.s32 v4, v0;
	vm2 =	vlt.s32 v2, v63  }
0x177: {  	v6 =	vor.u32 $0x1400, v44;
	v4 =	vld [tilespmem:$0x3C0];
	v2 =	vadd.s32 v45, v2;
	vm2 =	vmand vm9, vm2  }
0x178: {  	v10 =	vor.u32 $0x1401, v44;
	v8 =	vadd.s32 v7, v0;
	v9 =	vld [tilespmem:$0x640];
	v2 =	vsel vm2, v2, v38  }
0x179: {  	v11 =	vor.u32 $0x1402, v44;
	v2 =	vsel vm3, v8, v2;
	v8 =	vld [tilespmem:$0x8C0];
	vm2 =	vgt.f32 v5, v43  }
0x17a: {  	v14 =	vor.u32 $0x1403, v44;
	v13 =	vld [tilespmem:$0xB40];
	vm3 =	veq.f32 v5, v43;
	v12 =	vsel vm2, $0x1, v42  }
0x17b: {  	[tilespmem:$0x3730] =	vst v2;
	v2 =	vsel vm3, $0x1, v42;
	(xrf0) =	vadd.scan.msk.s32 $0xffff, v12;
	v12 =	vor.u32 $0x1404, v44  }
0x17c: {  	[tilespmem:v6+s19+$0x0] =	vst.idx.msk $0xffff, v4;
	(xrf0) =	vadd.scan.msk.s32 $0xffff, v2;
	v2 =	vor.u32 $0x1405, v44  }
0x17d: {  	[tilespmem:v10+s19+$0x0] =	vst.idx.msk $0xffff, v9  }
0x17e: {  	[tilespmem:v11+s19+$0x0] =	vst.idx.msk $0xffff, v8  }
0x17f: {  	[tilespmem:v14+s19+$0x0] =	vst.idx.msk $0xffff, v13  }
0x180: {  	v3 =	vperm.xlane v3, v49;
	[tilespmem:v12+s19+$0x0] =	vst.idx.msk $0xffff, v5  }
0x181: {  	[tilespmem:v2+s19+$0x0] =	vst.idx.msk $0xffff, v20  }
0x182: {  	v1 =	vadd.s32 v3, v1;
	v4, _, _ =	vpop (xrf0);
	v3 =	vld [tilespmem:$0x150]  }
0x183: {  	v2, _, _ =	vpop (xrf0)  }
0x184: {  	v9 =	vadd.s32 v2, v1  }
0x185: {  	v10 =	vor.u32 $0x1501, v44;
	v11 =	vperm.xlane v7, v49;
	vm10 =	vlt.s32 v9, v63  }
0x186: {  	v8 =	vor.u32 $0x1500, v44;
	v7 =	vld [tilespmem:$0x3D0];
	v6 =	vadd.s32 v45, v9;
	vm3 =	vmand vm3, vm10  }
0x187: {  	v0 =	vadd.s32 v11, v0;
	v9 =	vld [tilespmem:$0x650];
	v6 =	vsel vm3, v6, v38;
	vm3 =	vgt.f32 v3, v43  }
0x188: {  	v13 =	vor.u32 $0x1502, v44;
	v5 =	vadd.s32 v4, v0;
	v12 =	vld [tilespmem:$0x8D0];
	v11 =	vsel vm3, $0x1, v42  }
0x189: {  	v14 =	vor.u32 $0x1503, v44;
	vm11 =	veq.f32 v3, v43;
	v5 =	vsel vm2, v5, v6;
	(xrf0) =	vadd.scan.msk.s32 $0xffff, v11;
	v11 =	vld [tilespmem:$0xB50]  }
0x18a: {  	v6 =	vsel vm11, $0x1, v42;
	[tilespmem:$0x3740] =	vst v5;
	v5 =	vor.u32 $0x1504, v44  }
0x18b: {  	[tilespmem:v8+s19+$0x0] =	vst.idx.msk $0xffff, v7;
	(xrf0) =	vadd.scan.msk.s32 $0xffff, v6;
	v6 =	vor.u32 $0x1505, v44  }
0x18c: {  	[tilespmem:v10+s19+$0x0] =	vst.idx.msk $0xffff, v9  }
0x18d: {  	[tilespmem:v13+s19+$0x0] =	vst.idx.msk $0xffff, v12  }
0x18e: {  	[tilespmem:v14+s19+$0x0] =	vst.idx.msk $0xffff, v11  }
0x18f: {  	v2 =	vperm.xlane v2, v49;
	[tilespmem:v5+s19+$0x0] =	vst.idx.msk $0xffff, v3  }
0x190: {  	v7, _, _ =	vpop (xrf0);
	[tilespmem:v6+s19+$0x0] =	vst.idx.msk $0xffff, v21  }
0x191: {  	v4 =	vperm.xlane v4, v49;
	v1 =	vadd.s32 v2, v1;
	v3, _, _ =	vpop (xrf0);
	v5 =	vld [tilespmem:$0x160]  }
0x192: {  	v2 =	vadd.s32 v3, v1  }
0x193: {  	v0 =	vadd.s32 v4, v0;
	vm2 =	vlt.s32 v2, v63  }
0x194: {  	v6 =	vor.u32 $0x1600, v44;
	v4 =	vld [tilespmem:$0x3E0];
	v2 =	vadd.s32 v45, v2;
	vm2 =	vmand vm11, vm2  }
0x195: {  	v10 =	vor.u32 $0x1601, v44;
	v8 =	vadd.s32 v7, v0;
	v9 =	vld [tilespmem:$0x660];
	v2 =	vsel vm2, v2, v38  }
0x196: {  	v11 =	vor.u32 $0x1602, v44;
	v2 =	vsel vm3, v8, v2;
	v8 =	vld [tilespmem:$0x8E0];
	vm2 =	vgt.f32 v5, v43  }
0x197: {  	v14 =	vor.u32 $0x1603, v44;
	v13 =	vld [tilespmem:$0xB60];
	vm3 =	veq.f32 v5, v43;
	v12 =	vsel vm2, $0x1, v42  }
0x198: {  	[tilespmem:$0x3750] =	vst v2;
	v2 =	vsel vm3, $0x1, v42;
	(xrf0) =	vadd.scan.msk.s32 $0xffff, v12;
	v12 =	vor.u32 $0x1604, v44  }
0x199: {  	[tilespmem:v6+s19+$0x0] =	vst.idx.msk $0xffff, v4;
	(xrf0) =	vadd.scan.msk.s32 $0xffff, v2;
	v2 =	vor.u32 $0x1605, v44  }
0x19a: {  	[tilespmem:v10+s19+$0x0] =	vst.idx.msk $0xffff, v9  }
0x19b: {  	[tilespmem:v11+s19+$0x0] =	vst.idx.msk $0xffff, v8  }
0x19c: {  	[tilespmem:v14+s19+$0x0] =	vst.idx.msk $0xffff, v13  }
0x19d: {  	v3 =	vperm.xlane v3, v49;
	[tilespmem:v12+s19+$0x0] =	vst.idx.msk $0xffff, v5  }
0x19e: {  	[tilespmem:v2+s19+$0x0] =	vst.idx.msk $0xffff, v22  }
0x19f: {  	v1 =	vadd.s32 v3, v1;
	v4, _, _ =	vpop (xrf0);
	v3 =	vld [tilespmem:$0x170]  }
0x1a0: {  	v10 =	vperm.xlane v7, v49;
	v2, _, _ =	vpop (xrf0)  }
0x1a1: {  	v11 =	vadd.s32 v2, v1  }
0x1a2: {  	v0 =	vadd.s32 v10, v0;
	vm12 =	vlt.s32 v11, v63  }
0x1a3: {  	v8 =	vor.u32 $0x1700, v44;
	v7 =	vld [tilespmem:$0x3F0];
	v6 =	vadd.s32 v45, v11;
	vm3 =	vmand vm3, vm12  }
0x1a4: {  	v10 =	vor.u32 $0x1701, v44;
	v9 =	vld [tilespmem:$0x670];
	v6 =	vsel vm3, v6, v38;
	vm3 =	vgt.f32 v3, v43  }
0x1a5: {  	v13 =	vor.u32 $0x1702, v44;
	v5 =	vadd.s32 v4, v0;
	v12 =	vld [tilespmem:$0x8F0];
	v11 =	vsel vm3, $0x1, v42  }
0x1a6: {  	v14 =	vor.u32 $0x1703, v44;
	vm13 =	veq.f32 v3, v43;
	v5 =	vsel vm2, v5, v6;
	(xrf0) =	vadd.scan.msk.s32 $0xffff, v11;
	v11 =	vld [tilespmem:$0xB70]  }
0x1a7: {  	v6 =	vsel vm13, $0x1, v42;
	[tilespmem:$0x3760] =	vst v5;
	v5 =	vor.u32 $0x1704, v44  }
0x1a8: {  	[tilespmem:v8+s19+$0x0] =	vst.idx.msk $0xffff, v7;
	(xrf0) =	vadd.scan.msk.s32 $0xffff, v6;
	v6 =	vor.u32 $0x1705, v44  }
0x1a9: {  	[tilespmem:v10+s19+$0x0] =	vst.idx.msk $0xffff, v9  }
0x1aa: {  	[tilespmem:v13+s19+$0x0] =	vst.idx.msk $0xffff, v12  }
0x1ab: {  	[tilespmem:v14+s19+$0x0] =	vst.idx.msk $0xffff, v11  }
0x1ac: {  	v2 =	vperm.xlane v2, v49;
	[tilespmem:v5+s19+$0x0] =	vst.idx.msk $0xffff, v3  }
0x1ad: {  	v7, _, _ =	vpop (xrf0);
	[tilespmem:v6+s19+$0x0] =	vst.idx.msk $0xffff, v23  }
0x1ae: {  	v4 =	vperm.xlane v4, v49;
	v1 =	vadd.s32 v2, v1;
	v3, _, _ =	vpop (xrf0);
	v5 =	vld [tilespmem:$0x180]  }
0x1af: {  	v2 =	vadd.s32 v3, v1  }
0x1b0: {  	v0 =	vadd.s32 v4, v0;
	vm2 =	vlt.s32 v2, v63  }
0x1b1: {  	v6 =	vor.u32 $0x1800, v44;
	v4 =	vld [tilespmem:$0x400];
	v2 =	vadd.s32 v45, v2;
	vm2 =	vmand vm13, vm2  }
0x1b2: {  	v10 =	vor.u32 $0x1801, v44;
	v8 =	vadd.s32 v7, v0;
	v9 =	vld [tilespmem:$0x680];
	v2 =	vsel vm2, v2, v38  }
0x1b3: {  	v11 =	vor.u32 $0x1802, v44;
	v2 =	vsel vm3, v8, v2;
	v8 =	vld [tilespmem:$0x900];
	vm2 =	vgt.f32 v5, v43  }
0x1b4: {  	v14 =	vor.u32 $0x1803, v44;
	v13 =	vld [tilespmem:$0xB80];
	vm3 =	veq.f32 v5, v43;
	v12 =	vsel vm2, $0x1, v42  }
0x1b5: {  	[tilespmem:$0x3770] =	vst v2;
	v2 =	vsel vm3, $0x1, v42;
	(xrf0) =	vadd.scan.msk.s32 $0xffff, v12;
	v12 =	vor.u32 $0x1804, v44  }
0x1b6: {  	[tilespmem:v6+s19+$0x0] =	vst.idx.msk $0xffff, v4;
	(xrf0) =	vadd.scan.msk.s32 $0xffff, v2;
	v2 =	vor.u32 $0x1805, v44  }
0x1b7: {  	[tilespmem:v10+s19+$0x0] =	vst.idx.msk $0xffff, v9  }
0x1b8: {  	[tilespmem:v11+s19+$0x0] =	vst.idx.msk $0xffff, v8  }
0x1b9: {  	[tilespmem:v14+s19+$0x0] =	vst.idx.msk $0xffff, v13  }
0x1ba: {  	v3 =	vperm.xlane v3, v49;
	[tilespmem:v12+s19+$0x0] =	vst.idx.msk $0xffff, v5  }
0x1bb: {  	[tilespmem:v2+s19+$0x0] =	vst.idx.msk $0xffff, v24  }
0x1bc: {  	v1 =	vadd.s32 v3, v1;
	v4, _, _ =	vpop (xrf0);
	v3 =	vld [tilespmem:$0x190]  }
0x1bd: {  	v9 =	vperm.xlane v7, v49;
	v2, _, _ =	vpop (xrf0)  }
0x1be: {  	v10 =	vadd.s32 v2, v1  }
0x1bf: {  	v0 =	vadd.s32 v9, v0;
	vm14 =	vlt.s32 v10, v63  }
0x1c0: {  	v8 =	vor.u32 $0x1900, v44;
	v7 =	vld [tilespmem:$0x410];
	v6 =	vadd.s32 v45, v10;
	vm3 =	vmand vm3, vm14  }
0x1c1: {  	v9 =	vld [tilespmem:$0x690];
	v10 =	vor.u32 $0x1901, v44;
	v6 =	vsel vm3, v6, v38;
	vm3 =	vgt.f32 v3, v43  }
0x1c2: {  	v13 =	vor.u32 $0x1902, v44;
	v5 =	vadd.s32 v4, v0;
	v12 =	vld [tilespmem:$0x910];
	v11 =	vsel vm3, $0x1, v42  }
0x1c3: {  	v14 =	vor.u32 $0x1903, v44;
	vm15 =	veq.f32 v3, v43;
	v5 =	vsel vm2, v5, v6;
	(xrf0) =	vadd.scan.msk.s32 $0xffff, v11;
	v11 =	vld [tilespmem:$0xB90]  }
0x1c4: {  	v6 =	vsel vm15, $0x1, v42;
	[tilespmem:$0x3780] =	vst v5;
	v5 =	vor.u32 $0x1904, v44  }
0x1c5: {  	[tilespmem:v8+s19+$0x0] =	vst.idx.msk $0xffff, v7;
	(xrf0) =	vadd.scan.msk.s32 $0xffff, v6;
	v6 =	vor.u32 $0x1905, v44  }
0x1c6: {  	[tilespmem:v10+s19+$0x0] =	vst.idx.msk $0xffff, v9  }
0x1c7: {  	[tilespmem:v13+s19+$0x0] =	vst.idx.msk $0xffff, v12  }
0x1c8: {  	[tilespmem:v14+s19+$0x0] =	vst.idx.msk $0xffff, v11  }
0x1c9: {  	v2 =	vperm.xlane v2, v49;
	[tilespmem:v5+s19+$0x0] =	vst.idx.msk $0xffff, v3  }
0x1ca: {  	v7, _, _ =	vpop (xrf0);
	[tilespmem:v6+s19+$0x0] =	vst.idx.msk $0xffff, v25  }
0x1cb: {  	v4 =	vperm.xlane v4, v49;
	v1 =	vadd.s32 v2, v1;
	v3, _, _ =	vpop (xrf0);
	v5 =	vld [tilespmem:$0x1A0]  }
0x1cc: {  	v2 =	vadd.s32 v3, v1  }
0x1cd: {  	v0 =	vadd.s32 v4, v0;
	vm2 =	vlt.s32 v2, v63  }
0x1ce: {  	v6 =	vor.u32 $0x1A00, v44;
	v4 =	vld [tilespmem:$0x420];
	v2 =	vadd.s32 v45, v2;
	vm2 =	vmand vm15, vm2  }
0x1cf: {  	v10 =	vor.u32 $0x1A01, v44;
	v8 =	vadd.s32 v7, v0;
	v9 =	vld [tilespmem:$0x6A0];
	v2 =	vsel vm2, v2, v38  }
0x1d0: {  	v11 =	vor.u32 $0x1A02, v44;
	v2 =	vsel vm3, v8, v2;
	v8 =	vld [tilespmem:$0x920];
	vm2 =	vgt.f32 v5, v43  }
0x1d1: {  	v14 =	vor.u32 $0x1A03, v44;
	v13 =	vld [tilespmem:$0xBA0];
	vm3 =	veq.f32 v5, v43;
	v12 =	vsel vm2, $0x1, v42  }
0x1d2: {  	[tilespmem:$0x3790] =	vst v2;
	v2 =	vsel vm3, $0x1, v42;
	(xrf0) =	vadd.scan.msk.s32 $0xffff, v12;
	v12 =	vor.u32 $0x1A04, v44  }
0x1d3: {  	[tilespmem:v6+s19+$0x0] =	vst.idx.msk $0xffff, v4;
	(xrf0) =	vadd.scan.msk.s32 $0xffff, v2;
	v2 =	vor.u32 $0x1A05, v44  }
0x1d4: {  	[tilespmem:v10+s19+$0x0] =	vst.idx.msk $0xffff, v9  }
0x1d5: {  	[tilespmem:v11+s19+$0x0] =	vst.idx.msk $0xffff, v8  }
0x1d6: {  	[tilespmem:v14+s19+$0x0] =	vst.idx.msk $0xffff, v13  }
0x1d7: {  	v3 =	vperm.xlane v3, v49;
	[tilespmem:v12+s19+$0x0] =	vst.idx.msk $0xffff, v5  }
0x1d8: {  	[tilespmem:v2+s19+$0x0] =	vst.idx.msk $0xffff, v26  }
0x1d9: {  	v1 =	vadd.s32 v3, v1;
	v4, _, _ =	vpop (xrf0);
	v3 =	vld [tilespmem:$0x1B0]  }
0x1da: {  	v2, _, _ =	vpop (xrf0)  }
0x1db: {  	v9 =	vadd.s32 v2, v1  }
0x1dc: {  	v10 =	vor.u32 $0x1B01, v44;
	v11 =	vperm.xlane v7, v49;
	vm8 =	vlt.s32 v9, v63  }
0x1dd: {  	v8 =	vor.u32 $0x1B00, v44;
	v7 =	vld [tilespmem:$0x430];
	v6 =	vadd.s32 v45, v9;
	vm3 =	vmand vm3, vm8  }
0x1de: {  	v0 =	vadd.s32 v11, v0;
	v9 =	vld [tilespmem:$0x6B0];
	v6 =	vsel vm3, v6, v38;
	vm3 =	vgt.f32 v3, v43  }
0x1df: {  	v13 =	vor.u32 $0x1B02, v44;
	v5 =	vadd.s32 v4, v0;
	v12 =	vld [tilespmem:$0x930];
	v11 =	vsel vm3, $0x1, v42  }
0x1e0: {  	v14 =	vor.u32 $0x1B03, v44;
	vm9 =	veq.f32 v3, v43;
	v5 =	vsel vm2, v5, v6;
	(xrf0) =	vadd.scan.msk.s32 $0xffff, v11;
	v11 =	vld [tilespmem:$0xBB0]  }
0x1e1: {  	v6 =	vsel vm9, $0x1, v42;
	[tilespmem:$0x37A0] =	vst v5;
	v5 =	vor.u32 $0x1B04, v44  }
0x1e2: {  	[tilespmem:v8+s19+$0x0] =	vst.idx.msk $0xffff, v7;
	(xrf0) =	vadd.scan.msk.s32 $0xffff, v6;
	v6 =	vor.u32 $0x1B05, v44  }
0x1e3: {  	[tilespmem:v10+s19+$0x0] =	vst.idx.msk $0xffff, v9  }
0x1e4: {  	[tilespmem:v13+s19+$0x0] =	vst.idx.msk $0xffff, v12  }
0x1e5: {  	[tilespmem:v14+s19+$0x0] =	vst.idx.msk $0xffff, v11  }
0x1e6: {  	v2 =	vperm.xlane v2, v49;
	[tilespmem:v5+s19+$0x0] =	vst.idx.msk $0xffff, v3  }
0x1e7: {  	v7, _, _ =	vpop (xrf0);
	[tilespmem:v6+s19+$0x0] =	vst.idx.msk $0xffff, v27  }
0x1e8: {  	v4 =	vperm.xlane v4, v49;
	v1 =	vadd.s32 v2, v1;
	v3, _, _ =	vpop (xrf0);
	v5 =	vld [tilespmem:$0x1C0]  }
0x1e9: {  	v2 =	vadd.s32 v3, v1  }
0x1ea: {  	v0 =	vadd.s32 v4, v0;
	vm2 =	vlt.s32 v2, v63  }
0x1eb: {  	v6 =	vor.u32 $0x1C00, v44;
	v4 =	vld [tilespmem:$0x440];
	v2 =	vadd.s32 v45, v2;
	vm2 =	vmand vm9, vm2  }
0x1ec: {  	v10 =	vor.u32 $0x1C01, v44;
	v8 =	vadd.s32 v7, v0;
	v9 =	vld [tilespmem:$0x6C0];
	v2 =	vsel vm2, v2, v38  }
0x1ed: {  	v11 =	vor.u32 $0x1C02, v44;
	v2 =	vsel vm3, v8, v2;
	v8 =	vld [tilespmem:$0x940];
	vm2 =	vgt.f32 v5, v43  }
0x1ee: {  	v14 =	vor.u32 $0x1C03, v44;
	v13 =	vld [tilespmem:$0xBC0];
	vm3 =	veq.f32 v5, v43;
	v12 =	vsel vm2, $0x1, v42  }
0x1ef: {  	[tilespmem:$0x37B0] =	vst v2;
	v2 =	vsel vm3, $0x1, v42;
	(xrf0) =	vadd.scan.msk.s32 $0xffff, v12;
	v12 =	vor.u32 $0x1C04, v44  }
0x1f0: {  	[tilespmem:v6+s19+$0x0] =	vst.idx.msk $0xffff, v4;
	(xrf0) =	vadd.scan.msk.s32 $0xffff, v2;
	v2 =	vor.u32 $0x1C05, v44  }
0x1f1: {  	[tilespmem:v10+s19+$0x0] =	vst.idx.msk $0xffff, v9  }
0x1f2: {  	[tilespmem:v11+s19+$0x0] =	vst.idx.msk $0xffff, v8  }
0x1f3: {  	[tilespmem:v14+s19+$0x0] =	vst.idx.msk $0xffff, v13  }
0x1f4: {  	v3 =	vperm.xlane v3, v49;
	[tilespmem:v12+s19+$0x0] =	vst.idx.msk $0xffff, v5  }
0x1f5: {  	[tilespmem:v2+s19+$0x0] =	vst.idx.msk $0xffff, v28  }
0x1f6: {  	v1 =	vadd.s32 v3, v1;
	v4, _, _ =	vpop (xrf0);
	v3 =	vld [tilespmem:$0x1D0]  }
0x1f7: {  	v10 =	vperm.xlane v7, v49;
	v2, _, _ =	vpop (xrf0)  }
0x1f8: {  	v11 =	vadd.s32 v2, v1  }
0x1f9: {  	v0 =	vadd.s32 v10, v0;
	vm10 =	vlt.s32 v11, v63  }
0x1fa: {  	v8 =	vor.u32 $0x1D00, v44;
	v7 =	vld [tilespmem:$0x450];
	v6 =	vadd.s32 v45, v11;
	vm3 =	vmand vm3, vm10  }
0x1fb: {  	v10 =	vor.u32 $0x1D01, v44;
	v9 =	vld [tilespmem:$0x6D0];
	v6 =	vsel vm3, v6, v38;
	vm3 =	vgt.f32 v3, v43  }
0x1fc: {  	v13 =	vor.u32 $0x1D02, v44;
	v5 =	vadd.s32 v4, v0;
	v12 =	vld [tilespmem:$0x950];
	v11 =	vsel vm3, $0x1, v42  }
0x1fd: {  	v14 =	vor.u32 $0x1D03, v44;
	vm11 =	veq.f32 v3, v43;
	v5 =	vsel vm2, v5, v6;
	(xrf0) =	vadd.scan.msk.s32 $0xffff, v11;
	v11 =	vld [tilespmem:$0xBD0]  }
0x1fe: {  	v6 =	vsel vm11, $0x1, v42;
	[tilespmem:$0x37C0] =	vst v5;
	v5 =	vor.u32 $0x1D04, v44  }
0x1ff: {  	[tilespmem:v8+s19+$0x0] =	vst.idx.msk $0xffff, v7;
	(xrf0) =	vadd.scan.msk.s32 $0xffff, v6;
	v6 =	vor.u32 $0x1D05, v44  }
0x200: {  	[tilespmem:v10+s19+$0x0] =	vst.idx.msk $0xffff, v9  }
0x201: {  	[tilespmem:v13+s19+$0x0] =	vst.idx.msk $0xffff, v12  }
0x202: {  	[tilespmem:v14+s19+$0x0] =	vst.idx.msk $0xffff, v11  }
0x203: {  	v2 =	vperm.xlane v2, v49;
	[tilespmem:v5+s19+$0x0] =	vst.idx.msk $0xffff, v3  }
0x204: {  	v7, _, _ =	vpop (xrf0);
	[tilespmem:v6+s19+$0x0] =	vst.idx.msk $0xffff, v29  }
0x205: {  	v4 =	vperm.xlane v4, v49;
	v1 =	vadd.s32 v2, v1;
	v3, _, _ =	vpop (xrf0);
	v5 =	vld [tilespmem:$0x1E0]  }
0x206: {  	v2 =	vadd.s32 v3, v1  }
0x207: {  	v0 =	vadd.s32 v4, v0;
	vm2 =	vlt.s32 v2, v63  }
0x208: {  	v6 =	vor.u32 $0x1E00, v44;
	v4 =	vld [tilespmem:$0x460];
	v2 =	vadd.s32 v45, v2;
	vm2 =	vmand vm11, vm2  }
0x209: {  	v10 =	vor.u32 $0x1E01, v44;
	v8 =	vadd.s32 v7, v0;
	v9 =	vld [tilespmem:$0x6E0];
	v2 =	vsel vm2, v2, v38  }
0x20a: {  	v11 =	vor.u32 $0x1E02, v44;
	v2 =	vsel vm3, v8, v2;
	v8 =	vld [tilespmem:$0x960];
	vm2 =	vgt.f32 v5, v43  }
0x20b: {  	v14 =	vor.u32 $0x1E03, v44;
	v13 =	vld [tilespmem:$0xBE0];
	vm3 =	veq.f32 v5, v43;
	v12 =	vsel vm2, $0x1, v42  }
0x20c: {  	[tilespmem:$0x37D0] =	vst v2;
	v2 =	vsel vm3, $0x1, v42;
	(xrf0) =	vadd.scan.msk.s32 $0xffff, v12;
	v12 =	vor.u32 $0x1E04, v44  }
0x20d: {  	[tilespmem:v6+s19+$0x0] =	vst.idx.msk $0xffff, v4;
	(xrf0) =	vadd.scan.msk.s32 $0xffff, v2;
	v2 =	vor.u32 $0x1E05, v44  }
0x20e: {  	[tilespmem:v10+s19+$0x0] =	vst.idx.msk $0xffff, v9  }
0x20f: {  	[tilespmem:v11+s19+$0x0] =	vst.idx.msk $0xffff, v8  }
0x210: {  	[tilespmem:v14+s19+$0x0] =	vst.idx.msk $0xffff, v13  }
0x211: {  	v3 =	vperm.xlane v3, v49;
	[tilespmem:v12+s19+$0x0] =	vst.idx.msk $0xffff, v5  }
0x212: {  	[tilespmem:v2+s19+$0x0] =	vst.idx.msk $0xffff, v30  }
0x213: {  	v1 =	vadd.s32 v3, v1;
	v4, _, _ =	vpop (xrf0);
	v3 =	vld [tilespmem:$0x1F0]  }
0x214: {  	v9 =	vperm.xlane v7, v49;
	v2, _, _ =	vpop (xrf0)  }
0x215: {  	v10 =	vadd.s32 v2, v1  }
0x216: {  	v0 =	vadd.s32 v9, v0;
	vm12 =	vlt.s32 v10, v63  }
0x217: {  	v8 =	vor.u32 $0x1F00, v44;
	v7 =	vld [tilespmem:$0x470];
	v6 =	vadd.s32 v45, v10;
	vm3 =	vmand vm3, vm12  }
0x218: {  	v9 =	vld [tilespmem:$0x6F0];
	v10 =	vor.u32 $0x1F01, v44;
	v6 =	vsel vm3, v6, v38;
	vm3 =	vgt.f32 v3, v43  }
0x219: {  	v13 =	vor.u32 $0x1F02, v44;
	v5 =	vadd.s32 v4, v0;
	v12 =	vld [tilespmem:$0x970];
	v11 =	vsel vm3, $0x1, v42  }
0x21a: {  	v14 =	vor.u32 $0x1F03, v44;
	vm13 =	veq.f32 v3, v43;
	v5 =	vsel vm2, v5, v6;
	(xrf0) =	vadd.scan.msk.s32 $0xffff, v11;
	v11 =	vld [tilespmem:$0xBF0]  }
0x21b: {  	v6 =	vsel vm13, $0x1, v42;
	[tilespmem:$0x37E0] =	vst v5;
	v5 =	vor.u32 $0x1F04, v44  }
0x21c: {  	[tilespmem:v8+s19+$0x0] =	vst.idx.msk $0xffff, v7;
	(xrf0) =	vadd.scan.msk.s32 $0xffff, v6;
	v6 =	vor.u32 $0x1F05, v44  }
0x21d: {  	[tilespmem:v10+s19+$0x0] =	vst.idx.msk $0xffff, v9  }
0x21e: {  	[tilespmem:v13+s19+$0x0] =	vst.idx.msk $0xffff, v12  }
0x21f: {  	[tilespmem:v14+s19+$0x0] =	vst.idx.msk $0xffff, v11  }
0x220: {  	v2 =	vperm.xlane v2, v49;
	[tilespmem:v5+s19+$0x0] =	vst.idx.msk $0xffff, v3  }
0x221: {  	v7, _, _ =	vpop (xrf0);
	[tilespmem:v6+s19+$0x0] =	vst.idx.msk $0xffff, v31  }
0x222: {  	v4 =	vperm.xlane v4, v49;
	v1 =	vadd.s32 v2, v1;
	v3, _, _ =	vpop (xrf0);
	v5 =	vld [tilespmem:$0x200]  }
0x223: {  	v2 =	vadd.s32 v3, v1  }
0x224: {  	v0 =	vadd.s32 v4, v0;
	vm2 =	vlt.s32 v2, v63  }
0x225: {  	v6 =	vor.u32 $0x2000, v44;
	v4 =	vld [tilespmem:$0x480];
	v2 =	vadd.s32 v45, v2;
	vm2 =	vmand vm13, vm2  }
0x226: {  	v10 =	vor.u32 $0x2001, v44;
	v8 =	vadd.s32 v7, v0;
	v9 =	vld [tilespmem:$0x700];
	v2 =	vsel vm2, v2, v38  }
0x227: {  	v11 =	vor.u32 $0x2002, v44;
	v2 =	vsel vm3, v8, v2;
	v8 =	vld [tilespmem:$0x980];
	vm2 =	vgt.f32 v5, v43  }
0x228: {  	v14 =	vor.u32 $0x2003, v44;
	v13 =	vld [tilespmem:$0xC00];
	vm3 =	veq.f32 v5, v43;
	v12 =	vsel vm2, $0x1, v42  }
0x229: {  	[tilespmem:$0x37F0] =	vst v2;
	v2 =	vsel vm3, $0x1, v42;
	(xrf0) =	vadd.scan.msk.s32 $0xffff, v12;
	v12 =	vor.u32 $0x2004, v44  }
0x22a: {  	[tilespmem:v6+s19+$0x0] =	vst.idx.msk $0xffff, v4;
	(xrf0) =	vadd.scan.msk.s32 $0xffff, v2;
	v2 =	vor.u32 $0x2005, v44  }
0x22b: {  	[tilespmem:v10+s19+$0x0] =	vst.idx.msk $0xffff, v9  }
0x22c: {  	[tilespmem:v11+s19+$0x0] =	vst.idx.msk $0xffff, v8  }
0x22d: {  	[tilespmem:v14+s19+$0x0] =	vst.idx.msk $0xffff, v13  }
0x22e: {  	v3 =	vperm.xlane v3, v49;
	[tilespmem:v12+s19+$0x0] =	vst.idx.msk $0xffff, v5  }
0x22f: {  	[tilespmem:v2+s19+$0x0] =	vst.idx.msk $0xffff, v32  }
0x230: {  	v1 =	vadd.s32 v3, v1;
	v4, _, _ =	vpop (xrf0);
	v3 =	vld [tilespmem:$0x210]  }
0x231: {  	v2, _, _ =	vpop (xrf0)  }
0x232: {  	v9 =	vadd.s32 v2, v1  }
0x233: {  	v10 =	vor.u32 $0x2101, v44;
	v11 =	vperm.xlane v7, v49;
	vm14 =	vlt.s32 v9, v63  }
0x234: {  	v8 =	vor.u32 $0x2100, v44;
	v7 =	vld [tilespmem:$0x490];
	v6 =	vadd.s32 v45, v9;
	vm3 =	vmand vm3, vm14  }
0x235: {  	v0 =	vadd.s32 v11, v0;
	v9 =	vld [tilespmem:$0x710];
	v6 =	vsel vm3, v6, v38;
	vm3 =	vgt.f32 v3, v43  }
0x236: {  	v13 =	vor.u32 $0x2102, v44;
	v5 =	vadd.s32 v4, v0;
	v12 =	vld [tilespmem:$0x990];
	v11 =	vsel vm3, $0x1, v42  }
0x237: {  	v14 =	vor.u32 $0x2103, v44;
	vm15 =	veq.f32 v3, v43;
	v5 =	vsel vm2, v5, v6;
	(xrf0) =	vadd.scan.msk.s32 $0xffff, v11;
	v11 =	vld [tilespmem:$0xC10]  }
0x238: {  	v6 =	vsel vm15, $0x1, v42;
	[tilespmem:$0x3800] =	vst v5;
	v5 =	vor.u32 $0x2104, v44  }
0x239: {  	[tilespmem:v8+s19+$0x0] =	vst.idx.msk $0xffff, v7;
	(xrf0) =	vadd.scan.msk.s32 $0xffff, v6;
	v6 =	vor.u32 $0x2105, v44  }
0x23a: {  	[tilespmem:v10+s19+$0x0] =	vst.idx.msk $0xffff, v9  }
0x23b: {  	[tilespmem:v13+s19+$0x0] =	vst.idx.msk $0xffff, v12  }
0x23c: {  	[tilespmem:v14+s19+$0x0] =	vst.idx.msk $0xffff, v11  }
0x23d: {  	v2 =	vperm.xlane v2, v49;
	[tilespmem:v5+s19+$0x0] =	vst.idx.msk $0xffff, v3  }
0x23e: {  	v7, _, _ =	vpop (xrf0);
	[tilespmem:v6+s19+$0x0] =	vst.idx.msk $0xffff, v33  }
0x23f: {  	v4 =	vperm.xlane v4, v49;
	v1 =	vadd.s32 v2, v1;
	v3, _, _ =	vpop (xrf0);
	v5 =	vld [tilespmem:$0x220]  }
0x240: {  	v2 =	vadd.s32 v3, v1  }
0x241: {  	v0 =	vadd.s32 v4, v0;
	vm2 =	vlt.s32 v2, v63  }
0x242: {  	v6 =	vor.u32 $0x2200, v44;
	v4 =	vld [tilespmem:$0x4A0];
	v2 =	vadd.s32 v45, v2;
	vm2 =	vmand vm15, vm2  }
0x243: {  	v10 =	vor.u32 $0x2201, v44;
	v8 =	vadd.s32 v7, v0;
	v9 =	vld [tilespmem:$0x720];
	v2 =	vsel vm2, v2, v38  }
0x244: {  	v11 =	vor.u32 $0x2202, v44;
	v2 =	vsel vm3, v8, v2;
	v8 =	vld [tilespmem:$0x9A0];
	vm2 =	vgt.f32 v5, v43  }
0x245: {  	v14 =	vor.u32 $0x2203, v44;
	v13 =	vld [tilespmem:$0xC20];
	vm3 =	veq.f32 v5, v43;
	v12 =	vsel vm2, $0x1, v42  }
0x246: {  	[tilespmem:$0x3810] =	vst v2;
	v2 =	vsel vm3, $0x1, v42;
	(xrf0) =	vadd.scan.msk.s32 $0xffff, v12;
	v12 =	vor.u32 $0x2204, v44  }
0x247: {  	[tilespmem:v6+s19+$0x0] =	vst.idx.msk $0xffff, v4;
	(xrf0) =	vadd.scan.msk.s32 $0xffff, v2;
	v2 =	vor.u32 $0x2205, v44  }
0x248: {  	[tilespmem:v10+s19+$0x0] =	vst.idx.msk $0xffff, v9  }
0x249: {  	[tilespmem:v11+s19+$0x0] =	vst.idx.msk $0xffff, v8  }
0x24a: {  	[tilespmem:v14+s19+$0x0] =	vst.idx.msk $0xffff, v13  }
0x24b: {  	v3 =	vperm.xlane v3, v49;
	[tilespmem:v12+s19+$0x0] =	vst.idx.msk $0xffff, v5  }
0x24c: {  	[tilespmem:v2+s19+$0x0] =	vst.idx.msk $0xffff, v34  }
0x24d: {  	v1 =	vadd.s32 v3, v1;
	v4, _, _ =	vpop (xrf0);
	v3 =	vld [tilespmem:$0x230]  }
0x24e: {  	v10 =	vperm.xlane v7, v49;
	v2, _, _ =	vpop (xrf0)  }
0x24f: {  	v11 =	vadd.s32 v2, v1  }
0x250: {  	v0 =	vadd.s32 v10, v0;
	v8 =	vor.u32 $0x2300, v44;
	vm8 =	vlt.s32 v11, v63  }
0x251: {  	v10 =	vor.u32 $0x2301, v44;
	v7 =	vld [tilespmem:$0x4B0];
	v6 =	vadd.s32 v45, v11;
	vm3 =	vmand vm3, vm8  }
0x252: {  	v13 =	vor.u32 $0x2302, v44;
	v9 =	vld [tilespmem:$0x730];
	v6 =	vsel vm3, v6, v38;
	vm3 =	vgt.f32 v3, v43  }
0x253: {  	v5 =	vadd.s32 v4, v0;
	v12 =	vld [tilespmem:$0x9B0];
	vm9 =	veq.f32 v3, v43;
	v11 =	vsel vm3, $0x1, v42  }
0x254: {  	v14 =	vor.u32 $0x2303, v44;
	v5 =	vsel vm2, v5, v6;
	v6 =	vsel vm9, $0x1, v42;
	(xrf0) =	vadd.scan.msk.s32 $0xffff, v11;
	v11 =	vld [tilespmem:$0xC30]  }
0x255: {  	[tilespmem:$0x3820] =	vst v5;
	v5 =	vor.u32 $0x2304, v44;
	(xrf0) =	vadd.scan.msk.s32 $0xffff, v6  }
0x256: {  	[tilespmem:v8+s19+$0x0] =	vst.idx.msk $0xffff, v7;
	v6 =	vor.u32 $0x2305, v44  }
0x257: {  	[tilespmem:v10+s19+$0x0] =	vst.idx.msk $0xffff, v9  }
0x258: {  	[tilespmem:v13+s19+$0x0] =	vst.idx.msk $0xffff, v12  }
0x259: {  	v2 =	vperm.xlane v2, v49;
	[tilespmem:v14+s19+$0x0] =	vst.idx.msk $0xffff, v11  }
0x25a: {  	v7, _, _ =	vpop (xrf0);
	[tilespmem:v5+s19+$0x0] =	vst.idx.msk $0xffff, v3  }
0x25b: {  	v4 =	vperm.xlane v4, v49;
	v1 =	vadd.s32 v2, v1;
	v3, _, _ =	vpop (xrf0);
	[tilespmem:v6+s19+$0x0] =	vst.idx.msk $0xffff, v35  }
0x25c: {  	v2 =	vadd.s32 v3, v1;
	v5 =	vld [tilespmem:$0x240]  }
0x25d: {  	v0 =	vadd.s32 v4, v0;
	v8 =	vor.u32 $0x2400, v44;
	v6 =	vld [tilespmem:$0x4C0];
	vm2 =	vlt.s32 v2, v63  }
0x25e: {  	v9 =	vor.u32 $0x2401, v44;
	v4 =	vld [tilespmem:$0x740];
	v2 =	vadd.s32 v45, v2;
	vm2 =	vmand vm9, vm2  }
0x25f: {  	v12 =	vor.u32 $0x2402, v44;
	v10 =	vadd.s32 v7, v0;
	v11 =	vld [tilespmem:$0x9C0];
	v2 =	vsel vm2, v2, v38  }
0x260: {  	v13 =	vor.u32 $0x2403, v44;
	v2 =	vsel vm3, v10, v2;
	v10 =	vld [tilespmem:$0xC40]  }
0x261: {  	v14 =	vor.u32 $0x2404, v44;
	vm3 =	vgt.f32 v5, v43;
	[tilespmem:$0x3830] =	vst v2  }
0x262: {  	vm2 =	veq.f32 v5, v43;
	v2 =	vsel vm3, $0x1, v42;
	[tilespmem:v8+s19+$0x0] =	vst.idx.msk $0xffff, v6;
	v8 =	vor.u32 $0x2405, v44  }
0x263: {  	v6 =	vsel vm2, $0x1, v42;
	(xrf0) =	vadd.scan.msk.s32 $0xffff, v2;
	[tilespmem:v9+s19+$0x0] =	vst.idx.msk $0xffff, v4  }
0x264: {  	(xrf0) =	vadd.scan.msk.s32 $0xffff, v6;
	[tilespmem:v12+s19+$0x0] =	vst.idx.msk $0xffff, v11  }
0x265: {  	[tilespmem:v13+s19+$0x0] =	vst.idx.msk $0xffff, v10  }
0x266: {  	[tilespmem:v14+s19+$0x0] =	vst.idx.msk $0xffff, v5  }
0x267: {  	[tilespmem:v8+s19+$0x0] =	vst.idx.msk $0xffff, v36  }
0x268: {  	v3 =	vperm.xlane v3, v49;
	v4 =	vld [tilespmem:$0x250]  }
0x269: {  	v2, _, _ =	vpop (xrf0)  }
0x26a: {  	v1 =	vadd.s32 v3, v1;
	v9 =	vperm.xlane v7, v49;
	v6, _, _ =	vpop (xrf0)  }
0x26b: {  	v11 =	vor.u32 $0x2501, v44;
	v3 =	vadd.s32 v6, v1  }
0x26c: {  	v0 =	vadd.s32 v9, v0;
	v13 =	vor.u32 $0x2502, v44;
	vm10 =	vlt.s32 v3, v63  }
0x26d: {  	v8 =	vor.u32 $0x2500, v44;
	v7 =	vld [tilespmem:$0x4D0];
	vm4 =	vmand vm2, vm10;
	vm2 =	vgt.f32 v4, v43  }
0x26e: {  	v10 =	vld [tilespmem:$0x750];
	v3 =	vadd.s32 v45, v3;
	vm11 =	veq.f32 v4, v43;
	v9 =	vsel vm2, $0x1, v42  }
0x26f: {  	v5 =	vadd.s32 v2, v0;
	v3 =	vsel vm4, v3, v38;
	v12 =	vsel vm11, $0x1, v42;
	(xrf0) =	vadd.scan.msk.s32 $0xffff, v9;
	v9 =	vld [tilespmem:$0x9D0]  }
0x270: {  	v3 =	vsel vm3, v5, v3;
	v5 =	vld [tilespmem:$0xC50];
	(xrf0) =	vadd.scan.msk.s32 $0xffff, v12;
	v12 =	vor.u32 $0x2503, v44  }
0x271: {  	[tilespmem:$0x3840] =	vst v3;
	v3 =	vor.u32 $0x2504, v44  }
0x272: {  	[tilespmem:v8+s19+$0x0] =	vst.idx.msk $0xffff, v7;
	v7 =	vor.u32 $0x2505, v44  }
0x273: {  	[tilespmem:v11+s19+$0x0] =	vst.idx.msk $0xffff, v10  }
0x274: {  	v6 =	vperm.xlane v6, v49;
	[tilespmem:v13+s19+$0x0] =	vst.idx.msk $0xffff, v9  }
0x275: {  	v8, _, _ =	vpop (xrf0);
	[tilespmem:v12+s19+$0x0] =	vst.idx.msk $0xffff, v5  }
0x276: {  	v2 =	vperm.xlane v2, v49;
	v1 =	vadd.s32 v6, v1;
	v5, _, _ =	vpop (xrf0);
	[tilespmem:v3+s19+$0x0] =	vst.idx.msk $0xffff, v4  }
0x277: {  	v10 =	vadd.s32 v5, v1;
	[tilespmem:v7+s19+$0x0] =	vst.idx.msk $0xffff, v37  }
0x278: {  	v0 =	vadd.s32 v2, v0;
	v7 =	vor.u32 $0x2600, v44;
	vm3 =	vlt.s32 v10, v63;
	v6 =	vld [tilespmem:$0x4E0]  }
0x279: {  	v9 =	vor.u32 $0x2601, v44;
	v2 =	vadd.s32 v45, v10;
	v3 =	vld [tilespmem:$0x760];
	vm3 =	vmand vm11, vm3  }
0x27a: {  	v12 =	vor.u32 $0x2602, v44;
	v10 =	vadd.s32 v8, v0;
	v11 =	vld [tilespmem:$0x9E0];
	v2 =	vsel vm3, v2, v38  }
0x27b: {  	v13 =	vor.u32 $0x2603, v44;
	v2 =	vsel vm2, v10, v2;
	v10 =	vld [tilespmem:$0xC60]  }
0x27c: {  	v4 =	vld [tilespmem:$0x260];
	[tilespmem:$0x3850] =	vst v2;
	v2 =	vor.u32 $0x2604, v44  }
0x27d: {  	[tilespmem:v7+s19+$0x0] =	vst.idx.msk $0xffff, v6;
	v6 =	vor.u32 $0x2605, v44  }
0x27e: {  	[tilespmem:v9+s19+$0x0] =	vst.idx.msk $0xffff, v3  }
0x27f: {  	[tilespmem:v12+s19+$0x0] =	vst.idx.msk $0xffff, v11  }
0x280: {  	[tilespmem:v13+s19+$0x0] =	vst.idx.msk $0xffff, v10  }
0x281: {  	vm12 =	vgt.f32 v4, v43;
	[tilespmem:v2+s19+$0x0] =	vst.idx.msk $0xffff, v4  }
0x282: {  	vm13 =	veq.f32 v4, v43;
	v11 =	vsel vm12, $0x1, v42;
	[tilespmem:v6+s19+$0x0] =	vst.idx.msk $0xffff, v39  }
0x283: {  	v7 =	vsel vm13, $0x1, v42;
	(xrf0) =	vadd.scan.msk.s32 $0xffff, v11;
	v2 =	vld [tilespmem:$0x270]  }
0x284: {  	(xrf0) =	vadd.scan.msk.s32 $0xffff, v7;
	_ =	sdelay $0x3  }
0x285: {  	v9 =	vperm.xlane v5, v49;
	vm2 =	vgt.f32 v2, v43  }
0x286: {  	v4, _, _ =	vpop (xrf0);
	vm3 =	veq.f32 v2, v43;
	v10 =	vsel vm2, $0x1, v42  }
0x287: {  	v1 =	vadd.s32 v9, v1;
	v5, _, _ =	vpop (xrf0);
	v11 =	vsel vm3, $0x1, v42;
	(xrf0) =	vadd.scan.msk.s32 $0xffff, v10  }
0x288: {  	v6 =	vadd.s32 v5, v1;
	v43 =	vperm.xlane v8, v49;
	(xrf0) =	vadd.scan.msk.s32 $0xffff, v11  }
0x289: {  	v9 =	vor.u32 $0x2701, v44;
	v7 =	vld [tilespmem:$0x4F0];
	v8 =	vor.u32 $0x2700, v44;
	vm14 =	vlt.s32 v6, v63  }
0x28a: {  	vm5 =	vmand vm13, vm14;
	v0 =	vadd.s32 v43, v0;
	v43 =	vadd.s32 v45, v6;
	v6 =	vld [tilespmem:$0x770]  }
0x28b: {  	v12 =	vor.u32 $0x2702, v44;
	v3 =	vsel vm5, v43, v38;
	v43 =	vadd.s32 v4, v0;
	v11 =	vld [tilespmem:$0x9F0]  }
0x28c: {  	v13 =	vor.u32 $0x2703, v44;
	v5 =	vperm.xlane v5, v49;
	v10 =	vld [tilespmem:$0xC70];
	v3 =	vsel vm12, v43, v3  }
0x28d: {  	[tilespmem:$0x3860] =	vst v3;
	v3 =	vor.u32 $0x2704, v44;
	v14, _, _ =	vpop (xrf0)  }
0x28e: {  	v1 =	vadd.s32 v5, v1;
	v43 =	vor.u32 $0x2705, v44;
	[tilespmem:v8+s19+$0x0] =	vst.idx.msk $0xffff, v7;
	v7, _, _ =	vpop (xrf0)  }
0x28f: {  	v4 =	vperm.xlane v4, v49;
	[tilespmem:v9+s19+$0x0] =	vst.idx.msk $0xffff, v6;
	v1 =	vadd.s32 v7, v1  }
0x290: {  	[tilespmem:v12+s19+$0x0] =	vst.idx.msk $0xffff, v11;
	vm15 =	vlt.s32 v1, v63  }
0x291: {  	v0 =	vadd.s32 v4, v0;
	[tilespmem:v13+s19+$0x0] =	vst.idx.msk $0xffff, v10;
	v1 =	vadd.s32 v45, v1;
	vm3 =	vmand vm3, vm15  }
0x292: {  	v0 =	vadd.s32 v14, v0;
	[tilespmem:v3+s19+$0x0] =	vst.idx.msk $0xffff, v2;
	v1 =	vsel vm3, v1, v38  }
0x293: {  	[tilespmem:v43+s19+$0x0] =	vst.idx.msk $0xffff, v40;
	v0 =	vsel vm2, v0, v1  }
0x294: {  	[tilespmem:$0x3870] =	vst v0  }
0x295: {  	[hbm4b:s5+s20] =	stream.indirect.scatter [tilespmem:s19], [sflag:$0x1], $0x10, s21, s20, $0xb8;
	[tilespmem:$0x3880] =	vst v63  }
0x296: {  	_ = 	snop  }
0x297: {  	[hbm4b:s5+s20] =	stream.indirect.scatter [tilespmem:s23], [sflag:$0x1], $0x10, s22, s20, $0xb8;
	[tilespmem:$0x3880] =	vst v63  }
0x298: {  	_ = 	snop  }
0x299: {  	[hbm4b:s5+s20] =	stream.indirect.scatter [tilespmem:s25], [sflag:$0x1], $0x10, s24, s20, $0xb8;
	[tilespmem:$0x3880] =	vst v63  }
0x29a: {  	_ = 	snop  }
0x29b: {  	[hbm4b:s5+s20] =	stream.indirect.scatter [tilespmem:s28], [sflag:$0x1], $0x10, s26, s20, $0xb8;
	[tilespmem:$0x3880] =	vst v63  }
0x29c: {  	_ = 	snop  }
0x29d: {  	[hbm4b:s5+s20] =	stream.indirect.scatter [tilespmem:s30], [sflag:$0x1], $0x10, s29, s20, $0xb8;
	[tilespmem:$0x3880] =	vst v63  }
0x29e: {  	_ =	swait.ge [sflag:s18], $0x800  }
0x29f: {  	[sflag:s18] =	ssyncset.done $0x0  }
0x2a0: {  	[sflag:s18] =	ssyncadd.s32 $0xFFFFF800  }
0x2a1: {  	_ =	swait.ge [sflag:s18], $0x800  }
0x2a2: {  	[sflag:s18] =	ssyncset.done $0x0  }
0x2a3: {  	[sflag:s18] =	ssyncadd.s32 $0xFFFFF800  }
0x2a4: {  	_ =	swait.ge [sflag:s18], $0x800  }
0x2a5: {  	[sflag:s18] =	ssyncset.done $0x0  }
0x2a6: {  	[sflag:s18] =	ssyncadd.s32 $0xFFFFF800  }
0x2a7: {  	p0 =	sne.s32 s11, $0x1;
	_ =	swait.ge [sflag:s18], $0x800  }
.Ltmp0:
0x2a8: {  	[sflag:s18] =	ssyncset.done $0x0;
	(pc) =	sbr.rel @p0 .LBB2_1-.Ltmp0, $4  }
0x2a9: {  	[sflag:s18] =	ssyncadd.s32 $0xFFFFF800  }
0x2aa: {  	_ =	swait.ge [sflag:s18], $0x800  }
0x2ab: {  	[sflag:s18] =	ssyncset.done $0x0  }
0x2ac: {  	s11 =	sadd.s32 $0xFFFFFFFF, s11;
	[sflag:s18] =	ssyncadd.s32 $0xFFFFF800  }
0x2ad: {  	_ =	sfence.sel $0x180000  }
0x2ae: {  	[bflag:$0x0] =	sbarrier.arrive $0xFFFF  }
0x2af: {  	p0 =	sne.s32 s0, $0x0;
	_ =	strace $0x90000047  }
0x2b0: {  	s0 =	sadd.s32 @!p0 $0x100000, s2;
	[bflag:$0x2] =	sbarrier.arrive $0xFFFF  }
0x2b1: {  	[sflag:s0] =	ssyncadd.tile.s32 @!p0 $0x1;
	_ =	shalt  }
.Lfunc_end2:
_tile_overlayer_lowered:
.L_overlay_start_2:
0x2b2: {  	(tag) =	ssettag $0x2  }
0x2b3: {  	s0 =	rddreg [dreg:$0x0];
	s2 =	stileid.u32  }
0x2b4: {  	s1 =	rddreg [dreg:$0x1];
	p0 =	sne.s32 s2, $0x0  }
0x2b5: {  	s3 =	rddreg [dreg:$0x2];
	[bflag:$0x3] =	sbarrier.arrive $0xFFFF;
	s2 =	simm.s32 @!p0 $0x1C02  }
0x2b6: {  	[timem:s3], [sflag:s2] =	dma.local @!p0 [hbm:s0], s1  }
0x2b7: {  	s0 =	simm.s32 @!p0 $0x2  }
0x2b8: {  	_ =	swait.ge @!p0 [sflag:s0], s1  }
0x2b9: {  	s1 =	ssub.s32 @!p0 $0x0, s1;
	[sflag:s0] =	ssyncset.done @!p0 $0x0  }
0x2ba: {  	[sflag:s0] =	ssyncadd.s32 @!p0 s1  }
0x2bb: {  	[bflag:$0x3] =	sbarrier.arrive $0xFFFF  }
0x2bc: {  	_ =	shalt  }

</sc_bundles>
